<compile_context>
chip_gen: v7x
topology: tpu7x:2x2x1
jax: 0.10.2.dev20260603
libtpu: 0.0.44.dev20260713+nightly
codegen_flags: <defaults>
</compile_context>

<pallas_src>
import functools

import jax
import jax.numpy as jnp
from jax import lax
from jax.experimental import pallas as pl
from jax.experimental.pallas import tpu as pltpu
from jax.experimental.pallas import tpu_sc as plsc

N = 1_600_000
B = 50_000
NC, NS, L = 2, 16, 16
NW = NC * NS
CHUNK = N // NW
T = 2_000
NT = CHUNK // T
NRING = 5
WBIG = 2_048
BP = 52_224
SB = BP // NS

_mesh = plsc.VectorSubcoreMesh(core_axis_name="c", subcore_axis_name="s")


def _zero_fill(buf, n):
    zeros = jnp.zeros((L,), jnp.float32)

    @plsc.parallel_loop(0, n // L, unroll=4)
    def _(i):
        buf[pl.ds(i * L, L)] = zeros


def _fused_body(chi_hbm, hard_hbm, ids_hbm, tc_hbm, parts_hbm, out_hbm,
                idx_v, a_v, b_v, o_v, hv_v, cv_v, z_v, wh_v, wc_v, widx_v,
                g_v, rwin_v, pa_v, pb_v, tc_v, acc_h, acc_c, lsems, stsems,
                xsem):
    cid = lax.axis_index("c")
    sid = lax.axis_index("s")
    wid = sid * NC + cid

    def load_descs(t, b):
        sl = pl.ds(wid * CHUNK + t * T, T)
        return (pltpu.make_async_copy(ids_hbm.at[sl], idx_v[b], lsems[b]),
                pltpu.make_async_copy(chi_hbm.at[sl], a_v[b], lsems[b]),
                pltpu.make_async_copy(hard_hbm.at[sl], b_v[b], lsems[b]))

    def issue_loads(t, b):
        for d in load_descs(t, b):
            d.start()

    def wait_loads(t, b):
        for d in load_descs(t, b):
            d.wait()

    def store_desc(t, b):
        return pltpu.make_async_copy(
            o_v[b], out_hbm.at[pl.ds(wid * CHUNK + t * T, T)], stsems[b])

    _zero_fill(z_v, SB)
    pltpu.sync_copy(z_v, acc_h.at[pl.ds(sid * SB, SB)])
    pltpu.sync_copy(z_v, acc_c.at[pl.ds(sid * SB, SB)])
    _zero_fill(wh_v, WBIG)
    _zero_fill(wc_v, WBIG)
    plsc.subcore_barrier()

    pltpu.sync_copy(ids_hbm.at[pl.ds(wid * CHUNK, L)], widx_v.at[pl.ds(0, L)])
    pltpu.sync_copy(ids_hbm.at[pl.ds(wid * CHUNK + CHUNK - L, L)],
                    widx_v.at[pl.ds(L, L)])
    lo = widx_v[pl.ds(0, L)][0]
    hi = widx_v[pl.ds(L, L)][L - 1]
    lo8 = pl.multiple_of((lo // 8) * 8, 8)
    fits = hi - lo8 < WBIG

    iota = lax.broadcasted_iota(jnp.int32, (L,), 0)
    nxt = jnp.minimum(iota + 1, L - 1)
    prv = jnp.maximum(iota - 1, 0)

    @pl.when(fits)
    def _():
        issue_loads(0, 0)
        issue_loads(1, 1)

        @pl.loop(0, NT, step=NRING)
        def _(t0):
            for b in range(NRING):
                t = t0 + b

                @pl.when(t + 2 < NT)
                def _():
                    issue_loads(t + 2, (b + 2) % NRING)

                wait_loads(t, b)
                ir, ar, br = idx_v[b], a_v[b], b_v[b]

                @plsc.parallel_loop(0, T // L, unroll=5)
                def _(i):
                    sl = pl.ds(i * L, L)
                    sv = ir[sl]
                    li = sv - lo
                    hinv = 1.0 / br[sl]
                    ch = plsc.cumsum(hinv)
                    cc = plsc.cumsum(ar[sl] * hinv)
                    end = (sv != jnp.take_along_axis(sv, nxt, axis=0)) | (
                        iota == L - 1)
                    m = jnp.where(end, iota, -1)
                    p = jnp.take_along_axis(plsc.cummax(m), prv, axis=0)
                    p = jnp.where(iota == 0, -1, p)
                    has_p = p >= 0
                    pc = jnp.maximum(p, 0)
                    bh = jnp.where(has_p,
                                   jnp.take_along_axis(ch, pc, axis=0), 0.0)
                    bc = jnp.where(has_p,
                                   jnp.take_along_axis(cc, pc, axis=0), 0.0)
                    plsc.addupdate_scatter(wh_v, [lic := li], ch - bh,
                                           mask=end)
                    plsc.addupdate_scatter(wc_v, [lic], cc - bc, mask=end)

        @plsc.parallel_loop(0, WBIG // L, unroll=4)
        def _(i):
            widx_v[pl.ds(i * L, L)] = lo + i * L + iota

        dh = pltpu.async_copy(wh_v, acc_h.at[widx_v], stsems[0], add=True)
        dc = pltpu.async_copy(wc_v, acc_c.at[widx_v], stsems[1], add=True)
        dh.wait()
        dc.wait()

    @pl.when(jnp.logical_not(fits))
    def _():
        @pl.loop(0, NT)
        def _(t):
            sl = pl.ds(wid * CHUNK + t * T, T)
            pltpu.sync_copy(ids_hbm.at[sl], idx_v[0])
            pltpu.sync_copy(chi_hbm.at[sl], a_v[0])
            pltpu.sync_copy(hard_hbm.at[sl], b_v[0])

            @plsc.parallel_loop(0, T // L, unroll=5)
            def _(i):
                s2 = pl.ds(i * L, L)
                hinv = 1.0 / b_v[0][s2]
                hv_v[s2] = hinv
                cv_v[s2] = a_v[0][s2] * hinv

            pltpu.sync_copy(hv_v.at[pl.ds(0, T)], acc_h.at[idx_v[0]],
                            add=True)
            pltpu.sync_copy(cv_v.at[pl.ds(0, T)], acc_c.at[idx_v[0]],
                            add=True)

    plsc.subcore_barrier()
    pltpu.sync_copy(acc_h.at[pl.ds(sid * SB, SB)], hv_v)
    d1 = pltpu.async_copy(
        hv_v, parts_hbm.at[pl.ds(2 * cid * BP + sid * SB, SB)], stsems[0])
    pltpu.sync_copy(acc_c.at[pl.ds(sid * SB, SB)], cv_v)
    d2 = pltpu.async_copy(
        cv_v, parts_hbm.at[pl.ds((2 * cid + 1) * BP + sid * SB, SB)],
        stsems[1])
    pltpu.sync_copy(acc_h.at[pl.ds(sid * SB, SB)], pa_v)
    pltpu.sync_copy(acc_c.at[pl.ds(sid * SB, SB)], z_v)
    pltpu.sync_copy(tc_hbm, tc_v)
    d1.wait()
    d2.wait()

    @pl.when(fits)
    def _():
        issue_loads(0, 0)
        issue_loads(1, 1)

    plsc.subcore_barrier()
    pltpu.semaphore_signal(xsem, 1, core_index=1 - cid)
    pltpu.semaphore_wait(xsem, 1)

    oc = 1 - cid
    sl = pl.ds(sid * SB, SB)
    pltpu.sync_copy(parts_hbm.at[pl.ds(2 * oc * BP + sid * SB, SB)], pb_v)
    pltpu.sync_copy(parts_hbm.at[pl.ds((2 * oc + 1) * BP + sid * SB, SB)],
                    g_v)
    tc = tc_v[...]

    @plsc.parallel_loop(0, SB // L, unroll=4)
    def _(i):
        s2 = pl.ds(i * L, L)
        sh = pa_v[s2] + pb_v[s2]
        sc = z_v[s2] + g_v[s2]
        pa_v[s2] = (tc + sc) / sh

    pltpu.sync_copy(pa_v, acc_h.at[sl])
    plsc.subcore_barrier()

    @pl.when(fits)
    def _():
        pltpu.sync_copy(acc_h.at[pl.ds(lo8, WBIG)], rwin_v)

        @pl.loop(0, NT, step=NRING)
        def _(t0):
            for b in range(NRING):
                t = t0 + b

                @pl.when(t >= 2)
                def _():
                    store_desc(t - 2, (b - 2) % NRING).wait()

                @pl.when(t + 2 < NT)
                def _():
                    issue_loads(t + 2, (b + 2) % NRING)

                wait_loads(t, b)
                ir, ar, br, orr = idx_v[b], a_v[b], b_v[b], o_v[b]

                @plsc.parallel_loop(0, T // L, unroll=5)
                def _(i):
                    s2 = pl.ds(i * L, L)
                    li = ir[s2] - lo8
                    r = plsc.load_gather(rwin_v, [li])
                    orr[s2] = (r - ar[s2]) / br[s2]

                store_desc(t, b).start()

        store_desc(NT - 2, (NT - 2) % NRING).wait()
        store_desc(NT - 1, (NT - 1) % NRING).wait()

    @pl.when(jnp.logical_not(fits))
    def _():
        @pl.loop(0, NT)
        def _(t):
            sl2 = pl.ds(wid * CHUNK + t * T, T)
            pltpu.sync_copy(ids_hbm.at[sl2], idx_v[0])
            pltpu.sync_copy(chi_hbm.at[sl2], a_v[0])
            pltpu.sync_copy(hard_hbm.at[sl2], b_v[0])
            pltpu.sync_copy(acc_h.at[idx_v[0]], g_v.at[pl.ds(0, T)])

            @plsc.parallel_loop(0, T // L, unroll=5)
            def _(i):
                s2 = pl.ds(i * L, L)
                o_v[0][s2] = (g_v[s2] - a_v[0][s2]) / b_v[0][s2]

            pltpu.sync_copy(o_v[0], out_hbm.at[sl2])


_fused = functools.partial(
    pl.kernel,
    out_type=(jax.ShapeDtypeStruct((NC * 2 * BP,), jnp.float32),
              jax.ShapeDtypeStruct((N,), jnp.float32)),
    mesh=_mesh,
    compiler_params=pltpu.CompilerParams(needs_layout_passes=False),
    scratch_types=[
        [pltpu.VMEM((T,), jnp.int32)] * NRING,
        [pltpu.VMEM((T,), jnp.float32)] * NRING,
        [pltpu.VMEM((T,), jnp.float32)] * NRING,
        [pltpu.VMEM((T,), jnp.float32)] * NRING,
        pltpu.VMEM((SB,), jnp.float32),
        pltpu.VMEM((SB,), jnp.float32),
        pltpu.VMEM((SB,), jnp.float32),
        pltpu.VMEM((WBIG,), jnp.float32),
        pltpu.VMEM((WBIG,), jnp.float32),
        pltpu.VMEM((WBIG,), jnp.int32),
        pltpu.VMEM((SB,), jnp.float32),
        pltpu.VMEM((WBIG,), jnp.float32),
        pltpu.VMEM((SB,), jnp.float32),
        pltpu.VMEM((SB,), jnp.float32),
        pltpu.VMEM((L,), jnp.float32),
        pltpu.VMEM_SHARED((BP,), jnp.float32),
        pltpu.VMEM_SHARED((BP,), jnp.float32),
        [pltpu.SemaphoreType.DMA] * NRING,
        [pltpu.SemaphoreType.DMA] * NRING,
        pltpu.SemaphoreType.REGULAR,
    ],
)(_fused_body)


def kernel(chi, hardness, segment_ids, total_charge):
    tc_vec = jnp.broadcast_to(total_charge, (L,)).astype(jnp.float32)
    _, charge = _fused(chi, hardness, segment_ids, tc_vec)
    return charge

# --- scband reference (transcript-rebuilt; emitter-appended) ---
"""Pipeline reference for scband-linear-qeq-85598698209945 (READ-ONLY COPY).

The authoritative reference and input builder live on the scoring server;
editing this copy changes nothing except your own understanding.
"""

import jax, jax.numpy as jnp
import numpy as np

N = 1600000
B = 50000

def setup_inputs(seed: int = 0) -> dict:
    key = jax.random.key(seed)
    k1, k2, k3 = jax.random.split(key, 3)
    chi = jax.random.normal(k1, (N,), dtype=jnp.float32)
    # hardness must be positive and bounded away from zero (physical hardness)
    hardness = jax.random.uniform(k2, (N,), dtype=jnp.float32) + 0.5
    segment_ids = jnp.sort(jax.random.randint(k3, (N,), 0, B, dtype=jnp.int32))
    total_charge = jnp.zeros((1,), dtype=jnp.float32)
    return {"chi": chi, "hardness": hardness, "segment_ids": segment_ids, "total_charge": total_charge}

def reference(chi, hardness, segment_ids, total_charge):
    # apply_nodes: per-atom elementwise transforms
    hardness_inv = hardness ** (-1)
    chi_hardness_inv = chi * hardness_inv
    # dgl.sum_nodes -> per-molecule segment sums
    sum_hardness_inv = jax.ops.segment_sum(hardness_inv, segment_ids, num_segments=B)
    sum_chi_hardness_inv = jax.ops.segment_sum(chi_hardness_inv, segment_ids, num_segments=B)
    # total_charge broadcast: ones(batch_size, 1) * total_charge, then broadcast_nodes (gather)
    tc = jnp.ones((B,), dtype=jnp.float32) * total_charge[0]
    sum_q = tc[segment_ids]
    # dgl.broadcast_nodes -> gather per-molecule sums back to atoms
    sum_hardness_inv_n = sum_hardness_inv[segment_ids]
    sum_chi_hardness_inv_n = sum_chi_hardness_inv[segment_ids]
    # get_charges: analytic QEq solution
    charge = -chi * hardness_inv + hardness_inv * (sum_q + sum_chi_hardness_inv_n) / sum_hardness_inv_n
    return charge

if __name__ == "__main__":
    import jax
    _d = setup_inputs()
    print(jax.jit(kernel)(*tuple(_d.values())))

</pallas_src>

<mosaic_0001>
#map = affine_map<(d0, d1) -> (0)>
module attributes {stable_mosaic.version = 14 : i64} {
  func.func @_fused_body(%arg0: i32, %arg1: i32, %arg2: memref<1600000xf32, #tpu.memory_space<hbm>>, %arg3: memref<1600000xf32, #tpu.memory_space<hbm>>, %arg4: memref<1600000xi32, #tpu.memory_space<hbm>>, %arg5: memref<16xf32, #tpu.memory_space<hbm>>, %arg6: memref<208896xf32, #tpu.memory_space<hbm>>, %arg7: memref<1600000xf32, #tpu.memory_space<hbm>>, %arg8: memref<2000xi32, #tpu.memory_space<vmem>>, %arg9: memref<2000xi32, #tpu.memory_space<vmem>>, %arg10: memref<2000xi32, #tpu.memory_space<vmem>>, %arg11: memref<2000xi32, #tpu.memory_space<vmem>>, %arg12: memref<2000xi32, #tpu.memory_space<vmem>>, %arg13: memref<2000xf32, #tpu.memory_space<vmem>>, %arg14: memref<2000xf32, #tpu.memory_space<vmem>>, %arg15: memref<2000xf32, #tpu.memory_space<vmem>>, %arg16: memref<2000xf32, #tpu.memory_space<vmem>>, %arg17: memref<2000xf32, #tpu.memory_space<vmem>>, %arg18: memref<2000xf32, #tpu.memory_space<vmem>>, %arg19: memref<2000xf32, #tpu.memory_space<vmem>>, %arg20: memref<2000xf32, #tpu.memory_space<vmem>>, %arg21: memref<2000xf32, #tpu.memory_space<vmem>>, %arg22: memref<2000xf32, #tpu.memory_space<vmem>>, %arg23: memref<2000xf32, #tpu.memory_space<vmem>>, %arg24: memref<2000xf32, #tpu.memory_space<vmem>>, %arg25: memref<2000xf32, #tpu.memory_space<vmem>>, %arg26: memref<2000xf32, #tpu.memory_space<vmem>>, %arg27: memref<2000xf32, #tpu.memory_space<vmem>>, %arg28: memref<3264xf32, #tpu.memory_space<vmem>>, %arg29: memref<3264xf32, #tpu.memory_space<vmem>>, %arg30: memref<3264xf32, #tpu.memory_space<vmem>>, %arg31: memref<2048xf32, #tpu.memory_space<vmem>>, %arg32: memref<2048xf32, #tpu.memory_space<vmem>>, %arg33: memref<2048xi32, #tpu.memory_space<vmem>>, %arg34: memref<3264xf32, #tpu.memory_space<vmem>>, %arg35: memref<2048xf32, #tpu.memory_space<vmem>>, %arg36: memref<3264xf32, #tpu.memory_space<vmem>>, %arg37: memref<3264xf32, #tpu.memory_space<vmem>>, %arg38: memref<16xf32, #tpu.memory_space<vmem>>, %arg39: memref<52224xf32, #tpu.memory_space<vmem_shared>>, %arg40: memref<52224xf32, #tpu.memory_space<vmem_shared>>, %arg41: memref<!tpu.dma_semaphore, #tpu.memory_space<semaphore_mem>>, %arg42: memref<!tpu.dma_semaphore, #tpu.memory_space<semaphore_mem>>, %arg43: memref<!tpu.dma_semaphore, #tpu.memory_space<semaphore_mem>>, %arg44: memref<!tpu.dma_semaphore, #tpu.memory_space<semaphore_mem>>, %arg45: memref<!tpu.dma_semaphore, #tpu.memory_space<semaphore_mem>>, %arg46: memref<!tpu.dma_semaphore, #tpu.memory_space<semaphore_mem>>, %arg47: memref<!tpu.dma_semaphore, #tpu.memory_space<semaphore_mem>>, %arg48: memref<!tpu.dma_semaphore, #tpu.memory_space<semaphore_mem>>, %arg49: memref<!tpu.dma_semaphore, #tpu.memory_space<semaphore_mem>>, %arg50: memref<!tpu.dma_semaphore, #tpu.memory_space<semaphore_mem>>, %arg51: memref<!tpu.semaphore, #tpu.memory_space<semaphore_mem>>) attributes {dimension_semantics = [#tpu.dimension_semantics<core_parallel>, #tpu.dimension_semantics<subcore_parallel>], iteration_bounds = array<i64: 2, 16>, scalar_prefetch = 0 : i64, scratch_operands = 44 : i64, tpu.core_type = #tpu.core_type<sc_vector_subcore>, window_params = [{transform_indices = #map}, {transform_indices = #map}, {transform_indices = #map}, {transform_indices = #map}, {transform_indices = #map}, {transform_indices = #map}]} {
    %mul3A = arith.constant 2 : i32
    %mul3A_0 = arith.muli %arg1, %mul3A : i32
    %add3A = arith.addi %mul3A_0, %arg0 : i32
    %broadcast_in_dim3A = arith.constant 0.000000e+00 : f32
    %broadcast_in_dim3A_1 = vector.broadcast %broadcast_in_dim3A : f32 to vector<16xf32>
    %parallel_loop3A = arith.constant 0 : i32
    %parallel_loop3A_2 = arith.constant 204 : i32
    %parallel_loop3A_3 = arith.constant 1 : i32
    scf.for %parallel_loop3A_138 = %parallel_loop3A to %parallel_loop3A_2 step %parallel_loop3A_3  : i32 {
      %parallel_loop3A_139 = arith.constant 16 : i32
      %parallel_loop3A_140 = arith.muli %parallel_loop3A_138, %parallel_loop3A_139 : i32
      %parallel_loop3A_141 = arith.index_cast %parallel_loop3A_140 : i32 to index
      %parallel_loop3A_142 = tpu.vector_load %arg30[%parallel_loop3A_141] {strides = array<i32>} : memref<3264xf32, #tpu.memory_space<vmem>>, vector<16xf32>,
      tpu.vector_store %arg30[%parallel_loop3A_141], %broadcast_in_dim3A_1 {strides = array<i32>} : memref<3264xf32, #tpu.memory_space<vmem>>, vector<16xf32>,
    } {sc.loop_unroll_factor = 4 : i64, sc.parallel_access}
    %mul3A_4 = arith.constant 3264 : i32
    %mul3A_5 = arith.muli %arg1, %mul3A_4 : i32
    "tpu.region"() ({
      %run_scoped3A = tpu.sem_alloc : memref<!tpu.dma_semaphore, #tpu.memory_space<semaphore_mem>>
      %dma_start3A_138 = tpu.memref_slice %arg39[%mul3A_5] : memref<52224xf32, #tpu.memory_space<vmem_shared>> -> memref<3264xf32, #tpu.memory_space<vmem_shared>>
      %dma_start3A_139 = tpu.memref_slice %arg39[%mul3A_5] : memref<52224xf32, #tpu.memory_space<vmem_shared>> -> memref<3264xf32, #tpu.memory_space<vmem_shared>>
      tpu.enqueue_dma source(%arg30 : memref<3264xf32, #tpu.memory_space<vmem>>) target(%dma_start3A_139 : memref<3264xf32, #tpu.memory_space<vmem_shared>>) target_semaphore(%run_scoped3A : memref<!tpu.dma_semaphore, #tpu.memory_space<semaphore_mem>>)
      %dma_wait3A_140 = tpu.memref_slice %arg39[%mul3A_5] : memref<52224xf32, #tpu.memory_space<vmem_shared>> -> memref<3264xf32, #tpu.memory_space<vmem_shared>>
      %dma_wait3A_141 = tpu.memref_slice %arg39[%mul3A_5] : memref<52224xf32, #tpu.memory_space<vmem_shared>> -> memref<3264xf32, #tpu.memory_space<vmem_shared>>
      tpu.wait_dma2 semaphore(%run_scoped3A : memref<!tpu.dma_semaphore, #tpu.memory_space<semaphore_mem>>) src(%arg30 : memref<3264xf32, #tpu.memory_space<vmem>>) dst(%dma_wait3A_141 : memref<3264xf32, #tpu.memory_space<vmem_shared>>)
      tpu.yield
    }) : () -> ()
    %mul3A_6 = arith.constant 3264 : i32
    %mul3A_7 = arith.muli %arg1, %mul3A_6 : i32
    "tpu.region"() ({
      %run_scoped3A = tpu.sem_alloc : memref<!tpu.dma_semaphore, #tpu.memory_space<semaphore_mem>>
      %dma_start3A_138 = tpu.memref_slice %arg40[%mul3A_7] : memref<52224xf32, #tpu.memory_space<vmem_shared>> -> memref<3264xf32, #tpu.memory_space<vmem_shared>>
      %dma_start3A_139 = tpu.memref_slice %arg40[%mul3A_7] : memref<52224xf32, #tpu.memory_space<vmem_shared>> -> memref<3264xf32, #tpu.memory_space<vmem_shared>>
      tpu.enqueue_dma source(%arg30 : memref<3264xf32, #tpu.memory_space<vmem>>) target(%dma_start3A_139 : memref<3264xf32, #tpu.memory_space<vmem_shared>>) target_semaphore(%run_scoped3A : memref<!tpu.dma_semaphore, #tpu.memory_space<semaphore_mem>>)
      %dma_wait3A_140 = tpu.memref_slice %arg40[%mul3A_7] : memref<52224xf32, #tpu.memory_space<vmem_shared>> -> memref<3264xf32, #tpu.memory_space<vmem_shared>>
      %dma_wait3A_141 = tpu.memref_slice %arg40[%mul3A_7] : memref<52224xf32, #tpu.memory_space<vmem_shared>> -> memref<3264xf32, #tpu.memory_space<vmem_shared>>
      tpu.wait_dma2 semaphore(%run_scoped3A : memref<!tpu.dma_semaphore, #tpu.memory_space<semaphore_mem>>) src(%arg30 : memref<3264xf32, #tpu.memory_space<vmem>>) dst(%dma_wait3A_141 : memref<3264xf32, #tpu.memory_space<vmem_shared>>)
      tpu.yield
    }) : () -> ()
    %broadcast_in_dim3A_8 = arith.constant 0.000000e+00 : f32
    %broadcast_in_dim3A_9 = vector.broadcast %broadcast_in_dim3A_8 : f32 to vector<16xf32>
    %parallel_loop3A_10 = arith.constant 0 : i32
    %parallel_loop3A_11 = arith.constant 128 : i32
    %parallel_loop3A_12 = arith.constant 1 : i32
    scf.for %parallel_loop3A_138 = %parallel_loop3A_10 to %parallel_loop3A_11 step %parallel_loop3A_12  : i32 {
      %parallel_loop3A_139 = arith.constant 16 : i32
      %parallel_loop3A_140 = arith.muli %parallel_loop3A_138, %parallel_loop3A_139 : i32
      %parallel_loop3A_141 = arith.index_cast %parallel_loop3A_140 : i32 to index
      %parallel_loop3A_142 = tpu.vector_load %arg31[%parallel_loop3A_141] {strides = array<i32>} : memref<2048xf32, #tpu.memory_space<vmem>>, vector<16xf32>,
      tpu.vector_store %arg31[%parallel_loop3A_141], %broadcast_in_dim3A_9 {strides = array<i32>} : memref<2048xf32, #tpu.memory_space<vmem>>, vector<16xf32>,
    } {sc.loop_unroll_factor = 4 : i64, sc.parallel_access}
    %broadcast_in_dim3A_13 = arith.constant 0.000000e+00 : f32
    %broadcast_in_dim3A_14 = vector.broadcast %broadcast_in_dim3A_13 : f32 to vector<16xf32>
    %parallel_loop3A_15 = arith.constant 0 : i32
    %parallel_loop3A_16 = arith.constant 128 : i32
    %parallel_loop3A_17 = arith.constant 1 : i32
    scf.for %parallel_loop3A_138 = %parallel_loop3A_15 to %parallel_loop3A_16 step %parallel_loop3A_17  : i32 {
      %parallel_loop3A_139 = arith.constant 16 : i32
      %parallel_loop3A_140 = arith.muli %parallel_loop3A_138, %parallel_loop3A_139 : i32
      %parallel_loop3A_141 = arith.index_cast %parallel_loop3A_140 : i32 to index
      %parallel_loop3A_142 = tpu.vector_load %arg32[%parallel_loop3A_141] {strides = array<i32>} : memref<2048xf32, #tpu.memory_space<vmem>>, vector<16xf32>,
      tpu.vector_store %arg32[%parallel_loop3A_141], %broadcast_in_dim3A_14 {strides = array<i32>} : memref<2048xf32, #tpu.memory_space<vmem>>, vector<16xf32>,
    } {sc.loop_unroll_factor = 4 : i64, sc.parallel_access}
    %barrier3A = arith.constant 0 : index
    tpu.barrier barrier_id(%barrier3A)
    %mul3A_18 = arith.constant 50000 : i32
    %mul3A_19 = arith.muli %add3A, %mul3A_18 : i32
    "tpu.region"() ({
      %run_scoped3A = tpu.sem_alloc : memref<!tpu.dma_semaphore, #tpu.memory_space<semaphore_mem>>
      %dma_start3A_138 = arith.constant 0 : i32
      %dma_start3A_139 = tpu.memref_slice %arg33[%dma_start3A_138] : memref<2048xi32, #tpu.memory_space<vmem>> -> memref<16xi32, #tpu.memory_space<vmem>>
      %dma_start3A_140 = tpu.memref_slice %arg4[%mul3A_19] : memref<1600000xi32, #tpu.memory_space<hbm>> -> memref<16xi32, #tpu.memory_space<hbm>>
      %dma_start3A_141 = arith.constant 0 : i32
      %dma_start3A_142 = tpu.memref_slice %arg33[%dma_start3A_141] : memref<2048xi32, #tpu.memory_space<vmem>> -> memref<16xi32, #tpu.memory_space<vmem>>
      %dma_start3A_143 = tpu.memref_slice %arg4[%mul3A_19] : memref<1600000xi32, #tpu.memory_space<hbm>> -> memref<16xi32, #tpu.memory_space<hbm>>
      tpu.enqueue_dma source(%dma_start3A_143 : memref<16xi32, #tpu.memory_space<hbm>>) target(%dma_start3A_142 : memref<16xi32, #tpu.memory_space<vmem>>) target_semaphore(%run_scoped3A : memref<!tpu.dma_semaphore, #tpu.memory_space<semaphore_mem>>)
      %dma_wait3A_144 = arith.constant 0 : i32
      %dma_wait3A_145 = tpu.memref_slice %arg33[%dma_wait3A_144] : memref<2048xi32, #tpu.memory_space<vmem>> -> memref<16xi32, #tpu.memory_space<vmem>>
      %dma_wait3A_146 = tpu.memref_slice %arg4[%mul3A_19] : memref<1600000xi32, #tpu.memory_space<hbm>> -> memref<16xi32, #tpu.memory_space<hbm>>
      %dma_wait3A_147 = arith.constant 0 : i32
      %dma_wait3A_148 = tpu.memref_slice %arg33[%dma_wait3A_147] : memref<2048xi32, #tpu.memory_space<vmem>> -> memref<16xi32, #tpu.memory_space<vmem>>
      %dma_wait3A_149 = tpu.memref_slice %arg4[%mul3A_19] : memref<1600000xi32, #tpu.memory_space<hbm>> -> memref<16xi32, #tpu.memory_space<hbm>>
      tpu.wait_dma2 semaphore(%run_scoped3A : memref<!tpu.dma_semaphore, #tpu.memory_space<semaphore_mem>>) src(%dma_wait3A_149 : memref<16xi32, #tpu.memory_space<hbm>>) dst(%dma_wait3A_148 : memref<16xi32, #tpu.memory_space<vmem>>)
      tpu.yield
    }) : () -> ()
    %mul3A_20 = arith.constant 50000 : i32
    %mul3A_21 = arith.muli %add3A, %mul3A_20 : i32
    %add3A_22 = arith.constant 50000 : i32
    %add3A_23 = arith.addi %mul3A_21, %add3A_22 : i32
    %sub3A = arith.constant 16 : i32
    %sub3A_24 = arith.subi %add3A_23, %sub3A : i32
    "tpu.region"() ({
      %run_scoped3A = tpu.sem_alloc : memref<!tpu.dma_semaphore, #tpu.memory_space<semaphore_mem>>
      %dma_start3A_138 = arith.constant 16 : i32
      %dma_start3A_139 = tpu.memref_slice %arg33[%dma_start3A_138] : memref<2048xi32, #tpu.memory_space<vmem>> -> memref<16xi32, #tpu.memory_space<vmem>>
      %dma_start3A_140 = tpu.memref_slice %arg4[%sub3A_24] : memref<1600000xi32, #tpu.memory_space<hbm>> -> memref<16xi32, #tpu.memory_space<hbm>>
      %dma_start3A_141 = arith.constant 16 : i32
      %dma_start3A_142 = tpu.memref_slice %arg33[%dma_start3A_141] : memref<2048xi32, #tpu.memory_space<vmem>> -> memref<16xi32, #tpu.memory_space<vmem>>
      %dma_start3A_143 = tpu.memref_slice %arg4[%sub3A_24] : memref<1600000xi32, #tpu.memory_space<hbm>> -> memref<16xi32, #tpu.memory_space<hbm>>
      tpu.enqueue_dma source(%dma_start3A_143 : memref<16xi32, #tpu.memory_space<hbm>>) target(%dma_start3A_142 : memref<16xi32, #tpu.memory_space<vmem>>) target_semaphore(%run_scoped3A : memref<!tpu.dma_semaphore, #tpu.memory_space<semaphore_mem>>)
      %dma_wait3A_144 = arith.constant 16 : i32
      %dma_wait3A_145 = tpu.memref_slice %arg33[%dma_wait3A_144] : memref<2048xi32, #tpu.memory_space<vmem>> -> memref<16xi32, #tpu.memory_space<vmem>>
      %dma_wait3A_146 = tpu.memref_slice %arg4[%sub3A_24] : memref<1600000xi32, #tpu.memory_space<hbm>> -> memref<16xi32, #tpu.memory_space<hbm>>
      %dma_wait3A_147 = arith.constant 16 : i32
      %dma_wait3A_148 = tpu.memref_slice %arg33[%dma_wait3A_147] : memref<2048xi32, #tpu.memory_space<vmem>> -> memref<16xi32, #tpu.memory_space<vmem>>
      %dma_wait3A_149 = tpu.memref_slice %arg4[%sub3A_24] : memref<1600000xi32, #tpu.memory_space<hbm>> -> memref<16xi32, #tpu.memory_space<hbm>>
      tpu.wait_dma2 semaphore(%run_scoped3A : memref<!tpu.dma_semaphore, #tpu.memory_space<semaphore_mem>>) src(%dma_wait3A_149 : memref<16xi32, #tpu.memory_space<hbm>>) dst(%dma_wait3A_148 : memref<16xi32, #tpu.memory_space<vmem>>)
      tpu.yield
    }) : () -> ()
    %get3A = arith.constant 0 : index
    %get3A_25 = tpu.vector_load %arg33[%get3A] {strides = array<i32>} : memref<2048xi32, #tpu.memory_space<vmem>>, vector<16xi32>,
    %slice3A = vector.extract_strided_slice %get3A_25 {offsets = [0], sizes = [1], strides = [1]} : vector<16xi32> to vector<1xi32>
    %squeeze3A = vector.extract %slice3A[0] : i32 from vector<1xi32>
    %get3A_26 = arith.constant 16 : index
    %get3A_27 = tpu.vector_load %arg33[%get3A_26] {strides = array<i32>} : memref<2048xi32, #tpu.memory_space<vmem>>, vector<16xi32>,
    %slice3A_28 = vector.extract_strided_slice %get3A_27 {offsets = [15], sizes = [1], strides = [1]} : vector<16xi32> to vector<1xi32>
    %squeeze3A_29 = vector.extract %slice3A_28[0] : i32 from vector<1xi32>
    %jit3A = arith.constant 8 : i32
    %div3A = arith.divsi %squeeze3A, %jit3A : i32
    %sign3A = arith.constant 0 : i32
    %sign3A_30 = arith.cmpi sgt, %squeeze3A, %sign3A : i32
    %sign3A_31 = arith.extui %sign3A_30 : i1 to i32
    %sign3A_32 = arith.constant 0 : i32
    %sign3A_33 = arith.cmpi slt, %squeeze3A, %sign3A_32 : i32
    %sign3A_34 = arith.extui %sign3A_33 : i1 to i32
    %sign3A_35 = arith.subi %sign3A_31, %sign3A_34 : i32
    %sign3A_36 = arith.constant 0 : i32
    %sign3A_37 = arith.cmpi sgt, %jit3A, %sign3A_36 : i32
    %sign3A_38 = arith.extui %sign3A_37 : i1 to i32
    %sign3A_39 = arith.constant 0 : i32
    %sign3A_40 = arith.cmpi slt, %jit3A, %sign3A_39 : i32
    %sign3A_41 = arith.extui %sign3A_40 : i1 to i32
    %sign3A_42 = arith.subi %sign3A_38, %sign3A_41 : i32
    %ne3A = arith.cmpi ne, %sign3A_35, %sign3A_42 : i32
    %rem3A = arith.remsi %squeeze3A, %jit3A : i32
    %ne3A_43 = arith.constant 0 : i32
    %ne3A_44 = arith.cmpi ne, %rem3A, %ne3A_43 : i32
    %and3A = arith.andi %ne3A, %ne3A_44 : i1
    %sub3A_45 = arith.constant 1 : i32
    %sub3A_46 = arith.subi %div3A, %sub3A_45 : i32
    %select_n3A = arith.select %and3A, %sub3A_46, %div3A : i32
    %mul3A_47 = arith.constant 8 : i32
    %mul3A_48 = arith.muli %select_n3A, %mul3A_47 : i32
    %multiple_of3A = tpu.assume_multiple %mul3A_48, 8 : i32
    %sub3A_49 = arith.subi %squeeze3A_29, %multiple_of3A : i32
    %lt3A = arith.constant 2048 : i32
    %lt3A_50 = arith.cmpi slt, %sub3A_49, %lt3A : i32
    %iota3A = tpu.iota {dimensions = array<i32: 0>} : vector<16xi32>
    %add3A_51 = arith.constant 1 : i32
    %add3A_52 = vector.broadcast %add3A_51 : i32 to vector<16xi32>
    %add3A_53 = arith.addi %iota3A, %add3A_52 : vector<16xi32>
    %min3A = arith.constant 15 : i32
    %min3A_54 = vector.broadcast %min3A : i32 to vector<16xi32>
    %min3A_55 = arith.minsi %add3A_53, %min3A_54 : vector<16xi32>
    %sub3A_56 = arith.constant 1 : i32
    %sub3A_57 = vector.broadcast %sub3A_56 : i32 to vector<16xi32>
    %sub3A_58 = arith.subi %iota3A, %sub3A_57 : vector<16xi32>
    %max3A = arith.constant 0 : i32
    %max3A_59 = vector.broadcast %max3A : i32 to vector<16xi32>
    %max3A_60 = arith.maxsi %sub3A_58, %max3A_59 : vector<16xi32>
    %convert_element_type3A = arith.extui %lt3A_50 : i1 to i32
    %cond3A = arith.constant 0 : i32
    %cond3A_61 = arith.cmpi ne, %convert_element_type3A, %cond3A : i32
    scf.if %cond3A_61 {
      %mul3A_138 = arith.constant 50000 : i32
      %mul3A_139 = arith.muli %add3A, %mul3A_138 : i32
      %add3A_140 = arith.constant 0 : i32
      %add3A_141 = arith.addi %mul3A_139, %add3A_140 : i32
      %dma_start3A_142 = tpu.memref_slice %arg4[%add3A_141] : memref<1600000xi32, #tpu.memory_space<hbm>> -> memref<2000xi32, #tpu.memory_space<hbm>>
      %dma_start3A_143 = tpu.memref_slice %arg4[%add3A_141] : memref<1600000xi32, #tpu.memory_space<hbm>> -> memref<2000xi32, #tpu.memory_space<hbm>>
      tpu.enqueue_dma source(%dma_start3A_143 : memref<2000xi32, #tpu.memory_space<hbm>>) target(%arg8 : memref<2000xi32, #tpu.memory_space<vmem>>) target_semaphore(%arg41 : memref<!tpu.dma_semaphore, #tpu.memory_space<semaphore_mem>>)
      %dma_start3A_144 = tpu.memref_slice %arg2[%add3A_141] : memref<1600000xf32, #tpu.memory_space<hbm>> -> memref<2000xf32, #tpu.memory_space<hbm>>
      %dma_start3A_145 = tpu.memref_slice %arg2[%add3A_141] : memref<1600000xf32, #tpu.memory_space<hbm>> -> memref<2000xf32, #tpu.memory_space<hbm>>
      tpu.enqueue_dma source(%dma_start3A_145 : memref<2000xf32, #tpu.memory_space<hbm>>) target(%arg13 : memref<2000xf32, #tpu.memory_space<vmem>>) target_semaphore(%arg41 : memref<!tpu.dma_semaphore, #tpu.memory_space<semaphore_mem>>)
      %dma_start3A_146 = tpu.memref_slice %arg3[%add3A_141] : memref<1600000xf32, #tpu.memory_space<hbm>> -> memref<2000xf32, #tpu.memory_space<hbm>>
      %dma_start3A_147 = tpu.memref_slice %arg3[%add3A_141] : memref<1600000xf32, #tpu.memory_space<hbm>> -> memref<2000xf32, #tpu.memory_space<hbm>>
      tpu.enqueue_dma source(%dma_start3A_147 : memref<2000xf32, #tpu.memory_space<hbm>>) target(%arg18 : memref<2000xf32, #tpu.memory_space<vmem>>) target_semaphore(%arg41 : memref<!tpu.dma_semaphore, #tpu.memory_space<semaphore_mem>>)
      %mul3A_148 = arith.constant 50000 : i32
      %mul3A_149 = arith.muli %add3A, %mul3A_148 : i32
      %add3A_150 = arith.constant 2000 : i32
      %add3A_151 = arith.addi %mul3A_149, %add3A_150 : i32
      %dma_start3A_152 = tpu.memref_slice %arg4[%add3A_151] : memref<1600000xi32, #tpu.memory_space<hbm>> -> memref<2000xi32, #tpu.memory_space<hbm>>
      %dma_start3A_153 = tpu.memref_slice %arg4[%add3A_151] : memref<1600000xi32, #tpu.memory_space<hbm>> -> memref<2000xi32, #tpu.memory_space<hbm>>
      tpu.enqueue_dma source(%dma_start3A_153 : memref<2000xi32, #tpu.memory_space<hbm>>) target(%arg9 : memref<2000xi32, #tpu.memory_space<vmem>>) target_semaphore(%arg42 : memref<!tpu.dma_semaphore, #tpu.memory_space<semaphore_mem>>)
      %dma_start3A_154 = tpu.memref_slice %arg2[%add3A_151] : memref<1600000xf32, #tpu.memory_space<hbm>> -> memref<2000xf32, #tpu.memory_space<hbm>>
      %dma_start3A_155 = tpu.memref_slice %arg2[%add3A_151] : memref<1600000xf32, #tpu.memory_space<hbm>> -> memref<2000xf32, #tpu.memory_space<hbm>>
      tpu.enqueue_dma source(%dma_start3A_155 : memref<2000xf32, #tpu.memory_space<hbm>>) target(%arg14 : memref<2000xf32, #tpu.memory_space<vmem>>) target_semaphore(%arg42 : memref<!tpu.dma_semaphore, #tpu.memory_space<semaphore_mem>>)
      %dma_start3A_156 = tpu.memref_slice %arg3[%add3A_151] : memref<1600000xf32, #tpu.memory_space<hbm>> -> memref<2000xf32, #tpu.memory_space<hbm>>
      %dma_start3A_157 = tpu.memref_slice %arg3[%add3A_151] : memref<1600000xf32, #tpu.memory_space<hbm>> -> memref<2000xf32, #tpu.memory_space<hbm>>
      tpu.enqueue_dma source(%dma_start3A_157 : memref<2000xf32, #tpu.memory_space<hbm>>) target(%arg19 : memref<2000xf32, #tpu.memory_space<vmem>>) target_semaphore(%arg42 : memref<!tpu.dma_semaphore, #tpu.memory_space<semaphore_mem>>)
      %scan3A = arith.constant 0 : i32
      %scan3A_158 = arith.constant 5 : i32
      %scan3A_159 = arith.addi %scan3A, %scan3A_158 : i32
      %scan3A_160 = arith.constant 1 : i32
      scf.for %scan3A_173 = %scan3A to %scan3A_159 step %scan3A_160  : i32 {
        %mul3A_174 = arith.constant 5 : i32
        %mul3A_175 = arith.muli %scan3A_173, %mul3A_174 : i32
        %add3A_176 = arith.constant 0 : i32
        %add3A_177 = arith.addi %add3A_176, %mul3A_175 : i32
        %add3A_178 = arith.constant 0 : i32
        %add3A_179 = arith.addi %add3A_177, %add3A_178 : i32
        %add3A_180 = arith.constant 2 : i32
        %add3A_181 = arith.addi %add3A_179, %add3A_180 : i32
        %lt3A_182 = arith.constant 25 : i32
        %lt3A_183 = arith.cmpi slt, %add3A_181, %lt3A_182 : i32
        %convert_element_type3A_184 = arith.extui %lt3A_183 : i1 to i32
        %cond3A_185 = arith.constant 0 : i32
        %cond3A_186 = arith.cmpi ne, %convert_element_type3A_184, %cond3A_185 : i32
        scf.if %cond3A_186 {
          %add3A_293 = arith.constant 2 : i32
          %add3A_294 = arith.addi %add3A_179, %add3A_293 : i32
          %mul3A_295 = arith.constant 50000 : i32
          %mul3A_296 = arith.muli %add3A, %mul3A_295 : i32
          %mul3A_297 = arith.constant 2000 : i32
          %mul3A_298 = arith.muli %add3A_294, %mul3A_297 : i32
          %add3A_299 = arith.addi %mul3A_296, %mul3A_298 : i32
          %dma_start3A_300 = tpu.memref_slice %arg4[%add3A_299] : memref<1600000xi32, #tpu.memory_space<hbm>> -> memref<2000xi32, #tpu.memory_space<hbm>>
          %dma_start3A_301 = tpu.memref_slice %arg4[%add3A_299] : memref<1600000xi32, #tpu.memory_space<hbm>> -> memref<2000xi32, #tpu.memory_space<hbm>>
          tpu.enqueue_dma source(%dma_start3A_301 : memref<2000xi32, #tpu.memory_space<hbm>>) target(%arg10 : memref<2000xi32, #tpu.memory_space<vmem>>) target_semaphore(%arg43 : memref<!tpu.dma_semaphore, #tpu.memory_space<semaphore_mem>>)
          %dma_start3A_302 = tpu.memref_slice %arg2[%add3A_299] : memref<1600000xf32, #tpu.memory_space<hbm>> -> memref<2000xf32, #tpu.memory_space<hbm>>
          %dma_start3A_303 = tpu.memref_slice %arg2[%add3A_299] : memref<1600000xf32, #tpu.memory_space<hbm>> -> memref<2000xf32, #tpu.memory_space<hbm>>
          tpu.enqueue_dma source(%dma_start3A_303 : memref<2000xf32, #tpu.memory_space<hbm>>) target(%arg15 : memref<2000xf32, #tpu.memory_space<vmem>>) target_semaphore(%arg43 : memref<!tpu.dma_semaphore, #tpu.memory_space<semaphore_mem>>)
          %dma_start3A_304 = tpu.memref_slice %arg3[%add3A_299] : memref<1600000xf32, #tpu.memory_space<hbm>> -> memref<2000xf32, #tpu.memory_space<hbm>>
          %dma_start3A_305 = tpu.memref_slice %arg3[%add3A_299] : memref<1600000xf32, #tpu.memory_space<hbm>> -> memref<2000xf32, #tpu.memory_space<hbm>>
          tpu.enqueue_dma source(%dma_start3A_305 : memref<2000xf32, #tpu.memory_space<hbm>>) target(%arg20 : memref<2000xf32, #tpu.memory_space<vmem>>) target_semaphore(%arg43 : memref<!tpu.dma_semaphore, #tpu.memory_space<semaphore_mem>>)
        } else {
        }
        %mul3A_187 = arith.constant 50000 : i32
        %mul3A_188 = arith.muli %add3A, %mul3A_187 : i32
        %mul3A_189 = arith.constant 2000 : i32
        %mul3A_190 = arith.muli %add3A_179, %mul3A_189 : i32
        %add3A_191 = arith.addi %mul3A_188, %mul3A_190 : i32
        %dma_wait3A_192 = tpu.memref_slice %arg4[%add3A_191] : memref<1600000xi32, #tpu.memory_space<hbm>> -> memref<2000xi32, #tpu.memory_space<hbm>>
        %dma_wait3A_193 = tpu.memref_slice %arg4[%add3A_191] : memref<1600000xi32, #tpu.memory_space<hbm>> -> memref<2000xi32, #tpu.memory_space<hbm>>
        tpu.wait_dma2 semaphore(%arg41 : memref<!tpu.dma_semaphore, #tpu.memory_space<semaphore_mem>>) src(%dma_wait3A_193 : memref<2000xi32, #tpu.memory_space<hbm>>) dst(%arg8 : memref<2000xi32, #tpu.memory_space<vmem>>)
        %dma_wait3A_194 = tpu.memref_slice %arg2[%add3A_191] : memref<1600000xf32, #tpu.memory_space<hbm>> -> memref<2000xf32, #tpu.memory_space<hbm>>
        %dma_wait3A_195 = tpu.memref_slice %arg2[%add3A_191] : memref<1600000xf32, #tpu.memory_space<hbm>> -> memref<2000xf32, #tpu.memory_space<hbm>>
        tpu.wait_dma2 semaphore(%arg41 : memref<!tpu.dma_semaphore, #tpu.memory_space<semaphore_mem>>) src(%dma_wait3A_195 : memref<2000xf32, #tpu.memory_space<hbm>>) dst(%arg13 : memref<2000xf32, #tpu.memory_space<vmem>>)
        %dma_wait3A_196 = tpu.memref_slice %arg3[%add3A_191] : memref<1600000xf32, #tpu.memory_space<hbm>> -> memref<2000xf32, #tpu.memory_space<hbm>>
        %dma_wait3A_197 = tpu.memref_slice %arg3[%add3A_191] : memref<1600000xf32, #tpu.memory_space<hbm>> -> memref<2000xf32, #tpu.memory_space<hbm>>
        tpu.wait_dma2 semaphore(%arg41 : memref<!tpu.dma_semaphore, #tpu.memory_space<semaphore_mem>>) src(%dma_wait3A_197 : memref<2000xf32, #tpu.memory_space<hbm>>) dst(%arg18 : memref<2000xf32, #tpu.memory_space<vmem>>)
        %parallel_loop3A_198 = arith.constant 0 : i32
        %parallel_loop3A_199 = arith.constant 125 : i32
        %parallel_loop3A_200 = arith.constant 1 : i32
        scf.for %parallel_loop3A_293 = %parallel_loop3A_198 to %parallel_loop3A_199 step %parallel_loop3A_200  : i32 {
          %parallel_loop3A_294 = arith.constant 16 : i32
          %parallel_loop3A_295 = arith.muli %parallel_loop3A_293, %parallel_loop3A_294 : i32
          %parallel_loop3A_296 = arith.index_cast %parallel_loop3A_295 : i32 to index
          %parallel_loop3A_297 = tpu.vector_load %arg8[%parallel_loop3A_296] {strides = array<i32>} : memref<2000xi32, #tpu.memory_space<vmem>>, vector<16xi32>,
          %parallel_loop3A_298 = vector.broadcast %squeeze3A : i32 to vector<16xi32>
          %parallel_loop3A_299 = arith.subi %parallel_loop3A_297, %parallel_loop3A_298 : vector<16xi32>
          %parallel_loop3A_300 = arith.index_cast %parallel_loop3A_295 : i32 to index
          %parallel_loop3A_301 = tpu.vector_load %arg18[%parallel_loop3A_300] {strides = array<i32>} : memref<2000xf32, #tpu.memory_space<vmem>>, vector<16xf32>,
          %parallel_loop3A_302 = arith.constant 1.000000e+00 : f32
          %parallel_loop3A_303 = vector.broadcast %parallel_loop3A_302 : f32 to vector<16xf32>
          %parallel_loop3A_304 = arith.divf %parallel_loop3A_303, %parallel_loop3A_301 : vector<16xf32>
          %parallel_loop3A_305 = arith.constant true
          %parallel_loop3A_306 = vector.broadcast %parallel_loop3A_305 : i1 to vector<16xi1>
          %parallel_loop3A_307 = tpu.scan <sum>, %parallel_loop3A_304 masked %parallel_loop3A_306 : vector<16xf32>, vector<16xi1> -> vector<16xf32>
          %parallel_loop3A_308 = arith.index_cast %parallel_loop3A_295 : i32 to index
          %parallel_loop3A_309 = tpu.vector_load %arg13[%parallel_loop3A_308] {strides = array<i32>} : memref<2000xf32, #tpu.memory_space<vmem>>, vector<16xf32>,
          %parallel_loop3A_310 = arith.mulf %parallel_loop3A_309, %parallel_loop3A_304 : vector<16xf32>
          %parallel_loop3A_311 = arith.constant true
          %parallel_loop3A_312 = vector.broadcast %parallel_loop3A_311 : i1 to vector<16xi1>
          %parallel_loop3A_313 = tpu.scan <sum>, %parallel_loop3A_310 masked %parallel_loop3A_312 : vector<16xf32>, vector<16xi1> -> vector<16xf32>
          %parallel_loop3A_314 = arith.constant 0 : i32
          %parallel_loop3A_315 = vector.broadcast %parallel_loop3A_314 : i32 to vector<16xi32>
          %parallel_loop3A_316 = arith.cmpi slt, %min3A_55, %parallel_loop3A_315 : vector<16xi32>
          %parallel_loop3A_317 = arith.constant 16 : i32
          %parallel_loop3A_318 = vector.broadcast %parallel_loop3A_317 : i32 to vector<16xi32>
          %parallel_loop3A_319 = arith.addi %min3A_55, %parallel_loop3A_318 : vector<16xi32>
          %parallel_loop3A_320 = arith.select %parallel_loop3A_316, %parallel_loop3A_319, %min3A_55 : vector<16xi1>, vector<16xi32>
          %parallel_loop3A_321 = vector.shape_cast %parallel_loop3A_320 : vector<16xi32> to vector<16x1xi32>
          %parallel_loop3A_322 = vector.shape_cast %parallel_loop3A_321 : vector<16x1xi32> to vector<16xi32>
          %parallel_loop3A_323 = tpu.dynamic_gather %parallel_loop3A_297[%parallel_loop3A_322] in [0] : vector<16xi32>, vector<16xi32> -> vector<16xi32>
          %parallel_loop3A_324 = arith.cmpi ne, %parallel_loop3A_297, %parallel_loop3A_323 : vector<16xi32>
          %parallel_loop3A_325 = arith.constant 15 : i32
          %parallel_loop3A_326 = vector.broadcast %parallel_loop3A_325 : i32 to vector<16xi32>
          %parallel_loop3A_327 = arith.cmpi eq, %iota3A, %parallel_loop3A_326 : vector<16xi32>
          %parallel_loop3A_328 = arith.ori %parallel_loop3A_324, %parallel_loop3A_327 : vector<16xi1>
          %parallel_loop3A_329 = arith.constant -1 : i32
          %parallel_loop3A_330 = vector.broadcast %parallel_loop3A_329 : i32 to vector<16xi32>
          %parallel_loop3A_331 = arith.select %parallel_loop3A_328, %iota3A, %parallel_loop3A_330 : vector<16xi1>, vector<16xi32>
          %parallel_loop3A_332 = arith.constant true
          %parallel_loop3A_333 = vector.broadcast %parallel_loop3A_332 : i1 to vector<16xi1>
          %parallel_loop3A_334 = arith.constant -2147483648 : i32
          %parallel_loop3A_335 = vector.broadcast %parallel_loop3A_334 : i32 to vector<16xi32>
          %parallel_loop3A_336 = arith.xori %parallel_loop3A_331, %parallel_loop3A_335 : vector<16xi32>
          %parallel_loop3A_337 = tpu.scan <max>, %parallel_loop3A_336 masked %parallel_loop3A_333 : vector<16xi32>, vector<16xi1> -> vector<16xi32>
          %parallel_loop3A_338 = arith.xori %parallel_loop3A_337, %parallel_loop3A_335 : vector<16xi32>
          %parallel_loop3A_339 = arith.constant 0 : i32
          %parallel_loop3A_340 = vector.broadcast %parallel_loop3A_339 : i32 to vector<16xi32>
          %parallel_loop3A_341 = arith.cmpi slt, %max3A_60, %parallel_loop3A_340 : vector<16xi32>
          %parallel_loop3A_342 = arith.constant 16 : i32
          %parallel_loop3A_343 = vector.broadcast %parallel_loop3A_342 : i32 to vector<16xi32>
          %parallel_loop3A_344 = arith.addi %max3A_60, %parallel_loop3A_343 : vector<16xi32>
          %parallel_loop3A_345 = arith.select %parallel_loop3A_341, %parallel_loop3A_344, %max3A_60 : vector<16xi1>, vector<16xi32>
          %parallel_loop3A_346 = vector.shape_cast %parallel_loop3A_345 : vector<16xi32> to vector<16x1xi32>
          %parallel_loop3A_347 = vector.shape_cast %parallel_loop3A_346 : vector<16x1xi32> to vector<16xi32>
          %parallel_loop3A_348 = tpu.dynamic_gather %parallel_loop3A_338[%parallel_loop3A_347] in [0] : vector<16xi32>, vector<16xi32> -> vector<16xi32>
          %parallel_loop3A_349 = arith.constant 0 : i32
          %parallel_loop3A_350 = vector.broadcast %parallel_loop3A_349 : i32 to vector<16xi32>
          %parallel_loop3A_351 = arith.cmpi eq, %iota3A, %parallel_loop3A_350 : vector<16xi32>
          %parallel_loop3A_352 = arith.constant -1 : i32
          %parallel_loop3A_353 = vector.broadcast %parallel_loop3A_352 : i32 to vector<16xi32>
          %parallel_loop3A_354 = arith.select %parallel_loop3A_351, %parallel_loop3A_353, %parallel_loop3A_348 : vector<16xi1>, vector<16xi32>
          %parallel_loop3A_355 = arith.constant 0 : i32
          %parallel_loop3A_356 = vector.broadcast %parallel_loop3A_355 : i32 to vector<16xi32>
          %parallel_loop3A_357 = arith.cmpi sge, %parallel_loop3A_354, %parallel_loop3A_356 : vector<16xi32>
          %parallel_loop3A_358 = arith.constant 0 : i32
          %parallel_loop3A_359 = vector.broadcast %parallel_loop3A_358 : i32 to vector<16xi32>
          %parallel_loop3A_360 = arith.maxsi %parallel_loop3A_354, %parallel_loop3A_359 : vector<16xi32>
          %parallel_loop3A_361 = arith.constant 0 : i32
          %parallel_loop3A_362 = vector.broadcast %parallel_loop3A_361 : i32 to vector<16xi32>
          %parallel_loop3A_363 = arith.cmpi slt, %parallel_loop3A_360, %parallel_loop3A_362 : vector<16xi32>
          %parallel_loop3A_364 = arith.constant 16 : i32
          %parallel_loop3A_365 = vector.broadcast %parallel_loop3A_364 : i32 to vector<16xi32>
          %parallel_loop3A_366 = arith.addi %parallel_loop3A_360, %parallel_loop3A_365 : vector<16xi32>
          %parallel_loop3A_367 = arith.select %parallel_loop3A_363, %parallel_loop3A_366, %parallel_loop3A_360 : vector<16xi1>, vector<16xi32>
          %parallel_loop3A_368 = vector.shape_cast %parallel_loop3A_367 : vector<16xi32> to vector<16x1xi32>
          %parallel_loop3A_369 = vector.shape_cast %parallel_loop3A_368 : vector<16x1xi32> to vector<16xi32>
          %parallel_loop3A_370 = tpu.dynamic_gather %parallel_loop3A_307[%parallel_loop3A_369] in [0] : vector<16xf32>, vector<16xi32> -> vector<16xf32>
          %parallel_loop3A_371 = arith.constant 0.000000e+00 : f32
          %parallel_loop3A_372 = vector.broadcast %parallel_loop3A_371 : f32 to vector<16xf32>
          %parallel_loop3A_373 = arith.select %parallel_loop3A_357, %parallel_loop3A_370, %parallel_loop3A_372 : vector<16xi1>, vector<16xf32>
          %parallel_loop3A_374 = arith.constant 0 : i32
          %parallel_loop3A_375 = vector.broadcast %parallel_loop3A_374 : i32 to vector<16xi32>
          %parallel_loop3A_376 = arith.cmpi slt, %parallel_loop3A_360, %parallel_loop3A_375 : vector<16xi32>
          %parallel_loop3A_377 = arith.constant 16 : i32
          %parallel_loop3A_378 = vector.broadcast %parallel_loop3A_377 : i32 to vector<16xi32>
          %parallel_loop3A_379 = arith.addi %parallel_loop3A_360, %parallel_loop3A_378 : vector<16xi32>
          %parallel_loop3A_380 = arith.select %parallel_loop3A_376, %parallel_loop3A_379, %parallel_loop3A_360 : vector<16xi1>, vector<16xi32>
          %parallel_loop3A_381 = vector.shape_cast %parallel_loop3A_380 : vector<16xi32> to vector<16x1xi32>
          %parallel_loop3A_382 = vector.shape_cast %parallel_loop3A_381 : vector<16x1xi32> to vector<16xi32>
          %parallel_loop3A_383 = tpu.dynamic_gather %parallel_loop3A_313[%parallel_loop3A_382] in [0] : vector<16xf32>, vector<16xi32> -> vector<16xf32>
          %parallel_loop3A_384 = arith.constant 0.000000e+00 : f32
          %parallel_loop3A_385 = vector.broadcast %parallel_loop3A_384 : f32 to vector<16xf32>
          %parallel_loop3A_386 = arith.select %parallel_loop3A_357, %parallel_loop3A_383, %parallel_loop3A_385 : vector<16xi1>, vector<16xf32>
          %parallel_loop3A_387 = arith.subf %parallel_loop3A_307, %parallel_loop3A_373 : vector<16xf32>
          tpu.vector_store_idx %arg31[%parallel_loop3A_299], %parallel_loop3A_387 masked %parallel_loop3A_328 {add = true} : memref<2048xf32, #tpu.memory_space<vmem>>[vector<16xi32>], vector<16xf32>, vector<16xi1>
          %parallel_loop3A_388 = arith.subf %parallel_loop3A_313, %parallel_loop3A_386 : vector<16xf32>
          tpu.vector_store_idx %arg32[%parallel_loop3A_299], %parallel_loop3A_388 masked %parallel_loop3A_328 {add = true} : memref<2048xf32, #tpu.memory_space<vmem>>[vector<16xi32>], vector<16xf32>, vector<16xi1>
        } {sc.loop_unroll_factor = 5 : i64, sc.parallel_access}
        %add3A_201 = arith.constant 1 : i32
        %add3A_202 = arith.addi %add3A_177, %add3A_201 : i32
        %add3A_203 = arith.constant 2 : i32
        %add3A_204 = arith.addi %add3A_202, %add3A_203 : i32
        %lt3A_205 = arith.constant 25 : i32
        %lt3A_206 = arith.cmpi slt, %add3A_204, %lt3A_205 : i32
        %convert_element_type3A_207 = arith.extui %lt3A_206 : i1 to i32
        %cond3A_208 = arith.constant 0 : i32
        %cond3A_209 = arith.cmpi ne, %convert_element_type3A_207, %cond3A_208 : i32
        scf.if %cond3A_209 {
          %add3A_293 = arith.constant 2 : i32
          %add3A_294 = arith.addi %add3A_202, %add3A_293 : i32
          %mul3A_295 = arith.constant 50000 : i32
          %mul3A_296 = arith.muli %add3A, %mul3A_295 : i32
          %mul3A_297 = arith.constant 2000 : i32
          %mul3A_298 = arith.muli %add3A_294, %mul3A_297 : i32
          %add3A_299 = arith.addi %mul3A_296, %mul3A_298 : i32
          %dma_start3A_300 = tpu.memref_slice %arg4[%add3A_299] : memref<1600000xi32, #tpu.memory_space<hbm>> -> memref<2000xi32, #tpu.memory_space<hbm>>
          %dma_start3A_301 = tpu.memref_slice %arg4[%add3A_299] : memref<1600000xi32, #tpu.memory_space<hbm>> -> memref<2000xi32, #tpu.memory_space<hbm>>
          tpu.enqueue_dma source(%dma_start3A_301 : memref<2000xi32, #tpu.memory_space<hbm>>) target(%arg11 : memref<2000xi32, #tpu.memory_space<vmem>>) target_semaphore(%arg44 : memref<!tpu.dma_semaphore, #tpu.memory_space<semaphore_mem>>)
          %dma_start3A_302 = tpu.memref_slice %arg2[%add3A_299] : memref<1600000xf32, #tpu.memory_space<hbm>> -> memref<2000xf32, #tpu.memory_space<hbm>>
          %dma_start3A_303 = tpu.memref_slice %arg2[%add3A_299] : memref<1600000xf32, #tpu.memory_space<hbm>> -> memref<2000xf32, #tpu.memory_space<hbm>>
          tpu.enqueue_dma source(%dma_start3A_303 : memref<2000xf32, #tpu.memory_space<hbm>>) target(%arg16 : memref<2000xf32, #tpu.memory_space<vmem>>) target_semaphore(%arg44 : memref<!tpu.dma_semaphore, #tpu.memory_space<semaphore_mem>>)
          %dma_start3A_304 = tpu.memref_slice %arg3[%add3A_299] : memref<1600000xf32, #tpu.memory_space<hbm>> -> memref<2000xf32, #tpu.memory_space<hbm>>
          %dma_start3A_305 = tpu.memref_slice %arg3[%add3A_299] : memref<1600000xf32, #tpu.memory_space<hbm>> -> memref<2000xf32, #tpu.memory_space<hbm>>
          tpu.enqueue_dma source(%dma_start3A_305 : memref<2000xf32, #tpu.memory_space<hbm>>) target(%arg21 : memref<2000xf32, #tpu.memory_space<vmem>>) target_semaphore(%arg44 : memref<!tpu.dma_semaphore, #tpu.memory_space<semaphore_mem>>)
        } else {
        }
        %mul3A_210 = arith.constant 50000 : i32
        %mul3A_211 = arith.muli %add3A, %mul3A_210 : i32
        %mul3A_212 = arith.constant 2000 : i32
        %mul3A_213 = arith.muli %add3A_202, %mul3A_212 : i32
        %add3A_214 = arith.addi %mul3A_211, %mul3A_213 : i32
        %dma_wait3A_215 = tpu.memref_slice %arg4[%add3A_214] : memref<1600000xi32, #tpu.memory_space<hbm>> -> memref<2000xi32, #tpu.memory_space<hbm>>
        %dma_wait3A_216 = tpu.memref_slice %arg4[%add3A_214] : memref<1600000xi32, #tpu.memory_space<hbm>> -> memref<2000xi32, #tpu.memory_space<hbm>>
        tpu.wait_dma2 semaphore(%arg42 : memref<!tpu.dma_semaphore, #tpu.memory_space<semaphore_mem>>) src(%dma_wait3A_216 : memref<2000xi32, #tpu.memory_space<hbm>>) dst(%arg9 : memref<2000xi32, #tpu.memory_space<vmem>>)
        %dma_wait3A_217 = tpu.memref_slice %arg2[%add3A_214] : memref<1600000xf32, #tpu.memory_space<hbm>> -> memref<2000xf32, #tpu.memory_space<hbm>>
        %dma_wait3A_218 = tpu.memref_slice %arg2[%add3A_214] : memref<1600000xf32, #tpu.memory_space<hbm>> -> memref<2000xf32, #tpu.memory_space<hbm>>
        tpu.wait_dma2 semaphore(%arg42 : memref<!tpu.dma_semaphore, #tpu.memory_space<semaphore_mem>>) src(%dma_wait3A_218 : memref<2000xf32, #tpu.memory_space<hbm>>) dst(%arg14 : memref<2000xf32, #tpu.memory_space<vmem>>)
        %dma_wait3A_219 = tpu.memref_slice %arg3[%add3A_214] : memref<1600000xf32, #tpu.memory_space<hbm>> -> memref<2000xf32, #tpu.memory_space<hbm>>
        %dma_wait3A_220 = tpu.memref_slice %arg3[%add3A_214] : memref<1600000xf32, #tpu.memory_space<hbm>> -> memref<2000xf32, #tpu.memory_space<hbm>>
        tpu.wait_dma2 semaphore(%arg42 : memref<!tpu.dma_semaphore, #tpu.memory_space<semaphore_mem>>) src(%dma_wait3A_220 : memref<2000xf32, #tpu.memory_space<hbm>>) dst(%arg19 : memref<2000xf32, #tpu.memory_space<vmem>>)
        %parallel_loop3A_221 = arith.constant 0 : i32
        %parallel_loop3A_222 = arith.constant 125 : i32
        %parallel_loop3A_223 = arith.constant 1 : i32
        scf.for %parallel_loop3A_293 = %parallel_loop3A_221 to %parallel_loop3A_222 step %parallel_loop3A_223  : i32 {
          %parallel_loop3A_294 = arith.constant 16 : i32
          %parallel_loop3A_295 = arith.muli %parallel_loop3A_293, %parallel_loop3A_294 : i32
          %parallel_loop3A_296 = arith.index_cast %parallel_loop3A_295 : i32 to index
          %parallel_loop3A_297 = tpu.vector_load %arg9[%parallel_loop3A_296] {strides = array<i32>} : memref<2000xi32, #tpu.memory_space<vmem>>, vector<16xi32>,
          %parallel_loop3A_298 = vector.broadcast %squeeze3A : i32 to vector<16xi32>
          %parallel_loop3A_299 = arith.subi %parallel_loop3A_297, %parallel_loop3A_298 : vector<16xi32>
          %parallel_loop3A_300 = arith.index_cast %parallel_loop3A_295 : i32 to index
          %parallel_loop3A_301 = tpu.vector_load %arg19[%parallel_loop3A_300] {strides = array<i32>} : memref<2000xf32, #tpu.memory_space<vmem>>, vector<16xf32>,
          %parallel_loop3A_302 = arith.constant 1.000000e+00 : f32
          %parallel_loop3A_303 = vector.broadcast %parallel_loop3A_302 : f32 to vector<16xf32>
          %parallel_loop3A_304 = arith.divf %parallel_loop3A_303, %parallel_loop3A_301 : vector<16xf32>
          %parallel_loop3A_305 = arith.constant true
          %parallel_loop3A_306 = vector.broadcast %parallel_loop3A_305 : i1 to vector<16xi1>
          %parallel_loop3A_307 = tpu.scan <sum>, %parallel_loop3A_304 masked %parallel_loop3A_306 : vector<16xf32>, vector<16xi1> -> vector<16xf32>
          %parallel_loop3A_308 = arith.index_cast %parallel_loop3A_295 : i32 to index
          %parallel_loop3A_309 = tpu.vector_load %arg14[%parallel_loop3A_308] {strides = array<i32>} : memref<2000xf32, #tpu.memory_space<vmem>>, vector<16xf32>,
          %parallel_loop3A_310 = arith.mulf %parallel_loop3A_309, %parallel_loop3A_304 : vector<16xf32>
          %parallel_loop3A_311 = arith.constant true
          %parallel_loop3A_312 = vector.broadcast %parallel_loop3A_311 : i1 to vector<16xi1>
          %parallel_loop3A_313 = tpu.scan <sum>, %parallel_loop3A_310 masked %parallel_loop3A_312 : vector<16xf32>, vector<16xi1> -> vector<16xf32>
          %parallel_loop3A_314 = arith.constant 0 : i32
          %parallel_loop3A_315 = vector.broadcast %parallel_loop3A_314 : i32 to vector<16xi32>
          %parallel_loop3A_316 = arith.cmpi slt, %min3A_55, %parallel_loop3A_315 : vector<16xi32>
          %parallel_loop3A_317 = arith.constant 16 : i32
          %parallel_loop3A_318 = vector.broadcast %parallel_loop3A_317 : i32 to vector<16xi32>
          %parallel_loop3A_319 = arith.addi %min3A_55, %parallel_loop3A_318 : vector<16xi32>
          %parallel_loop3A_320 = arith.select %parallel_loop3A_316, %parallel_loop3A_319, %min3A_55 : vector<16xi1>, vector<16xi32>
          %parallel_loop3A_321 = vector.shape_cast %parallel_loop3A_320 : vector<16xi32> to vector<16x1xi32>
          %parallel_loop3A_322 = vector.shape_cast %parallel_loop3A_321 : vector<16x1xi32> to vector<16xi32>
          %parallel_loop3A_323 = tpu.dynamic_gather %parallel_loop3A_297[%parallel_loop3A_322] in [0] : vector<16xi32>, vector<16xi32> -> vector<16xi32>
          %parallel_loop3A_324 = arith.cmpi ne, %parallel_loop3A_297, %parallel_loop3A_323 : vector<16xi32>
          %parallel_loop3A_325 = arith.constant 15 : i32
          %parallel_loop3A_326 = vector.broadcast %parallel_loop3A_325 : i32 to vector<16xi32>
          %parallel_loop3A_327 = arith.cmpi eq, %iota3A, %parallel_loop3A_326 : vector<16xi32>
          %parallel_loop3A_328 = arith.ori %parallel_loop3A_324, %parallel_loop3A_327 : vector<16xi1>
          %parallel_loop3A_329 = arith.constant -1 : i32
          %parallel_loop3A_330 = vector.broadcast %parallel_loop3A_329 : i32 to vector<16xi32>
          %parallel_loop3A_331 = arith.select %parallel_loop3A_328, %iota3A, %parallel_loop3A_330 : vector<16xi1>, vector<16xi32>
          %parallel_loop3A_332 = arith.constant true
          %parallel_loop3A_333 = vector.broadcast %parallel_loop3A_332 : i1 to vector<16xi1>
          %parallel_loop3A_334 = arith.constant -2147483648 : i32
          %parallel_loop3A_335 = vector.broadcast %parallel_loop3A_334 : i32 to vector<16xi32>
          %parallel_loop3A_336 = arith.xori %parallel_loop3A_331, %parallel_loop3A_335 : vector<16xi32>
          %parallel_loop3A_337 = tpu.scan <max>, %parallel_loop3A_336 masked %parallel_loop3A_333 : vector<16xi32>, vector<16xi1> -> vector<16xi32>
          %parallel_loop3A_338 = arith.xori %parallel_loop3A_337, %parallel_loop3A_335 : vector<16xi32>
          %parallel_loop3A_339 = arith.constant 0 : i32
          %parallel_loop3A_340 = vector.broadcast %parallel_loop3A_339 : i32 to vector<16xi32>
          %parallel_loop3A_341 = arith.cmpi slt, %max3A_60, %parallel_loop3A_340 : vector<16xi32>
          %parallel_loop3A_342 = arith.constant 16 : i32
          %parallel_loop3A_343 = vector.broadcast %parallel_loop3A_342 : i32 to vector<16xi32>
          %parallel_loop3A_344 = arith.addi %max3A_60, %parallel_loop3A_343 : vector<16xi32>
          %parallel_loop3A_345 = arith.select %parallel_loop3A_341, %parallel_loop3A_344, %max3A_60 : vector<16xi1>, vector<16xi32>
          %parallel_loop3A_346 = vector.shape_cast %parallel_loop3A_345 : vector<16xi32> to vector<16x1xi32>
          %parallel_loop3A_347 = vector.shape_cast %parallel_loop3A_346 : vector<16x1xi32> to vector<16xi32>
          %parallel_loop3A_348 = tpu.dynamic_gather %parallel_loop3A_338[%parallel_loop3A_347] in [0] : vector<16xi32>, vector<16xi32> -> vector<16xi32>
          %parallel_loop3A_349 = arith.constant 0 : i32
          %parallel_loop3A_350 = vector.broadcast %parallel_loop3A_349 : i32 to vector<16xi32>
          %parallel_loop3A_351 = arith.cmpi eq, %iota3A, %parallel_loop3A_350 : vector<16xi32>
          %parallel_loop3A_352 = arith.constant -1 : i32
          %parallel_loop3A_353 = vector.broadcast %parallel_loop3A_352 : i32 to vector<16xi32>
          %parallel_loop3A_354 = arith.select %parallel_loop3A_351, %parallel_loop3A_353, %parallel_loop3A_348 : vector<16xi1>, vector<16xi32>
          %parallel_loop3A_355 = arith.constant 0 : i32
          %parallel_loop3A_356 = vector.broadcast %parallel_loop3A_355 : i32 to vector<16xi32>
          %parallel_loop3A_357 = arith.cmpi sge, %parallel_loop3A_354, %parallel_loop3A_356 : vector<16xi32>
          %parallel_loop3A_358 = arith.constant 0 : i32
          %parallel_loop3A_359 = vector.broadcast %parallel_loop3A_358 : i32 to vector<16xi32>
          %parallel_loop3A_360 = arith.maxsi %parallel_loop3A_354, %parallel_loop3A_359 : vector<16xi32>
          %parallel_loop3A_361 = arith.constant 0 : i32
          %parallel_loop3A_362 = vector.broadcast %parallel_loop3A_361 : i32 to vector<16xi32>
          %parallel_loop3A_363 = arith.cmpi slt, %parallel_loop3A_360, %parallel_loop3A_362 : vector<16xi32>
          %parallel_loop3A_364 = arith.constant 16 : i32
          %parallel_loop3A_365 = vector.broadcast %parallel_loop3A_364 : i32 to vector<16xi32>
          %parallel_loop3A_366 = arith.addi %parallel_loop3A_360, %parallel_loop3A_365 : vector<16xi32>
          %parallel_loop3A_367 = arith.select %parallel_loop3A_363, %parallel_loop3A_366, %parallel_loop3A_360 : vector<16xi1>, vector<16xi32>
          %parallel_loop3A_368 = vector.shape_cast %parallel_loop3A_367 : vector<16xi32> to vector<16x1xi32>
          %parallel_loop3A_369 = vector.shape_cast %parallel_loop3A_368 : vector<16x1xi32> to vector<16xi32>
          %parallel_loop3A_370 = tpu.dynamic_gather %parallel_loop3A_307[%parallel_loop3A_369] in [0] : vector<16xf32>, vector<16xi32> -> vector<16xf32>
          %parallel_loop3A_371 = arith.constant 0.000000e+00 : f32
          %parallel_loop3A_372 = vector.broadcast %parallel_loop3A_371 : f32 to vector<16xf32>
          %parallel_loop3A_373 = arith.select %parallel_loop3A_357, %parallel_loop3A_370, %parallel_loop3A_372 : vector<16xi1>, vector<16xf32>
          %parallel_loop3A_374 = arith.constant 0 : i32
          %parallel_loop3A_375 = vector.broadcast %parallel_loop3A_374 : i32 to vector<16xi32>
          %parallel_loop3A_376 = arith.cmpi slt, %parallel_loop3A_360, %parallel_loop3A_375 : vector<16xi32>
          %parallel_loop3A_377 = arith.constant 16 : i32
          %parallel_loop3A_378 = vector.broadcast %parallel_loop3A_377 : i32 to vector<16xi32>
          %parallel_loop3A_379 = arith.addi %parallel_loop3A_360, %parallel_loop3A_378 : vector<16xi32>
          %parallel_loop3A_380 = arith.select %parallel_loop3A_376, %parallel_loop3A_379, %parallel_loop3A_360 : vector<16xi1>, vector<16xi32>
          %parallel_loop3A_381 = vector.shape_cast %parallel_loop3A_380 : vector<16xi32> to vector<16x1xi32>
          %parallel_loop3A_382 = vector.shape_cast %parallel_loop3A_381 : vector<16x1xi32> to vector<16xi32>
          %parallel_loop3A_383 = tpu.dynamic_gather %parallel_loop3A_313[%parallel_loop3A_382] in [0] : vector<16xf32>, vector<16xi32> -> vector<16xf32>
          %parallel_loop3A_384 = arith.constant 0.000000e+00 : f32
          %parallel_loop3A_385 = vector.broadcast %parallel_loop3A_384 : f32 to vector<16xf32>
          %parallel_loop3A_386 = arith.select %parallel_loop3A_357, %parallel_loop3A_383, %parallel_loop3A_385 : vector<16xi1>, vector<16xf32>
          %parallel_loop3A_387 = arith.subf %parallel_loop3A_307, %parallel_loop3A_373 : vector<16xf32>
          tpu.vector_store_idx %arg31[%parallel_loop3A_299], %parallel_loop3A_387 masked %parallel_loop3A_328 {add = true} : memref<2048xf32, #tpu.memory_space<vmem>>[vector<16xi32>], vector<16xf32>, vector<16xi1>
          %parallel_loop3A_388 = arith.subf %parallel_loop3A_313, %parallel_loop3A_386 : vector<16xf32>
          tpu.vector_store_idx %arg32[%parallel_loop3A_299], %parallel_loop3A_388 masked %parallel_loop3A_328 {add = true} : memref<2048xf32, #tpu.memory_space<vmem>>[vector<16xi32>], vector<16xf32>, vector<16xi1>
        } {sc.loop_unroll_factor = 5 : i64, sc.parallel_access}
        %add3A_224 = arith.constant 2 : i32
        %add3A_225 = arith.addi %add3A_177, %add3A_224 : i32
        %add3A_226 = arith.constant 2 : i32
        %add3A_227 = arith.addi %add3A_225, %add3A_226 : i32
        %lt3A_228 = arith.constant 25 : i32
        %lt3A_229 = arith.cmpi slt, %add3A_227, %lt3A_228 : i32
        %convert_element_type3A_230 = arith.extui %lt3A_229 : i1 to i32
        %cond3A_231 = arith.constant 0 : i32
        %cond3A_232 = arith.cmpi ne, %convert_element_type3A_230, %cond3A_231 : i32
        scf.if %cond3A_232 {
          %add3A_293 = arith.constant 2 : i32
          %add3A_294 = arith.addi %add3A_225, %add3A_293 : i32
          %mul3A_295 = arith.constant 50000 : i32
          %mul3A_296 = arith.muli %add3A, %mul3A_295 : i32
          %mul3A_297 = arith.constant 2000 : i32
          %mul3A_298 = arith.muli %add3A_294, %mul3A_297 : i32
          %add3A_299 = arith.addi %mul3A_296, %mul3A_298 : i32
          %dma_start3A_300 = tpu.memref_slice %arg4[%add3A_299] : memref<1600000xi32, #tpu.memory_space<hbm>> -> memref<2000xi32, #tpu.memory_space<hbm>>
          %dma_start3A_301 = tpu.memref_slice %arg4[%add3A_299] : memref<1600000xi32, #tpu.memory_space<hbm>> -> memref<2000xi32, #tpu.memory_space<hbm>>
          tpu.enqueue_dma source(%dma_start3A_301 : memref<2000xi32, #tpu.memory_space<hbm>>) target(%arg12 : memref<2000xi32, #tpu.memory_space<vmem>>) target_semaphore(%arg45 : memref<!tpu.dma_semaphore, #tpu.memory_space<semaphore_mem>>)
          %dma_start3A_302 = tpu.memref_slice %arg2[%add3A_299] : memref<1600000xf32, #tpu.memory_space<hbm>> -> memref<2000xf32, #tpu.memory_space<hbm>>
          %dma_start3A_303 = tpu.memref_slice %arg2[%add3A_299] : memref<1600000xf32, #tpu.memory_space<hbm>> -> memref<2000xf32, #tpu.memory_space<hbm>>
          tpu.enqueue_dma source(%dma_start3A_303 : memref<2000xf32, #tpu.memory_space<hbm>>) target(%arg17 : memref<2000xf32, #tpu.memory_space<vmem>>) target_semaphore(%arg45 : memref<!tpu.dma_semaphore, #tpu.memory_space<semaphore_mem>>)
          %dma_start3A_304 = tpu.memref_slice %arg3[%add3A_299] : memref<1600000xf32, #tpu.memory_space<hbm>> -> memref<2000xf32, #tpu.memory_space<hbm>>
          %dma_start3A_305 = tpu.memref_slice %arg3[%add3A_299] : memref<1600000xf32, #tpu.memory_space<hbm>> -> memref<2000xf32, #tpu.memory_space<hbm>>
          tpu.enqueue_dma source(%dma_start3A_305 : memref<2000xf32, #tpu.memory_space<hbm>>) target(%arg22 : memref<2000xf32, #tpu.memory_space<vmem>>) target_semaphore(%arg45 : memref<!tpu.dma_semaphore, #tpu.memory_space<semaphore_mem>>)
        } else {
        }
        %mul3A_233 = arith.constant 50000 : i32
        %mul3A_234 = arith.muli %add3A, %mul3A_233 : i32
        %mul3A_235 = arith.constant 2000 : i32
        %mul3A_236 = arith.muli %add3A_225, %mul3A_235 : i32
        %add3A_237 = arith.addi %mul3A_234, %mul3A_236 : i32
        %dma_wait3A_238 = tpu.memref_slice %arg4[%add3A_237] : memref<1600000xi32, #tpu.memory_space<hbm>> -> memref<2000xi32, #tpu.memory_space<hbm>>
        %dma_wait3A_239 = tpu.memref_slice %arg4[%add3A_237] : memref<1600000xi32, #tpu.memory_space<hbm>> -> memref<2000xi32, #tpu.memory_space<hbm>>
        tpu.wait_dma2 semaphore(%arg43 : memref<!tpu.dma_semaphore, #tpu.memory_space<semaphore_mem>>) src(%dma_wait3A_239 : memref<2000xi32, #tpu.memory_space<hbm>>) dst(%arg10 : memref<2000xi32, #tpu.memory_space<vmem>>)
        %dma_wait3A_240 = tpu.memref_slice %arg2[%add3A_237] : memref<1600000xf32, #tpu.memory_space<hbm>> -> memref<2000xf32, #tpu.memory_space<hbm>>
        %dma_wait3A_241 = tpu.memref_slice %arg2[%add3A_237] : memref<1600000xf32, #tpu.memory_space<hbm>> -> memref<2000xf32, #tpu.memory_space<hbm>>
        tpu.wait_dma2 semaphore(%arg43 : memref<!tpu.dma_semaphore, #tpu.memory_space<semaphore_mem>>) src(%dma_wait3A_241 : memref<2000xf32, #tpu.memory_space<hbm>>) dst(%arg15 : memref<2000xf32, #tpu.memory_space<vmem>>)
        %dma_wait3A_242 = tpu.memref_slice %arg3[%add3A_237] : memref<1600000xf32, #tpu.memory_space<hbm>> -> memref<2000xf32, #tpu.memory_space<hbm>>
        %dma_wait3A_243 = tpu.memref_slice %arg3[%add3A_237] : memref<1600000xf32, #tpu.memory_space<hbm>> -> memref<2000xf32, #tpu.memory_space<hbm>>
        tpu.wait_dma2 semaphore(%arg43 : memref<!tpu.dma_semaphore, #tpu.memory_space<semaphore_mem>>) src(%dma_wait3A_243 : memref<2000xf32, #tpu.memory_space<hbm>>) dst(%arg20 : memref<2000xf32, #tpu.memory_space<vmem>>)
        %parallel_loop3A_244 = arith.constant 0 : i32
        %parallel_loop3A_245 = arith.constant 125 : i32
        %parallel_loop3A_246 = arith.constant 1 : i32
        scf.for %parallel_loop3A_293 = %parallel_loop3A_244 to %parallel_loop3A_245 step %parallel_loop3A_246  : i32 {
          %parallel_loop3A_294 = arith.constant 16 : i32
          %parallel_loop3A_295 = arith.muli %parallel_loop3A_293, %parallel_loop3A_294 : i32
          %parallel_loop3A_296 = arith.index_cast %parallel_loop3A_295 : i32 to index
          %parallel_loop3A_297 = tpu.vector_load %arg10[%parallel_loop3A_296] {strides = array<i32>} : memref<2000xi32, #tpu.memory_space<vmem>>, vector<16xi32>,
          %parallel_loop3A_298 = vector.broadcast %squeeze3A : i32 to vector<16xi32>
          %parallel_loop3A_299 = arith.subi %parallel_loop3A_297, %parallel_loop3A_298 : vector<16xi32>
          %parallel_loop3A_300 = arith.index_cast %parallel_loop3A_295 : i32 to index
          %parallel_loop3A_301 = tpu.vector_load %arg20[%parallel_loop3A_300] {strides = array<i32>} : memref<2000xf32, #tpu.memory_space<vmem>>, vector<16xf32>,
          %parallel_loop3A_302 = arith.constant 1.000000e+00 : f32
          %parallel_loop3A_303 = vector.broadcast %parallel_loop3A_302 : f32 to vector<16xf32>
          %parallel_loop3A_304 = arith.divf %parallel_loop3A_303, %parallel_loop3A_301 : vector<16xf32>
          %parallel_loop3A_305 = arith.constant true
          %parallel_loop3A_306 = vector.broadcast %parallel_loop3A_305 : i1 to vector<16xi1>
          %parallel_loop3A_307 = tpu.scan <sum>, %parallel_loop3A_304 masked %parallel_loop3A_306 : vector<16xf32>, vector<16xi1> -> vector<16xf32>
          %parallel_loop3A_308 = arith.index_cast %parallel_loop3A_295 : i32 to index
          %parallel_loop3A_309 = tpu.vector_load %arg15[%parallel_loop3A_308] {strides = array<i32>} : memref<2000xf32, #tpu.memory_space<vmem>>, vector<16xf32>,
          %parallel_loop3A_310 = arith.mulf %parallel_loop3A_309, %parallel_loop3A_304 : vector<16xf32>
          %parallel_loop3A_311 = arith.constant true
          %parallel_loop3A_312 = vector.broadcast %parallel_loop3A_311 : i1 to vector<16xi1>
          %parallel_loop3A_313 = tpu.scan <sum>, %parallel_loop3A_310 masked %parallel_loop3A_312 : vector<16xf32>, vector<16xi1> -> vector<16xf32>
          %parallel_loop3A_314 = arith.constant 0 : i32
          %parallel_loop3A_315 = vector.broadcast %parallel_loop3A_314 : i32 to vector<16xi32>
          %parallel_loop3A_316 = arith.cmpi slt, %min3A_55, %parallel_loop3A_315 : vector<16xi32>
          %parallel_loop3A_317 = arith.constant 16 : i32
          %parallel_loop3A_318 = vector.broadcast %parallel_loop3A_317 : i32 to vector<16xi32>
          %parallel_loop3A_319 = arith.addi %min3A_55, %parallel_loop3A_318 : vector<16xi32>
          %parallel_loop3A_320 = arith.select %parallel_loop3A_316, %parallel_loop3A_319, %min3A_55 : vector<16xi1>, vector<16xi32>
          %parallel_loop3A_321 = vector.shape_cast %parallel_loop3A_320 : vector<16xi32> to vector<16x1xi32>
          %parallel_loop3A_322 = vector.shape_cast %parallel_loop3A_321 : vector<16x1xi32> to vector<16xi32>
          %parallel_loop3A_323 = tpu.dynamic_gather %parallel_loop3A_297[%parallel_loop3A_322] in [0] : vector<16xi32>, vector<16xi32> -> vector<16xi32>
          %parallel_loop3A_324 = arith.cmpi ne, %parallel_loop3A_297, %parallel_loop3A_323 : vector<16xi32>
          %parallel_loop3A_325 = arith.constant 15 : i32
          %parallel_loop3A_326 = vector.broadcast %parallel_loop3A_325 : i32 to vector<16xi32>
          %parallel_loop3A_327 = arith.cmpi eq, %iota3A, %parallel_loop3A_326 : vector<16xi32>
          %parallel_loop3A_328 = arith.ori %parallel_loop3A_324, %parallel_loop3A_327 : vector<16xi1>
          %parallel_loop3A_329 = arith.constant -1 : i32
          %parallel_loop3A_330 = vector.broadcast %parallel_loop3A_329 : i32 to vector<16xi32>
          %parallel_loop3A_331 = arith.select %parallel_loop3A_328, %iota3A, %parallel_loop3A_330 : vector<16xi1>, vector<16xi32>
          %parallel_loop3A_332 = arith.constant true
          %parallel_loop3A_333 = vector.broadcast %parallel_loop3A_332 : i1 to vector<16xi1>
          %parallel_loop3A_334 = arith.constant -2147483648 : i32
          %parallel_loop3A_335 = vector.broadcast %parallel_loop3A_334 : i32 to vector<16xi32>
          %parallel_loop3A_336 = arith.xori %parallel_loop3A_331, %parallel_loop3A_335 : vector<16xi32>
          %parallel_loop3A_337 = tpu.scan <max>, %parallel_loop3A_336 masked %parallel_loop3A_333 : vector<16xi32>, vector<16xi1> -> vector<16xi32>
          %parallel_loop3A_338 = arith.xori %parallel_loop3A_337, %parallel_loop3A_335 : vector<16xi32>
          %parallel_loop3A_339 = arith.constant 0 : i32
          %parallel_loop3A_340 = vector.broadcast %parallel_loop3A_339 : i32 to vector<16xi32>
          %parallel_loop3A_341 = arith.cmpi slt, %max3A_60, %parallel_loop3A_340 : vector<16xi32>
          %parallel_loop3A_342 = arith.constant 16 : i32
          %parallel_loop3A_343 = vector.broadcast %parallel_loop3A_342 : i32 to vector<16xi32>
          %parallel_loop3A_344 = arith.addi %max3A_60, %parallel_loop3A_343 : vector<16xi32>
          %parallel_loop3A_345 = arith.select %parallel_loop3A_341, %parallel_loop3A_344, %max3A_60 : vector<16xi1>, vector<16xi32>
          %parallel_loop3A_346 = vector.shape_cast %parallel_loop3A_345 : vector<16xi32> to vector<16x1xi32>
          %parallel_loop3A_347 = vector.shape_cast %parallel_loop3A_346 : vector<16x1xi32> to vector<16xi32>
          %parallel_loop3A_348 = tpu.dynamic_gather %parallel_loop3A_338[%parallel_loop3A_347] in [0] : vector<16xi32>, vector<16xi32> -> vector<16xi32>
          %parallel_loop3A_349 = arith.constant 0 : i32
          %parallel_loop3A_350 = vector.broadcast %parallel_loop3A_349 : i32 to vector<16xi32>
          %parallel_loop3A_351 = arith.cmpi eq, %iota3A, %parallel_loop3A_350 : vector<16xi32>
          %parallel_loop3A_352 = arith.constant -1 : i32
          %parallel_loop3A_353 = vector.broadcast %parallel_loop3A_352 : i32 to vector<16xi32>
          %parallel_loop3A_354 = arith.select %parallel_loop3A_351, %parallel_loop3A_353, %parallel_loop3A_348 : vector<16xi1>, vector<16xi32>
          %parallel_loop3A_355 = arith.constant 0 : i32
          %parallel_loop3A_356 = vector.broadcast %parallel_loop3A_355 : i32 to vector<16xi32>
          %parallel_loop3A_357 = arith.cmpi sge, %parallel_loop3A_354, %parallel_loop3A_356 : vector<16xi32>
          %parallel_loop3A_358 = arith.constant 0 : i32
          %parallel_loop3A_359 = vector.broadcast %parallel_loop3A_358 : i32 to vector<16xi32>
          %parallel_loop3A_360 = arith.maxsi %parallel_loop3A_354, %parallel_loop3A_359 : vector<16xi32>
          %parallel_loop3A_361 = arith.constant 0 : i32
          %parallel_loop3A_362 = vector.broadcast %parallel_loop3A_361 : i32 to vector<16xi32>
          %parallel_loop3A_363 = arith.cmpi slt, %parallel_loop3A_360, %parallel_loop3A_362 : vector<16xi32>
          %parallel_loop3A_364 = arith.constant 16 : i32
          %parallel_loop3A_365 = vector.broadcast %parallel_loop3A_364 : i32 to vector<16xi32>
          %parallel_loop3A_366 = arith.addi %parallel_loop3A_360, %parallel_loop3A_365 : vector<16xi32>
          %parallel_loop3A_367 = arith.select %parallel_loop3A_363, %parallel_loop3A_366, %parallel_loop3A_360 : vector<16xi1>, vector<16xi32>
          %parallel_loop3A_368 = vector.shape_cast %parallel_loop3A_367 : vector<16xi32> to vector<16x1xi32>
          %parallel_loop3A_369 = vector.shape_cast %parallel_loop3A_368 : vector<16x1xi32> to vector<16xi32>
          %parallel_loop3A_370 = tpu.dynamic_gather %parallel_loop3A_307[%parallel_loop3A_369] in [0] : vector<16xf32>, vector<16xi32> -> vector<16xf32>
          %parallel_loop3A_371 = arith.constant 0.000000e+00 : f32
          %parallel_loop3A_372 = vector.broadcast %parallel_loop3A_371 : f32 to vector<16xf32>
          %parallel_loop3A_373 = arith.select %parallel_loop3A_357, %parallel_loop3A_370, %parallel_loop3A_372 : vector<16xi1>, vector<16xf32>
          %parallel_loop3A_374 = arith.constant 0 : i32
          %parallel_loop3A_375 = vector.broadcast %parallel_loop3A_374 : i32 to vector<16xi32>
          %parallel_loop3A_376 = arith.cmpi slt, %parallel_loop3A_360, %parallel_loop3A_375 : vector<16xi32>
          %parallel_loop3A_377 = arith.constant 16 : i32
          %parallel_loop3A_378 = vector.broadcast %parallel_loop3A_377 : i32 to vector<16xi32>
          %parallel_loop3A_379 = arith.addi %parallel_loop3A_360, %parallel_loop3A_378 : vector<16xi32>
          %parallel_loop3A_380 = arith.select %parallel_loop3A_376, %parallel_loop3A_379, %parallel_loop3A_360 : vector<16xi1>, vector<16xi32>
          %parallel_loop3A_381 = vector.shape_cast %parallel_loop3A_380 : vector<16xi32> to vector<16x1xi32>
          %parallel_loop3A_382 = vector.shape_cast %parallel_loop3A_381 : vector<16x1xi32> to vector<16xi32>
          %parallel_loop3A_383 = tpu.dynamic_gather %parallel_loop3A_313[%parallel_loop3A_382] in [0] : vector<16xf32>, vector<16xi32> -> vector<16xf32>
          %parallel_loop3A_384 = arith.constant 0.000000e+00 : f32
          %parallel_loop3A_385 = vector.broadcast %parallel_loop3A_384 : f32 to vector<16xf32>
          %parallel_loop3A_386 = arith.select %parallel_loop3A_357, %parallel_loop3A_383, %parallel_loop3A_385 : vector<16xi1>, vector<16xf32>
          %parallel_loop3A_387 = arith.subf %parallel_loop3A_307, %parallel_loop3A_373 : vector<16xf32>
          tpu.vector_store_idx %arg31[%parallel_loop3A_299], %parallel_loop3A_387 masked %parallel_loop3A_328 {add = true} : memref<2048xf32, #tpu.memory_space<vmem>>[vector<16xi32>], vector<16xf32>, vector<16xi1>
          %parallel_loop3A_388 = arith.subf %parallel_loop3A_313, %parallel_loop3A_386 : vector<16xf32>
          tpu.vector_store_idx %arg32[%parallel_loop3A_299], %parallel_loop3A_388 masked %parallel_loop3A_328 {add = true} : memref<2048xf32, #tpu.memory_space<vmem>>[vector<16xi32>], vector<16xf32>, vector<16xi1>
        } {sc.loop_unroll_factor = 5 : i64, sc.parallel_access}
        %add3A_247 = arith.constant 3 : i32
        %add3A_248 = arith.addi %add3A_177, %add3A_247 : i32
        %add3A_249 = arith.constant 2 : i32
        %add3A_250 = arith.addi %add3A_248, %add3A_249 : i32
        %lt3A_251 = arith.constant 25 : i32
        %lt3A_252 = arith.cmpi slt, %add3A_250, %lt3A_251 : i32
        %convert_element_type3A_253 = arith.extui %lt3A_252 : i1 to i32
        %cond3A_254 = arith.constant 0 : i32
        %cond3A_255 = arith.cmpi ne, %convert_element_type3A_253, %cond3A_254 : i32
        scf.if %cond3A_255 {
          %add3A_293 = arith.constant 2 : i32
          %add3A_294 = arith.addi %add3A_248, %add3A_293 : i32
          %mul3A_295 = arith.constant 50000 : i32
          %mul3A_296 = arith.muli %add3A, %mul3A_295 : i32
          %mul3A_297 = arith.constant 2000 : i32
          %mul3A_298 = arith.muli %add3A_294, %mul3A_297 : i32
          %add3A_299 = arith.addi %mul3A_296, %mul3A_298 : i32
          %dma_start3A_300 = tpu.memref_slice %arg4[%add3A_299] : memref<1600000xi32, #tpu.memory_space<hbm>> -> memref<2000xi32, #tpu.memory_space<hbm>>
          %dma_start3A_301 = tpu.memref_slice %arg4[%add3A_299] : memref<1600000xi32, #tpu.memory_space<hbm>> -> memref<2000xi32, #tpu.memory_space<hbm>>
          tpu.enqueue_dma source(%dma_start3A_301 : memref<2000xi32, #tpu.memory_space<hbm>>) target(%arg8 : memref<2000xi32, #tpu.memory_space<vmem>>) target_semaphore(%arg41 : memref<!tpu.dma_semaphore, #tpu.memory_space<semaphore_mem>>)
          %dma_start3A_302 = tpu.memref_slice %arg2[%add3A_299] : memref<1600000xf32, #tpu.memory_space<hbm>> -> memref<2000xf32, #tpu.memory_space<hbm>>
          %dma_start3A_303 = tpu.memref_slice %arg2[%add3A_299] : memref<1600000xf32, #tpu.memory_space<hbm>> -> memref<2000xf32, #tpu.memory_space<hbm>>
          tpu.enqueue_dma source(%dma_start3A_303 : memref<2000xf32, #tpu.memory_space<hbm>>) target(%arg13 : memref<2000xf32, #tpu.memory_space<vmem>>) target_semaphore(%arg41 : memref<!tpu.dma_semaphore, #tpu.memory_space<semaphore_mem>>)
          %dma_start3A_304 = tpu.memref_slice %arg3[%add3A_299] : memref<1600000xf32, #tpu.memory_space<hbm>> -> memref<2000xf32, #tpu.memory_space<hbm>>
          %dma_start3A_305 = tpu.memref_slice %arg3[%add3A_299] : memref<1600000xf32, #tpu.memory_space<hbm>> -> memref<2000xf32, #tpu.memory_space<hbm>>
          tpu.enqueue_dma source(%dma_start3A_305 : memref<2000xf32, #tpu.memory_space<hbm>>) target(%arg18 : memref<2000xf32, #tpu.memory_space<vmem>>) target_semaphore(%arg41 : memref<!tpu.dma_semaphore, #tpu.memory_space<semaphore_mem>>)
        } else {
        }
        %mul3A_256 = arith.constant 50000 : i32
        %mul3A_257 = arith.muli %add3A, %mul3A_256 : i32
        %mul3A_258 = arith.constant 2000 : i32
        %mul3A_259 = arith.muli %add3A_248, %mul3A_258 : i32
        %add3A_260 = arith.addi %mul3A_257, %mul3A_259 : i32
        %dma_wait3A_261 = tpu.memref_slice %arg4[%add3A_260] : memref<1600000xi32, #tpu.memory_space<hbm>> -> memref<2000xi32, #tpu.memory_space<hbm>>
        %dma_wait3A_262 = tpu.memref_slice %arg4[%add3A_260] : memref<1600000xi32, #tpu.memory_space<hbm>> -> memref<2000xi32, #tpu.memory_space<hbm>>
        tpu.wait_dma2 semaphore(%arg44 : memref<!tpu.dma_semaphore, #tpu.memory_space<semaphore_mem>>) src(%dma_wait3A_262 : memref<2000xi32, #tpu.memory_space<hbm>>) dst(%arg11 : memref<2000xi32, #tpu.memory_space<vmem>>)
        %dma_wait3A_263 = tpu.memref_slice %arg2[%add3A_260] : memref<1600000xf32, #tpu.memory_space<hbm>> -> memref<2000xf32, #tpu.memory_space<hbm>>
        %dma_wait3A_264 = tpu.memref_slice %arg2[%add3A_260] : memref<1600000xf32, #tpu.memory_space<hbm>> -> memref<2000xf32, #tpu.memory_space<hbm>>
        tpu.wait_dma2 semaphore(%arg44 : memref<!tpu.dma_semaphore, #tpu.memory_space<semaphore_mem>>) src(%dma_wait3A_264 : memref<2000xf32, #tpu.memory_space<hbm>>) dst(%arg16 : memref<2000xf32, #tpu.memory_space<vmem>>)
        %dma_wait3A_265 = tpu.memref_slice %arg3[%add3A_260] : memref<1600000xf32, #tpu.memory_space<hbm>> -> memref<2000xf32, #tpu.memory_space<hbm>>
        %dma_wait3A_266 = tpu.memref_slice %arg3[%add3A_260] : memref<1600000xf32, #tpu.memory_space<hbm>> -> memref<2000xf32, #tpu.memory_space<hbm>>
        tpu.wait_dma2 semaphore(%arg44 : memref<!tpu.dma_semaphore, #tpu.memory_space<semaphore_mem>>) src(%dma_wait3A_266 : memref<2000xf32, #tpu.memory_space<hbm>>) dst(%arg21 : memref<2000xf32, #tpu.memory_space<vmem>>)
        %parallel_loop3A_267 = arith.constant 0 : i32
        %parallel_loop3A_268 = arith.constant 125 : i32
        %parallel_loop3A_269 = arith.constant 1 : i32
        scf.for %parallel_loop3A_293 = %parallel_loop3A_267 to %parallel_loop3A_268 step %parallel_loop3A_269  : i32 {
          %parallel_loop3A_294 = arith.constant 16 : i32
          %parallel_loop3A_295 = arith.muli %parallel_loop3A_293, %parallel_loop3A_294 : i32
          %parallel_loop3A_296 = arith.index_cast %parallel_loop3A_295 : i32 to index
          %parallel_loop3A_297 = tpu.vector_load %arg11[%parallel_loop3A_296] {strides = array<i32>} : memref<2000xi32, #tpu.memory_space<vmem>>, vector<16xi32>,
          %parallel_loop3A_298 = vector.broadcast %squeeze3A : i32 to vector<16xi32>
          %parallel_loop3A_299 = arith.subi %parallel_loop3A_297, %parallel_loop3A_298 : vector<16xi32>
          %parallel_loop3A_300 = arith.index_cast %parallel_loop3A_295 : i32 to index
          %parallel_loop3A_301 = tpu.vector_load %arg21[%parallel_loop3A_300] {strides = array<i32>} : memref<2000xf32, #tpu.memory_space<vmem>>, vector<16xf32>,
          %parallel_loop3A_302 = arith.constant 1.000000e+00 : f32
          %parallel_loop3A_303 = vector.broadcast %parallel_loop3A_302 : f32 to vector<16xf32>
          %parallel_loop3A_304 = arith.divf %parallel_loop3A_303, %parallel_loop3A_301 : vector<16xf32>
          %parallel_loop3A_305 = arith.constant true
          %parallel_loop3A_306 = vector.broadcast %parallel_loop3A_305 : i1 to vector<16xi1>
          %parallel_loop3A_307 = tpu.scan <sum>, %parallel_loop3A_304 masked %parallel_loop3A_306 : vector<16xf32>, vector<16xi1> -> vector<16xf32>
          %parallel_loop3A_308 = arith.index_cast %parallel_loop3A_295 : i32 to index
          %parallel_loop3A_309 = tpu.vector_load %arg16[%parallel_loop3A_308] {strides = array<i32>} : memref<2000xf32, #tpu.memory_space<vmem>>, vector<16xf32>,
          %parallel_loop3A_310 = arith.mulf %parallel_loop3A_309, %parallel_loop3A_304 : vector<16xf32>
          %parallel_loop3A_311 = arith.constant true
          %parallel_loop3A_312 = vector.broadcast %parallel_loop3A_311 : i1 to vector<16xi1>
          %parallel_loop3A_313 = tpu.scan <sum>, %parallel_loop3A_310 masked %parallel_loop3A_312 : vector<16xf32>, vector<16xi1> -> vector<16xf32>
          %parallel_loop3A_314 = arith.constant 0 : i32
          %parallel_loop3A_315 = vector.broadcast %parallel_loop3A_314 : i32 to vector<16xi32>
          %parallel_loop3A_316 = arith.cmpi slt, %min3A_55, %parallel_loop3A_315 : vector<16xi32>
          %parallel_loop3A_317 = arith.constant 16 : i32
          %parallel_loop3A_318 = vector.broadcast %parallel_loop3A_317 : i32 to vector<16xi32>
          %parallel_loop3A_319 = arith.addi %min3A_55, %parallel_loop3A_318 : vector<16xi32>
          %parallel_loop3A_320 = arith.select %parallel_loop3A_316, %parallel_loop3A_319, %min3A_55 : vector<16xi1>, vector<16xi32>
          %parallel_loop3A_321 = vector.shape_cast %parallel_loop3A_320 : vector<16xi32> to vector<16x1xi32>
          %parallel_loop3A_322 = vector.shape_cast %parallel_loop3A_321 : vector<16x1xi32> to vector<16xi32>
          %parallel_loop3A_323 = tpu.dynamic_gather %parallel_loop3A_297[%parallel_loop3A_322] in [0] : vector<16xi32>, vector<16xi32> -> vector<16xi32>
          %parallel_loop3A_324 = arith.cmpi ne, %parallel_loop3A_297, %parallel_loop3A_323 : vector<16xi32>
          %parallel_loop3A_325 = arith.constant 15 : i32
          %parallel_loop3A_326 = vector.broadcast %parallel_loop3A_325 : i32 to vector<16xi32>
          %parallel_loop3A_327 = arith.cmpi eq, %iota3A, %parallel_loop3A_326 : vector<16xi32>
          %parallel_loop3A_328 = arith.ori %parallel_loop3A_324, %parallel_loop3A_327 : vector<16xi1>
          %parallel_loop3A_329 = arith.constant -1 : i32
          %parallel_loop3A_330 = vector.broadcast %parallel_loop3A_329 : i32 to vector<16xi32>
          %parallel_loop3A_331 = arith.select %parallel_loop3A_328, %iota3A, %parallel_loop3A_330 : vector<16xi1>, vector<16xi32>
          %parallel_loop3A_332 = arith.constant true
          %parallel_loop3A_333 = vector.broadcast %parallel_loop3A_332 : i1 to vector<16xi1>
          %parallel_loop3A_334 = arith.constant -2147483648 : i32
          %parallel_loop3A_335 = vector.broadcast %parallel_loop3A_334 : i32 to vector<16xi32>
          %parallel_loop3A_336 = arith.xori %parallel_loop3A_331, %parallel_loop3A_335 : vector<16xi32>
          %parallel_loop3A_337 = tpu.scan <max>, %parallel_loop3A_336 masked %parallel_loop3A_333 : vector<16xi32>, vector<16xi1> -> vector<16xi32>
          %parallel_loop3A_338 = arith.xori %parallel_loop3A_337, %parallel_loop3A_335 : vector<16xi32>
          %parallel_loop3A_339 = arith.constant 0 : i32
          %parallel_loop3A_340 = vector.broadcast %parallel_loop3A_339 : i32 to vector<16xi32>
          %parallel_loop3A_341 = arith.cmpi slt, %max3A_60, %parallel_loop3A_340 : vector<16xi32>
          %parallel_loop3A_342 = arith.constant 16 : i32
          %parallel_loop3A_343 = vector.broadcast %parallel_loop3A_342 : i32 to vector<16xi32>
          %parallel_loop3A_344 = arith.addi %max3A_60, %parallel_loop3A_343 : vector<16xi32>
          %parallel_loop3A_345 = arith.select %parallel_loop3A_341, %parallel_loop3A_344, %max3A_60 : vector<16xi1>, vector<16xi32>
          %parallel_loop3A_346 = vector.shape_cast %parallel_loop3A_345 : vector<16xi32> to vector<16x1xi32>
          %parallel_loop3A_347 = vector.shape_cast %parallel_loop3A_346 : vector<16x1xi32> to vector<16xi32>
          %parallel_loop3A_348 = tpu.dynamic_gather %parallel_loop3A_338[%parallel_loop3A_347] in [0] : vector<16xi32>, vector<16xi32> -> vector<16xi32>
          %parallel_loop3A_349 = arith.constant 0 : i32
          %parallel_loop3A_350 = vector.broadcast %parallel_loop3A_349 : i32 to vector<16xi32>
          %parallel_loop3A_351 = arith.cmpi eq, %iota3A, %parallel_loop3A_350 : vector<16xi32>
          %parallel_loop3A_352 = arith.constant -1 : i32
          %parallel_loop3A_353 = vector.broadcast %parallel_loop3A_352 : i32 to vector<16xi32>
          %parallel_loop3A_354 = arith.select %parallel_loop3A_351, %parallel_loop3A_353, %parallel_loop3A_348 : vector<16xi1>, vector<16xi32>
          %parallel_loop3A_355 = arith.constant 0 : i32
          %parallel_loop3A_356 = vector.broadcast %parallel_loop3A_355 : i32 to vector<16xi32>
          %parallel_loop3A_357 = arith.cmpi sge, %parallel_loop3A_354, %parallel_loop3A_356 : vector<16xi32>
          %parallel_loop3A_358 = arith.constant 0 : i32
          %parallel_loop3A_359 = vector.broadcast %parallel_loop3A_358 : i32 to vector<16xi32>
          %parallel_loop3A_360 = arith.maxsi %parallel_loop3A_354, %parallel_loop3A_359 : vector<16xi32>
          %parallel_loop3A_361 = arith.constant 0 : i32
          %parallel_loop3A_362 = vector.broadcast %parallel_loop3A_361 : i32 to vector<16xi32>
          %parallel_loop3A_363 = arith.cmpi slt, %parallel_loop3A_360, %parallel_loop3A_362 : vector<16xi32>
          %parallel_loop3A_364 = arith.constant 16 : i32
          %parallel_loop3A_365 = vector.broadcast %parallel_loop3A_364 : i32 to vector<16xi32>
          %parallel_loop3A_366 = arith.addi %parallel_loop3A_360, %parallel_loop3A_365 : vector<16xi32>
          %parallel_loop3A_367 = arith.select %parallel_loop3A_363, %parallel_loop3A_366, %parallel_loop3A_360 : vector<16xi1>, vector<16xi32>
          %parallel_loop3A_368 = vector.shape_cast %parallel_loop3A_367 : vector<16xi32> to vector<16x1xi32>
          %parallel_loop3A_369 = vector.shape_cast %parallel_loop3A_368 : vector<16x1xi32> to vector<16xi32>
          %parallel_loop3A_370 = tpu.dynamic_gather %parallel_loop3A_307[%parallel_loop3A_369] in [0] : vector<16xf32>, vector<16xi32> -> vector<16xf32>
          %parallel_loop3A_371 = arith.constant 0.000000e+00 : f32
          %parallel_loop3A_372 = vector.broadcast %parallel_loop3A_371 : f32 to vector<16xf32>
          %parallel_loop3A_373 = arith.select %parallel_loop3A_357, %parallel_loop3A_370, %parallel_loop3A_372 : vector<16xi1>, vector<16xf32>
          %parallel_loop3A_374 = arith.constant 0 : i32
          %parallel_loop3A_375 = vector.broadcast %parallel_loop3A_374 : i32 to vector<16xi32>
          %parallel_loop3A_376 = arith.cmpi slt, %parallel_loop3A_360, %parallel_loop3A_375 : vector<16xi32>
          %parallel_loop3A_377 = arith.constant 16 : i32
          %parallel_loop3A_378 = vector.broadcast %parallel_loop3A_377 : i32 to vector<16xi32>
          %parallel_loop3A_379 = arith.addi %parallel_loop3A_360, %parallel_loop3A_378 : vector<16xi32>
          %parallel_loop3A_380 = arith.select %parallel_loop3A_376, %parallel_loop3A_379, %parallel_loop3A_360 : vector<16xi1>, vector<16xi32>
          %parallel_loop3A_381 = vector.shape_cast %parallel_loop3A_380 : vector<16xi32> to vector<16x1xi32>
          %parallel_loop3A_382 = vector.shape_cast %parallel_loop3A_381 : vector<16x1xi32> to vector<16xi32>
          %parallel_loop3A_383 = tpu.dynamic_gather %parallel_loop3A_313[%parallel_loop3A_382] in [0] : vector<16xf32>, vector<16xi32> -> vector<16xf32>
          %parallel_loop3A_384 = arith.constant 0.000000e+00 : f32
          %parallel_loop3A_385 = vector.broadcast %parallel_loop3A_384 : f32 to vector<16xf32>
          %parallel_loop3A_386 = arith.select %parallel_loop3A_357, %parallel_loop3A_383, %parallel_loop3A_385 : vector<16xi1>, vector<16xf32>
          %parallel_loop3A_387 = arith.subf %parallel_loop3A_307, %parallel_loop3A_373 : vector<16xf32>
          tpu.vector_store_idx %arg31[%parallel_loop3A_299], %parallel_loop3A_387 masked %parallel_loop3A_328 {add = true} : memref<2048xf32, #tpu.memory_space<vmem>>[vector<16xi32>], vector<16xf32>, vector<16xi1>
          %parallel_loop3A_388 = arith.subf %parallel_loop3A_313, %parallel_loop3A_386 : vector<16xf32>
          tpu.vector_store_idx %arg32[%parallel_loop3A_299], %parallel_loop3A_388 masked %parallel_loop3A_328 {add = true} : memref<2048xf32, #tpu.memory_space<vmem>>[vector<16xi32>], vector<16xf32>, vector<16xi1>
        } {sc.loop_unroll_factor = 5 : i64, sc.parallel_access}
        %add3A_270 = arith.constant 4 : i32
        %add3A_271 = arith.addi %add3A_177, %add3A_270 : i32
        %add3A_272 = arith.constant 2 : i32
        %add3A_273 = arith.addi %add3A_271, %add3A_272 : i32
        %lt3A_274 = arith.constant 25 : i32
        %lt3A_275 = arith.cmpi slt, %add3A_273, %lt3A_274 : i32
        %convert_element_type3A_276 = arith.extui %lt3A_275 : i1 to i32
        %cond3A_277 = arith.constant 0 : i32
        %cond3A_278 = arith.cmpi ne, %convert_element_type3A_276, %cond3A_277 : i32
        scf.if %cond3A_278 {
          %add3A_293 = arith.constant 2 : i32
          %add3A_294 = arith.addi %add3A_271, %add3A_293 : i32
          %mul3A_295 = arith.constant 50000 : i32
          %mul3A_296 = arith.muli %add3A, %mul3A_295 : i32
          %mul3A_297 = arith.constant 2000 : i32
          %mul3A_298 = arith.muli %add3A_294, %mul3A_297 : i32
          %add3A_299 = arith.addi %mul3A_296, %mul3A_298 : i32
          %dma_start3A_300 = tpu.memref_slice %arg4[%add3A_299] : memref<1600000xi32, #tpu.memory_space<hbm>> -> memref<2000xi32, #tpu.memory_space<hbm>>
          %dma_start3A_301 = tpu.memref_slice %arg4[%add3A_299] : memref<1600000xi32, #tpu.memory_space<hbm>> -> memref<2000xi32, #tpu.memory_space<hbm>>
          tpu.enqueue_dma source(%dma_start3A_301 : memref<2000xi32, #tpu.memory_space<hbm>>) target(%arg9 : memref<2000xi32, #tpu.memory_space<vmem>>) target_semaphore(%arg42 : memref<!tpu.dma_semaphore, #tpu.memory_space<semaphore_mem>>)
          %dma_start3A_302 = tpu.memref_slice %arg2[%add3A_299] : memref<1600000xf32, #tpu.memory_space<hbm>> -> memref<2000xf32, #tpu.memory_space<hbm>>
          %dma_start3A_303 = tpu.memref_slice %arg2[%add3A_299] : memref<1600000xf32, #tpu.memory_space<hbm>> -> memref<2000xf32, #tpu.memory_space<hbm>>
          tpu.enqueue_dma source(%dma_start3A_303 : memref<2000xf32, #tpu.memory_space<hbm>>) target(%arg14 : memref<2000xf32, #tpu.memory_space<vmem>>) target_semaphore(%arg42 : memref<!tpu.dma_semaphore, #tpu.memory_space<semaphore_mem>>)
          %dma_start3A_304 = tpu.memref_slice %arg3[%add3A_299] : memref<1600000xf32, #tpu.memory_space<hbm>> -> memref<2000xf32, #tpu.memory_space<hbm>>
          %dma_start3A_305 = tpu.memref_slice %arg3[%add3A_299] : memref<1600000xf32, #tpu.memory_space<hbm>> -> memref<2000xf32, #tpu.memory_space<hbm>>
          tpu.enqueue_dma source(%dma_start3A_305 : memref<2000xf32, #tpu.memory_space<hbm>>) target(%arg19 : memref<2000xf32, #tpu.memory_space<vmem>>) target_semaphore(%arg42 : memref<!tpu.dma_semaphore, #tpu.memory_space<semaphore_mem>>)
        } else {
        }
        %mul3A_279 = arith.constant 50000 : i32
        %mul3A_280 = arith.muli %add3A, %mul3A_279 : i32
        %mul3A_281 = arith.constant 2000 : i32
        %mul3A_282 = arith.muli %add3A_271, %mul3A_281 : i32
        %add3A_283 = arith.addi %mul3A_280, %mul3A_282 : i32
        %dma_wait3A_284 = tpu.memref_slice %arg4[%add3A_283] : memref<1600000xi32, #tpu.memory_space<hbm>> -> memref<2000xi32, #tpu.memory_space<hbm>>
        %dma_wait3A_285 = tpu.memref_slice %arg4[%add3A_283] : memref<1600000xi32, #tpu.memory_space<hbm>> -> memref<2000xi32, #tpu.memory_space<hbm>>
        tpu.wait_dma2 semaphore(%arg45 : memref<!tpu.dma_semaphore, #tpu.memory_space<semaphore_mem>>) src(%dma_wait3A_285 : memref<2000xi32, #tpu.memory_space<hbm>>) dst(%arg12 : memref<2000xi32, #tpu.memory_space<vmem>>)
        %dma_wait3A_286 = tpu.memref_slice %arg2[%add3A_283] : memref<1600000xf32, #tpu.memory_space<hbm>> -> memref<2000xf32, #tpu.memory_space<hbm>>
        %dma_wait3A_287 = tpu.memref_slice %arg2[%add3A_283] : memref<1600000xf32, #tpu.memory_space<hbm>> -> memref<2000xf32, #tpu.memory_space<hbm>>
        tpu.wait_dma2 semaphore(%arg45 : memref<!tpu.dma_semaphore, #tpu.memory_space<semaphore_mem>>) src(%dma_wait3A_287 : memref<2000xf32, #tpu.memory_space<hbm>>) dst(%arg17 : memref<2000xf32, #tpu.memory_space<vmem>>)
        %dma_wait3A_288 = tpu.memref_slice %arg3[%add3A_283] : memref<1600000xf32, #tpu.memory_space<hbm>> -> memref<2000xf32, #tpu.memory_space<hbm>>
        %dma_wait3A_289 = tpu.memref_slice %arg3[%add3A_283] : memref<1600000xf32, #tpu.memory_space<hbm>> -> memref<2000xf32, #tpu.memory_space<hbm>>
        tpu.wait_dma2 semaphore(%arg45 : memref<!tpu.dma_semaphore, #tpu.memory_space<semaphore_mem>>) src(%dma_wait3A_289 : memref<2000xf32, #tpu.memory_space<hbm>>) dst(%arg22 : memref<2000xf32, #tpu.memory_space<vmem>>)
        %parallel_loop3A_290 = arith.constant 0 : i32
        %parallel_loop3A_291 = arith.constant 125 : i32
        %parallel_loop3A_292 = arith.constant 1 : i32
        scf.for %parallel_loop3A_293 = %parallel_loop3A_290 to %parallel_loop3A_291 step %parallel_loop3A_292  : i32 {
          %parallel_loop3A_294 = arith.constant 16 : i32
          %parallel_loop3A_295 = arith.muli %parallel_loop3A_293, %parallel_loop3A_294 : i32
          %parallel_loop3A_296 = arith.index_cast %parallel_loop3A_295 : i32 to index
          %parallel_loop3A_297 = tpu.vector_load %arg12[%parallel_loop3A_296] {strides = array<i32>} : memref<2000xi32, #tpu.memory_space<vmem>>, vector<16xi32>,
          %parallel_loop3A_298 = vector.broadcast %squeeze3A : i32 to vector<16xi32>
          %parallel_loop3A_299 = arith.subi %parallel_loop3A_297, %parallel_loop3A_298 : vector<16xi32>
          %parallel_loop3A_300 = arith.index_cast %parallel_loop3A_295 : i32 to index
          %parallel_loop3A_301 = tpu.vector_load %arg22[%parallel_loop3A_300] {strides = array<i32>} : memref<2000xf32, #tpu.memory_space<vmem>>, vector<16xf32>,
          %parallel_loop3A_302 = arith.constant 1.000000e+00 : f32
          %parallel_loop3A_303 = vector.broadcast %parallel_loop3A_302 : f32 to vector<16xf32>
          %parallel_loop3A_304 = arith.divf %parallel_loop3A_303, %parallel_loop3A_301 : vector<16xf32>
          %parallel_loop3A_305 = arith.constant true
          %parallel_loop3A_306 = vector.broadcast %parallel_loop3A_305 : i1 to vector<16xi1>
          %parallel_loop3A_307 = tpu.scan <sum>, %parallel_loop3A_304 masked %parallel_loop3A_306 : vector<16xf32>, vector<16xi1> -> vector<16xf32>
          %parallel_loop3A_308 = arith.index_cast %parallel_loop3A_295 : i32 to index
          %parallel_loop3A_309 = tpu.vector_load %arg17[%parallel_loop3A_308] {strides = array<i32>} : memref<2000xf32, #tpu.memory_space<vmem>>, vector<16xf32>,
          %parallel_loop3A_310 = arith.mulf %parallel_loop3A_309, %parallel_loop3A_304 : vector<16xf32>
          %parallel_loop3A_311 = arith.constant true
          %parallel_loop3A_312 = vector.broadcast %parallel_loop3A_311 : i1 to vector<16xi1>
          %parallel_loop3A_313 = tpu.scan <sum>, %parallel_loop3A_310 masked %parallel_loop3A_312 : vector<16xf32>, vector<16xi1> -> vector<16xf32>
          %parallel_loop3A_314 = arith.constant 0 : i32
          %parallel_loop3A_315 = vector.broadcast %parallel_loop3A_314 : i32 to vector<16xi32>
          %parallel_loop3A_316 = arith.cmpi slt, %min3A_55, %parallel_loop3A_315 : vector<16xi32>
          %parallel_loop3A_317 = arith.constant 16 : i32
          %parallel_loop3A_318 = vector.broadcast %parallel_loop3A_317 : i32 to vector<16xi32>
          %parallel_loop3A_319 = arith.addi %min3A_55, %parallel_loop3A_318 : vector<16xi32>
          %parallel_loop3A_320 = arith.select %parallel_loop3A_316, %parallel_loop3A_319, %min3A_55 : vector<16xi1>, vector<16xi32>
          %parallel_loop3A_321 = vector.shape_cast %parallel_loop3A_320 : vector<16xi32> to vector<16x1xi32>
          %parallel_loop3A_322 = vector.shape_cast %parallel_loop3A_321 : vector<16x1xi32> to vector<16xi32>
          %parallel_loop3A_323 = tpu.dynamic_gather %parallel_loop3A_297[%parallel_loop3A_322] in [0] : vector<16xi32>, vector<16xi32> -> vector<16xi32>
          %parallel_loop3A_324 = arith.cmpi ne, %parallel_loop3A_297, %parallel_loop3A_323 : vector<16xi32>
          %parallel_loop3A_325 = arith.constant 15 : i32
          %parallel_loop3A_326 = vector.broadcast %parallel_loop3A_325 : i32 to vector<16xi32>
          %parallel_loop3A_327 = arith.cmpi eq, %iota3A, %parallel_loop3A_326 : vector<16xi32>
          %parallel_loop3A_328 = arith.ori %parallel_loop3A_324, %parallel_loop3A_327 : vector<16xi1>
          %parallel_loop3A_329 = arith.constant -1 : i32
          %parallel_loop3A_330 = vector.broadcast %parallel_loop3A_329 : i32 to vector<16xi32>
          %parallel_loop3A_331 = arith.select %parallel_loop3A_328, %iota3A, %parallel_loop3A_330 : vector<16xi1>, vector<16xi32>
          %parallel_loop3A_332 = arith.constant true
          %parallel_loop3A_333 = vector.broadcast %parallel_loop3A_332 : i1 to vector<16xi1>
          %parallel_loop3A_334 = arith.constant -2147483648 : i32
          %parallel_loop3A_335 = vector.broadcast %parallel_loop3A_334 : i32 to vector<16xi32>
          %parallel_loop3A_336 = arith.xori %parallel_loop3A_331, %parallel_loop3A_335 : vector<16xi32>
          %parallel_loop3A_337 = tpu.scan <max>, %parallel_loop3A_336 masked %parallel_loop3A_333 : vector<16xi32>, vector<16xi1> -> vector<16xi32>
          %parallel_loop3A_338 = arith.xori %parallel_loop3A_337, %parallel_loop3A_335 : vector<16xi32>
          %parallel_loop3A_339 = arith.constant 0 : i32
          %parallel_loop3A_340 = vector.broadcast %parallel_loop3A_339 : i32 to vector<16xi32>
          %parallel_loop3A_341 = arith.cmpi slt, %max3A_60, %parallel_loop3A_340 : vector<16xi32>
          %parallel_loop3A_342 = arith.constant 16 : i32
          %parallel_loop3A_343 = vector.broadcast %parallel_loop3A_342 : i32 to vector<16xi32>
          %parallel_loop3A_344 = arith.addi %max3A_60, %parallel_loop3A_343 : vector<16xi32>
          %parallel_loop3A_345 = arith.select %parallel_loop3A_341, %parallel_loop3A_344, %max3A_60 : vector<16xi1>, vector<16xi32>
          %parallel_loop3A_346 = vector.shape_cast %parallel_loop3A_345 : vector<16xi32> to vector<16x1xi32>
          %parallel_loop3A_347 = vector.shape_cast %parallel_loop3A_346 : vector<16x1xi32> to vector<16xi32>
          %parallel_loop3A_348 = tpu.dynamic_gather %parallel_loop3A_338[%parallel_loop3A_347] in [0] : vector<16xi32>, vector<16xi32> -> vector<16xi32>
          %parallel_loop3A_349 = arith.constant 0 : i32
          %parallel_loop3A_350 = vector.broadcast %parallel_loop3A_349 : i32 to vector<16xi32>
          %parallel_loop3A_351 = arith.cmpi eq, %iota3A, %parallel_loop3A_350 : vector<16xi32>
          %parallel_loop3A_352 = arith.constant -1 : i32
          %parallel_loop3A_353 = vector.broadcast %parallel_loop3A_352 : i32 to vector<16xi32>
          %parallel_loop3A_354 = arith.select %parallel_loop3A_351, %parallel_loop3A_353, %parallel_loop3A_348 : vector<16xi1>, vector<16xi32>
          %parallel_loop3A_355 = arith.constant 0 : i32
          %parallel_loop3A_356 = vector.broadcast %parallel_loop3A_355 : i32 to vector<16xi32>
          %parallel_loop3A_357 = arith.cmpi sge, %parallel_loop3A_354, %parallel_loop3A_356 : vector<16xi32>
          %parallel_loop3A_358 = arith.constant 0 : i32
          %parallel_loop3A_359 = vector.broadcast %parallel_loop3A_358 : i32 to vector<16xi32>
          %parallel_loop3A_360 = arith.maxsi %parallel_loop3A_354, %parallel_loop3A_359 : vector<16xi32>
          %parallel_loop3A_361 = arith.constant 0 : i32
          %parallel_loop3A_362 = vector.broadcast %parallel_loop3A_361 : i32 to vector<16xi32>
          %parallel_loop3A_363 = arith.cmpi slt, %parallel_loop3A_360, %parallel_loop3A_362 : vector<16xi32>
          %parallel_loop3A_364 = arith.constant 16 : i32
          %parallel_loop3A_365 = vector.broadcast %parallel_loop3A_364 : i32 to vector<16xi32>
          %parallel_loop3A_366 = arith.addi %parallel_loop3A_360, %parallel_loop3A_365 : vector<16xi32>
          %parallel_loop3A_367 = arith.select %parallel_loop3A_363, %parallel_loop3A_366, %parallel_loop3A_360 : vector<16xi1>, vector<16xi32>
          %parallel_loop3A_368 = vector.shape_cast %parallel_loop3A_367 : vector<16xi32> to vector<16x1xi32>
          %parallel_loop3A_369 = vector.shape_cast %parallel_loop3A_368 : vector<16x1xi32> to vector<16xi32>
          %parallel_loop3A_370 = tpu.dynamic_gather %parallel_loop3A_307[%parallel_loop3A_369] in [0] : vector<16xf32>, vector<16xi32> -> vector<16xf32>
          %parallel_loop3A_371 = arith.constant 0.000000e+00 : f32
          %parallel_loop3A_372 = vector.broadcast %parallel_loop3A_371 : f32 to vector<16xf32>
          %parallel_loop3A_373 = arith.select %parallel_loop3A_357, %parallel_loop3A_370, %parallel_loop3A_372 : vector<16xi1>, vector<16xf32>
          %parallel_loop3A_374 = arith.constant 0 : i32
          %parallel_loop3A_375 = vector.broadcast %parallel_loop3A_374 : i32 to vector<16xi32>
          %parallel_loop3A_376 = arith.cmpi slt, %parallel_loop3A_360, %parallel_loop3A_375 : vector<16xi32>
          %parallel_loop3A_377 = arith.constant 16 : i32
          %parallel_loop3A_378 = vector.broadcast %parallel_loop3A_377 : i32 to vector<16xi32>
          %parallel_loop3A_379 = arith.addi %parallel_loop3A_360, %parallel_loop3A_378 : vector<16xi32>
          %parallel_loop3A_380 = arith.select %parallel_loop3A_376, %parallel_loop3A_379, %parallel_loop3A_360 : vector<16xi1>, vector<16xi32>
          %parallel_loop3A_381 = vector.shape_cast %parallel_loop3A_380 : vector<16xi32> to vector<16x1xi32>
          %parallel_loop3A_382 = vector.shape_cast %parallel_loop3A_381 : vector<16x1xi32> to vector<16xi32>
          %parallel_loop3A_383 = tpu.dynamic_gather %parallel_loop3A_313[%parallel_loop3A_382] in [0] : vector<16xf32>, vector<16xi32> -> vector<16xf32>
          %parallel_loop3A_384 = arith.constant 0.000000e+00 : f32
          %parallel_loop3A_385 = vector.broadcast %parallel_loop3A_384 : f32 to vector<16xf32>
          %parallel_loop3A_386 = arith.select %parallel_loop3A_357, %parallel_loop3A_383, %parallel_loop3A_385 : vector<16xi1>, vector<16xf32>
          %parallel_loop3A_387 = arith.subf %parallel_loop3A_307, %parallel_loop3A_373 : vector<16xf32>
          tpu.vector_store_idx %arg31[%parallel_loop3A_299], %parallel_loop3A_387 masked %parallel_loop3A_328 {add = true} : memref<2048xf32, #tpu.memory_space<vmem>>[vector<16xi32>], vector<16xf32>, vector<16xi1>
          %parallel_loop3A_388 = arith.subf %parallel_loop3A_313, %parallel_loop3A_386 : vector<16xf32>
          tpu.vector_store_idx %arg32[%parallel_loop3A_299], %parallel_loop3A_388 masked %parallel_loop3A_328 {add = true} : memref<2048xf32, #tpu.memory_space<vmem>>[vector<16xi32>], vector<16xf32>, vector<16xi1>
        } {sc.loop_unroll_factor = 5 : i64, sc.parallel_access}
      }
      %scan3A_161 = arith.constant 5 : i32
      %parallel_loop3A_162 = arith.constant 0 : i32
      %parallel_loop3A_163 = arith.constant 128 : i32
      %parallel_loop3A_164 = arith.constant 1 : i32
      scf.for %parallel_loop3A_173 = %parallel_loop3A_162 to %parallel_loop3A_163 step %parallel_loop3A_164  : i32 {
        %parallel_loop3A_174 = arith.constant 16 : i32
        %parallel_loop3A_175 = arith.muli %parallel_loop3A_173, %parallel_loop3A_174 : i32
        %parallel_loop3A_176 = arith.addi %squeeze3A, %parallel_loop3A_175 : i32
        %parallel_loop3A_177 = vector.broadcast %parallel_loop3A_176 : i32 to vector<16xi32>
        %parallel_loop3A_178 = arith.addi %parallel_loop3A_177, %iota3A : vector<16xi32>
        %parallel_loop3A_179 = arith.constant 16 : i32
        %parallel_loop3A_180 = arith.muli %parallel_loop3A_173, %parallel_loop3A_179 : i32
        %parallel_loop3A_181 = arith.index_cast %parallel_loop3A_180 : i32 to index
        %parallel_loop3A_182 = tpu.vector_load %arg33[%parallel_loop3A_181] {strides = array<i32>} : memref<2048xi32, #tpu.memory_space<vmem>>, vector<16xi32>,
        tpu.vector_store %arg33[%parallel_loop3A_181], %parallel_loop3A_178 {strides = array<i32>} : memref<2048xi32, #tpu.memory_space<vmem>>, vector<16xi32>,
      } {sc.loop_unroll_factor = 4 : i64, sc.parallel_access}
      %dma_start3A_165 = arith.constant 0 : i32
      %dma_start3A_166 = tpu.memref_slice %arg39[%dma_start3A_165] : memref<52224xf32, #tpu.memory_space<vmem_shared>> -> memref<52224xf32, #tpu.memory_space<vmem_shared>>
      tpu.enqueue_indirect_dma source(%arg31 : memref<2048xf32, #tpu.memory_space<vmem>>) target(%dma_start3A_166 : memref<52224xf32, #tpu.memory_space<vmem_shared>>) offsets(%arg33 : memref<2048xi32, #tpu.memory_space<vmem>>) semaphore(%arg46 : memref<!tpu.dma_semaphore, #tpu.memory_space<semaphore_mem>>) {add = true}
      %dma_start3A_167 = arith.constant 0 : i32
      %dma_start3A_168 = tpu.memref_slice %arg40[%dma_start3A_167] : memref<52224xf32, #tpu.memory_space<vmem_shared>> -> memref<52224xf32, #tpu.memory_space<vmem_shared>>
      tpu.enqueue_indirect_dma source(%arg32 : memref<2048xf32, #tpu.memory_space<vmem>>) target(%dma_start3A_168 : memref<52224xf32, #tpu.memory_space<vmem_shared>>) offsets(%arg33 : memref<2048xi32, #tpu.memory_space<vmem>>) semaphore(%arg47 : memref<!tpu.dma_semaphore, #tpu.memory_space<semaphore_mem>>) {add = true}
      %dma_wait3A_169 = arith.constant 0 : i32
      %dma_wait3A_170 = tpu.memref_slice %arg39[%dma_wait3A_169] : memref<52224xf32, #tpu.memory_space<vmem_shared>> -> memref<52224xf32, #tpu.memory_space<vmem_shared>>
      tpu.wait_indirect_dma semaphore(%arg46 : memref<!tpu.dma_semaphore, #tpu.memory_space<semaphore_mem>>) src(%arg31 : memref<2048xf32, #tpu.memory_space<vmem>>) dst(%dma_wait3A_170 : memref<52224xf32, #tpu.memory_space<vmem_shared>>)
      %dma_wait3A_171 = arith.constant 0 : i32
      %dma_wait3A_172 = tpu.memref_slice %arg40[%dma_wait3A_171] : memref<52224xf32, #tpu.memory_space<vmem_shared>> -> memref<52224xf32, #tpu.memory_space<vmem_shared>>
      tpu.wait_indirect_dma semaphore(%arg47 : memref<!tpu.dma_semaphore, #tpu.memory_space<semaphore_mem>>) src(%arg32 : memref<2048xf32, #tpu.memory_space<vmem>>) dst(%dma_wait3A_172 : memref<52224xf32, #tpu.memory_space<vmem_shared>>)
    } else {
    }
    %not3A = arith.constant true
    %not3A_62 = arith.xori %lt3A_50, %not3A : i1
    %convert_element_type3A_63 = arith.extui %not3A_62 : i1 to i32
    %cond3A_64 = arith.constant 0 : i32
    %cond3A_65 = arith.cmpi ne, %convert_element_type3A_63, %cond3A_64 : i32
    scf.if %cond3A_65 {
      %scan3A = arith.constant 0 : i32
      %scan3A_138 = arith.constant 25 : i32
      %scan3A_139 = arith.addi %scan3A, %scan3A_138 : i32
      %scan3A_140 = arith.constant 1 : i32
      scf.for %scan3A_142 = %scan3A to %scan3A_139 step %scan3A_140  : i32 {
        %mul3A_143 = arith.constant 1 : i32
        %mul3A_144 = arith.muli %scan3A_142, %mul3A_143 : i32
        %add3A_145 = arith.constant 0 : i32
        %add3A_146 = arith.addi %add3A_145, %mul3A_144 : i32
        %mul3A_147 = arith.constant 50000 : i32
        %mul3A_148 = arith.muli %add3A, %mul3A_147 : i32
        %mul3A_149 = arith.constant 2000 : i32
        %mul3A_150 = arith.muli %add3A_146, %mul3A_149 : i32
        %add3A_151 = arith.addi %mul3A_148, %mul3A_150 : i32
        "tpu.region"() ({
          %run_scoped3A = tpu.sem_alloc : memref<!tpu.dma_semaphore, #tpu.memory_space<semaphore_mem>>
          %dma_start3A_155 = tpu.memref_slice %arg4[%add3A_151] : memref<1600000xi32, #tpu.memory_space<hbm>> -> memref<2000xi32, #tpu.memory_space<hbm>>
          %dma_start3A_156 = tpu.memref_slice %arg4[%add3A_151] : memref<1600000xi32, #tpu.memory_space<hbm>> -> memref<2000xi32, #tpu.memory_space<hbm>>
          tpu.enqueue_dma source(%dma_start3A_156 : memref<2000xi32, #tpu.memory_space<hbm>>) target(%arg8 : memref<2000xi32, #tpu.memory_space<vmem>>) target_semaphore(%run_scoped3A : memref<!tpu.dma_semaphore, #tpu.memory_space<semaphore_mem>>)
          %dma_wait3A_157 = tpu.memref_slice %arg4[%add3A_151] : memref<1600000xi32, #tpu.memory_space<hbm>> -> memref<2000xi32, #tpu.memory_space<hbm>>
          %dma_wait3A_158 = tpu.memref_slice %arg4[%add3A_151] : memref<1600000xi32, #tpu.memory_space<hbm>> -> memref<2000xi32, #tpu.memory_space<hbm>>
          tpu.wait_dma2 semaphore(%run_scoped3A : memref<!tpu.dma_semaphore, #tpu.memory_space<semaphore_mem>>) src(%dma_wait3A_158 : memref<2000xi32, #tpu.memory_space<hbm>>) dst(%arg8 : memref<2000xi32, #tpu.memory_space<vmem>>)
          tpu.yield
        }) : () -> ()
        "tpu.region"() ({
          %run_scoped3A = tpu.sem_alloc : memref<!tpu.dma_semaphore, #tpu.memory_space<semaphore_mem>>
          %dma_start3A_155 = tpu.memref_slice %arg2[%add3A_151] : memref<1600000xf32, #tpu.memory_space<hbm>> -> memref<2000xf32, #tpu.memory_space<hbm>>
          %dma_start3A_156 = tpu.memref_slice %arg2[%add3A_151] : memref<1600000xf32, #tpu.memory_space<hbm>> -> memref<2000xf32, #tpu.memory_space<hbm>>
          tpu.enqueue_dma source(%dma_start3A_156 : memref<2000xf32, #tpu.memory_space<hbm>>) target(%arg13 : memref<2000xf32, #tpu.memory_space<vmem>>) target_semaphore(%run_scoped3A : memref<!tpu.dma_semaphore, #tpu.memory_space<semaphore_mem>>)
          %dma_wait3A_157 = tpu.memref_slice %arg2[%add3A_151] : memref<1600000xf32, #tpu.memory_space<hbm>> -> memref<2000xf32, #tpu.memory_space<hbm>>
          %dma_wait3A_158 = tpu.memref_slice %arg2[%add3A_151] : memref<1600000xf32, #tpu.memory_space<hbm>> -> memref<2000xf32, #tpu.memory_space<hbm>>
          tpu.wait_dma2 semaphore(%run_scoped3A : memref<!tpu.dma_semaphore, #tpu.memory_space<semaphore_mem>>) src(%dma_wait3A_158 : memref<2000xf32, #tpu.memory_space<hbm>>) dst(%arg13 : memref<2000xf32, #tpu.memory_space<vmem>>)
          tpu.yield
        }) : () -> ()
        "tpu.region"() ({
          %run_scoped3A = tpu.sem_alloc : memref<!tpu.dma_semaphore, #tpu.memory_space<semaphore_mem>>
          %dma_start3A_155 = tpu.memref_slice %arg3[%add3A_151] : memref<1600000xf32, #tpu.memory_space<hbm>> -> memref<2000xf32, #tpu.memory_space<hbm>>
          %dma_start3A_156 = tpu.memref_slice %arg3[%add3A_151] : memref<1600000xf32, #tpu.memory_space<hbm>> -> memref<2000xf32, #tpu.memory_space<hbm>>
          tpu.enqueue_dma source(%dma_start3A_156 : memref<2000xf32, #tpu.memory_space<hbm>>) target(%arg18 : memref<2000xf32, #tpu.memory_space<vmem>>) target_semaphore(%run_scoped3A : memref<!tpu.dma_semaphore, #tpu.memory_space<semaphore_mem>>)
          %dma_wait3A_157 = tpu.memref_slice %arg3[%add3A_151] : memref<1600000xf32, #tpu.memory_space<hbm>> -> memref<2000xf32, #tpu.memory_space<hbm>>
          %dma_wait3A_158 = tpu.memref_slice %arg3[%add3A_151] : memref<1600000xf32, #tpu.memory_space<hbm>> -> memref<2000xf32, #tpu.memory_space<hbm>>
          tpu.wait_dma2 semaphore(%run_scoped3A : memref<!tpu.dma_semaphore, #tpu.memory_space<semaphore_mem>>) src(%dma_wait3A_158 : memref<2000xf32, #tpu.memory_space<hbm>>) dst(%arg18 : memref<2000xf32, #tpu.memory_space<vmem>>)
          tpu.yield
        }) : () -> ()
        %parallel_loop3A_152 = arith.constant 0 : i32
        %parallel_loop3A_153 = arith.constant 125 : i32
        %parallel_loop3A_154 = arith.constant 1 : i32
        scf.for %parallel_loop3A_155 = %parallel_loop3A_152 to %parallel_loop3A_153 step %parallel_loop3A_154  : i32 {
          %parallel_loop3A_156 = arith.constant 16 : i32
          %parallel_loop3A_157 = arith.muli %parallel_loop3A_155, %parallel_loop3A_156 : i32
          %parallel_loop3A_158 = arith.index_cast %parallel_loop3A_157 : i32 to index
          %parallel_loop3A_159 = tpu.vector_load %arg18[%parallel_loop3A_158] {strides = array<i32>} : memref<2000xf32, #tpu.memory_space<vmem>>, vector<16xf32>,
          %parallel_loop3A_160 = arith.constant 1.000000e+00 : f32
          %parallel_loop3A_161 = vector.broadcast %parallel_loop3A_160 : f32 to vector<16xf32>
          %parallel_loop3A_162 = arith.divf %parallel_loop3A_161, %parallel_loop3A_159 : vector<16xf32>
          %parallel_loop3A_163 = arith.index_cast %parallel_loop3A_157 : i32 to index
          %parallel_loop3A_164 = tpu.vector_load %arg28[%parallel_loop3A_163] {strides = array<i32>} : memref<3264xf32, #tpu.memory_space<vmem>>, vector<16xf32>,
          tpu.vector_store %arg28[%parallel_loop3A_163], %parallel_loop3A_162 {strides = array<i32>} : memref<3264xf32, #tpu.memory_space<vmem>>, vector<16xf32>,
          %parallel_loop3A_165 = arith.index_cast %parallel_loop3A_157 : i32 to index
          %parallel_loop3A_166 = tpu.vector_load %arg13[%parallel_loop3A_165] {strides = array<i32>} : memref<2000xf32, #tpu.memory_space<vmem>>, vector<16xf32>,
          %parallel_loop3A_167 = arith.mulf %parallel_loop3A_166, %parallel_loop3A_162 : vector<16xf32>
          %parallel_loop3A_168 = arith.index_cast %parallel_loop3A_157 : i32 to index
          %parallel_loop3A_169 = tpu.vector_load %arg29[%parallel_loop3A_168] {strides = array<i32>} : memref<3264xf32, #tpu.memory_space<vmem>>, vector<16xf32>,
          tpu.vector_store %arg29[%parallel_loop3A_168], %parallel_loop3A_167 {strides = array<i32>} : memref<3264xf32, #tpu.memory_space<vmem>>, vector<16xf32>,
        } {sc.loop_unroll_factor = 5 : i64, sc.parallel_access}
        "tpu.region"() ({
          %run_scoped3A = tpu.sem_alloc : memref<!tpu.dma_semaphore, #tpu.memory_space<semaphore_mem>>
          %dma_start3A_155 = arith.constant 0 : i32
          %dma_start3A_156 = tpu.memref_slice %arg28[%dma_start3A_155] : memref<3264xf32, #tpu.memory_space<vmem>> -> memref<2000xf32, #tpu.memory_space<vmem>>
          %dma_start3A_157 = arith.constant 0 : i32
          %dma_start3A_158 = tpu.memref_slice %arg39[%dma_start3A_157] : memref<52224xf32, #tpu.memory_space<vmem_shared>> -> memref<52224xf32, #tpu.memory_space<vmem_shared>>
          tpu.enqueue_indirect_dma source(%dma_start3A_156 : memref<2000xf32, #tpu.memory_space<vmem>>) target(%dma_start3A_158 : memref<52224xf32, #tpu.memory_space<vmem_shared>>) offsets(%arg8 : memref<2000xi32, #tpu.memory_space<vmem>>) semaphore(%run_scoped3A : memref<!tpu.dma_semaphore, #tpu.memory_space<semaphore_mem>>) {add = true}
          %dma_wait3A_159 = arith.constant 0 : i32
          %dma_wait3A_160 = tpu.memref_slice %arg28[%dma_wait3A_159] : memref<3264xf32, #tpu.memory_space<vmem>> -> memref<2000xf32, #tpu.memory_space<vmem>>
          %dma_wait3A_161 = arith.constant 0 : i32
          %dma_wait3A_162 = tpu.memref_slice %arg39[%dma_wait3A_161] : memref<52224xf32, #tpu.memory_space<vmem_shared>> -> memref<52224xf32, #tpu.memory_space<vmem_shared>>
          tpu.wait_indirect_dma semaphore(%run_scoped3A : memref<!tpu.dma_semaphore, #tpu.memory_space<semaphore_mem>>) src(%dma_wait3A_160 : memref<2000xf32, #tpu.memory_space<vmem>>) dst(%dma_wait3A_162 : memref<52224xf32, #tpu.memory_space<vmem_shared>>)
          tpu.yield
        }) : () -> ()
        "tpu.region"() ({
          %run_scoped3A = tpu.sem_alloc : memref<!tpu.dma_semaphore, #tpu.memory_space<semaphore_mem>>
          %dma_start3A_155 = arith.constant 0 : i32
          %dma_start3A_156 = tpu.memref_slice %arg29[%dma_start3A_155] : memref<3264xf32, #tpu.memory_space<vmem>> -> memref<2000xf32, #tpu.memory_space<vmem>>
          %dma_start3A_157 = arith.constant 0 : i32
          %dma_start3A_158 = tpu.memref_slice %arg40[%dma_start3A_157] : memref<52224xf32, #tpu.memory_space<vmem_shared>> -> memref<52224xf32, #tpu.memory_space<vmem_shared>>
          tpu.enqueue_indirect_dma source(%dma_start3A_156 : memref<2000xf32, #tpu.memory_space<vmem>>) target(%dma_start3A_158 : memref<52224xf32, #tpu.memory_space<vmem_shared>>) offsets(%arg8 : memref<2000xi32, #tpu.memory_space<vmem>>) semaphore(%run_scoped3A : memref<!tpu.dma_semaphore, #tpu.memory_space<semaphore_mem>>) {add = true}
          %dma_wait3A_159 = arith.constant 0 : i32
          %dma_wait3A_160 = tpu.memref_slice %arg29[%dma_wait3A_159] : memref<3264xf32, #tpu.memory_space<vmem>> -> memref<2000xf32, #tpu.memory_space<vmem>>
          %dma_wait3A_161 = arith.constant 0 : i32
          %dma_wait3A_162 = tpu.memref_slice %arg40[%dma_wait3A_161] : memref<52224xf32, #tpu.memory_space<vmem_shared>> -> memref<52224xf32, #tpu.memory_space<vmem_shared>>
          tpu.wait_indirect_dma semaphore(%run_scoped3A : memref<!tpu.dma_semaphore, #tpu.memory_space<semaphore_mem>>) src(%dma_wait3A_160 : memref<2000xf32, #tpu.memory_space<vmem>>) dst(%dma_wait3A_162 : memref<52224xf32, #tpu.memory_space<vmem_shared>>)
          tpu.yield
        }) : () -> ()
      }
      %scan3A_141 = arith.constant 25 : i32
    } else {
    }
    %barrier3A_66 = arith.constant 0 : index
    tpu.barrier barrier_id(%barrier3A_66)
    %mul3A_67 = arith.constant 3264 : i32
    %mul3A_68 = arith.muli %arg1, %mul3A_67 : i32
    "tpu.region"() ({
      %run_scoped3A = tpu.sem_alloc : memref<!tpu.dma_semaphore, #tpu.memory_space<semaphore_mem>>
      %dma_start3A_138 = tpu.memref_slice %arg39[%mul3A_68] : memref<52224xf32, #tpu.memory_space<vmem_shared>> -> memref<3264xf32, #tpu.memory_space<vmem_shared>>
      %dma_start3A_139 = tpu.memref_slice %arg39[%mul3A_68] : memref<52224xf32, #tpu.memory_space<vmem_shared>> -> memref<3264xf32, #tpu.memory_space<vmem_shared>>
      tpu.enqueue_dma source(%dma_start3A_139 : memref<3264xf32, #tpu.memory_space<vmem_shared>>) target(%arg28 : memref<3264xf32, #tpu.memory_space<vmem>>) target_semaphore(%run_scoped3A : memref<!tpu.dma_semaphore, #tpu.memory_space<semaphore_mem>>)
      %dma_wait3A_140 = tpu.memref_slice %arg39[%mul3A_68] : memref<52224xf32, #tpu.memory_space<vmem_shared>> -> memref<3264xf32, #tpu.memory_space<vmem_shared>>
      %dma_wait3A_141 = tpu.memref_slice %arg39[%mul3A_68] : memref<52224xf32, #tpu.memory_space<vmem_shared>> -> memref<3264xf32, #tpu.memory_space<vmem_shared>>
      tpu.wait_dma2 semaphore(%run_scoped3A : memref<!tpu.dma_semaphore, #tpu.memory_space<semaphore_mem>>) src(%dma_wait3A_141 : memref<3264xf32, #tpu.memory_space<vmem_shared>>) dst(%arg28 : memref<3264xf32, #tpu.memory_space<vmem>>)
      tpu.yield
    }) : () -> ()
    %mul3A_69 = arith.constant 2 : i32
    %mul3A_70 = arith.muli %mul3A_69, %arg0 : i32
    %mul3A_71 = arith.constant 52224 : i32
    %mul3A_72 = arith.muli %mul3A_70, %mul3A_71 : i32
    %mul3A_73 = arith.constant 3264 : i32
    %mul3A_74 = arith.muli %arg1, %mul3A_73 : i32
    %add3A_75 = arith.addi %mul3A_72, %mul3A_74 : i32
    %dma_start3A = tpu.memref_slice %arg6[%add3A_75] : memref<208896xf32, #tpu.memory_space<hbm>> -> memref<3264xf32, #tpu.memory_space<hbm>>
    %dma_start3A_76 = tpu.memref_slice %arg6[%add3A_75] : memref<208896xf32, #tpu.memory_space<hbm>> -> memref<3264xf32, #tpu.memory_space<hbm>>
    tpu.enqueue_dma source(%arg28 : memref<3264xf32, #tpu.memory_space<vmem>>) target(%dma_start3A_76 : memref<3264xf32, #tpu.memory_space<hbm>>) target_semaphore(%arg46 : memref<!tpu.dma_semaphore, #tpu.memory_space<semaphore_mem>>)
    %mul3A_77 = arith.constant 3264 : i32
    %mul3A_78 = arith.muli %arg1, %mul3A_77 : i32
    "tpu.region"() ({
      %run_scoped3A = tpu.sem_alloc : memref<!tpu.dma_semaphore, #tpu.memory_space<semaphore_mem>>
      %dma_start3A_138 = tpu.memref_slice %arg40[%mul3A_78] : memref<52224xf32, #tpu.memory_space<vmem_shared>> -> memref<3264xf32, #tpu.memory_space<vmem_shared>>
      %dma_start3A_139 = tpu.memref_slice %arg40[%mul3A_78] : memref<52224xf32, #tpu.memory_space<vmem_shared>> -> memref<3264xf32, #tpu.memory_space<vmem_shared>>
      tpu.enqueue_dma source(%dma_start3A_139 : memref<3264xf32, #tpu.memory_space<vmem_shared>>) target(%arg29 : memref<3264xf32, #tpu.memory_space<vmem>>) target_semaphore(%run_scoped3A : memref<!tpu.dma_semaphore, #tpu.memory_space<semaphore_mem>>)
      %dma_wait3A_140 = tpu.memref_slice %arg40[%mul3A_78] : memref<52224xf32, #tpu.memory_space<vmem_shared>> -> memref<3264xf32, #tpu.memory_space<vmem_shared>>
      %dma_wait3A_141 = tpu.memref_slice %arg40[%mul3A_78] : memref<52224xf32, #tpu.memory_space<vmem_shared>> -> memref<3264xf32, #tpu.memory_space<vmem_shared>>
      tpu.wait_dma2 semaphore(%run_scoped3A : memref<!tpu.dma_semaphore, #tpu.memory_space<semaphore_mem>>) src(%dma_wait3A_141 : memref<3264xf32, #tpu.memory_space<vmem_shared>>) dst(%arg29 : memref<3264xf32, #tpu.memory_space<vmem>>)
      tpu.yield
    }) : () -> ()
    %mul3A_79 = arith.constant 2 : i32
    %mul3A_80 = arith.muli %mul3A_79, %arg0 : i32
    %add3A_81 = arith.constant 1 : i32
    %add3A_82 = arith.addi %mul3A_80, %add3A_81 : i32
    %mul3A_83 = arith.constant 52224 : i32
    %mul3A_84 = arith.muli %add3A_82, %mul3A_83 : i32
    %mul3A_85 = arith.constant 3264 : i32
    %mul3A_86 = arith.muli %arg1, %mul3A_85 : i32
    %add3A_87 = arith.addi %mul3A_84, %mul3A_86 : i32
    %dma_start3A_88 = tpu.memref_slice %arg6[%add3A_87] : memref<208896xf32, #tpu.memory_space<hbm>> -> memref<3264xf32, #tpu.memory_space<hbm>>
    %dma_start3A_89 = tpu.memref_slice %arg6[%add3A_87] : memref<208896xf32, #tpu.memory_space<hbm>> -> memref<3264xf32, #tpu.memory_space<hbm>>
    tpu.enqueue_dma source(%arg29 : memref<3264xf32, #tpu.memory_space<vmem>>) target(%dma_start3A_89 : memref<3264xf32, #tpu.memory_space<hbm>>) target_semaphore(%arg47 : memref<!tpu.dma_semaphore, #tpu.memory_space<semaphore_mem>>)
    %mul3A_90 = arith.constant 3264 : i32
    %mul3A_91 = arith.muli %arg1, %mul3A_90 : i32
    "tpu.region"() ({
      %run_scoped3A = tpu.sem_alloc : memref<!tpu.dma_semaphore, #tpu.memory_space<semaphore_mem>>
      %dma_start3A_138 = tpu.memref_slice %arg39[%mul3A_91] : memref<52224xf32, #tpu.memory_space<vmem_shared>> -> memref<3264xf32, #tpu.memory_space<vmem_shared>>
      %dma_start3A_139 = tpu.memref_slice %arg39[%mul3A_91] : memref<52224xf32, #tpu.memory_space<vmem_shared>> -> memref<3264xf32, #tpu.memory_space<vmem_shared>>
      tpu.enqueue_dma source(%dma_start3A_139 : memref<3264xf32, #tpu.memory_space<vmem_shared>>) target(%arg36 : memref<3264xf32, #tpu.memory_space<vmem>>) target_semaphore(%run_scoped3A : memref<!tpu.dma_semaphore, #tpu.memory_space<semaphore_mem>>)
      %dma_wait3A_140 = tpu.memref_slice %arg39[%mul3A_91] : memref<52224xf32, #tpu.memory_space<vmem_shared>> -> memref<3264xf32, #tpu.memory_space<vmem_shared>>
      %dma_wait3A_141 = tpu.memref_slice %arg39[%mul3A_91] : memref<52224xf32, #tpu.memory_space<vmem_shared>> -> memref<3264xf32, #tpu.memory_space<vmem_shared>>
      tpu.wait_dma2 semaphore(%run_scoped3A : memref<!tpu.dma_semaphore, #tpu.memory_space<semaphore_mem>>) src(%dma_wait3A_141 : memref<3264xf32, #tpu.memory_space<vmem_shared>>) dst(%arg36 : memref<3264xf32, #tpu.memory_space<vmem>>)
      tpu.yield
    }) : () -> ()
    %mul3A_92 = arith.constant 3264 : i32
    %mul3A_93 = arith.muli %arg1, %mul3A_92 : i32
    "tpu.region"() ({
      %run_scoped3A = tpu.sem_alloc : memref<!tpu.dma_semaphore, #tpu.memory_space<semaphore_mem>>
      %dma_start3A_138 = tpu.memref_slice %arg40[%mul3A_93] : memref<52224xf32, #tpu.memory_space<vmem_shared>> -> memref<3264xf32, #tpu.memory_space<vmem_shared>>
      %dma_start3A_139 = tpu.memref_slice %arg40[%mul3A_93] : memref<52224xf32, #tpu.memory_space<vmem_shared>> -> memref<3264xf32, #tpu.memory_space<vmem_shared>>
      tpu.enqueue_dma source(%dma_start3A_139 : memref<3264xf32, #tpu.memory_space<vmem_shared>>) target(%arg30 : memref<3264xf32, #tpu.memory_space<vmem>>) target_semaphore(%run_scoped3A : memref<!tpu.dma_semaphore, #tpu.memory_space<semaphore_mem>>)
      %dma_wait3A_140 = tpu.memref_slice %arg40[%mul3A_93] : memref<52224xf32, #tpu.memory_space<vmem_shared>> -> memref<3264xf32, #tpu.memory_space<vmem_shared>>
      %dma_wait3A_141 = tpu.memref_slice %arg40[%mul3A_93] : memref<52224xf32, #tpu.memory_space<vmem_shared>> -> memref<3264xf32, #tpu.memory_space<vmem_shared>>
      tpu.wait_dma2 semaphore(%run_scoped3A : memref<!tpu.dma_semaphore, #tpu.memory_space<semaphore_mem>>) src(%dma_wait3A_141 : memref<3264xf32, #tpu.memory_space<vmem_shared>>) dst(%arg30 : memref<3264xf32, #tpu.memory_space<vmem>>)
      tpu.yield
    }) : () -> ()
    "tpu.region"() ({
      %run_scoped3A = tpu.sem_alloc : memref<!tpu.dma_semaphore, #tpu.memory_space<semaphore_mem>>
      tpu.enqueue_dma source(%arg5 : memref<16xf32, #tpu.memory_space<hbm>>) target(%arg38 : memref<16xf32, #tpu.memory_space<vmem>>) target_semaphore(%run_scoped3A : memref<!tpu.dma_semaphore, #tpu.memory_space<semaphore_mem>>)
      tpu.wait_dma2 semaphore(%run_scoped3A : memref<!tpu.dma_semaphore, #tpu.memory_space<semaphore_mem>>) src(%arg5 : memref<16xf32, #tpu.memory_space<hbm>>) dst(%arg38 : memref<16xf32, #tpu.memory_space<vmem>>)
      tpu.yield
    }) : () -> ()
    %dma_wait3A = tpu.memref_slice %arg6[%add3A_75] : memref<208896xf32, #tpu.memory_space<hbm>> -> memref<3264xf32, #tpu.memory_space<hbm>>
    %dma_wait3A_94 = tpu.memref_slice %arg6[%add3A_75] : memref<208896xf32, #tpu.memory_space<hbm>> -> memref<3264xf32, #tpu.memory_space<hbm>>
    tpu.wait_dma2 semaphore(%arg46 : memref<!tpu.dma_semaphore, #tpu.memory_space<semaphore_mem>>) src(%arg28 : memref<3264xf32, #tpu.memory_space<vmem>>) dst(%dma_wait3A_94 : memref<3264xf32, #tpu.memory_space<hbm>>)
    %dma_wait3A_95 = tpu.memref_slice %arg6[%add3A_87] : memref<208896xf32, #tpu.memory_space<hbm>> -> memref<3264xf32, #tpu.memory_space<hbm>>
    %dma_wait3A_96 = tpu.memref_slice %arg6[%add3A_87] : memref<208896xf32, #tpu.memory_space<hbm>> -> memref<3264xf32, #tpu.memory_space<hbm>>
    tpu.wait_dma2 semaphore(%arg47 : memref<!tpu.dma_semaphore, #tpu.memory_space<semaphore_mem>>) src(%arg29 : memref<3264xf32, #tpu.memory_space<vmem>>) dst(%dma_wait3A_96 : memref<3264xf32, #tpu.memory_space<hbm>>)
    %convert_element_type3A_97 = arith.extui %lt3A_50 : i1 to i32
    %cond3A_98 = arith.constant 0 : i32
    %cond3A_99 = arith.cmpi ne, %convert_element_type3A_97, %cond3A_98 : i32
    scf.if %cond3A_99 {
      %mul3A_138 = arith.constant 50000 : i32
      %mul3A_139 = arith.muli %add3A, %mul3A_138 : i32
      %add3A_140 = arith.constant 0 : i32
      %add3A_141 = arith.addi %mul3A_139, %add3A_140 : i32
      %dma_start3A_142 = tpu.memref_slice %arg4[%add3A_141] : memref<1600000xi32, #tpu.memory_space<hbm>> -> memref<2000xi32, #tpu.memory_space<hbm>>
      %dma_start3A_143 = tpu.memref_slice %arg4[%add3A_141] : memref<1600000xi32, #tpu.memory_space<hbm>> -> memref<2000xi32, #tpu.memory_space<hbm>>
      tpu.enqueue_dma source(%dma_start3A_143 : memref<2000xi32, #tpu.memory_space<hbm>>) target(%arg8 : memref<2000xi32, #tpu.memory_space<vmem>>) target_semaphore(%arg41 : memref<!tpu.dma_semaphore, #tpu.memory_space<semaphore_mem>>)
      %dma_start3A_144 = tpu.memref_slice %arg2[%add3A_141] : memref<1600000xf32, #tpu.memory_space<hbm>> -> memref<2000xf32, #tpu.memory_space<hbm>>
      %dma_start3A_145 = tpu.memref_slice %arg2[%add3A_141] : memref<1600000xf32, #tpu.memory_space<hbm>> -> memref<2000xf32, #tpu.memory_space<hbm>>
      tpu.enqueue_dma source(%dma_start3A_145 : memref<2000xf32, #tpu.memory_space<hbm>>) target(%arg13 : memref<2000xf32, #tpu.memory_space<vmem>>) target_semaphore(%arg41 : memref<!tpu.dma_semaphore, #tpu.memory_space<semaphore_mem>>)
      %dma_start3A_146 = tpu.memref_slice %arg3[%add3A_141] : memref<1600000xf32, #tpu.memory_space<hbm>> -> memref<2000xf32, #tpu.memory_space<hbm>>
      %dma_start3A_147 = tpu.memref_slice %arg3[%add3A_141] : memref<1600000xf32, #tpu.memory_space<hbm>> -> memref<2000xf32, #tpu.memory_space<hbm>>
      tpu.enqueue_dma source(%dma_start3A_147 : memref<2000xf32, #tpu.memory_space<hbm>>) target(%arg18 : memref<2000xf32, #tpu.memory_space<vmem>>) target_semaphore(%arg41 : memref<!tpu.dma_semaphore, #tpu.memory_space<semaphore_mem>>)
      %mul3A_148 = arith.constant 50000 : i32
      %mul3A_149 = arith.muli %add3A, %mul3A_148 : i32
      %add3A_150 = arith.constant 2000 : i32
      %add3A_151 = arith.addi %mul3A_149, %add3A_150 : i32
      %dma_start3A_152 = tpu.memref_slice %arg4[%add3A_151] : memref<1600000xi32, #tpu.memory_space<hbm>> -> memref<2000xi32, #tpu.memory_space<hbm>>
      %dma_start3A_153 = tpu.memref_slice %arg4[%add3A_151] : memref<1600000xi32, #tpu.memory_space<hbm>> -> memref<2000xi32, #tpu.memory_space<hbm>>
      tpu.enqueue_dma source(%dma_start3A_153 : memref<2000xi32, #tpu.memory_space<hbm>>) target(%arg9 : memref<2000xi32, #tpu.memory_space<vmem>>) target_semaphore(%arg42 : memref<!tpu.dma_semaphore, #tpu.memory_space<semaphore_mem>>)
      %dma_start3A_154 = tpu.memref_slice %arg2[%add3A_151] : memref<1600000xf32, #tpu.memory_space<hbm>> -> memref<2000xf32, #tpu.memory_space<hbm>>
      %dma_start3A_155 = tpu.memref_slice %arg2[%add3A_151] : memref<1600000xf32, #tpu.memory_space<hbm>> -> memref<2000xf32, #tpu.memory_space<hbm>>
      tpu.enqueue_dma source(%dma_start3A_155 : memref<2000xf32, #tpu.memory_space<hbm>>) target(%arg14 : memref<2000xf32, #tpu.memory_space<vmem>>) target_semaphore(%arg42 : memref<!tpu.dma_semaphore, #tpu.memory_space<semaphore_mem>>)
      %dma_start3A_156 = tpu.memref_slice %arg3[%add3A_151] : memref<1600000xf32, #tpu.memory_space<hbm>> -> memref<2000xf32, #tpu.memory_space<hbm>>
      %dma_start3A_157 = tpu.memref_slice %arg3[%add3A_151] : memref<1600000xf32, #tpu.memory_space<hbm>> -> memref<2000xf32, #tpu.memory_space<hbm>>
      tpu.enqueue_dma source(%dma_start3A_157 : memref<2000xf32, #tpu.memory_space<hbm>>) target(%arg19 : memref<2000xf32, #tpu.memory_space<vmem>>) target_semaphore(%arg42 : memref<!tpu.dma_semaphore, #tpu.memory_space<semaphore_mem>>)
    } else {
    }
    %barrier3A_100 = arith.constant 0 : index
    tpu.barrier barrier_id(%barrier3A_100)
    %sub3A_101 = arith.constant 1 : i32
    %sub3A_102 = arith.subi %sub3A_101, %arg0 : i32
    %semaphore_signal3A = arith.constant 1 : i32
    tpu.sem_signal %arg51, %semaphore_signal3A core_id %sub3A_102 : memref<!tpu.semaphore, #tpu.memory_space<semaphore_mem>>
    %semaphore_wait3A = arith.constant 1 : i32
    %semaphore_wait3A_103 = arith.constant true
    tpu.sem_wait %arg51, %semaphore_wait3A : memref<!tpu.semaphore, #tpu.memory_space<semaphore_mem>>
    %sub3A_104 = arith.constant 1 : i32
    %sub3A_105 = arith.subi %sub3A_104, %arg0 : i32
    %mul3A_106 = arith.constant 3264 : i32
    %mul3A_107 = arith.muli %arg1, %mul3A_106 : i32
    %mul3A_108 = arith.constant 2 : i32
    %mul3A_109 = arith.muli %mul3A_108, %sub3A_105 : i32
    %mul3A_110 = arith.constant 52224 : i32
    %mul3A_111 = arith.muli %mul3A_109, %mul3A_110 : i32
    %mul3A_112 = arith.constant 3264 : i32
    %mul3A_113 = arith.muli %arg1, %mul3A_112 : i32
    %add3A_114 = arith.addi %mul3A_111, %mul3A_113 : i32
    "tpu.region"() ({
      %run_scoped3A = tpu.sem_alloc : memref<!tpu.dma_semaphore, #tpu.memory_space<semaphore_mem>>
      %dma_start3A_138 = tpu.memref_slice %arg6[%add3A_114] : memref<208896xf32, #tpu.memory_space<hbm>> -> memref<3264xf32, #tpu.memory_space<hbm>>
      %dma_start3A_139 = tpu.memref_slice %arg6[%add3A_114] : memref<208896xf32, #tpu.memory_space<hbm>> -> memref<3264xf32, #tpu.memory_space<hbm>>
      tpu.enqueue_dma source(%dma_start3A_139 : memref<3264xf32, #tpu.memory_space<hbm>>) target(%arg37 : memref<3264xf32, #tpu.memory_space<vmem>>) target_semaphore(%run_scoped3A : memref<!tpu.dma_semaphore, #tpu.memory_space<semaphore_mem>>)
      %dma_wait3A_140 = tpu.memref_slice %arg6[%add3A_114] : memref<208896xf32, #tpu.memory_space<hbm>> -> memref<3264xf32, #tpu.memory_space<hbm>>
      %dma_wait3A_141 = tpu.memref_slice %arg6[%add3A_114] : memref<208896xf32, #tpu.memory_space<hbm>> -> memref<3264xf32, #tpu.memory_space<hbm>>
      tpu.wait_dma2 semaphore(%run_scoped3A : memref<!tpu.dma_semaphore, #tpu.memory_space<semaphore_mem>>) src(%dma_wait3A_141 : memref<3264xf32, #tpu.memory_space<hbm>>) dst(%arg37 : memref<3264xf32, #tpu.memory_space<vmem>>)
      tpu.yield
    }) : () -> ()
    %mul3A_115 = arith.constant 2 : i32
    %mul3A_116 = arith.muli %mul3A_115, %sub3A_105 : i32
    %add3A_117 = arith.constant 1 : i32
    %add3A_118 = arith.addi %mul3A_116, %add3A_117 : i32
    %mul3A_119 = arith.constant 52224 : i32
    %mul3A_120 = arith.muli %add3A_118, %mul3A_119 : i32
    %mul3A_121 = arith.constant 3264 : i32
    %mul3A_122 = arith.muli %arg1, %mul3A_121 : i32
    %add3A_123 = arith.addi %mul3A_120, %mul3A_122 : i32
    "tpu.region"() ({
      %run_scoped3A = tpu.sem_alloc : memref<!tpu.dma_semaphore, #tpu.memory_space<semaphore_mem>>
      %dma_start3A_138 = tpu.memref_slice %arg6[%add3A_123] : memref<208896xf32, #tpu.memory_space<hbm>> -> memref<3264xf32, #tpu.memory_space<hbm>>
      %dma_start3A_139 = tpu.memref_slice %arg6[%add3A_123] : memref<208896xf32, #tpu.memory_space<hbm>> -> memref<3264xf32, #tpu.memory_space<hbm>>
      tpu.enqueue_dma source(%dma_start3A_139 : memref<3264xf32, #tpu.memory_space<hbm>>) target(%arg34 : memref<3264xf32, #tpu.memory_space<vmem>>) target_semaphore(%run_scoped3A : memref<!tpu.dma_semaphore, #tpu.memory_space<semaphore_mem>>)
      %dma_wait3A_140 = tpu.memref_slice %arg6[%add3A_123] : memref<208896xf32, #tpu.memory_space<hbm>> -> memref<3264xf32, #tpu.memory_space<hbm>>
      %dma_wait3A_141 = tpu.memref_slice %arg6[%add3A_123] : memref<208896xf32, #tpu.memory_space<hbm>> -> memref<3264xf32, #tpu.memory_space<hbm>>
      tpu.wait_dma2 semaphore(%run_scoped3A : memref<!tpu.dma_semaphore, #tpu.memory_space<semaphore_mem>>) src(%dma_wait3A_141 : memref<3264xf32, #tpu.memory_space<hbm>>) dst(%arg34 : memref<3264xf32, #tpu.memory_space<vmem>>)
      tpu.yield
    }) : () -> ()
    %get3A_124 = arith.constant 0 : index
    %get3A_125 = tpu.vector_load %arg38[%get3A_124] {strides = array<i32>} : memref<16xf32, #tpu.memory_space<vmem>>, vector<16xf32>,
    %parallel_loop3A_126 = arith.constant 0 : i32
    %parallel_loop3A_127 = arith.constant 204 : i32
    %parallel_loop3A_128 = arith.constant 1 : i32
    scf.for %parallel_loop3A_138 = %parallel_loop3A_126 to %parallel_loop3A_127 step %parallel_loop3A_128  : i32 {
      %parallel_loop3A_139 = arith.constant 16 : i32
      %parallel_loop3A_140 = arith.muli %parallel_loop3A_138, %parallel_loop3A_139 : i32
      %parallel_loop3A_141 = arith.index_cast %parallel_loop3A_140 : i32 to index
      %parallel_loop3A_142 = tpu.vector_load %arg36[%parallel_loop3A_141] {strides = array<i32>} : memref<3264xf32, #tpu.memory_space<vmem>>, vector<16xf32>,
      %parallel_loop3A_143 = arith.index_cast %parallel_loop3A_140 : i32 to index
      %parallel_loop3A_144 = tpu.vector_load %arg37[%parallel_loop3A_143] {strides = array<i32>} : memref<3264xf32, #tpu.memory_space<vmem>>, vector<16xf32>,
      %parallel_loop3A_145 = arith.addf %parallel_loop3A_142, %parallel_loop3A_144 : vector<16xf32>
      %parallel_loop3A_146 = arith.index_cast %parallel_loop3A_140 : i32 to index
      %parallel_loop3A_147 = tpu.vector_load %arg30[%parallel_loop3A_146] {strides = array<i32>} : memref<3264xf32, #tpu.memory_space<vmem>>, vector<16xf32>,
      %parallel_loop3A_148 = arith.index_cast %parallel_loop3A_140 : i32 to index
      %parallel_loop3A_149 = tpu.vector_load %arg34[%parallel_loop3A_148] {strides = array<i32>} : memref<3264xf32, #tpu.memory_space<vmem>>, vector<16xf32>,
      %parallel_loop3A_150 = arith.addf %parallel_loop3A_147, %parallel_loop3A_149 : vector<16xf32>
      %parallel_loop3A_151 = arith.addf %get3A_125, %parallel_loop3A_150 : vector<16xf32>
      %parallel_loop3A_152 = arith.divf %parallel_loop3A_151, %parallel_loop3A_145 : vector<16xf32>
      %parallel_loop3A_153 = arith.index_cast %parallel_loop3A_140 : i32 to index
      %parallel_loop3A_154 = tpu.vector_load %arg36[%parallel_loop3A_153] {strides = array<i32>} : memref<3264xf32, #tpu.memory_space<vmem>>, vector<16xf32>,
      tpu.vector_store %arg36[%parallel_loop3A_153], %parallel_loop3A_152 {strides = array<i32>} : memref<3264xf32, #tpu.memory_space<vmem>>, vector<16xf32>,
    } {sc.loop_unroll_factor = 4 : i64, sc.parallel_access}
    "tpu.region"() ({
      %run_scoped3A = tpu.sem_alloc : memref<!tpu.dma_semaphore, #tpu.memory_space<semaphore_mem>>
      %dma_start3A_138 = tpu.memref_slice %arg39[%mul3A_107] : memref<52224xf32, #tpu.memory_space<vmem_shared>> -> memref<3264xf32, #tpu.memory_space<vmem_shared>>
      %dma_start3A_139 = tpu.memref_slice %arg39[%mul3A_107] : memref<52224xf32, #tpu.memory_space<vmem_shared>> -> memref<3264xf32, #tpu.memory_space<vmem_shared>>
      tpu.enqueue_dma source(%arg36 : memref<3264xf32, #tpu.memory_space<vmem>>) target(%dma_start3A_139 : memref<3264xf32, #tpu.memory_space<vmem_shared>>) target_semaphore(%run_scoped3A : memref<!tpu.dma_semaphore, #tpu.memory_space<semaphore_mem>>)
      %dma_wait3A_140 = tpu.memref_slice %arg39[%mul3A_107] : memref<52224xf32, #tpu.memory_space<vmem_shared>> -> memref<3264xf32, #tpu.memory_space<vmem_shared>>
      %dma_wait3A_141 = tpu.memref_slice %arg39[%mul3A_107] : memref<52224xf32, #tpu.memory_space<vmem_shared>> -> memref<3264xf32, #tpu.memory_space<vmem_shared>>
      tpu.wait_dma2 semaphore(%run_scoped3A : memref<!tpu.dma_semaphore, #tpu.memory_space<semaphore_mem>>) src(%arg36 : memref<3264xf32, #tpu.memory_space<vmem>>) dst(%dma_wait3A_141 : memref<3264xf32, #tpu.memory_space<vmem_shared>>)
      tpu.yield
    }) : () -> ()
    %barrier3A_129 = arith.constant 0 : index
    tpu.barrier barrier_id(%barrier3A_129)
    %convert_element_type3A_130 = arith.extui %lt3A_50 : i1 to i32
    %cond3A_131 = arith.constant 0 : i32
    %cond3A_132 = arith.cmpi ne, %convert_element_type3A_130, %cond3A_131 : i32
    scf.if %cond3A_132 {
      "tpu.region"() ({
        %run_scoped3A = tpu.sem_alloc : memref<!tpu.dma_semaphore, #tpu.memory_space<semaphore_mem>>
        %dma_start3A_154 = tpu.memref_slice %arg39[%multiple_of3A] : memref<52224xf32, #tpu.memory_space<vmem_shared>> -> memref<2048xf32, #tpu.memory_space<vmem_shared>>
        %dma_start3A_155 = tpu.memref_slice %arg39[%multiple_of3A] : memref<52224xf32, #tpu.memory_space<vmem_shared>> -> memref<2048xf32, #tpu.memory_space<vmem_shared>>
        tpu.enqueue_dma source(%dma_start3A_155 : memref<2048xf32, #tpu.memory_space<vmem_shared>>) target(%arg35 : memref<2048xf32, #tpu.memory_space<vmem>>) target_semaphore(%run_scoped3A : memref<!tpu.dma_semaphore, #tpu.memory_space<semaphore_mem>>)
        %dma_wait3A_156 = tpu.memref_slice %arg39[%multiple_of3A] : memref<52224xf32, #tpu.memory_space<vmem_shared>> -> memref<2048xf32, #tpu.memory_space<vmem_shared>>
        %dma_wait3A_157 = tpu.memref_slice %arg39[%multiple_of3A] : memref<52224xf32, #tpu.memory_space<vmem_shared>> -> memref<2048xf32, #tpu.memory_space<vmem_shared>>
        tpu.wait_dma2 semaphore(%run_scoped3A : memref<!tpu.dma_semaphore, #tpu.memory_space<semaphore_mem>>) src(%dma_wait3A_157 : memref<2048xf32, #tpu.memory_space<vmem_shared>>) dst(%arg35 : memref<2048xf32, #tpu.memory_space<vmem>>)
        tpu.yield
      }) : () -> ()
      %scan3A = arith.constant 0 : i32
      %scan3A_138 = arith.constant 5 : i32
      %scan3A_139 = arith.addi %scan3A, %scan3A_138 : i32
      %scan3A_140 = arith.constant 1 : i32
      scf.for %scan3A_154 = %scan3A to %scan3A_139 step %scan3A_140  : i32 {
        %mul3A_155 = arith.constant 5 : i32
        %mul3A_156 = arith.muli %scan3A_154, %mul3A_155 : i32
        %add3A_157 = arith.constant 0 : i32
        %add3A_158 = arith.addi %add3A_157, %mul3A_156 : i32
        %add3A_159 = arith.constant 0 : i32
        %add3A_160 = arith.addi %add3A_158, %add3A_159 : i32
        %ge3A = arith.constant 2 : i32
        %ge3A_161 = arith.cmpi sge, %add3A_160, %ge3A : i32
        %convert_element_type3A_162 = arith.extui %ge3A_161 : i1 to i32
        %cond3A_163 = arith.constant 0 : i32
        %cond3A_164 = arith.cmpi ne, %convert_element_type3A_162, %cond3A_163 : i32
        scf.if %cond3A_164 {
          %sub3A_333 = arith.constant 2 : i32
          %sub3A_334 = arith.subi %add3A_160, %sub3A_333 : i32
          %mul3A_335 = arith.constant 50000 : i32
          %mul3A_336 = arith.muli %add3A, %mul3A_335 : i32
          %mul3A_337 = arith.constant 2000 : i32
          %mul3A_338 = arith.muli %sub3A_334, %mul3A_337 : i32
          %add3A_339 = arith.addi %mul3A_336, %mul3A_338 : i32
          %dma_wait3A_340 = tpu.memref_slice %arg7[%add3A_339] : memref<1600000xf32, #tpu.memory_space<hbm>> -> memref<2000xf32, #tpu.memory_space<hbm>>
          %dma_wait3A_341 = tpu.memref_slice %arg7[%add3A_339] : memref<1600000xf32, #tpu.memory_space<hbm>> -> memref<2000xf32, #tpu.memory_space<hbm>>
          tpu.wait_dma2 semaphore(%arg49 : memref<!tpu.dma_semaphore, #tpu.memory_space<semaphore_mem>>) src(%arg26 : memref<2000xf32, #tpu.memory_space<vmem>>) dst(%dma_wait3A_341 : memref<2000xf32, #tpu.memory_space<hbm>>)
        } else {
        }
        %add3A_165 = arith.constant 2 : i32
        %add3A_166 = arith.addi %add3A_160, %add3A_165 : i32
        %lt3A_167 = arith.constant 25 : i32
        %lt3A_168 = arith.cmpi slt, %add3A_166, %lt3A_167 : i32
        %convert_element_type3A_169 = arith.extui %lt3A_168 : i1 to i32
        %cond3A_170 = arith.constant 0 : i32
        %cond3A_171 = arith.cmpi ne, %convert_element_type3A_169, %cond3A_170 : i32
        scf.if %cond3A_171 {
          %add3A_333 = arith.constant 2 : i32
          %add3A_334 = arith.addi %add3A_160, %add3A_333 : i32
          %mul3A_335 = arith.constant 50000 : i32
          %mul3A_336 = arith.muli %add3A, %mul3A_335 : i32
          %mul3A_337 = arith.constant 2000 : i32
          %mul3A_338 = arith.muli %add3A_334, %mul3A_337 : i32
          %add3A_339 = arith.addi %mul3A_336, %mul3A_338 : i32
          %dma_start3A_340 = tpu.memref_slice %arg4[%add3A_339] : memref<1600000xi32, #tpu.memory_space<hbm>> -> memref<2000xi32, #tpu.memory_space<hbm>>
          %dma_start3A_341 = tpu.memref_slice %arg4[%add3A_339] : memref<1600000xi32, #tpu.memory_space<hbm>> -> memref<2000xi32, #tpu.memory_space<hbm>>
          tpu.enqueue_dma source(%dma_start3A_341 : memref<2000xi32, #tpu.memory_space<hbm>>) target(%arg10 : memref<2000xi32, #tpu.memory_space<vmem>>) target_semaphore(%arg43 : memref<!tpu.dma_semaphore, #tpu.memory_space<semaphore_mem>>)
          %dma_start3A_342 = tpu.memref_slice %arg2[%add3A_339] : memref<1600000xf32, #tpu.memory_space<hbm>> -> memref<2000xf32, #tpu.memory_space<hbm>>
          %dma_start3A_343 = tpu.memref_slice %arg2[%add3A_339] : memref<1600000xf32, #tpu.memory_space<hbm>> -> memref<2000xf32, #tpu.memory_space<hbm>>
          tpu.enqueue_dma source(%dma_start3A_343 : memref<2000xf32, #tpu.memory_space<hbm>>) target(%arg15 : memref<2000xf32, #tpu.memory_space<vmem>>) target_semaphore(%arg43 : memref<!tpu.dma_semaphore, #tpu.memory_space<semaphore_mem>>)
          %dma_start3A_344 = tpu.memref_slice %arg3[%add3A_339] : memref<1600000xf32, #tpu.memory_space<hbm>> -> memref<2000xf32, #tpu.memory_space<hbm>>
          %dma_start3A_345 = tpu.memref_slice %arg3[%add3A_339] : memref<1600000xf32, #tpu.memory_space<hbm>> -> memref<2000xf32, #tpu.memory_space<hbm>>
          tpu.enqueue_dma source(%dma_start3A_345 : memref<2000xf32, #tpu.memory_space<hbm>>) target(%arg20 : memref<2000xf32, #tpu.memory_space<vmem>>) target_semaphore(%arg43 : memref<!tpu.dma_semaphore, #tpu.memory_space<semaphore_mem>>)
        } else {
        }
        %mul3A_172 = arith.constant 50000 : i32
        %mul3A_173 = arith.muli %add3A, %mul3A_172 : i32
        %mul3A_174 = arith.constant 2000 : i32
        %mul3A_175 = arith.muli %add3A_160, %mul3A_174 : i32
        %add3A_176 = arith.addi %mul3A_173, %mul3A_175 : i32
        %dma_wait3A_177 = tpu.memref_slice %arg4[%add3A_176] : memref<1600000xi32, #tpu.memory_space<hbm>> -> memref<2000xi32, #tpu.memory_space<hbm>>
        %dma_wait3A_178 = tpu.memref_slice %arg4[%add3A_176] : memref<1600000xi32, #tpu.memory_space<hbm>> -> memref<2000xi32, #tpu.memory_space<hbm>>
        tpu.wait_dma2 semaphore(%arg41 : memref<!tpu.dma_semaphore, #tpu.memory_space<semaphore_mem>>) src(%dma_wait3A_178 : memref<2000xi32, #tpu.memory_space<hbm>>) dst(%arg8 : memref<2000xi32, #tpu.memory_space<vmem>>)
        %dma_wait3A_179 = tpu.memref_slice %arg2[%add3A_176] : memref<1600000xf32, #tpu.memory_space<hbm>> -> memref<2000xf32, #tpu.memory_space<hbm>>
        %dma_wait3A_180 = tpu.memref_slice %arg2[%add3A_176] : memref<1600000xf32, #tpu.memory_space<hbm>> -> memref<2000xf32, #tpu.memory_space<hbm>>
        tpu.wait_dma2 semaphore(%arg41 : memref<!tpu.dma_semaphore, #tpu.memory_space<semaphore_mem>>) src(%dma_wait3A_180 : memref<2000xf32, #tpu.memory_space<hbm>>) dst(%arg13 : memref<2000xf32, #tpu.memory_space<vmem>>)
        %dma_wait3A_181 = tpu.memref_slice %arg3[%add3A_176] : memref<1600000xf32, #tpu.memory_space<hbm>> -> memref<2000xf32, #tpu.memory_space<hbm>>
        %dma_wait3A_182 = tpu.memref_slice %arg3[%add3A_176] : memref<1600000xf32, #tpu.memory_space<hbm>> -> memref<2000xf32, #tpu.memory_space<hbm>>
        tpu.wait_dma2 semaphore(%arg41 : memref<!tpu.dma_semaphore, #tpu.memory_space<semaphore_mem>>) src(%dma_wait3A_182 : memref<2000xf32, #tpu.memory_space<hbm>>) dst(%arg18 : memref<2000xf32, #tpu.memory_space<vmem>>)
        %parallel_loop3A_183 = arith.constant 0 : i32
        %parallel_loop3A_184 = arith.constant 125 : i32
        %parallel_loop3A_185 = arith.constant 1 : i32
        scf.for %parallel_loop3A_333 = %parallel_loop3A_183 to %parallel_loop3A_184 step %parallel_loop3A_185  : i32 {
          %parallel_loop3A_334 = arith.constant 16 : i32
          %parallel_loop3A_335 = arith.muli %parallel_loop3A_333, %parallel_loop3A_334 : i32
          %parallel_loop3A_336 = arith.index_cast %parallel_loop3A_335 : i32 to index
          %parallel_loop3A_337 = tpu.vector_load %arg8[%parallel_loop3A_336] {strides = array<i32>} : memref<2000xi32, #tpu.memory_space<vmem>>, vector<16xi32>,
          %parallel_loop3A_338 = vector.broadcast %multiple_of3A : i32 to vector<16xi32>
          %parallel_loop3A_339 = arith.subi %parallel_loop3A_337, %parallel_loop3A_338 : vector<16xi32>
          %parallel_loop3A_340 = tpu.vector_load_idx %arg35[%parallel_loop3A_339] : memref<2048xf32, #tpu.memory_space<vmem>>[vector<16xi32>], vector<16xf32>,
          %parallel_loop3A_341 = arith.index_cast %parallel_loop3A_335 : i32 to index
          %parallel_loop3A_342 = tpu.vector_load %arg13[%parallel_loop3A_341] {strides = array<i32>} : memref<2000xf32, #tpu.memory_space<vmem>>, vector<16xf32>,
          %parallel_loop3A_343 = arith.subf %parallel_loop3A_340, %parallel_loop3A_342 : vector<16xf32>
          %parallel_loop3A_344 = arith.index_cast %parallel_loop3A_335 : i32 to index
          %parallel_loop3A_345 = tpu.vector_load %arg18[%parallel_loop3A_344] {strides = array<i32>} : memref<2000xf32, #tpu.memory_space<vmem>>, vector<16xf32>,
          %parallel_loop3A_346 = arith.divf %parallel_loop3A_343, %parallel_loop3A_345 : vector<16xf32>
          %parallel_loop3A_347 = arith.index_cast %parallel_loop3A_335 : i32 to index
          %parallel_loop3A_348 = tpu.vector_load %arg23[%parallel_loop3A_347] {strides = array<i32>} : memref<2000xf32, #tpu.memory_space<vmem>>, vector<16xf32>,
          tpu.vector_store %arg23[%parallel_loop3A_347], %parallel_loop3A_346 {strides = array<i32>} : memref<2000xf32, #tpu.memory_space<vmem>>, vector<16xf32>,
        } {sc.loop_unroll_factor = 5 : i64, sc.parallel_access}
        %mul3A_186 = arith.constant 50000 : i32
        %mul3A_187 = arith.muli %add3A, %mul3A_186 : i32
        %mul3A_188 = arith.constant 2000 : i32
        %mul3A_189 = arith.muli %add3A_160, %mul3A_188 : i32
        %add3A_190 = arith.addi %mul3A_187, %mul3A_189 : i32
        %dma_start3A_191 = tpu.memref_slice %arg7[%add3A_190] : memref<1600000xf32, #tpu.memory_space<hbm>> -> memref<2000xf32, #tpu.memory_space<hbm>>
        %dma_start3A_192 = tpu.memref_slice %arg7[%add3A_190] : memref<1600000xf32, #tpu.memory_space<hbm>> -> memref<2000xf32, #tpu.memory_space<hbm>>
        tpu.enqueue_dma source(%arg23 : memref<2000xf32, #tpu.memory_space<vmem>>) target(%dma_start3A_192 : memref<2000xf32, #tpu.memory_space<hbm>>) target_semaphore(%arg46 : memref<!tpu.dma_semaphore, #tpu.memory_space<semaphore_mem>>)
        %add3A_193 = arith.constant 1 : i32
        %add3A_194 = arith.addi %add3A_158, %add3A_193 : i32
        %ge3A_195 = arith.constant 2 : i32
        %ge3A_196 = arith.cmpi sge, %add3A_194, %ge3A_195 : i32
        %convert_element_type3A_197 = arith.extui %ge3A_196 : i1 to i32
        %cond3A_198 = arith.constant 0 : i32
        %cond3A_199 = arith.cmpi ne, %convert_element_type3A_197, %cond3A_198 : i32
        scf.if %cond3A_199 {
          %sub3A_333 = arith.constant 2 : i32
          %sub3A_334 = arith.subi %add3A_194, %sub3A_333 : i32
          %mul3A_335 = arith.constant 50000 : i32
          %mul3A_336 = arith.muli %add3A, %mul3A_335 : i32
          %mul3A_337 = arith.constant 2000 : i32
          %mul3A_338 = arith.muli %sub3A_334, %mul3A_337 : i32
          %add3A_339 = arith.addi %mul3A_336, %mul3A_338 : i32
          %dma_wait3A_340 = tpu.memref_slice %arg7[%add3A_339] : memref<1600000xf32, #tpu.memory_space<hbm>> -> memref<2000xf32, #tpu.memory_space<hbm>>
          %dma_wait3A_341 = tpu.memref_slice %arg7[%add3A_339] : memref<1600000xf32, #tpu.memory_space<hbm>> -> memref<2000xf32, #tpu.memory_space<hbm>>
          tpu.wait_dma2 semaphore(%arg50 : memref<!tpu.dma_semaphore, #tpu.memory_space<semaphore_mem>>) src(%arg27 : memref<2000xf32, #tpu.memory_space<vmem>>) dst(%dma_wait3A_341 : memref<2000xf32, #tpu.memory_space<hbm>>)
        } else {
        }
        %add3A_200 = arith.constant 2 : i32
        %add3A_201 = arith.addi %add3A_194, %add3A_200 : i32
        %lt3A_202 = arith.constant 25 : i32
        %lt3A_203 = arith.cmpi slt, %add3A_201, %lt3A_202 : i32
        %convert_element_type3A_204 = arith.extui %lt3A_203 : i1 to i32
        %cond3A_205 = arith.constant 0 : i32
        %cond3A_206 = arith.cmpi ne, %convert_element_type3A_204, %cond3A_205 : i32
        scf.if %cond3A_206 {
          %add3A_333 = arith.constant 2 : i32
          %add3A_334 = arith.addi %add3A_194, %add3A_333 : i32
          %mul3A_335 = arith.constant 50000 : i32
          %mul3A_336 = arith.muli %add3A, %mul3A_335 : i32
          %mul3A_337 = arith.constant 2000 : i32
          %mul3A_338 = arith.muli %add3A_334, %mul3A_337 : i32
          %add3A_339 = arith.addi %mul3A_336, %mul3A_338 : i32
          %dma_start3A_340 = tpu.memref_slice %arg4[%add3A_339] : memref<1600000xi32, #tpu.memory_space<hbm>> -> memref<2000xi32, #tpu.memory_space<hbm>>
          %dma_start3A_341 = tpu.memref_slice %arg4[%add3A_339] : memref<1600000xi32, #tpu.memory_space<hbm>> -> memref<2000xi32, #tpu.memory_space<hbm>>
          tpu.enqueue_dma source(%dma_start3A_341 : memref<2000xi32, #tpu.memory_space<hbm>>) target(%arg11 : memref<2000xi32, #tpu.memory_space<vmem>>) target_semaphore(%arg44 : memref<!tpu.dma_semaphore, #tpu.memory_space<semaphore_mem>>)
          %dma_start3A_342 = tpu.memref_slice %arg2[%add3A_339] : memref<1600000xf32, #tpu.memory_space<hbm>> -> memref<2000xf32, #tpu.memory_space<hbm>>
          %dma_start3A_343 = tpu.memref_slice %arg2[%add3A_339] : memref<1600000xf32, #tpu.memory_space<hbm>> -> memref<2000xf32, #tpu.memory_space<hbm>>
          tpu.enqueue_dma source(%dma_start3A_343 : memref<2000xf32, #tpu.memory_space<hbm>>) target(%arg16 : memref<2000xf32, #tpu.memory_space<vmem>>) target_semaphore(%arg44 : memref<!tpu.dma_semaphore, #tpu.memory_space<semaphore_mem>>)
          %dma_start3A_344 = tpu.memref_slice %arg3[%add3A_339] : memref<1600000xf32, #tpu.memory_space<hbm>> -> memref<2000xf32, #tpu.memory_space<hbm>>
          %dma_start3A_345 = tpu.memref_slice %arg3[%add3A_339] : memref<1600000xf32, #tpu.memory_space<hbm>> -> memref<2000xf32, #tpu.memory_space<hbm>>
          tpu.enqueue_dma source(%dma_start3A_345 : memref<2000xf32, #tpu.memory_space<hbm>>) target(%arg21 : memref<2000xf32, #tpu.memory_space<vmem>>) target_semaphore(%arg44 : memref<!tpu.dma_semaphore, #tpu.memory_space<semaphore_mem>>)
        } else {
        }
        %mul3A_207 = arith.constant 50000 : i32
        %mul3A_208 = arith.muli %add3A, %mul3A_207 : i32
        %mul3A_209 = arith.constant 2000 : i32
        %mul3A_210 = arith.muli %add3A_194, %mul3A_209 : i32
        %add3A_211 = arith.addi %mul3A_208, %mul3A_210 : i32
        %dma_wait3A_212 = tpu.memref_slice %arg4[%add3A_211] : memref<1600000xi32, #tpu.memory_space<hbm>> -> memref<2000xi32, #tpu.memory_space<hbm>>
        %dma_wait3A_213 = tpu.memref_slice %arg4[%add3A_211] : memref<1600000xi32, #tpu.memory_space<hbm>> -> memref<2000xi32, #tpu.memory_space<hbm>>
        tpu.wait_dma2 semaphore(%arg42 : memref<!tpu.dma_semaphore, #tpu.memory_space<semaphore_mem>>) src(%dma_wait3A_213 : memref<2000xi32, #tpu.memory_space<hbm>>) dst(%arg9 : memref<2000xi32, #tpu.memory_space<vmem>>)
        %dma_wait3A_214 = tpu.memref_slice %arg2[%add3A_211] : memref<1600000xf32, #tpu.memory_space<hbm>> -> memref<2000xf32, #tpu.memory_space<hbm>>
        %dma_wait3A_215 = tpu.memref_slice %arg2[%add3A_211] : memref<1600000xf32, #tpu.memory_space<hbm>> -> memref<2000xf32, #tpu.memory_space<hbm>>
        tpu.wait_dma2 semaphore(%arg42 : memref<!tpu.dma_semaphore, #tpu.memory_space<semaphore_mem>>) src(%dma_wait3A_215 : memref<2000xf32, #tpu.memory_space<hbm>>) dst(%arg14 : memref<2000xf32, #tpu.memory_space<vmem>>)
        %dma_wait3A_216 = tpu.memref_slice %arg3[%add3A_211] : memref<1600000xf32, #tpu.memory_space<hbm>> -> memref<2000xf32, #tpu.memory_space<hbm>>
        %dma_wait3A_217 = tpu.memref_slice %arg3[%add3A_211] : memref<1600000xf32, #tpu.memory_space<hbm>> -> memref<2000xf32, #tpu.memory_space<hbm>>
        tpu.wait_dma2 semaphore(%arg42 : memref<!tpu.dma_semaphore, #tpu.memory_space<semaphore_mem>>) src(%dma_wait3A_217 : memref<2000xf32, #tpu.memory_space<hbm>>) dst(%arg19 : memref<2000xf32, #tpu.memory_space<vmem>>)
        %parallel_loop3A_218 = arith.constant 0 : i32
        %parallel_loop3A_219 = arith.constant 125 : i32
        %parallel_loop3A_220 = arith.constant 1 : i32
        scf.for %parallel_loop3A_333 = %parallel_loop3A_218 to %parallel_loop3A_219 step %parallel_loop3A_220  : i32 {
          %parallel_loop3A_334 = arith.constant 16 : i32
          %parallel_loop3A_335 = arith.muli %parallel_loop3A_333, %parallel_loop3A_334 : i32
          %parallel_loop3A_336 = arith.index_cast %parallel_loop3A_335 : i32 to index
          %parallel_loop3A_337 = tpu.vector_load %arg9[%parallel_loop3A_336] {strides = array<i32>} : memref<2000xi32, #tpu.memory_space<vmem>>, vector<16xi32>,
          %parallel_loop3A_338 = vector.broadcast %multiple_of3A : i32 to vector<16xi32>
          %parallel_loop3A_339 = arith.subi %parallel_loop3A_337, %parallel_loop3A_338 : vector<16xi32>
          %parallel_loop3A_340 = tpu.vector_load_idx %arg35[%parallel_loop3A_339] : memref<2048xf32, #tpu.memory_space<vmem>>[vector<16xi32>], vector<16xf32>,
          %parallel_loop3A_341 = arith.index_cast %parallel_loop3A_335 : i32 to index
          %parallel_loop3A_342 = tpu.vector_load %arg14[%parallel_loop3A_341] {strides = array<i32>} : memref<2000xf32, #tpu.memory_space<vmem>>, vector<16xf32>,
          %parallel_loop3A_343 = arith.subf %parallel_loop3A_340, %parallel_loop3A_342 : vector<16xf32>
          %parallel_loop3A_344 = arith.index_cast %parallel_loop3A_335 : i32 to index
          %parallel_loop3A_345 = tpu.vector_load %arg19[%parallel_loop3A_344] {strides = array<i32>} : memref<2000xf32, #tpu.memory_space<vmem>>, vector<16xf32>,
          %parallel_loop3A_346 = arith.divf %parallel_loop3A_343, %parallel_loop3A_345 : vector<16xf32>
          %parallel_loop3A_347 = arith.index_cast %parallel_loop3A_335 : i32 to index
          %parallel_loop3A_348 = tpu.vector_load %arg24[%parallel_loop3A_347] {strides = array<i32>} : memref<2000xf32, #tpu.memory_space<vmem>>, vector<16xf32>,
          tpu.vector_store %arg24[%parallel_loop3A_347], %parallel_loop3A_346 {strides = array<i32>} : memref<2000xf32, #tpu.memory_space<vmem>>, vector<16xf32>,
        } {sc.loop_unroll_factor = 5 : i64, sc.parallel_access}
        %mul3A_221 = arith.constant 50000 : i32
        %mul3A_222 = arith.muli %add3A, %mul3A_221 : i32
        %mul3A_223 = arith.constant 2000 : i32
        %mul3A_224 = arith.muli %add3A_194, %mul3A_223 : i32
        %add3A_225 = arith.addi %mul3A_222, %mul3A_224 : i32
        %dma_start3A_226 = tpu.memref_slice %arg7[%add3A_225] : memref<1600000xf32, #tpu.memory_space<hbm>> -> memref<2000xf32, #tpu.memory_space<hbm>>
        %dma_start3A_227 = tpu.memref_slice %arg7[%add3A_225] : memref<1600000xf32, #tpu.memory_space<hbm>> -> memref<2000xf32, #tpu.memory_space<hbm>>
        tpu.enqueue_dma source(%arg24 : memref<2000xf32, #tpu.memory_space<vmem>>) target(%dma_start3A_227 : memref<2000xf32, #tpu.memory_space<hbm>>) target_semaphore(%arg47 : memref<!tpu.dma_semaphore, #tpu.memory_space<semaphore_mem>>)
        %add3A_228 = arith.constant 2 : i32
        %add3A_229 = arith.addi %add3A_158, %add3A_228 : i32
        %ge3A_230 = arith.constant 2 : i32
        %ge3A_231 = arith.cmpi sge, %add3A_229, %ge3A_230 : i32
        %convert_element_type3A_232 = arith.extui %ge3A_231 : i1 to i32
        %cond3A_233 = arith.constant 0 : i32
        %cond3A_234 = arith.cmpi ne, %convert_element_type3A_232, %cond3A_233 : i32
        scf.if %cond3A_234 {
          %sub3A_333 = arith.constant 2 : i32
          %sub3A_334 = arith.subi %add3A_229, %sub3A_333 : i32
          %mul3A_335 = arith.constant 50000 : i32
          %mul3A_336 = arith.muli %add3A, %mul3A_335 : i32
          %mul3A_337 = arith.constant 2000 : i32
          %mul3A_338 = arith.muli %sub3A_334, %mul3A_337 : i32
          %add3A_339 = arith.addi %mul3A_336, %mul3A_338 : i32
          %dma_wait3A_340 = tpu.memref_slice %arg7[%add3A_339] : memref<1600000xf32, #tpu.memory_space<hbm>> -> memref<2000xf32, #tpu.memory_space<hbm>>
          %dma_wait3A_341 = tpu.memref_slice %arg7[%add3A_339] : memref<1600000xf32, #tpu.memory_space<hbm>> -> memref<2000xf32, #tpu.memory_space<hbm>>
          tpu.wait_dma2 semaphore(%arg46 : memref<!tpu.dma_semaphore, #tpu.memory_space<semaphore_mem>>) src(%arg23 : memref<2000xf32, #tpu.memory_space<vmem>>) dst(%dma_wait3A_341 : memref<2000xf32, #tpu.memory_space<hbm>>)
        } else {
        }
        %add3A_235 = arith.constant 2 : i32
        %add3A_236 = arith.addi %add3A_229, %add3A_235 : i32
        %lt3A_237 = arith.constant 25 : i32
        %lt3A_238 = arith.cmpi slt, %add3A_236, %lt3A_237 : i32
        %convert_element_type3A_239 = arith.extui %lt3A_238 : i1 to i32
        %cond3A_240 = arith.constant 0 : i32
        %cond3A_241 = arith.cmpi ne, %convert_element_type3A_239, %cond3A_240 : i32
        scf.if %cond3A_241 {
          %add3A_333 = arith.constant 2 : i32
          %add3A_334 = arith.addi %add3A_229, %add3A_333 : i32
          %mul3A_335 = arith.constant 50000 : i32
          %mul3A_336 = arith.muli %add3A, %mul3A_335 : i32
          %mul3A_337 = arith.constant 2000 : i32
          %mul3A_338 = arith.muli %add3A_334, %mul3A_337 : i32
          %add3A_339 = arith.addi %mul3A_336, %mul3A_338 : i32
          %dma_start3A_340 = tpu.memref_slice %arg4[%add3A_339] : memref<1600000xi32, #tpu.memory_space<hbm>> -> memref<2000xi32, #tpu.memory_space<hbm>>
          %dma_start3A_341 = tpu.memref_slice %arg4[%add3A_339] : memref<1600000xi32, #tpu.memory_space<hbm>> -> memref<2000xi32, #tpu.memory_space<hbm>>
          tpu.enqueue_dma source(%dma_start3A_341 : memref<2000xi32, #tpu.memory_space<hbm>>) target(%arg12 : memref<2000xi32, #tpu.memory_space<vmem>>) target_semaphore(%arg45 : memref<!tpu.dma_semaphore, #tpu.memory_space<semaphore_mem>>)
          %dma_start3A_342 = tpu.memref_slice %arg2[%add3A_339] : memref<1600000xf32, #tpu.memory_space<hbm>> -> memref<2000xf32, #tpu.memory_space<hbm>>
          %dma_start3A_343 = tpu.memref_slice %arg2[%add3A_339] : memref<1600000xf32, #tpu.memory_space<hbm>> -> memref<2000xf32, #tpu.memory_space<hbm>>
          tpu.enqueue_dma source(%dma_start3A_343 : memref<2000xf32, #tpu.memory_space<hbm>>) target(%arg17 : memref<2000xf32, #tpu.memory_space<vmem>>) target_semaphore(%arg45 : memref<!tpu.dma_semaphore, #tpu.memory_space<semaphore_mem>>)
          %dma_start3A_344 = tpu.memref_slice %arg3[%add3A_339] : memref<1600000xf32, #tpu.memory_space<hbm>> -> memref<2000xf32, #tpu.memory_space<hbm>>
          %dma_start3A_345 = tpu.memref_slice %arg3[%add3A_339] : memref<1600000xf32, #tpu.memory_space<hbm>> -> memref<2000xf32, #tpu.memory_space<hbm>>
          tpu.enqueue_dma source(%dma_start3A_345 : memref<2000xf32, #tpu.memory_space<hbm>>) target(%arg22 : memref<2000xf32, #tpu.memory_space<vmem>>) target_semaphore(%arg45 : memref<!tpu.dma_semaphore, #tpu.memory_space<semaphore_mem>>)
        } else {
        }
        %mul3A_242 = arith.constant 50000 : i32
        %mul3A_243 = arith.muli %add3A, %mul3A_242 : i32
        %mul3A_244 = arith.constant 2000 : i32
        %mul3A_245 = arith.muli %add3A_229, %mul3A_244 : i32
        %add3A_246 = arith.addi %mul3A_243, %mul3A_245 : i32
        %dma_wait3A_247 = tpu.memref_slice %arg4[%add3A_246] : memref<1600000xi32, #tpu.memory_space<hbm>> -> memref<2000xi32, #tpu.memory_space<hbm>>
        %dma_wait3A_248 = tpu.memref_slice %arg4[%add3A_246] : memref<1600000xi32, #tpu.memory_space<hbm>> -> memref<2000xi32, #tpu.memory_space<hbm>>
        tpu.wait_dma2 semaphore(%arg43 : memref<!tpu.dma_semaphore, #tpu.memory_space<semaphore_mem>>) src(%dma_wait3A_248 : memref<2000xi32, #tpu.memory_space<hbm>>) dst(%arg10 : memref<2000xi32, #tpu.memory_space<vmem>>)
        %dma_wait3A_249 = tpu.memref_slice %arg2[%add3A_246] : memref<1600000xf32, #tpu.memory_space<hbm>> -> memref<2000xf32, #tpu.memory_space<hbm>>
        %dma_wait3A_250 = tpu.memref_slice %arg2[%add3A_246] : memref<1600000xf32, #tpu.memory_space<hbm>> -> memref<2000xf32, #tpu.memory_space<hbm>>
        tpu.wait_dma2 semaphore(%arg43 : memref<!tpu.dma_semaphore, #tpu.memory_space<semaphore_mem>>) src(%dma_wait3A_250 : memref<2000xf32, #tpu.memory_space<hbm>>) dst(%arg15 : memref<2000xf32, #tpu.memory_space<vmem>>)
        %dma_wait3A_251 = tpu.memref_slice %arg3[%add3A_246] : memref<1600000xf32, #tpu.memory_space<hbm>> -> memref<2000xf32, #tpu.memory_space<hbm>>
        %dma_wait3A_252 = tpu.memref_slice %arg3[%add3A_246] : memref<1600000xf32, #tpu.memory_space<hbm>> -> memref<2000xf32, #tpu.memory_space<hbm>>
        tpu.wait_dma2 semaphore(%arg43 : memref<!tpu.dma_semaphore, #tpu.memory_space<semaphore_mem>>) src(%dma_wait3A_252 : memref<2000xf32, #tpu.memory_space<hbm>>) dst(%arg20 : memref<2000xf32, #tpu.memory_space<vmem>>)
        %parallel_loop3A_253 = arith.constant 0 : i32
        %parallel_loop3A_254 = arith.constant 125 : i32
        %parallel_loop3A_255 = arith.constant 1 : i32
        scf.for %parallel_loop3A_333 = %parallel_loop3A_253 to %parallel_loop3A_254 step %parallel_loop3A_255  : i32 {
          %parallel_loop3A_334 = arith.constant 16 : i32
          %parallel_loop3A_335 = arith.muli %parallel_loop3A_333, %parallel_loop3A_334 : i32
          %parallel_loop3A_336 = arith.index_cast %parallel_loop3A_335 : i32 to index
          %parallel_loop3A_337 = tpu.vector_load %arg10[%parallel_loop3A_336] {strides = array<i32>} : memref<2000xi32, #tpu.memory_space<vmem>>, vector<16xi32>,
          %parallel_loop3A_338 = vector.broadcast %multiple_of3A : i32 to vector<16xi32>
          %parallel_loop3A_339 = arith.subi %parallel_loop3A_337, %parallel_loop3A_338 : vector<16xi32>
          %parallel_loop3A_340 = tpu.vector_load_idx %arg35[%parallel_loop3A_339] : memref<2048xf32, #tpu.memory_space<vmem>>[vector<16xi32>], vector<16xf32>,
          %parallel_loop3A_341 = arith.index_cast %parallel_loop3A_335 : i32 to index
          %parallel_loop3A_342 = tpu.vector_load %arg15[%parallel_loop3A_341] {strides = array<i32>} : memref<2000xf32, #tpu.memory_space<vmem>>, vector<16xf32>,
          %parallel_loop3A_343 = arith.subf %parallel_loop3A_340, %parallel_loop3A_342 : vector<16xf32>
          %parallel_loop3A_344 = arith.index_cast %parallel_loop3A_335 : i32 to index
          %parallel_loop3A_345 = tpu.vector_load %arg20[%parallel_loop3A_344] {strides = array<i32>} : memref<2000xf32, #tpu.memory_space<vmem>>, vector<16xf32>,
          %parallel_loop3A_346 = arith.divf %parallel_loop3A_343, %parallel_loop3A_345 : vector<16xf32>
          %parallel_loop3A_347 = arith.index_cast %parallel_loop3A_335 : i32 to index
          %parallel_loop3A_348 = tpu.vector_load %arg25[%parallel_loop3A_347] {strides = array<i32>} : memref<2000xf32, #tpu.memory_space<vmem>>, vector<16xf32>,
          tpu.vector_store %arg25[%parallel_loop3A_347], %parallel_loop3A_346 {strides = array<i32>} : memref<2000xf32, #tpu.memory_space<vmem>>, vector<16xf32>,
        } {sc.loop_unroll_factor = 5 : i64, sc.parallel_access}
        %mul3A_256 = arith.constant 50000 : i32
        %mul3A_257 = arith.muli %add3A, %mul3A_256 : i32
        %mul3A_258 = arith.constant 2000 : i32
        %mul3A_259 = arith.muli %add3A_229, %mul3A_258 : i32
        %add3A_260 = arith.addi %mul3A_257, %mul3A_259 : i32
        %dma_start3A_261 = tpu.memref_slice %arg7[%add3A_260] : memref<1600000xf32, #tpu.memory_space<hbm>> -> memref<2000xf32, #tpu.memory_space<hbm>>
        %dma_start3A_262 = tpu.memref_slice %arg7[%add3A_260] : memref<1600000xf32, #tpu.memory_space<hbm>> -> memref<2000xf32, #tpu.memory_space<hbm>>
        tpu.enqueue_dma source(%arg25 : memref<2000xf32, #tpu.memory_space<vmem>>) target(%dma_start3A_262 : memref<2000xf32, #tpu.memory_space<hbm>>) target_semaphore(%arg48 : memref<!tpu.dma_semaphore, #tpu.memory_space<semaphore_mem>>)
        %add3A_263 = arith.constant 3 : i32
        %add3A_264 = arith.addi %add3A_158, %add3A_263 : i32
        %ge3A_265 = arith.constant 2 : i32
        %ge3A_266 = arith.cmpi sge, %add3A_264, %ge3A_265 : i32
        %convert_element_type3A_267 = arith.extui %ge3A_266 : i1 to i32
        %cond3A_268 = arith.constant 0 : i32
        %cond3A_269 = arith.cmpi ne, %convert_element_type3A_267, %cond3A_268 : i32
        scf.if %cond3A_269 {
          %sub3A_333 = arith.constant 2 : i32
          %sub3A_334 = arith.subi %add3A_264, %sub3A_333 : i32
          %mul3A_335 = arith.constant 50000 : i32
          %mul3A_336 = arith.muli %add3A, %mul3A_335 : i32
          %mul3A_337 = arith.constant 2000 : i32
          %mul3A_338 = arith.muli %sub3A_334, %mul3A_337 : i32
          %add3A_339 = arith.addi %mul3A_336, %mul3A_338 : i32
          %dma_wait3A_340 = tpu.memref_slice %arg7[%add3A_339] : memref<1600000xf32, #tpu.memory_space<hbm>> -> memref<2000xf32, #tpu.memory_space<hbm>>
          %dma_wait3A_341 = tpu.memref_slice %arg7[%add3A_339] : memref<1600000xf32, #tpu.memory_space<hbm>> -> memref<2000xf32, #tpu.memory_space<hbm>>
          tpu.wait_dma2 semaphore(%arg47 : memref<!tpu.dma_semaphore, #tpu.memory_space<semaphore_mem>>) src(%arg24 : memref<2000xf32, #tpu.memory_space<vmem>>) dst(%dma_wait3A_341 : memref<2000xf32, #tpu.memory_space<hbm>>)
        } else {
        }
        %add3A_270 = arith.constant 2 : i32
        %add3A_271 = arith.addi %add3A_264, %add3A_270 : i32
        %lt3A_272 = arith.constant 25 : i32
        %lt3A_273 = arith.cmpi slt, %add3A_271, %lt3A_272 : i32
        %convert_element_type3A_274 = arith.extui %lt3A_273 : i1 to i32
        %cond3A_275 = arith.constant 0 : i32
        %cond3A_276 = arith.cmpi ne, %convert_element_type3A_274, %cond3A_275 : i32
        scf.if %cond3A_276 {
          %add3A_333 = arith.constant 2 : i32
          %add3A_334 = arith.addi %add3A_264, %add3A_333 : i32
          %mul3A_335 = arith.constant 50000 : i32
          %mul3A_336 = arith.muli %add3A, %mul3A_335 : i32
          %mul3A_337 = arith.constant 2000 : i32
          %mul3A_338 = arith.muli %add3A_334, %mul3A_337 : i32
          %add3A_339 = arith.addi %mul3A_336, %mul3A_338 : i32
          %dma_start3A_340 = tpu.memref_slice %arg4[%add3A_339] : memref<1600000xi32, #tpu.memory_space<hbm>> -> memref<2000xi32, #tpu.memory_space<hbm>>
          %dma_start3A_341 = tpu.memref_slice %arg4[%add3A_339] : memref<1600000xi32, #tpu.memory_space<hbm>> -> memref<2000xi32, #tpu.memory_space<hbm>>
          tpu.enqueue_dma source(%dma_start3A_341 : memref<2000xi32, #tpu.memory_space<hbm>>) target(%arg8 : memref<2000xi32, #tpu.memory_space<vmem>>) target_semaphore(%arg41 : memref<!tpu.dma_semaphore, #tpu.memory_space<semaphore_mem>>)
          %dma_start3A_342 = tpu.memref_slice %arg2[%add3A_339] : memref<1600000xf32, #tpu.memory_space<hbm>> -> memref<2000xf32, #tpu.memory_space<hbm>>
          %dma_start3A_343 = tpu.memref_slice %arg2[%add3A_339] : memref<1600000xf32, #tpu.memory_space<hbm>> -> memref<2000xf32, #tpu.memory_space<hbm>>
          tpu.enqueue_dma source(%dma_start3A_343 : memref<2000xf32, #tpu.memory_space<hbm>>) target(%arg13 : memref<2000xf32, #tpu.memory_space<vmem>>) target_semaphore(%arg41 : memref<!tpu.dma_semaphore, #tpu.memory_space<semaphore_mem>>)
          %dma_start3A_344 = tpu.memref_slice %arg3[%add3A_339] : memref<1600000xf32, #tpu.memory_space<hbm>> -> memref<2000xf32, #tpu.memory_space<hbm>>
          %dma_start3A_345 = tpu.memref_slice %arg3[%add3A_339] : memref<1600000xf32, #tpu.memory_space<hbm>> -> memref<2000xf32, #tpu.memory_space<hbm>>
          tpu.enqueue_dma source(%dma_start3A_345 : memref<2000xf32, #tpu.memory_space<hbm>>) target(%arg18 : memref<2000xf32, #tpu.memory_space<vmem>>) target_semaphore(%arg41 : memref<!tpu.dma_semaphore, #tpu.memory_space<semaphore_mem>>)
        } else {
        }
        %mul3A_277 = arith.constant 50000 : i32
        %mul3A_278 = arith.muli %add3A, %mul3A_277 : i32
        %mul3A_279 = arith.constant 2000 : i32
        %mul3A_280 = arith.muli %add3A_264, %mul3A_279 : i32
        %add3A_281 = arith.addi %mul3A_278, %mul3A_280 : i32
        %dma_wait3A_282 = tpu.memref_slice %arg4[%add3A_281] : memref<1600000xi32, #tpu.memory_space<hbm>> -> memref<2000xi32, #tpu.memory_space<hbm>>
        %dma_wait3A_283 = tpu.memref_slice %arg4[%add3A_281] : memref<1600000xi32, #tpu.memory_space<hbm>> -> memref<2000xi32, #tpu.memory_space<hbm>>
        tpu.wait_dma2 semaphore(%arg44 : memref<!tpu.dma_semaphore, #tpu.memory_space<semaphore_mem>>) src(%dma_wait3A_283 : memref<2000xi32, #tpu.memory_space<hbm>>) dst(%arg11 : memref<2000xi32, #tpu.memory_space<vmem>>)
        %dma_wait3A_284 = tpu.memref_slice %arg2[%add3A_281] : memref<1600000xf32, #tpu.memory_space<hbm>> -> memref<2000xf32, #tpu.memory_space<hbm>>
        %dma_wait3A_285 = tpu.memref_slice %arg2[%add3A_281] : memref<1600000xf32, #tpu.memory_space<hbm>> -> memref<2000xf32, #tpu.memory_space<hbm>>
        tpu.wait_dma2 semaphore(%arg44 : memref<!tpu.dma_semaphore, #tpu.memory_space<semaphore_mem>>) src(%dma_wait3A_285 : memref<2000xf32, #tpu.memory_space<hbm>>) dst(%arg16 : memref<2000xf32, #tpu.memory_space<vmem>>)
        %dma_wait3A_286 = tpu.memref_slice %arg3[%add3A_281] : memref<1600000xf32, #tpu.memory_space<hbm>> -> memref<2000xf32, #tpu.memory_space<hbm>>
        %dma_wait3A_287 = tpu.memref_slice %arg3[%add3A_281] : memref<1600000xf32, #tpu.memory_space<hbm>> -> memref<2000xf32, #tpu.memory_space<hbm>>
        tpu.wait_dma2 semaphore(%arg44 : memref<!tpu.dma_semaphore, #tpu.memory_space<semaphore_mem>>) src(%dma_wait3A_287 : memref<2000xf32, #tpu.memory_space<hbm>>) dst(%arg21 : memref<2000xf32, #tpu.memory_space<vmem>>)
        %parallel_loop3A_288 = arith.constant 0 : i32
        %parallel_loop3A_289 = arith.constant 125 : i32
        %parallel_loop3A_290 = arith.constant 1 : i32
        scf.for %parallel_loop3A_333 = %parallel_loop3A_288 to %parallel_loop3A_289 step %parallel_loop3A_290  : i32 {
          %parallel_loop3A_334 = arith.constant 16 : i32
          %parallel_loop3A_335 = arith.muli %parallel_loop3A_333, %parallel_loop3A_334 : i32
          %parallel_loop3A_336 = arith.index_cast %parallel_loop3A_335 : i32 to index
          %parallel_loop3A_337 = tpu.vector_load %arg11[%parallel_loop3A_336] {strides = array<i32>} : memref<2000xi32, #tpu.memory_space<vmem>>, vector<16xi32>,
          %parallel_loop3A_338 = vector.broadcast %multiple_of3A : i32 to vector<16xi32>
          %parallel_loop3A_339 = arith.subi %parallel_loop3A_337, %parallel_loop3A_338 : vector<16xi32>
          %parallel_loop3A_340 = tpu.vector_load_idx %arg35[%parallel_loop3A_339] : memref<2048xf32, #tpu.memory_space<vmem>>[vector<16xi32>], vector<16xf32>,
          %parallel_loop3A_341 = arith.index_cast %parallel_loop3A_335 : i32 to index
          %parallel_loop3A_342 = tpu.vector_load %arg16[%parallel_loop3A_341] {strides = array<i32>} : memref<2000xf32, #tpu.memory_space<vmem>>, vector<16xf32>,
          %parallel_loop3A_343 = arith.subf %parallel_loop3A_340, %parallel_loop3A_342 : vector<16xf32>
          %parallel_loop3A_344 = arith.index_cast %parallel_loop3A_335 : i32 to index
          %parallel_loop3A_345 = tpu.vector_load %arg21[%parallel_loop3A_344] {strides = array<i32>} : memref<2000xf32, #tpu.memory_space<vmem>>, vector<16xf32>,
          %parallel_loop3A_346 = arith.divf %parallel_loop3A_343, %parallel_loop3A_345 : vector<16xf32>
          %parallel_loop3A_347 = arith.index_cast %parallel_loop3A_335 : i32 to index
          %parallel_loop3A_348 = tpu.vector_load %arg26[%parallel_loop3A_347] {strides = array<i32>} : memref<2000xf32, #tpu.memory_space<vmem>>, vector<16xf32>,
          tpu.vector_store %arg26[%parallel_loop3A_347], %parallel_loop3A_346 {strides = array<i32>} : memref<2000xf32, #tpu.memory_space<vmem>>, vector<16xf32>,
        } {sc.loop_unroll_factor = 5 : i64, sc.parallel_access}
        %mul3A_291 = arith.constant 50000 : i32
        %mul3A_292 = arith.muli %add3A, %mul3A_291 : i32
        %mul3A_293 = arith.constant 2000 : i32
        %mul3A_294 = arith.muli %add3A_264, %mul3A_293 : i32
        %add3A_295 = arith.addi %mul3A_292, %mul3A_294 : i32
        %dma_start3A_296 = tpu.memref_slice %arg7[%add3A_295] : memref<1600000xf32, #tpu.memory_space<hbm>> -> memref<2000xf32, #tpu.memory_space<hbm>>
        %dma_start3A_297 = tpu.memref_slice %arg7[%add3A_295] : memref<1600000xf32, #tpu.memory_space<hbm>> -> memref<2000xf32, #tpu.memory_space<hbm>>
        tpu.enqueue_dma source(%arg26 : memref<2000xf32, #tpu.memory_space<vmem>>) target(%dma_start3A_297 : memref<2000xf32, #tpu.memory_space<hbm>>) target_semaphore(%arg49 : memref<!tpu.dma_semaphore, #tpu.memory_space<semaphore_mem>>)
        %add3A_298 = arith.constant 4 : i32
        %add3A_299 = arith.addi %add3A_158, %add3A_298 : i32
        %ge3A_300 = arith.constant 2 : i32
        %ge3A_301 = arith.cmpi sge, %add3A_299, %ge3A_300 : i32
        %convert_element_type3A_302 = arith.extui %ge3A_301 : i1 to i32
        %cond3A_303 = arith.constant 0 : i32
        %cond3A_304 = arith.cmpi ne, %convert_element_type3A_302, %cond3A_303 : i32
        scf.if %cond3A_304 {
          %sub3A_333 = arith.constant 2 : i32
          %sub3A_334 = arith.subi %add3A_299, %sub3A_333 : i32
          %mul3A_335 = arith.constant 50000 : i32
          %mul3A_336 = arith.muli %add3A, %mul3A_335 : i32
          %mul3A_337 = arith.constant 2000 : i32
          %mul3A_338 = arith.muli %sub3A_334, %mul3A_337 : i32
          %add3A_339 = arith.addi %mul3A_336, %mul3A_338 : i32
          %dma_wait3A_340 = tpu.memref_slice %arg7[%add3A_339] : memref<1600000xf32, #tpu.memory_space<hbm>> -> memref<2000xf32, #tpu.memory_space<hbm>>
          %dma_wait3A_341 = tpu.memref_slice %arg7[%add3A_339] : memref<1600000xf32, #tpu.memory_space<hbm>> -> memref<2000xf32, #tpu.memory_space<hbm>>
          tpu.wait_dma2 semaphore(%arg48 : memref<!tpu.dma_semaphore, #tpu.memory_space<semaphore_mem>>) src(%arg25 : memref<2000xf32, #tpu.memory_space<vmem>>) dst(%dma_wait3A_341 : memref<2000xf32, #tpu.memory_space<hbm>>)
        } else {
        }
        %add3A_305 = arith.constant 2 : i32
        %add3A_306 = arith.addi %add3A_299, %add3A_305 : i32
        %lt3A_307 = arith.constant 25 : i32
        %lt3A_308 = arith.cmpi slt, %add3A_306, %lt3A_307 : i32
        %convert_element_type3A_309 = arith.extui %lt3A_308 : i1 to i32
        %cond3A_310 = arith.constant 0 : i32
        %cond3A_311 = arith.cmpi ne, %convert_element_type3A_309, %cond3A_310 : i32
        scf.if %cond3A_311 {
          %add3A_333 = arith.constant 2 : i32
          %add3A_334 = arith.addi %add3A_299, %add3A_333 : i32
          %mul3A_335 = arith.constant 50000 : i32
          %mul3A_336 = arith.muli %add3A, %mul3A_335 : i32
          %mul3A_337 = arith.constant 2000 : i32
          %mul3A_338 = arith.muli %add3A_334, %mul3A_337 : i32
          %add3A_339 = arith.addi %mul3A_336, %mul3A_338 : i32
          %dma_start3A_340 = tpu.memref_slice %arg4[%add3A_339] : memref<1600000xi32, #tpu.memory_space<hbm>> -> memref<2000xi32, #tpu.memory_space<hbm>>
          %dma_start3A_341 = tpu.memref_slice %arg4[%add3A_339] : memref<1600000xi32, #tpu.memory_space<hbm>> -> memref<2000xi32, #tpu.memory_space<hbm>>
          tpu.enqueue_dma source(%dma_start3A_341 : memref<2000xi32, #tpu.memory_space<hbm>>) target(%arg9 : memref<2000xi32, #tpu.memory_space<vmem>>) target_semaphore(%arg42 : memref<!tpu.dma_semaphore, #tpu.memory_space<semaphore_mem>>)
          %dma_start3A_342 = tpu.memref_slice %arg2[%add3A_339] : memref<1600000xf32, #tpu.memory_space<hbm>> -> memref<2000xf32, #tpu.memory_space<hbm>>
          %dma_start3A_343 = tpu.memref_slice %arg2[%add3A_339] : memref<1600000xf32, #tpu.memory_space<hbm>> -> memref<2000xf32, #tpu.memory_space<hbm>>
          tpu.enqueue_dma source(%dma_start3A_343 : memref<2000xf32, #tpu.memory_space<hbm>>) target(%arg14 : memref<2000xf32, #tpu.memory_space<vmem>>) target_semaphore(%arg42 : memref<!tpu.dma_semaphore, #tpu.memory_space<semaphore_mem>>)
          %dma_start3A_344 = tpu.memref_slice %arg3[%add3A_339] : memref<1600000xf32, #tpu.memory_space<hbm>> -> memref<2000xf32, #tpu.memory_space<hbm>>
          %dma_start3A_345 = tpu.memref_slice %arg3[%add3A_339] : memref<1600000xf32, #tpu.memory_space<hbm>> -> memref<2000xf32, #tpu.memory_space<hbm>>
          tpu.enqueue_dma source(%dma_start3A_345 : memref<2000xf32, #tpu.memory_space<hbm>>) target(%arg19 : memref<2000xf32, #tpu.memory_space<vmem>>) target_semaphore(%arg42 : memref<!tpu.dma_semaphore, #tpu.memory_space<semaphore_mem>>)
        } else {
        }
        %mul3A_312 = arith.constant 50000 : i32
        %mul3A_313 = arith.muli %add3A, %mul3A_312 : i32
        %mul3A_314 = arith.constant 2000 : i32
        %mul3A_315 = arith.muli %add3A_299, %mul3A_314 : i32
        %add3A_316 = arith.addi %mul3A_313, %mul3A_315 : i32
        %dma_wait3A_317 = tpu.memref_slice %arg4[%add3A_316] : memref<1600000xi32, #tpu.memory_space<hbm>> -> memref<2000xi32, #tpu.memory_space<hbm>>
        %dma_wait3A_318 = tpu.memref_slice %arg4[%add3A_316] : memref<1600000xi32, #tpu.memory_space<hbm>> -> memref<2000xi32, #tpu.memory_space<hbm>>
        tpu.wait_dma2 semaphore(%arg45 : memref<!tpu.dma_semaphore, #tpu.memory_space<semaphore_mem>>) src(%dma_wait3A_318 : memref<2000xi32, #tpu.memory_space<hbm>>) dst(%arg12 : memref<2000xi32, #tpu.memory_space<vmem>>)
        %dma_wait3A_319 = tpu.memref_slice %arg2[%add3A_316] : memref<1600000xf32, #tpu.memory_space<hbm>> -> memref<2000xf32, #tpu.memory_space<hbm>>
        %dma_wait3A_320 = tpu.memref_slice %arg2[%add3A_316] : memref<1600000xf32, #tpu.memory_space<hbm>> -> memref<2000xf32, #tpu.memory_space<hbm>>
        tpu.wait_dma2 semaphore(%arg45 : memref<!tpu.dma_semaphore, #tpu.memory_space<semaphore_mem>>) src(%dma_wait3A_320 : memref<2000xf32, #tpu.memory_space<hbm>>) dst(%arg17 : memref<2000xf32, #tpu.memory_space<vmem>>)
        %dma_wait3A_321 = tpu.memref_slice %arg3[%add3A_316] : memref<1600000xf32, #tpu.memory_space<hbm>> -> memref<2000xf32, #tpu.memory_space<hbm>>
        %dma_wait3A_322 = tpu.memref_slice %arg3[%add3A_316] : memref<1600000xf32, #tpu.memory_space<hbm>> -> memref<2000xf32, #tpu.memory_space<hbm>>
        tpu.wait_dma2 semaphore(%arg45 : memref<!tpu.dma_semaphore, #tpu.memory_space<semaphore_mem>>) src(%dma_wait3A_322 : memref<2000xf32, #tpu.memory_space<hbm>>) dst(%arg22 : memref<2000xf32, #tpu.memory_space<vmem>>)
        %parallel_loop3A_323 = arith.constant 0 : i32
        %parallel_loop3A_324 = arith.constant 125 : i32
        %parallel_loop3A_325 = arith.constant 1 : i32
        scf.for %parallel_loop3A_333 = %parallel_loop3A_323 to %parallel_loop3A_324 step %parallel_loop3A_325  : i32 {
          %parallel_loop3A_334 = arith.constant 16 : i32
          %parallel_loop3A_335 = arith.muli %parallel_loop3A_333, %parallel_loop3A_334 : i32
          %parallel_loop3A_336 = arith.index_cast %parallel_loop3A_335 : i32 to index
          %parallel_loop3A_337 = tpu.vector_load %arg12[%parallel_loop3A_336] {strides = array<i32>} : memref<2000xi32, #tpu.memory_space<vmem>>, vector<16xi32>,
          %parallel_loop3A_338 = vector.broadcast %multiple_of3A : i32 to vector<16xi32>
          %parallel_loop3A_339 = arith.subi %parallel_loop3A_337, %parallel_loop3A_338 : vector<16xi32>
          %parallel_loop3A_340 = tpu.vector_load_idx %arg35[%parallel_loop3A_339] : memref<2048xf32, #tpu.memory_space<vmem>>[vector<16xi32>], vector<16xf32>,
          %parallel_loop3A_341 = arith.index_cast %parallel_loop3A_335 : i32 to index
          %parallel_loop3A_342 = tpu.vector_load %arg17[%parallel_loop3A_341] {strides = array<i32>} : memref<2000xf32, #tpu.memory_space<vmem>>, vector<16xf32>,
          %parallel_loop3A_343 = arith.subf %parallel_loop3A_340, %parallel_loop3A_342 : vector<16xf32>
          %parallel_loop3A_344 = arith.index_cast %parallel_loop3A_335 : i32 to index
          %parallel_loop3A_345 = tpu.vector_load %arg22[%parallel_loop3A_344] {strides = array<i32>} : memref<2000xf32, #tpu.memory_space<vmem>>, vector<16xf32>,
          %parallel_loop3A_346 = arith.divf %parallel_loop3A_343, %parallel_loop3A_345 : vector<16xf32>
          %parallel_loop3A_347 = arith.index_cast %parallel_loop3A_335 : i32 to index
          %parallel_loop3A_348 = tpu.vector_load %arg27[%parallel_loop3A_347] {strides = array<i32>} : memref<2000xf32, #tpu.memory_space<vmem>>, vector<16xf32>,
          tpu.vector_store %arg27[%parallel_loop3A_347], %parallel_loop3A_346 {strides = array<i32>} : memref<2000xf32, #tpu.memory_space<vmem>>, vector<16xf32>,
        } {sc.loop_unroll_factor = 5 : i64, sc.parallel_access}
        %mul3A_326 = arith.constant 50000 : i32
        %mul3A_327 = arith.muli %add3A, %mul3A_326 : i32
        %mul3A_328 = arith.constant 2000 : i32
        %mul3A_329 = arith.muli %add3A_299, %mul3A_328 : i32
        %add3A_330 = arith.addi %mul3A_327, %mul3A_329 : i32
        %dma_start3A_331 = tpu.memref_slice %arg7[%add3A_330] : memref<1600000xf32, #tpu.memory_space<hbm>> -> memref<2000xf32, #tpu.memory_space<hbm>>
        %dma_start3A_332 = tpu.memref_slice %arg7[%add3A_330] : memref<1600000xf32, #tpu.memory_space<hbm>> -> memref<2000xf32, #tpu.memory_space<hbm>>
        tpu.enqueue_dma source(%arg27 : memref<2000xf32, #tpu.memory_space<vmem>>) target(%dma_start3A_332 : memref<2000xf32, #tpu.memory_space<hbm>>) target_semaphore(%arg50 : memref<!tpu.dma_semaphore, #tpu.memory_space<semaphore_mem>>)
      }
      %scan3A_141 = arith.constant 5 : i32
      %mul3A_142 = arith.constant 50000 : i32
      %mul3A_143 = arith.muli %add3A, %mul3A_142 : i32
      %add3A_144 = arith.constant 46000 : i32
      %add3A_145 = arith.addi %mul3A_143, %add3A_144 : i32
      %dma_wait3A_146 = tpu.memref_slice %arg7[%add3A_145] : memref<1600000xf32, #tpu.memory_space<hbm>> -> memref<2000xf32, #tpu.memory_space<hbm>>
      %dma_wait3A_147 = tpu.memref_slice %arg7[%add3A_145] : memref<1600000xf32, #tpu.memory_space<hbm>> -> memref<2000xf32, #tpu.memory_space<hbm>>
      tpu.wait_dma2 semaphore(%arg49 : memref<!tpu.dma_semaphore, #tpu.memory_space<semaphore_mem>>) src(%arg26 : memref<2000xf32, #tpu.memory_space<vmem>>) dst(%dma_wait3A_147 : memref<2000xf32, #tpu.memory_space<hbm>>)
      %mul3A_148 = arith.constant 50000 : i32
      %mul3A_149 = arith.muli %add3A, %mul3A_148 : i32
      %add3A_150 = arith.constant 48000 : i32
      %add3A_151 = arith.addi %mul3A_149, %add3A_150 : i32
      %dma_wait3A_152 = tpu.memref_slice %arg7[%add3A_151] : memref<1600000xf32, #tpu.memory_space<hbm>> -> memref<2000xf32, #tpu.memory_space<hbm>>
      %dma_wait3A_153 = tpu.memref_slice %arg7[%add3A_151] : memref<1600000xf32, #tpu.memory_space<hbm>> -> memref<2000xf32, #tpu.memory_space<hbm>>
      tpu.wait_dma2 semaphore(%arg50 : memref<!tpu.dma_semaphore, #tpu.memory_space<semaphore_mem>>) src(%arg27 : memref<2000xf32, #tpu.memory_space<vmem>>) dst(%dma_wait3A_153 : memref<2000xf32, #tpu.memory_space<hbm>>)
    } else {
    }
    %not3A_133 = arith.constant true
    %not3A_134 = arith.xori %lt3A_50, %not3A_133 : i1
    %convert_element_type3A_135 = arith.extui %not3A_134 : i1 to i32
    %cond3A_136 = arith.constant 0 : i32
    %cond3A_137 = arith.cmpi ne, %convert_element_type3A_135, %cond3A_136 : i32
    scf.if %cond3A_137 {
      %scan3A = arith.constant 0 : i32
      %scan3A_138 = arith.constant 25 : i32
      %scan3A_139 = arith.addi %scan3A, %scan3A_138 : i32
      %scan3A_140 = arith.constant 1 : i32
      scf.for %scan3A_142 = %scan3A to %scan3A_139 step %scan3A_140  : i32 {
        %mul3A_143 = arith.constant 1 : i32
        %mul3A_144 = arith.muli %scan3A_142, %mul3A_143 : i32
        %add3A_145 = arith.constant 0 : i32
        %add3A_146 = arith.addi %add3A_145, %mul3A_144 : i32
        %mul3A_147 = arith.constant 50000 : i32
        %mul3A_148 = arith.muli %add3A, %mul3A_147 : i32
        %mul3A_149 = arith.constant 2000 : i32
        %mul3A_150 = arith.muli %add3A_146, %mul3A_149 : i32
        %add3A_151 = arith.addi %mul3A_148, %mul3A_150 : i32
        "tpu.region"() ({
          %run_scoped3A = tpu.sem_alloc : memref<!tpu.dma_semaphore, #tpu.memory_space<semaphore_mem>>
          %dma_start3A_155 = tpu.memref_slice %arg4[%add3A_151] : memref<1600000xi32, #tpu.memory_space<hbm>> -> memref<2000xi32, #tpu.memory_space<hbm>>
          %dma_start3A_156 = tpu.memref_slice %arg4[%add3A_151] : memref<1600000xi32, #tpu.memory_space<hbm>> -> memref<2000xi32, #tpu.memory_space<hbm>>
          tpu.enqueue_dma source(%dma_start3A_156 : memref<2000xi32, #tpu.memory_space<hbm>>) target(%arg8 : memref<2000xi32, #tpu.memory_space<vmem>>) target_semaphore(%run_scoped3A : memref<!tpu.dma_semaphore, #tpu.memory_space<semaphore_mem>>)
          %dma_wait3A_157 = tpu.memref_slice %arg4[%add3A_151] : memref<1600000xi32, #tpu.memory_space<hbm>> -> memref<2000xi32, #tpu.memory_space<hbm>>
          %dma_wait3A_158 = tpu.memref_slice %arg4[%add3A_151] : memref<1600000xi32, #tpu.memory_space<hbm>> -> memref<2000xi32, #tpu.memory_space<hbm>>
          tpu.wait_dma2 semaphore(%run_scoped3A : memref<!tpu.dma_semaphore, #tpu.memory_space<semaphore_mem>>) src(%dma_wait3A_158 : memref<2000xi32, #tpu.memory_space<hbm>>) dst(%arg8 : memref<2000xi32, #tpu.memory_space<vmem>>)
          tpu.yield
        }) : () -> ()
        "tpu.region"() ({
          %run_scoped3A = tpu.sem_alloc : memref<!tpu.dma_semaphore, #tpu.memory_space<semaphore_mem>>
          %dma_start3A_155 = tpu.memref_slice %arg2[%add3A_151] : memref<1600000xf32, #tpu.memory_space<hbm>> -> memref<2000xf32, #tpu.memory_space<hbm>>
          %dma_start3A_156 = tpu.memref_slice %arg2[%add3A_151] : memref<1600000xf32, #tpu.memory_space<hbm>> -> memref<2000xf32, #tpu.memory_space<hbm>>
          tpu.enqueue_dma source(%dma_start3A_156 : memref<2000xf32, #tpu.memory_space<hbm>>) target(%arg13 : memref<2000xf32, #tpu.memory_space<vmem>>) target_semaphore(%run_scoped3A : memref<!tpu.dma_semaphore, #tpu.memory_space<semaphore_mem>>)
          %dma_wait3A_157 = tpu.memref_slice %arg2[%add3A_151] : memref<1600000xf32, #tpu.memory_space<hbm>> -> memref<2000xf32, #tpu.memory_space<hbm>>
          %dma_wait3A_158 = tpu.memref_slice %arg2[%add3A_151] : memref<1600000xf32, #tpu.memory_space<hbm>> -> memref<2000xf32, #tpu.memory_space<hbm>>
          tpu.wait_dma2 semaphore(%run_scoped3A : memref<!tpu.dma_semaphore, #tpu.memory_space<semaphore_mem>>) src(%dma_wait3A_158 : memref<2000xf32, #tpu.memory_space<hbm>>) dst(%arg13 : memref<2000xf32, #tpu.memory_space<vmem>>)
          tpu.yield
        }) : () -> ()
        "tpu.region"() ({
          %run_scoped3A = tpu.sem_alloc : memref<!tpu.dma_semaphore, #tpu.memory_space<semaphore_mem>>
          %dma_start3A_155 = tpu.memref_slice %arg3[%add3A_151] : memref<1600000xf32, #tpu.memory_space<hbm>> -> memref<2000xf32, #tpu.memory_space<hbm>>
          %dma_start3A_156 = tpu.memref_slice %arg3[%add3A_151] : memref<1600000xf32, #tpu.memory_space<hbm>> -> memref<2000xf32, #tpu.memory_space<hbm>>
          tpu.enqueue_dma source(%dma_start3A_156 : memref<2000xf32, #tpu.memory_space<hbm>>) target(%arg18 : memref<2000xf32, #tpu.memory_space<vmem>>) target_semaphore(%run_scoped3A : memref<!tpu.dma_semaphore, #tpu.memory_space<semaphore_mem>>)
          %dma_wait3A_157 = tpu.memref_slice %arg3[%add3A_151] : memref<1600000xf32, #tpu.memory_space<hbm>> -> memref<2000xf32, #tpu.memory_space<hbm>>
          %dma_wait3A_158 = tpu.memref_slice %arg3[%add3A_151] : memref<1600000xf32, #tpu.memory_space<hbm>> -> memref<2000xf32, #tpu.memory_space<hbm>>
          tpu.wait_dma2 semaphore(%run_scoped3A : memref<!tpu.dma_semaphore, #tpu.memory_space<semaphore_mem>>) src(%dma_wait3A_158 : memref<2000xf32, #tpu.memory_space<hbm>>) dst(%arg18 : memref<2000xf32, #tpu.memory_space<vmem>>)
          tpu.yield
        }) : () -> ()
        "tpu.region"() ({
          %run_scoped3A = tpu.sem_alloc : memref<!tpu.dma_semaphore, #tpu.memory_space<semaphore_mem>>
          %dma_start3A_155 = arith.constant 0 : i32
          %dma_start3A_156 = tpu.memref_slice %arg34[%dma_start3A_155] : memref<3264xf32, #tpu.memory_space<vmem>> -> memref<2000xf32, #tpu.memory_space<vmem>>
          %dma_start3A_157 = arith.constant 0 : i32
          %dma_start3A_158 = tpu.memref_slice %arg39[%dma_start3A_157] : memref<52224xf32, #tpu.memory_space<vmem_shared>> -> memref<52224xf32, #tpu.memory_space<vmem_shared>>
          tpu.enqueue_indirect_dma source(%dma_start3A_158 : memref<52224xf32, #tpu.memory_space<vmem_shared>>) target(%dma_start3A_156 : memref<2000xf32, #tpu.memory_space<vmem>>) offsets(%arg8 : memref<2000xi32, #tpu.memory_space<vmem>>) semaphore(%run_scoped3A : memref<!tpu.dma_semaphore, #tpu.memory_space<semaphore_mem>>)
          %dma_wait3A_159 = arith.constant 0 : i32
          %dma_wait3A_160 = tpu.memref_slice %arg34[%dma_wait3A_159] : memref<3264xf32, #tpu.memory_space<vmem>> -> memref<2000xf32, #tpu.memory_space<vmem>>
          %dma_wait3A_161 = arith.constant 0 : i32
          %dma_wait3A_162 = tpu.memref_slice %arg39[%dma_wait3A_161] : memref<52224xf32, #tpu.memory_space<vmem_shared>> -> memref<52224xf32, #tpu.memory_space<vmem_shared>>
          tpu.wait_indirect_dma semaphore(%run_scoped3A : memref<!tpu.dma_semaphore, #tpu.memory_space<semaphore_mem>>) src(%dma_wait3A_162 : memref<52224xf32, #tpu.memory_space<vmem_shared>>) dst(%dma_wait3A_160 : memref<2000xf32, #tpu.memory_space<vmem>>)
          tpu.yield
        }) : () -> ()
        %parallel_loop3A_152 = arith.constant 0 : i32
        %parallel_loop3A_153 = arith.constant 125 : i32
        %parallel_loop3A_154 = arith.constant 1 : i32
        scf.for %parallel_loop3A_155 = %parallel_loop3A_152 to %parallel_loop3A_153 step %parallel_loop3A_154  : i32 {
          %parallel_loop3A_156 = arith.constant 16 : i32
          %parallel_loop3A_157 = arith.muli %parallel_loop3A_155, %parallel_loop3A_156 : i32
          %parallel_loop3A_158 = arith.index_cast %parallel_loop3A_157 : i32 to index
          %parallel_loop3A_159 = tpu.vector_load %arg34[%parallel_loop3A_158] {strides = array<i32>} : memref<3264xf32, #tpu.memory_space<vmem>>, vector<16xf32>,
          %parallel_loop3A_160 = arith.index_cast %parallel_loop3A_157 : i32 to index
          %parallel_loop3A_161 = tpu.vector_load %arg13[%parallel_loop3A_160] {strides = array<i32>} : memref<2000xf32, #tpu.memory_space<vmem>>, vector<16xf32>,
          %parallel_loop3A_162 = arith.subf %parallel_loop3A_159, %parallel_loop3A_161 : vector<16xf32>
          %parallel_loop3A_163 = arith.index_cast %parallel_loop3A_157 : i32 to index
          %parallel_loop3A_164 = tpu.vector_load %arg18[%parallel_loop3A_163] {strides = array<i32>} : memref<2000xf32, #tpu.memory_space<vmem>>, vector<16xf32>,
          %parallel_loop3A_165 = arith.divf %parallel_loop3A_162, %parallel_loop3A_164 : vector<16xf32>
          %parallel_loop3A_166 = arith.index_cast %parallel_loop3A_157 : i32 to index
          %parallel_loop3A_167 = tpu.vector_load %arg23[%parallel_loop3A_166] {strides = array<i32>} : memref<2000xf32, #tpu.memory_space<vmem>>, vector<16xf32>,
          tpu.vector_store %arg23[%parallel_loop3A_166], %parallel_loop3A_165 {strides = array<i32>} : memref<2000xf32, #tpu.memory_space<vmem>>, vector<16xf32>,
        } {sc.loop_unroll_factor = 5 : i64, sc.parallel_access}
        "tpu.region"() ({
          %run_scoped3A = tpu.sem_alloc : memref<!tpu.dma_semaphore, #tpu.memory_space<semaphore_mem>>
          %dma_start3A_155 = tpu.memref_slice %arg7[%add3A_151] : memref<1600000xf32, #tpu.memory_space<hbm>> -> memref<2000xf32, #tpu.memory_space<hbm>>
          %dma_start3A_156 = tpu.memref_slice %arg7[%add3A_151] : memref<1600000xf32, #tpu.memory_space<hbm>> -> memref<2000xf32, #tpu.memory_space<hbm>>
          tpu.enqueue_dma source(%arg23 : memref<2000xf32, #tpu.memory_space<vmem>>) target(%dma_start3A_156 : memref<2000xf32, #tpu.memory_space<hbm>>) target_semaphore(%run_scoped3A : memref<!tpu.dma_semaphore, #tpu.memory_space<semaphore_mem>>)
          %dma_wait3A_157 = tpu.memref_slice %arg7[%add3A_151] : memref<1600000xf32, #tpu.memory_space<hbm>> -> memref<2000xf32, #tpu.memory_space<hbm>>
          %dma_wait3A_158 = tpu.memref_slice %arg7[%add3A_151] : memref<1600000xf32, #tpu.memory_space<hbm>> -> memref<2000xf32, #tpu.memory_space<hbm>>
          tpu.wait_dma2 semaphore(%run_scoped3A : memref<!tpu.dma_semaphore, #tpu.memory_space<semaphore_mem>>) src(%arg23 : memref<2000xf32, #tpu.memory_space<vmem>>) dst(%dma_wait3A_158 : memref<2000xf32, #tpu.memory_space<hbm>>)
          tpu.yield
        }) : () -> ()
      }
      %scan3A_141 = arith.constant 25 : i32
    } else {
    }
    return
  }
}

</mosaic_0001>

<sc_bundles>
// kernel: kernel.3.cloned.1.call-start
scs
__scs_entry_jumppad:
0x0: {  	(pc) =	sbr.rel $0x88, $3  }
0x1: {  	(tag) =	ssettag $0x0;
	lr =	simm.s32 $0x1  }
0x2: {  	[smem:$0x3F9D] =	sst lr;
	_ =	strace $0xD0000000  }
0x3: {  	_ = 	snop  }
0x4: {  	_ = 	snop  }
0x5: {  	_ = 	snop  }
0x6: {  	_ = 	snop  }
0x7: {  	_ = 	snop  }
__scs_overlays_trampoline_lowered:
0x8: {  	[smem:$0x3FAC] =	sst s0  }
0x9: {  	[smem:$0x3FAD] =	sst s1  }
0xa: {  	[smem:$0x3FAE] =	sst s2  }
0xb: {  	[smem:$0x3FAF] =	sst s3  }
0xc: {  	[smem:$0x3FB0] =	sst s4  }
0xd: {  	[smem:$0x3FB1] =	sst s5  }
0xe: {  	[smem:$0x3FB2] =	sst s6  }
0xf: {  	[smem:$0x3FB3] =	sst s7  }
0x10: {  	[smem:$0x3FB4] =	sst s8  }
0x11: {  	[smem:$0x3FB5] =	sst s9;
	s0 =	simm.s32 @!p0 $0x0  }
0x12: {  	s1 =	sld [smem:$0x3F9B];
	s0 =	simm.s32 @p0 $0x1  }
0x13: {  	[smem:$0x3FB6] =	sst s0;
	s0 =	simm.s32 @!p1 $0x0  }
0x14: {  	s2 =	sld [smem:$0x3F9A];
	s0 =	simm.s32 @p1 $0x1  }
0x15: {  	[smem:$0x3FB7] =	sst s0;
	s0 =	simm.s32 @!p2 $0x0  }
0x16: {  	s3 =	sld [smem:$0x3FDB];
	s0 =	simm.s32 @p2 $0x1  }
0x17: {  	s4 =	simm.s32 $0x1BF5;
	[smem:$0x3FB9] =	sst s0  }
0x18: {  	s0 =	sld [smem:$0x3F9C];
	_ =	swait.ge [sflag:s4], $0x0  }
0x19: {  	s7 =	sld [smem:$0x3F9D]  }
0x1a: {  	s8 =	sadd.s32 $0xFFFFE003, lr  }
0x1b: {  	s9 =	sadd.s32 $0xFFFFFEF7, lr;
	s5 =	simm.s32 $0xFFFFFFFF;
	p2 =	slt.u32 s8, $0xFFFFF086  }
0x1c: {  	p1 =	slt.u32 s9, $0xF7A;
	s5 =	simm.s32 @!p2 $0x0  }
0x1d: {  	s5 =	simm.s32 @p1 $0x1;
	p0 =	seq.s32 s7, s2  }
0x1e: {  	s7 =	smul.u32 @!p0 $0xF7A, s2;
	p2 =	seq.s32 @!p0 s5, $0x0  }
0x1f: {  	s9 =	smul.u32 $0xF7A, s1;
	s8 =	simm.s32 @!p0 $0x1BF5;
	p2 =	por !p2, p0  }
0x20: {  	[sflag:s8] =	ssyncset.s32 @!p0 $0xFFFFF086;
	s6 =	sadd.s32 @!p0 s3, s7;
	s7 =	simm.s32 @!p0 $0x108  }
0x21: {  	s3 =	sadd.s32 s3, s9;
	s6 =	sadd.s32 @!p0 $0x88, s6;
	s7 =	simm.s32 @p2 $0x1082  }
0x22: {  	[simem:s7], [sflag:s8] =	dma.local @!p0 [hbm:s6], $0xF7A  }
0x23: {  	s9 =	sor.u32 $0xD0000000, s2;
	s6 =	simm.s32 $0x108;
	_ =	swait.ge @!p0 [sflag:s8], $0x0  }
0x24: {  	s3 =	sadd.s32 $0x88, s3;
	s6 =	simm.s32 @!p1 $0x1082;
	[sflag:s4] =	ssyncset.s32 $0xFFFFF086  }
0x25: {  	[simem:s6], [sflag:s4] =	dma.local [hbm:s3], $0xF7A  }
0x26: {  	[smem:$0x3F9D] =	sst s1;
	(tag) =	ssettag s2;
	_ =	strace s9  }
0x27: {  	s1 =	sld [smem:$0x3FAD]  }
0x28: {  	s2 =	sld [smem:$0x3FAE]  }
0x29: {  	s4 =	sld [smem:$0x3FB0]  }
0x2a: {  	p0 =	seq.s32 s5, $0x0;
	s5 =	sld [smem:$0x3FB1]  }
0x2b: {  	s6 =	sld [smem:$0x3FB2]  }
0x2c: {  	s7 =	sld [smem:$0x3FB3]  }
0x2d: {  	s3 =	simm.s32 $0x108;
	s8 =	sld [smem:$0x3FB4]  }
0x2e: {  	s3 =	simm.s32 @!p0 $0x1082;
	s9 =	sld [smem:$0x3FB5]  }
0x2f: {  	lr =	sadd.s32 s0, s3;
	s0 =	sld [smem:$0x3FAC]  }
0x30: {  	s3 =	sld [smem:$0x3FAF]  }
0x31: {  	[smem:$0x3FB8] =	sst s10  }
0x32: {  	s10 =	sld [smem:$0x3FB6];
	_ =	sdelay $0x3  }
0x33: {  	p0 =	seq.s32 s10, $0x1;
	s10 =	sld [smem:$0x3FB8];
	_ =	sdelay $0x3  }
0x34: {  	[smem:$0x3FB8] =	sst s10  }
0x35: {  	s10 =	sld [smem:$0x3FB7];
	_ =	sdelay $0x3  }
0x36: {  	p1 =	seq.s32 s10, $0x1;
	s10 =	sld [smem:$0x3FB8];
	_ =	sdelay $0x3  }
0x37: {  	[smem:$0x3FB8] =	sst s10  }
0x38: {  	s10 =	sld [smem:$0x3FB9]  }
0x39: {  	_ = 	snop;
	(pc) =	sbr.ind lr, $3  }
0x3a: {  	_ = 	snop  }
0x3b: {  	_ = 	snop  }
0x3c: {  	p2 =	seq.s32 s10, $0x1;
	s10 =	sld [smem:$0x3FB8]  }
0x3d: {  	_ =	shalt  }
0x3e: {  	_ =	shalt  }
0x3f: {  	_ =	shalt  }
0x40: {  	_ =	shalt  }
0x41: {  	_ =	shalt  }
0x42: {  	_ =	shalt  }
0x43: {  	_ =	shalt  }
0x44: {  	_ =	shalt  }
0x45: {  	_ =	shalt  }
0x46: {  	_ =	shalt  }
0x47: {  	_ =	shalt  }
0x48: {  	_ =	shalt  }
0x49: {  	_ =	shalt  }
0x4a: {  	_ =	shalt  }
0x4b: {  	_ =	shalt  }
0x4c: {  	_ =	shalt  }
0x4d: {  	_ =	shalt  }
0x4e: {  	_ =	shalt  }
0x4f: {  	_ =	shalt  }
0x50: {  	_ =	shalt  }
0x51: {  	_ =	shalt  }
0x52: {  	_ =	shalt  }
0x53: {  	_ =	shalt  }
0x54: {  	_ =	shalt  }
0x55: {  	_ =	shalt  }
0x56: {  	_ =	shalt  }
0x57: {  	_ =	shalt  }
0x58: {  	_ =	shalt  }
0x59: {  	_ =	shalt  }
0x5a: {  	_ =	shalt  }
0x5b: {  	_ =	shalt  }
0x5c: {  	_ =	shalt  }
0x5d: {  	_ =	shalt  }
0x5e: {  	_ =	shalt  }
0x5f: {  	_ =	shalt  }
0x60: {  	_ =	shalt  }
0x61: {  	_ =	shalt  }
0x62: {  	_ =	shalt  }
0x63: {  	_ =	shalt  }
0x64: {  	_ =	shalt  }
0x65: {  	_ =	shalt  }
0x66: {  	_ =	shalt  }
0x67: {  	_ =	shalt  }
0x68: {  	_ =	shalt  }
0x69: {  	_ =	shalt  }
0x6a: {  	_ =	shalt  }
0x6b: {  	_ =	shalt  }
0x6c: {  	_ =	shalt  }
0x6d: {  	_ =	shalt  }
0x6e: {  	_ =	shalt  }
0x6f: {  	_ =	shalt  }
0x70: {  	_ =	shalt  }
0x71: {  	_ =	shalt  }
0x72: {  	_ =	shalt  }
0x73: {  	_ =	shalt  }
0x74: {  	_ =	shalt  }
0x75: {  	_ =	shalt  }
0x76: {  	_ =	shalt  }
0x77: {  	_ =	shalt  }
0x78: {  	_ =	shalt  }
0x79: {  	_ =	shalt  }
0x7a: {  	_ =	shalt  }
0x7b: {  	_ =	shalt  }
0x7c: {  	_ =	shalt  }
0x7d: {  	_ =	shalt  }
0x7e: {  	_ =	shalt  }
0x7f: {  	_ =	shalt  }
0x80: {  	_ =	shalt  }
0x81: {  	_ =	shalt  }
0x82: {  	_ =	shalt  }
0x83: {  	_ =	shalt  }
0x84: {  	_ =	shalt  }
0x85: {  	_ =	shalt  }
0x86: {  	_ =	shalt  }
0x87: {  	_ =	shalt  }
.Lfunc_end0:
.L_simem_size_0:
called_computation_lowered:
.L_overlay_start_0:
0x88: {  	s2 =	sld [smem:$0x3FD9]  }
0x89: {  	s3 =	sld [smem:$0x3FFE];
	_ =	sdelay $0x1  }
0x8a: {  	s1 =	srdreg.scid  }
0x8b: {  	s0 =	sand.u32 $0x1, s1  }
0x8c: {  	s17 =	sshll.u32 s0, $0xA;
	s2 =	sadd.s32 s3, s2  }
0x8d: {  	s2 =	sadd.s32 s2, s17  }
0x8e: {  	[smem:$0x3FC4] =	sst s2  }
0x8f: {  	_ = 	snop  }
0x90: {  	s2 =	sld [smem:$0x3FC9]  }
0x91: {  	s18 =	sld [smem:$0x3FC8]  }
0x92: {  	s4 =	sld [smem:$0x3FC7]  }
0x93: {  	s5 =	sld [smem:$0x3FD0];
	(tm) =	ssettm $0x1  }
0x94: {  	s6 =	sld [smem:$0x3FFB];
	_ =	sdelay $0x3  }
0x95: {  	_ =	strace s6  }
0x96: {  	s6 =	sld [smem:$0x3FFC];
	_ =	sdelay $0x3  }
0x97: {  	_ =	strace s6  }
0x98: {  	s6 =	sld [smem:$0x3FFD];
	_ =	sdelay $0x3  }
0x99: {  	_ =	strace s6  }
0x9a: {  	_ =	strace $0x8FFFFFFF  }
0x9b: {  	s19 =	sld [smem:$0x3FDB];
	_ =	sdelay $0x1  }
0x9c: {  	s7 =	simm.s32 $_scs_section_size  }
0x9d: {  	s8 =	simm.s32 $_size__tile_overlayer_lowered;
	s9 =	simm.s32 $_tile_overlayer_lowered  }
0x9e: {  	s22 =	simm.s32 $0x1BFF;
	s21 =	sshll.u32 s9, $0x1;
	s6 =	sadd.s32 s7, s19  }
0x9f: {  	s10 =	simm.s32 $0x0;
	s20 =	sshll.u32 s8, $0x1;
	s8 =	sadd.s32 s21, s6  }
0xa0: {  	[timem:s10], [sflag:s22] =	dma.local [hbm:s8], s20  }
0xa1: {  	_ =	swait.ge [sflag:s22], s20  }
0xa2: {  	s7 =	ssub.s32 $0x0, s20;
	[sflag:s22] =	ssyncset.done $0x0  }
0xa3: {  	[sflag:s22] =	ssyncadd.s32 s7;
	_ =	sdelay $0x1  }
0xa4: {  	s23 =	simm.s32 $0x1B8B  }
0xa5: {  	_ =	swait.ge [sflag:s23], $0x1  }
0xa6: {  	[sflag:s23] =	ssyncset.done $0x0  }
0xa7: {  	s25 =	simm.s32 $0x1B8E;
	s24 =	sld [smem:$0x3FFE];
	[sflag:s23] =	ssyncadd.s32 $0xFFFFFFFF  }
0xa8: {  	s26 =	simm.s32 $execute0_lowered;
	[smem:$0x3FD2] =	sst s25  }
0xa9: {  	s8 =	sshll.u32 s26, $0x1;
	_ =	strace $0x80000046;
	[dreg:$0x1] =	wrdreg $0xFFFFFFFF  }
0xaa: {  	s28 =	simm.s32 $_size_execute0_lowered;
	s6 =	sadd.s32 s6, s8;
	[dreg:$0x0] =	wrdreg $0x0  }
0xab: {  	s8 =	sshll.u32 s28, $0x1;
	[dreg:$0x2] =	wrdreg s6  }
0xac: {  	[dreg:$0x3] =	wrdreg s8  }
0xad: {  	[dreg:$0x4] =	wrdreg $0xC0  }
0xae: {  	_ =	task [dreg:s10], $0x5FFFF  }
0xaf: {  	[dreg:$0x1] =	wrdreg $0xFFFFFFFF  }
0xb0: {  	[dreg:$0x0] =	wrdreg $0x60  }
0xb1: {  	[dreg:$0x2] =	wrdreg s2  }
0xb2: {  	[dreg:$0x3] =	wrdreg s18  }
0xb3: {  	[dreg:$0x4] =	wrdreg s4  }
0xb4: {  	[dreg:$0x5] =	wrdreg s24  }
0xb5: {  	[dreg:$0x6] =	wrdreg s5  }
0xb6: {  	[dreg:$0x7] =	wrdreg $0x10E800  }
0xb7: {  	[dreg:$0x8] =	wrdreg $0x11B400  }
0xb8: {  	[dreg:$0x9] =	wrdreg $0x9  }
0xb9: {  	_ =	task.clear_ibuf [dreg:s10], $0xAFFFF;
	_ =	strace $0x90000046  }
0xba: {  	s29 =	simm.s32 $0x9;
	_ =	strace $0x80000048  }
0xbb: {  	_ =	swait.ge [sflag:s29], $0x1  }
0xbc: {  	[sflag:s29] =	ssyncadd.s32 $0xFFFFFFFF  }
0xbd: {  	_ =	strace $0x90000048  }
0xbe: {  	_ =	sfence  }
0xbf: {  	s30 =	sld [smem:$0x0];
	_ =	sdelay $0x2  }
0xc0: {  	s31 =	sshll.u32 s1, $0xD;
	s1 =	sshrl.u32 s1, $0x2  }
0xc1: {  	s3 =	sand.u32 $0x4000, s31;
	s1 =	sadd.s32 s1, s30  }
0xc2: {  	s0 =	sor.u32 s3, s0;
	s1 =	sshll.u32 s1, $0x11  }
0xc3: {  	s0 =	sor.u32 s1, s0  }
0xc4: {  	s0 =	sadd.s32 $0x8F2B, s0  }
0xc5: {  	[sflag:s0] =	ssyncadd.remote.s32 $0x1  }
0xc6: {  	_ =	sfence.sel $0xFFFF  }
0xc7: {  	[dreg:$0x0] =	wrdreg $0xFFFFFFFF;
	(pc) =	sbr.abs _section_cstart, $3  }
0xc8: {  	[dreg:$0x1] =	wrdreg $0xFFFFFFFF  }
0xc9: {  	_ =	task.clear_ibuf [dreg:s10], $0x2FFFF;
	_ =	strace $0x9FFFFFFF  }
0xca: {  	(tm) =	ssettm $0x7FFFFFFF  }
0xcb: {  	_ =	shalt  }
tec
execute0_lowered:
.L_overlay_start_1:
0x0: {  	(tag) =	ssettag $0x1  }
0x1: {  	s0 =	rddreg [dreg:$0x0]  }
0x2: {  	s1 =	rddreg [dreg:$0x1]  }
0x3: {  	s2 =	rddreg [dreg:$0x2]  }
0x4: {  	s3 =	rddreg [dreg:$0x3]  }
0x5: {  	s4 =	rddreg [dreg:$0x4]  }
0x6: {  	s24 =	rddreg [dreg:$0x5];
	s5 =	srdreg.scid  }
0x7: {  	s22 =	stileid.u32;
	s20 =	rddreg [dreg:$0x6]  }
0x8: {  	s8 =	simm.s32 $0x0;
	s28 =	simm.s32 $0xAD00;
	s6 =	sand.u32 $0x1, s5  }
0x9: {  	s7 =	sshll.u32 s22, $0x1;
	[smem:$0x7FF] =	sst s8;
	s13 =	sadd.s32 $0x800, s3  }
0xa: {  	s11 =	smul.u32 $0xCC0, s22;
	s3 =	sadd.s32 $0xA00, s3;
	s19 =	sand.u32 $0x2, s5  }
0xb: {  	s7 =	sor.u32 s6, s7;
	_ =	strace $0x80000047;
	[dreg:$0x8] =	wrdreg s13  }
0xc: {  	s14 =	ssub.s32 $0x2, s6;
	s18 =	smul.u32 $0x19800, s6;
	s6 =	sxor.u32 $0x1, s6  }
0xd: {  	s9 =	smul.u32 $0xC350, s7;
	s10 =	sshrl.u32 s14, $0x1;
	s13 =	sadd.s32 s11, s24  }
0xe: {  	s16 =	sadd.s32 s11, s20;
	s21 =	smul.u32 $0x19800, s6;
	[dreg:$0xa] =	wrdreg s13  }
0xf: {  	s6 =	sor.u32 s6, s19;
	s7 =	ssub.s32 s14, s10;
	[dreg:$0xb] =	wrdreg s16  }
0x10: {  	s13 =	simm.s32 $0xC700;
	s12 =	sshrl.u32 s9, $0x3;
	s14 =	sadd.s32 $0x7D0, s9  }
0x11: {  	s19 =	smax.u32 s7, $0x1;
	s29 =	sadd.s32 $0x1F40, s9;
	[dreg:$0xf] =	wrdreg s14  }
0x12: {  	s30 =	sadd.s32 $0x2710, s9;
	s15 =	sadd.s32 s2, s12;
	[dreg:$0x16] =	wrdreg s19  }
0x13: {  	s31 =	sadd.s32 $0x2EE0, s9;
	s17 =	sadd.s32 s0, s12;
	[dreg:$0x9] =	wrdreg s15  }
0x14: {  	s12 =	sadd.s32 s1, s12;
	s23 =	sshrl.u32 s14, $0x3;
	[dreg:$0xd] =	wrdreg s17  }
0x15: {  	s10 =	sadd.s32 $0x1868, s15;
	[dreg:$0xe] =	wrdreg s12;
	s25 =	sadd.s32 s2, s23  }
0x16: {  	s15 =	sadd.s32 s0, s23;
	s16 =	sadd.s32 s1, s23;
	[dreg:$0xc] =	wrdreg s10  }
0x17: {  	s17 =	sshrl.u32 s5, $0x2;
	s23 =	sadd.s32 $0x1770, s9;
	[dreg:$0x10] =	wrdreg s25  }
0x18: {  	v0 =	vimm.s32 $0xFFEDCBA9;
	v1 =	vimm.s32 $0x87654321;
	s12 =	simm.s32 $0xCF00;
	s5 =	simm.s32 $0x0;
	[dreg:$0x13] =	wrdreg s15  }
0x19: {  	v0 =	vunpack.c.l.s4.s8 v0;
	v1 =	vunpack.c.l.s4.s8 v1;
	s10 =	sadd.s32 s11, s18;
	s11 =	sadd.s32 s11, s21;
	[dreg:$0x14] =	wrdreg s16  }
0x1a: {  	[dreg:$0x15] =	wrdreg s17;
	s18 =	sor.u32 $0x4, s6;
	s21 =	sadd.s32 $0xFA0, s9  }
0x1b: {  	v0 =	vunpack.c.0.s8.s32 v0;
	v1 =	vunpack.c.0.s8.s32 v1;
	[dreg:$0x1b] =	wrdreg s23;
	s23 =	simm.s32 $0x1;
	s15 =	simm.s32 $0x2  }
0x1c: {  	v2 =	vimm.s32 $0xEDCBA987;
	s10 =	sshrl.u32 s10, $0x3;
	s14 =	sshrl.u32 s11, $0x3;
	[dreg:$0x1a] =	wrdreg s21  }
0x1d: {  	v2 =	vunpack.c.l.s4.s8 v2;
	v1 =	vcombine.low v1, v0;
	v0 =	vimm.s32 $0x65432100;
	s26 =	sadd.s32 s3, s10;
	s10 =	sadd.s32 s3, s14;
	s3 =	sshll.u32 s18, $0xE  }
.Ltmp0:
0x1e: {  	v3 =	vunpack.c.l.s4.s8 v0;
	s16 =	simm.s32 $0x3;
	[dreg:$0x17] =	wrdreg s3;
	(pc) =	sbr.rel .LBB2_1-.Ltmp0, $4  }
0x1f: {  	vm0 =	vcmask $0x3F3C;
	v5 =	vimm.s32 $0x8000000F;
	v4 =	vunpack.c.0.s8.s32 v2;
	s21 =	simm.s32 $0x4;
	s11 =	simm.s32 $0x5;
	[dreg:$0x11] =	wrdreg s26  }
0x20: {  	vm1 =	vcmask $0x3B00;
	v2 =	vlaneseq.u32;
	v6 =	vunpack.c.0.s8.s32 v3;
	s14 =	simm.s32 $0xC;
	s25 =	sadd.s32 $0x1980, s26;
	[dreg:$0x12] =	wrdreg s10  }
0x21: {  	v7 =	vand.u32 $0xF, v4;
	v4 =	vor.u32 $0x80000000, v2;
	v0 =	vimm.f32 $0.0e+00;
	s18 =	simm.s32 $0xEC00;
	s26 =	sadd.s32 $0x1980, s10;
	[dreg:$0x18] =	wrdreg s25  }
0x22: {  	v1 =	vand.u32 $0xF, v1;
	v3 =	vsel vm1, $0x7FFFFFFF, v5;
	v5 =	vcombine.low v6, v7;
	s10 =	simm.s32 $0x7D0;
	[dreg:$0x19] =	wrdreg s26;
	s26 =	simm.s32 $0xA000  }
.LBB2_45:
0x23: {  	s5 =	rddreg [dreg:$0x1c]  }
0x24: {  	s3 =	rddreg [dreg:$0x16];
	s5 =	sadd.s32 $0x1, s5  }
0x25: {  	p0 =	sne.s32 s5, s3  }
.Ltmp1:
0x26: {  	_ = 	snop;
	(pc) =	sbr.rel @!p0 .LBB2_46-.Ltmp1, $2  }
0x27: {  	_ =	sdelay $0x2  }
0x28: {  	s20 =	rddreg [dreg:$0x6]  }
.LBB2_1:
0x29: {  	[dreg:$0x1c] =	wrdreg s5;
	s3 =	simm.s32 $0xBA20  }
0x2a: {  	[tilespmem:s3+$0xFFFFFFE0] =	vst v0  }
0x2b: {  	[tilespmem:s3+$0x10] =	vst v0  }
0x2c: {  	s5 =	simm.s32 $0x0;
	[tilespmem:s3+$0x0] =	vst v0  }
.LBB2_2:
0x2d: {  	s5 =	sadd.s32 $0x4, s5  }
0x2e: {  	[tilespmem:s3+$0xFFFFFFF0] =	vst v0;
	s3 =	sadd.s32 $0x40, s3;
	p0 =	slt.u32 s5, $0xC8  }
.Ltmp2:
0x2f: {  	[tilespmem:s3+$0xFFFFFFE0] =	vst v0;
	(pc) =	sbr.rel @p0 .LBB2_2-.Ltmp2, $3  }
0x30: {  	_ =	sdelay $0x1  }
0x31: {  	[tilespmem:s3+$0x10] =	vst v0  }
0x32: {  	[tilespmem:s3+$0x0] =	vst v0  }
0x33: {  	[tilespmem:s3+$0xFFFFFFF0] =	vst v0  }
0x34: {  	s5 =	simm.s32 $0xBA00;
	s3 =	rddreg [dreg:$0xa]  }
0x35: {  	[spmem:s3] =	stream.linear.scatter [tilespmem:s5], [sflag:$0xC], $0xCC0, $0x38;
	[tilespmem:$0x12800] =	vst v63  }
0x36: {  	_ =	swait.ge [sflag:s14], $0xCC0  }
0x37: {  	[sflag:s14] =	ssyncset.done $0x0  }
0x38: {  	s25 =	rddreg [dreg:$0xb];
	[sflag:s14] =	ssyncadd.s32 $0xFFFFF340  }
0x39: {  	[spmem:s25] =	stream.linear.scatter [tilespmem:s5], [sflag:$0xC], $0xCC0, $0x38;
	[tilespmem:$0x12800] =	vst v63  }
0x3a: {  	_ =	swait.ge [sflag:s14], $0xCC0  }
0x3b: {  	[sflag:s14] =	ssyncset.done $0x0  }
0x3c: {  	s5 =	simm.s32 $0xC720;
	[sflag:s14] =	ssyncadd.s32 $0xFFFFF340  }
0x3d: {  	[tilespmem:s5+$0xFFFFFFE0] =	vst v0  }
0x3e: {  	[tilespmem:s5+$0x10] =	vst v0  }
0x3f: {  	s6 =	simm.s32 $0x0;
	[tilespmem:s5+$0x0] =	vst v0  }
.LBB2_4:
0x40: {  	s6 =	sadd.s32 $0x4, s6  }
0x41: {  	[tilespmem:s5+$0xFFFFFFF0] =	vst v0;
	s5 =	sadd.s32 $0x40, s5;
	s3 =	simm.s32 $0xCF20;
	p0 =	slt.u32 s6, $0x7C  }
.Ltmp3:
0x42: {  	[tilespmem:s5+$0xFFFFFFE0] =	vst v0;
	(pc) =	sbr.rel @p0 .LBB2_4-.Ltmp3, $3  }
0x43: {  	_ =	sdelay $0x1  }
0x44: {  	[tilespmem:s5+$0x10] =	vst v0  }
0x45: {  	[tilespmem:s5+$0x0] =	vst v0  }
0x46: {  	[tilespmem:s5+$0xFFFFFFF0] =	vst v0  }
0x47: {  	[tilespmem:s3+$0xFFFFFFE0] =	vst v0  }
0x48: {  	[tilespmem:s3+$0x10] =	vst v0  }
0x49: {  	s5 =	simm.s32 $0x0;
	[tilespmem:s3+$0x0] =	vst v0  }
.LBB2_6:
0x4a: {  	s5 =	sadd.s32 $0x4, s5  }
0x4b: {  	[tilespmem:s3+$0xFFFFFFF0] =	vst v0;
	s3 =	sadd.s32 $0x40, s3;
	p0 =	slt.u32 s5, $0x7C  }
.Ltmp4:
0x4c: {  	[tilespmem:s3+$0xFFFFFFE0] =	vst v0;
	(pc) =	sbr.rel @p0 .LBB2_6-.Ltmp4, $3  }
0x4d: {  	_ =	sdelay $0x1  }
0x4e: {  	[tilespmem:s3+$0x10] =	vst v0  }
0x4f: {  	[tilespmem:s3+$0x0] =	vst v0  }
0x50: {  	[tilespmem:s3+$0xFFFFFFF0] =	vst v0  }
0x51: {  	[bflag:$0x0] =	sbarrier.arrive $0xFFFF  }
0x52: {  	s3 =	simm.s32 $0x0;
	s6 =	simm.s32 $0xD700;
	s5 =	rddreg [dreg:$0x9]  }
0x53: {  	[tilespmem:s6], [sflag:$0xC] =	stream.linear.gather [hbm4b:s5+s3], $0x10, $0x38;
	[tilespmem:$0x12800] =	vst v63  }
0x54: {  	_ =	swait.ge [sflag:s14], $0x10  }
0x55: {  	[sflag:s14] =	ssyncset.done $0x0  }
0x56: {  	s17 =	simm.s32 $0xD710;
	s7 =	rddreg [dreg:$0xc];
	[sflag:s14] =	ssyncadd.s32 $0xFFFFFFF0  }
0x57: {  	[tilespmem:s17], [sflag:$0xC] =	stream.linear.gather [hbm4b:s7+s3], $0x10, $0x38;
	[tilespmem:$0x12800] =	vst v63  }
0x58: {  	_ =	swait.ge [sflag:s14], $0x10  }
0x59: {  	[sflag:s14] =	ssyncset.done $0x0  }
0x5a: {  	[sflag:s14] =	ssyncadd.s32 $0xFFFFFFF0  }
0x5b: {  	v6 =	vld [tilespmem:$0xD700];
	_ =	sdelay $0x4  }
0x5c: {  	(v2sf) =	vpush v6, $0x0;
	_ =	sdelay $0x1  }
0x5d: {  	v7 =	vld [tilespmem:$0xD710];
	_ =	sdelay $0x4  }
0x5e: {  	(v2sf) =	vpush v7, $0xF;
	_ =	sdelay $0x7  }
0x5f: {  	s7 =	spop (v2sf)  }
0x60: {  	s19 =	sand.u32 $0x7, s7  }
0x61: {  	s25 =	sshra.s32 s7, $0x1F;
	p0 =	slt.s32 s7, $0x1;
	p1 =	sne.s32 s19, $0x0  }
0x62: {  	s17 =	sshrl.u32 s25, $0x1D;
	p0 =	por !p0, !p1  }
0x63: {  	s6 =	simm.s32 $0x1;
	s5 =	sadd.s32 s17, s7;
	p0 =	por !p0, !p0  }
0x64: {  	s5 =	sshrl.u32 s5, $0x3;
	s6 =	simm.s32 @!p0 $0x0  }
0x65: {  	s5 =	ssub.s32 s5, s6  }
0x66: {  	s19 =	spop (v2sf);
	s25 =	sshll.u32 s5, $0x3  }
0x67: {  	s5 =	ssub.s32 s19, s25  }
0x68: {  	p0 =	sgt.s32 s5, $0x7FF  }
.Ltmp5:
0x69: {  	_ = 	snop;
	(pc) =	sbr.rel @!p0 .LBB2_8-.Ltmp5, $1  }
0x6a: {  	_ =	sdelay $0x3  }
.LBB2_23:
0x6b: {  	s5 =	smul.u32 $0x7D0, s3;
	_ =	sdelay $0x1  }
0x6c: {  	s5 =	sadd.s32 s9, s5  }
0x6d: {  	s5 =	sshrl.u32 s5, $0x3  }
0x6e: {  	s6 =	sadd.s32 s2, s5  }
0x6f: {  	[tilespmem:s8], [sflag:$0xC] =	stream.linear.gather [hbm4b:s6+s8], $0x7D0, $0x38;
	[tilespmem:$0x12800] =	vst v63  }
0x70: {  	_ =	swait.ge [sflag:s14], $0x7D0  }
0x71: {  	[sflag:s14] =	ssyncset.done $0x0  }
0x72: {  	s7 =	simm.s32 $0x2800;
	s17 =	sadd.s32 s0, s5;
	[sflag:s14] =	ssyncadd.s32 $0xFFFFF830  }
0x73: {  	[tilespmem:s7], [sflag:$0xC] =	stream.linear.gather [hbm4b:s17+s8], $0x7D0, $0x38;
	[tilespmem:$0x12800] =	vst v63  }
0x74: {  	_ =	swait.ge [sflag:s14], $0x7D0  }
0x75: {  	[sflag:s14] =	ssyncset.done $0x0  }
0x76: {  	s19 =	simm.s32 $0x5000;
	s5 =	sadd.s32 s1, s5;
	[sflag:s14] =	ssyncadd.s32 $0xFFFFF830  }
0x77: {  	[tilespmem:s19], [sflag:$0xC] =	stream.linear.gather [hbm4b:s5+s8], $0x7D0, $0x38;
	[tilespmem:$0x12800] =	vst v63  }
0x78: {  	_ =	swait.ge [sflag:s14], $0x7D0  }
0x79: {  	[sflag:s14] =	ssyncset.done $0x0  }
0x7a: {  	s6 =	simm.s32 $0x5020;
	[sflag:s14] =	ssyncadd.s32 $0xFFFFF830  }
0x7b: {  	v6 =	vld [tilespmem:s6+$0x20]  }
0x7c: {  	v7 =	vld [tilespmem:s6+$0xFFFFFFF0];
	_ =	sdelay $0x3  }
0x7d: {  	v8 =	vld [tilespmem:s6+$0x0];
	(erf) = vrcp.f32 v6  }
0x7e: {  	v9 =	vld [tilespmem:s6+$0x10];
	(erf) = vrcp.f32 v7  }
0x7f: {  	v6 =	vld [tilespmem:s6+$0xFFFFFFE0];
	_ =	sdelay $0x1  }
0x80: {  	s7 =	simm.s32 $0x5070  }
0x81: {  	v7 =	vld [tilespmem:s7+$0x20];
	(erf) = vrcp.f32 v8  }
0x82: {  	v8 =	vld [tilespmem:s7+$0xFFFFFFF0];
	(erf) = vrcp.f32 v9  }
0x83: {  	(erf) = vrcp.f32 v6;
	v6 =	vld [tilespmem:s7+$0x0]  }
0x84: {  	v9 =	vld [tilespmem:s7+$0x10]  }
0x85: {  	s10 =	simm.s32 $0xA020;
	v10 =	vld [tilespmem:s7+$0xFFFFFFE0];
	v11 =	vpop (erf)  }
0x86: {  	s19 =	simm.s32 $0x2820;
	(erf) = vrcp.f32 v7;
	[tilespmem:s10+$0x20] =	vst v11;
	v7 =	vpop (erf)  }
0x87: {  	(erf) = vrcp.f32 v8;
	[tilespmem:s10+$0xFFFFFFF0] =	vst v7;
	v8 =	vld [tilespmem:s19+$0x20]  }
0x88: {  	s17 =	simm.s32 $0x50C0;
	(erf) = vrcp.f32 v6;
	v13 =	vld [tilespmem:s19+$0xFFFFFFF0]  }
0x89: {  	v17 =	vld [tilespmem:s17+$0xFFFFFFF0];
	(erf) = vrcp.f32 v9  }
0x8a: {  	v20 =	vld [tilespmem:s17+$0x10];
	v12 =	vpop (erf);
	(erf) = vrcp.f32 v10  }
0x8b: {  	[tilespmem:s10+$0x0] =	vst v12;
	v14 =	vpop (erf);
	v10 =	vld [tilespmem:s17+$0x20]  }
0x8c: {  	v21 =	vld [tilespmem:s17+$0xFFFFFFE0];
	[tilespmem:s10+$0x10] =	vst v14;
	v6 =	vpop (erf);
	v8 =	vmul.f32 v8, v11  }
0x8d: {  	s5 =	simm.s32 $0xAD20;
	[tilespmem:s10+$0xFFFFFFE0] =	vst v6;
	v11 =	vld [tilespmem:s17+$0x0];
	v7 =	vmul.f32 v13, v7  }
0x8e: {  	v16 =	vld [tilespmem:s19+$0x0];
	[tilespmem:s5+$0x20] =	vst v8  }
0x8f: {  	s6 =	simm.s32 $0xA070;
	v19 =	vld [tilespmem:s19+$0x10];
	v9 =	vpop (erf);
	[tilespmem:s5+$0xFFFFFFF0] =	vst v7  }
0x90: {  	s7 =	simm.s32 $0x2870;
	v15 =	vld [tilespmem:s19+$0xFFFFFFE0];
	(erf) = vrcp.f32 v10;
	[tilespmem:s6+$0x20] =	vst v9;
	v10 =	vpop (erf)  }
0x91: {  	(erf) = vrcp.f32 v17;
	[tilespmem:s6+$0xFFFFFFF0] =	vst v10;
	v17 =	vld [tilespmem:s7+$0x20];
	v8 =	vpop (erf)  }
0x92: {  	(erf) = vrcp.f32 v11;
	v18 =	vld [tilespmem:s7+$0xFFFFFFF0];
	[tilespmem:s6+$0x0] =	vst v8;
	v7 =	vpop (erf)  }
0x93: {  	v13 =	vmul.f32 v16, v12;
	(erf) = vrcp.f32 v20;
	v11 =	vld [tilespmem:s7+$0x0];
	[tilespmem:s6+$0x10] =	vst v7;
	v16 =	vpop (erf)  }
0x94: {  	s17 =	simm.s32 $0xA;
	s19 =	simm.s32 $0x5110;
	v14 =	vmul.f32 v19, v14;
	(erf) = vrcp.f32 v21;
	[tilespmem:s6+$0xFFFFFFE0] =	vst v16;
	v12 =	vld [tilespmem:s7+$0x10]  }
.LBB2_24:
0x95: {  	v19 =	vld [tilespmem:s19+$0x20];
	s17 =	sadd.s32 $0x5, s17;
	v15 =	vmul.f32 v15, v6;
	[tilespmem:s5+$0x0] =	vst v13;
	v6 =	vmov v16  }
0x96: {  	v16 =	vld [tilespmem:s19+$0xFFFFFFF0];
	p1 =	slt.u32 s17, $0x78;
	v17 =	vmul.f32 v17, v9;
	[tilespmem:s5+$0x10] =	vst v14  }
0x97: {  	v20 =	vld [tilespmem:s19+$0x0];
	v18 =	vmul.f32 v18, v10;
	[tilespmem:s5+$0xFFFFFFE0] =	vst v15;
	s5 =	sadd.s32 $0x50, s5  }
0x98: {  	v21 =	vld [tilespmem:s19+$0x10];
	v13 =	vmul.f32 v11, v8;
	[tilespmem:s5+$0x20] =	vst v17  }
0x99: {  	s6 =	sadd.s32 $0x50, s6;
	v22 =	vld [tilespmem:s19+$0xFFFFFFE0];
	v9 =	vpop (erf);
	[tilespmem:s5+$0xFFFFFFF0] =	vst v18;
	v14 =	vmul.f32 v12, v7  }
.Ltmp6:
0x9a: {  	(erf) = vrcp.f32 v19;
	[tilespmem:s6+$0x20] =	vst v9;
	v10 =	vpop (erf);
	v15 =	vld [tilespmem:s7+$0xFFFFFFE0];
	s7 =	sadd.s32 $0x50, s7;
	(pc) =	sbr.rel @p1 .LBB2_24-.Ltmp6, $4  }
0x9b: {  	(erf) = vrcp.f32 v16;
	[tilespmem:s6+$0xFFFFFFF0] =	vst v10;
	v17 =	vld [tilespmem:s7+$0x20];
	v8 =	vpop (erf)  }
0x9c: {  	(erf) = vrcp.f32 v20;
	v18 =	vld [tilespmem:s7+$0xFFFFFFF0];
	[tilespmem:s6+$0x0] =	vst v8;
	v7 =	vpop (erf)  }
0x9d: {  	(erf) = vrcp.f32 v21;
	v11 =	vld [tilespmem:s7+$0x0];
	[tilespmem:s6+$0x10] =	vst v7;
	v16 =	vpop (erf)  }
0x9e: {  	s19 =	sadd.s32 $0x50, s19;
	(erf) = vrcp.f32 v22;
	[tilespmem:s6+$0xFFFFFFE0] =	vst v16;
	v12 =	vld [tilespmem:s7+$0x10]  }
0x9f: {  	v6 =	vmul.f32 v15, v6;
	[tilespmem:s5+$0x0] =	vst v13  }
0xa0: {  	[tilespmem:s5+$0x10] =	vst v14;
	v9 =	vmul.f32 v17, v9  }
0xa1: {  	s10 =	sadd.s32 $0x50, s5;
	v10 =	vmul.f32 v18, v10;
	[tilespmem:s5+$0xFFFFFFE0] =	vst v6  }
0xa2: {  	[tilespmem:s10+$0x20] =	vst v9  }
0xa3: {  	s6 =	sadd.s32 $0x50, s6;
	v6 =	vpop (erf);
	[tilespmem:s10+$0xFFFFFFF0] =	vst v10  }
0xa4: {  	v54 =	vld [tilespmem:s7+$0xFFFFFFE0];
	s17 =	sadd.s32 $0x50, s7;
	[tilespmem:s6+$0x20] =	vst v6;
	v53 =	vpop (erf)  }
0xa5: {  	[tilespmem:s6+$0xFFFFFFF0] =	vst v53;
	v55 =	vld [tilespmem:s17+$0x20];
	v56 =	vpop (erf)  }
0xa6: {  	v57 =	vld [tilespmem:s17+$0xFFFFFFF0];
	[tilespmem:s6+$0x0] =	vst v56;
	v58 =	vpop (erf)  }
0xa7: {  	v8 =	vmul.f32 v11, v8;
	v59 =	vld [tilespmem:s17+$0x0];
	[tilespmem:s6+$0x10] =	vst v58;
	v60 =	vpop (erf)  }
0xa8: {  	v7 =	vmul.f32 v12, v7;
	[tilespmem:s6+$0xFFFFFFE0] =	vst v60;
	v61 =	vld [tilespmem:s17+$0x10]  }
0xa9: {  	v10 =	vmul.f32 v54, v16;
	[tilespmem:s10+$0x0] =	vst v8;
	v62 =	vld [tilespmem:s17+$0xFFFFFFE0]  }
0xaa: {  	[tilespmem:s10+$0x10] =	vst v7;
	v6 =	vmul.f32 v55, v6  }
0xab: {  	s5 =	sadd.s32 $0x50, s10;
	[tilespmem:s10+$0xFFFFFFE0] =	vst v10;
	v7 =	vmul.f32 v57, v53  }
0xac: {  	v63 =	vmul.f32 v59, v56;
	[tilespmem:s5+$0x20] =	vst v6  }
0xad: {  	[tilespmem:s5+$0xFFFFFFF0] =	vst v7;
	v6 =	vmul.f32 v61, v58  }
0xae: {  	v7 =	vmul.f32 v62, v60;
	[tilespmem:s5+$0x0] =	vst v63  }
0xaf: {  	[tilespmem:s5+$0x10] =	vst v6  }
0xb0: {  	s19 =	simm.s32 $0x7D0;
	[tilespmem:s5+$0xFFFFFFE0] =	vst v7  }
0xb1: {  	[spmem:s24] =	stream.indirect.scatter.add.f32 [tilespmem:s26], [sflag:$0xC], $0x1, s8, s19, $0xb8;
	[tilespmem:$0x12800] =	vst v63  }
0xb2: {  	_ =	swait.ge [sflag:s14], $0x7D0  }
0xb3: {  	s3 =	sadd.s32 $0x1, s3;
	[sflag:s14] =	ssyncset.done $0x0  }
0xb4: {  	p1 =	sne.s32 s3, $0x19;
	[sflag:s14] =	ssyncadd.s32 $0xFFFFF830  }
0xb5: {  	[spmem:s20] =	stream.indirect.scatter.add.f32 [tilespmem:s28], [sflag:$0xC], $0x1, s8, s19, $0xb8;
	[tilespmem:$0x12800] =	vst v63  }
.Ltmp7:
0xb6: {  	_ = 	snop;
	(pc) =	sbr.rel @p1 .LBB2_23-.Ltmp7, $4  }
.Ltmp8:
0xb7: {  	_ = 	snop;
	(pc) =	sbr.rel @!p1 .LBB2_26-.Ltmp8, $4  }
0xb8: {  	_ =	swait.ge [sflag:s14], $0x7D0  }
0xb9: {  	[sflag:s14] =	ssyncset.done $0x0  }
0xba: {  	s10 =	simm.s32 $0x7D0;
	[sflag:s14] =	ssyncadd.s32 $0xFFFFF830  }
0xbb: {  	_ = 	snop  }
.LBB2_8:
0xbc: {  	s3 =	simm.s32 $0x0;
	s5 =	rddreg [dreg:$0x9]  }
0xbd: {  	[tilespmem:s3], [sflag:$0x1] =	stream.linear.gather [hbm4b:s5+s3], $0x7D0, $0x38;
	[tilespmem:$0x12800] =	vst v63  }
0xbe: {  	s24 =	rddreg [dreg:$0xd];
	s6 =	simm.s32 $0x2800  }
0xbf: {  	[tilespmem:s6], [sflag:$0x1] =	stream.linear.gather [hbm4b:s24+s3], $0x7D0, $0x38;
	[tilespmem:$0x12800] =	vst v63  }
0xc0: {  	s26 =	smov.u32 s25;
	s25 =	rddreg [dreg:$0xe];
	s28 =	simm.s32 $0x5000  }
0xc1: {  	[tilespmem:s28], [sflag:$0x1] =	stream.linear.gather [hbm4b:s25+s3], $0x7D0, $0x38;
	[tilespmem:$0x12800] =	vst v63  }
0xc2: {  	s17 =	rddreg [dreg:$0x10];
	s19 =	simm.s32 $0x800  }
0xc3: {  	[tilespmem:s19], [sflag:$0x2] =	stream.linear.gather [hbm4b:s17+s3], $0x7D0, $0x38;
	[tilespmem:$0x12800] =	vst v63  }
0xc4: {  	s20 =	rddreg [dreg:$0x13];
	s24 =	simm.s32 $0x3000  }
0xc5: {  	[tilespmem:s24], [sflag:$0x2] =	stream.linear.gather [hbm4b:s20+s3], $0x7D0, $0x38;
	[tilespmem:$0x12800] =	vst v63  }
0xc6: {  	s25 =	rddreg [dreg:$0x14];
	s28 =	simm.s32 $0x5800  }
0xc7: {  	v6 =	vbroadcast v6, $0x0;
	[tilespmem:s28], [sflag:$0x2] =	stream.linear.gather [hbm4b:s25+s3], $0x7D0, $0x38;
	[tilespmem:$0x12800] =	vst v63  }
.LBB2_9:
0xc8: {  	s19 =	smul.u32 $0x2710, s3  }
0xc9: {  	s5 =	rddreg [dreg:$0x1a]  }
0xca: {  	s5 =	sadd.s32 s19, s5  }
0xcb: {  	s5 =	sshrl.u32 s5, $0x3  }
0xcc: {  	s17 =	simm.s32 $0x1000;
	s6 =	sadd.s32 s2, s5  }
0xcd: {  	[tilespmem:s17], [sflag:$0x3] =	stream.linear.gather [hbm4b:s6+s8], $0x7D0, $0x38;
	[tilespmem:$0x12800] =	vst v63  }
0xce: {  	s25 =	simm.s32 $0x3800;
	s24 =	sadd.s32 s0, s5  }
0xcf: {  	[tilespmem:s25], [sflag:$0x3] =	stream.linear.gather [hbm4b:s24+s8], $0x7D0, $0x38;
	[tilespmem:$0x12800] =	vst v63  }
0xd0: {  	s28 =	simm.s32 $0x6000;
	s5 =	sadd.s32 s1, s5  }
0xd1: {  	[tilespmem:s28], [sflag:$0x3] =	stream.linear.gather [hbm4b:s5+s8], $0x7D0, $0x38;
	[tilespmem:$0x12800] =	vst v63  }
0xd2: {  	_ =	swait.ge [sflag:s23], $0x7D0  }
0xd3: {  	[sflag:s23] =	ssyncset.done $0x0  }
0xd4: {  	[sflag:s23] =	ssyncadd.s32 $0xFFFFF830  }
0xd5: {  	_ =	swait.ge [sflag:s23], $0x7D0  }
0xd6: {  	[sflag:s23] =	ssyncset.done $0x0  }
0xd7: {  	[sflag:s23] =	ssyncadd.s32 $0xFFFFF830  }
0xd8: {  	_ =	swait.ge [sflag:s23], $0x7D0  }
0xd9: {  	[sflag:s23] =	ssyncset.done $0x0  }
0xda: {  	s17 =	simm.s32 $0x5020;
	[sflag:s23] =	ssyncadd.s32 $0xFFFFF830  }
0xdb: {  	v7 =	vld [tilespmem:s17+$0x20]  }
0xdc: {  	v8 =	vld [tilespmem:s17+$0xFFFFFFE0]  }
0xdd: {  	s20 =	simm.s32 $0x20;
	v9 =	vld [tilespmem:s17+$0x10]  }
0xde: {  	v11 =	vld [tilespmem:s20+$0xFFFFFFF0]  }
0xdf: {  	v13 =	vld [tilespmem:s20+$0x0]  }
0xe0: {  	v10 =	vld [tilespmem:s17+$0xFFFFFFF0]  }
0xe1: {  	v14 =	vld [tilespmem:s20+$0x20];
	(erf) = vrcp.f32 v7  }
0xe2: {  	(erf) = vrcp.f32 v8  }
0xe3: {  	(erf) = vrcp.f32 v9  }
0xe4: {  	v7 =	vperm.xlane v11, v1;
	v8 =	vperm.xlane v13, v1  }
0xe5: {  	(erf) = vrcp.f32 v10  }
0xe6: {  	s24 =	simm.s32 $0x2820;
	v17 =	vld [tilespmem:s20+$0xFFFFFFE0];
	vm3 =	vne.s32 v11, v7;
	vm4 =	vne.s32 v13, v8;
	v8 =	vperm.xlane v14, v1  }
0xe7: {  	v7 =	vld [tilespmem:s24+$0x20];
	v9 =	vsel vm3, v4, v3  }
0xe8: {  	v16 =	vld [tilespmem:s20+$0x10];
	v10 =	vsel vm4, v4, v3;
	(xrf0) =	vmax.scan.msk.u32 $0xffff, v9;
	vm5 =	vne.s32 v14, v8  }
0xe9: {  	(xrf0) =	vmax.scan.msk.u32 $0xffff, v10;
	v8 =	vld [tilespmem:s17+$0x0];
	v12 =	vsel vm5, v4, v3  }
0xea: {  	s25 =	simm.s32 $0x5070;
	v19 =	vld [tilespmem:s24+$0x10];
	(xrf0) =	vmax.scan.msk.u32 $0xffff, v12;
	v9 =	vpop (erf)  }
0xeb: {  	v23 =	vld [tilespmem:s25+$0x20];
	v10 =	vpop (erf);
	(xrf2) =	vadd.scan.msk.f32 $0xffff, v9  }
0xec: {  	v12 =	vld [tilespmem:s24+$0xFFFFFFF0];
	v7 =	vmul.f32 v9, v7;
	v9 =	vperm.xlane v17, v1;
	v15 =	vpop (erf)  }
0xed: {  	vm1 =	veq.s32 v2, $0x0;
	(xrf2) =	vadd.scan.msk.f32 $0xffff, v15  }
0xee: {  	vm4 =	vmor vm4, vm0;
	v18 =	vpop (erf);
	(erf) = vrcp.f32 v8;
	vm2 =	vne.s32 v17, v9;
	(xrf2) =	vadd.scan.msk.f32 $0xffff, v7  }
0xef: {  	v24 =	vld [tilespmem:s25+$0xFFFFFFE0];
	v11 =	vsub.s32 v11, v6;
	vm4 =	vmmov vm4;
	v8, _, _ =	vpop (xrf0);
	v21 =	vsel vm2, v4, v3;
	(xrf2) =	vadd.scan.msk.f32 $0xffff, v18  }
0xf0: {  	vm11 =	vmor vm5, vm0;
	v9 =	vperm.xlane v16, v1;
	v19 =	vmul.f32 v15, v19;
	v7 =	vld [tilespmem:s24+$0xFFFFFFE0];
	v20, _, _ =	vpop (xrf0);
	(xrf0) =	vmax.scan.msk.u32 $0xffff, v21  }
0xf1: {  	v12 =	vmul.f32 v18, v12;
	v8 =	vxor.u32 $0x80000000, v8;
	(erf) = vrcp.f32 v23;
	v18, _, _ =	vpop (xrf0)  }
0xf2: {  	vm7 =	vne.s32 v16, v9;
	v9 =	vxor.u32 $0x80000000, v18;
	v18 =	vxor.u32 $0x80000000, v20  }
0xf3: {  	v17 =	vsub.s32 v17, v6;
	v8 =	vperm.xlane v8, v5;
	v18 =	vperm.xlane v18, v5  }
0xf4: {  	vm2 =	vmor vm2, vm0;
	(erf) = vrcp.f32 v24;
	v9 =	vperm.xlane v9, v5  }
0xf5: {  	v21 =	vld [tilespmem:s24+$0x0];
	v20 =	vsel vm7, v4, v3;
	v22 =	vsel vm1, $0xFFFFFFFF, v8;
	v7 =	vmul.f32 v10, v7;
	v15, _, _ =	vpop (xrf2)  }
0xf6: {  	v16 =	vsub.s32 v16, v6;
	(xrf0) =	vmax.scan.msk.u32 $0xffff, v20;
	vm6 =	vgt.s32 v22, $0x0;
	v9 =	vsel vm1, $0xFFFFFFFF, v9;
	v30, _, _ =	vpop (xrf0)  }
0xf7: {  	s28 =	simm.s32 $0x70;
	v20 =	vld [tilespmem:s25+$0x10];
	vm10 =	vgt.s32 v22, $0xFFFFFFFF;
	v25 =	vsel vm1, $0xFFFFFFFF, v18;
	vm8 =	vgt.s32 v9, $0x0;
	(xrf2) =	vadd.scan.msk.f32 $0xffff, v7;
	v18 =	vpop (erf)  }
0xf8: {  	v26 =	vnsel vm6, $0x0, v22;
	vm6 =	vmmov vm3;
	v27 =	vnsel vm8, $0x0, v9;
	v7 =	vld [tilespmem:s28+$0xFFFFFFF0];
	v8, _, _ =	vpop (xrf2);
	(xrf2) =	vadd.scan.msk.f32 $0xffff, v18  }
0xf9: {  	vm3 =	vmmov vm7;
	vm5 =	vgt.s32 v9, $0xFFFFFFFF;
	v28 =	vperm.xlane v15, v27;
	v29, _, _ =	vpop (xrf2)  }
0xfa: {  	vm13 =	vgt.s32 v25, $0xFFFFFFFF;
	v18 =	vmul.f32 v18, v21;
	(xrf2) =	vadd.scan.msk.f32 $0xffff, v10;
	v10 =	vld [tilespmem:s28+$0x0];
	v9 =	vperm.xlane v29, v27;
	v23, _, _ =	vpop (xrf2)  }
0xfb: {  	s17 =	simm.s32 $0x2870;
	v21 =	vnsel vm5, $0x0, v28;
	v28 =	vxor.u32 $0x80000000, v30;
	v27 =	vld [tilespmem:s25+$0xFFFFFFF0];
	(xrf2) =	vadd.scan.msk.f32 $0xffff, v12;
	v30 =	vperm.xlane v23, v26  }
0xfc: {  	v54 =	vld [tilespmem:s17+$0xFFFFFFE0];
	(erf) = vrcp.f32 v20;
	v31 =	vsub.f32 v15, v21;
	v9 =	vnsel vm5, $0x0, v9  }
0xfd: {  	v21 =	vld [tilespmem:s17+$0x20];
	(xrf2) =	vadd.scan.msk.f32 $0xffff, v18;
	v29 =	vsub.f32 v29, v9;
	v9 =	vperm.xlane v7, v1;
	v12 =	vnsel vm10, $0x0, v30  }
0xfe: {  	v20, _, _ =	vpop (xrf0);
	vm5 =	vmor vm6, vm0;
	vm6 =	vgt.s32 v25, $0x0;
	v22 =	vsub.f32 v23, v12;
	v12 =	vld [tilespmem:s28+$0x20]  }
0xff: {  	v15 =	vperm.xlane v28, v5;
	v28 =	vpop (erf);
	v35 =	vnsel vm6, $0x0, v25;
	v23 =	vsub.s32 v14, v6;
	v14 =	vld [tilespmem:s28+$0xFFFFFFE0]  }
0x100: {  	v25 =	vxor.u32 $0x80000000, v20;
	v20 =	vpop (erf);
	v24 =	vperm.xlane v10, v1;
	(erf) = vrcp.f32 v27  }
0x101: {  	v30 =	vsel vm1, $0xFFFFFFFF, v15;
	v15 =	vsub.s32 v13, v6;
	v13 =	vld [tilespmem:s28+$0x10];
	vm7 =	vne.s32 v7, v9;
	v9, _, _ =	vpop (xrf2)  }
0x102: {  	v39 =	vperm.xlane v25, v5;
	v27 =	vsel vm7, v4, v3;
	vm8 =	vne.s32 v10, v24;
	v18, _, _ =	vpop (xrf2);
	(xrf2) =	vadd.scan.msk.f32 $0xffff, v19  }
0x103: {  	v60 =	vmul.f32 v20, v54;
	v34 =	vsel vm8, v4, v3;
	(xrf0) =	vmax.scan.msk.u32 $0xffff, v27;
	v32 =	vperm.xlane v12, v1  }
0x104: {  	v33 =	vld [tilespmem:s17+$0xFFFFFFF0];
	v36 =	vmul.f32 v28, v21;
	v57 =	vsel vm1, $0xFFFFFFFF, v39;
	(xrf0) =	vmax.scan.msk.u32 $0xffff, v34;
	v24, _, _ =	vpop (xrf2);
	v27 =	vperm.xlane v14, v1  }
0x105: {  	[tilespmem:v11+s13+$0x0] =	vst.idx.add.f32.msk vm5, v22;
	v19, _, _ =	vpop (xrf2);
	(xrf2) =	vadd.scan.msk.f32 $0xffff, v28;
	v28 =	vperm.xlane v18, v35;
	vm9 =	vne.s32 v12, v32  }
0x106: {  	v21 =	vperm.xlane v19, v26;
	vm6 =	vne.s32 v14, v27;
	v26 =	vld [tilespmem:s25+$0x0];
	v27 =	vperm.xlane v13, v1  }
0x107: {  	vm14 =	vgt.s32 v57, $0x0;
	[tilespmem:v23+s13+$0x0] =	vst.idx.add.f32.msk vm11, v31;
	v41, _, _ =	vpop (xrf2);
	v32 =	vsel vm9, v4, v3;
	v40 =	vsel vm6, v4, v3  }
0x108: {  	v37 =	vpop (erf);
	v28 =	vnsel vm13, $0x0, v28;
	v56 =	vperm.xlane v41, v35;
	v21 =	vnsel vm10, $0x0, v21;
	(xrf0) =	vmax.scan.msk.u32 $0xffff, v32  }
0x109: {  	v55 =	vld [tilespmem:s17+$0x10];
	(xrf2) =	vadd.scan.msk.f32 $0xffff, v37;
	vm12 =	vne.s32 v13, v27;
	vm10 =	vgt.s32 v30, $0x0;
	v32 =	vnsel vm14, $0x0, v57;
	v38 =	vpop (erf)  }
0x10a: {  	[tilespmem:v23+s12+$0x0] =	vst.idx.add.f32.msk vm11, v29;
	v58 =	vsel vm12, v4, v3;
	v59 =	vnsel vm13, $0x0, v56;
	vm13 =	vgt.s32 v57, $0xFFFFFFFF;
	v27, _, _ =	vpop (xrf0)  }
0x10b: {  	v25 =	vmul.f32 v38, v33;
	(xrf0) =	vmax.scan.msk.u32 $0xffff, v40;
	v27 =	vxor.u32 $0x80000000, v27;
	(erf) = vrcp.f32 v26;
	v43, _, _ =	vpop (xrf0)  }
0x10c: {  	v26 =	vnsel vm10, $0x0, v30;
	v22 =	vperm.xlane v27, v5;
	v23 =	vxor.u32 $0x80000000, v43;
	v42, _, _ =	vpop (xrf2);
	(xrf2) =	vadd.scan.msk.f32 $0xffff, v36  }
0x10d: {  	vm10 =	vgt.s32 v30, $0xFFFFFFFF;
	v62 =	vperm.xlane v24, v26;
	v63 =	vperm.xlane v23, v5  }
0x10e: {  	v27 =	vsel vm1, $0xFFFFFFFF, v22;
	v61 =	vperm.xlane v42, v32;
	v22 =	vmul.f32 v37, v55;
	v30, _, _ =	vpop (xrf0)  }
0x10f: {  	(xrf2) =	vadd.scan.msk.f32 $0xffff, v38;
	v36 =	vnsel vm10, $0x0, v62;
	v30 =	vxor.u32 $0x80000000, v30;
	vm11 =	vgt.s32 v27, $0x0  }
0x110: {  	(xrf0) =	vmax.scan.msk.u32 $0xffff, v58;
	v31, _, _ =	vpop (xrf2);
	v29 =	vnsel vm13, $0x0, v61;
	v35 =	vperm.xlane v30, v5;
	v30 =	vsub.f32 v41, v59  }
0x111: {  	s6 =	simm.s32 $0x50C0;
	s24 =	simm.s32 $0x5;
	v34 =	vld [tilespmem:s17+$0x0];
	s25 =	simm.s32 $0xC0;
	(xrf2) =	vadd.scan.msk.f32 $0xffff, v60;
	v33, _, _ =	vpop (xrf0);
	v23 =	vsub.f32 v42, v29;
	v29 =	vperm.xlane v9, v26;
	v26 =	vsel vm1, $0xFFFFFFFF, v63  }
.LBB2_10:
0x112: {  	v38 =	vnsel vm11, $0x0, v27;
	v35 =	vsel vm1, $0xFFFFFFFF, v35;
	v24 =	vsub.f32 v24, v36  }
0x113: {  	v37 =	vld [tilespmem:s6+$0x20];
	s24 =	sadd.s32 $0x5, s24;
	s17 =	sadd.s32 $0x50, s17;
	v39, _, _ =	vpop (xrf2);
	vm14 =	vmmov vm7;
	vm7 =	vmmov vm3;
	vm3 =	vmmov vm12  }
0x114: {  	vm8 =	vmor vm8, vm0;
	v32 =	vperm.xlane v8, v32;
	v36 =	vld [tilespmem:s17+$0x20];
	p1 =	slt.u32 s24, $0x78;
	vm12 =	vgt.s32 v35, $0x0;
	v40 =	vpop (erf)  }
0x115: {  	vm11 =	vmor vm9, vm0;
	v18 =	vsub.f32 v18, v28;
	v41 =	vld [tilespmem:s6+$0xFFFFFFE0];
	v43 =	vnsel vm12, $0x0, v35;
	(xrf2) =	vadd.scan.msk.f32 $0xffff, v40  }
0x116: {  	v28 =	vmul.f32 v40, v34;
	v44 =	vperm.xlane v31, v43;
	v40, _, _ =	vpop (xrf2);
	[tilespmem:v17+s13+$0x0] =	vst.idx.add.f32.msk vm2, v24;
	v24 =	vnsel vm13, $0x0, v32  }
0x117: {  	vm12 =	vgt.s32 v35, $0xFFFFFFFF;
	v32 =	vld [tilespmem:s25+$0xFFFFFFF0];
	v35 =	vperm.xlane v40, v43;
	v42, _, _ =	vpop (xrf0);
	v24 =	vsub.f32 v8, v24  }
0x118: {  	vm9 =	vmor vm7, vm0;
	v8 =	vmovc v39;
	v43 =	vld [tilespmem:s6+$0x10];
	(erf) = vrcp.f32 v37;
	v37 =	vnsel vm12, $0x0, v44;
	(xrf2) =	vadd.scan.msk.f32 $0xffff, v20  }
0x119: {  	v20 =	vxor.u32 $0x80000000, v33;
	v33 =	vnsel vm12, $0x0, v35;
	v31 =	vsub.f32 v31, v37;
	v34, _, _ =	vpop (xrf2);
	[tilespmem:v15+s13+$0x0] =	vst.idx.add.f32.msk vm4, v18  }
0x11a: {  	v18 =	vld [tilespmem:s6+$0xFFFFFFF0];
	(erf) = vrcp.f32 v41;
	v35 =	vperm.xlane v34, v38;
	v33 =	vsub.f32 v40, v33  }
0x11b: {  	v19 =	vsub.f32 v19, v21;
	vm12 =	vgt.s32 v27, $0xFFFFFFFF;
	(xrf2) =	vadd.scan.msk.f32 $0xffff, v25;
	[tilespmem:v15+s12+$0x0] =	vst.idx.add.f32.msk vm4, v30  }
0x11c: {  	v20 =	vperm.xlane v20, v5;
	v15 =	vperm.xlane v32, v1;
	v21 =	vld [tilespmem:s25+$0x0];
	v25 =	vnsel vm12, $0x0, v35;
	v27, _, _ =	vpop (xrf2)  }
0x11d: {  	v30 =	vsub.f32 v34, v25;
	v34 =	vsub.s32 v12, v6;
	v25 =	vnsel vm10, $0x0, v29;
	[tilespmem:v11+s12+$0x0] =	vst.idx.add.f32.msk vm5, v19  }
0x11e: {  	vm4 =	vmmov vm8;
	vm7 =	vne.s32 v32, v15;
	v12 =	vld [tilespmem:s25+$0x20];
	(erf) = vrcp.f32 v43  }
0x11f: {  	v19 =	vsub.f32 v9, v25;
	v9 =	vmov v27;
	v29 =	vld [tilespmem:s25+$0xFFFFFFE0];
	(erf) = vrcp.f32 v18;
	v18, _, _ =	vpop (xrf2);
	(xrf2) =	vadd.scan.msk.f32 $0xffff, v28  }
0x120: {  	v35 =	vsel vm1, $0xFFFFFFFF, v20;
	v11 =	vsub.s32 v7, v6;
	vm5 =	vmor vm14, vm0;
	v7 =	vmovc v32;
	[tilespmem:v16+s13+$0x0] =	vst.idx.add.f32.msk vm9, v24  }
0x121: {  	v15 =	vsub.s32 v10, v6;
	v27 =	vsub.s32 v13, v6;
	v28 =	vperm.xlane v21, v1;
	v25 =	vpop (erf);
	v13 =	vld [tilespmem:s25+$0x10]  }
0x122: {  	v37 =	vsub.s32 v14, v6;
	vm10 =	vgt.s32 v26, $0xFFFFFFFF;
	v32 =	vsel vm7, v4, v3;
	v24, _, _ =	vpop (xrf2);
	[tilespmem:v16+s12+$0x0] =	vst.idx.add.f32.msk vm9, v23  }
0x123: {  	vm8 =	vne.s32 v21, v28;
	v28 =	vperm.xlane v12, v1;
	v20 =	vpop (erf);
	(xrf2) =	vadd.scan.msk.f32 $0xffff, v22;
	[tilespmem:v17+s12+$0x0] =	vst.idx.add.f32.msk vm2, v19  }
0x124: {  	v10 =	vmovc v21;
	vm2 =	vmor vm6, vm0;
	vm6 =	vgt.s32 v26, $0x0;
	v16 =	vld [tilespmem:s17+$0xFFFFFFF0];
	v17 =	vsel vm8, v4, v3;
	(xrf0) =	vmax.scan.msk.u32 $0xffff, v32  }
0x125: {  	v22 =	vxor.u32 $0x80000000, v42;
	v21 =	vperm.xlane v29, v1;
	(xrf0) =	vmax.scan.msk.u32 $0xffff, v17;
	v17 =	vnsel vm6, $0x0, v26;
	v19, _, _ =	vpop (xrf2)  }
0x126: {  	v23 =	vmul.f32 v25, v36;
	v14 =	vmovc v29;
	vm9 =	vne.s32 v12, v28;
	v26 =	vperm.xlane v19, v38  }
0x127: {  	vm6 =	vne.s32 v14, v21;
	v28 =	vperm.xlane v13, v1;
	v21 =	vsel vm9, v4, v3;
	v29 =	vld [tilespmem:s6+$0x0];
	v36 =	vpop (erf);
	(xrf2) =	vadd.scan.msk.f32 $0xffff, v25  }
0x128: {  	v22 =	vperm.xlane v22, v5;
	v38 =	vpop (erf);
	(xrf0) =	vmax.scan.msk.u32 $0xffff, v21;
	v21 =	vnsel vm12, $0x0, v26;
	v26 =	vperm.xlane v18, v17  }
0x129: {  	v32 =	vsel vm6, v4, v3;
	vm12 =	vne.s32 v13, v28;
	v39 =	vld [tilespmem:s17+$0xFFFFFFE0];
	v25 =	vmul.f32 v38, v16;
	v40, _, _ =	vpop (xrf2)  }
0x12a: {  	v41 =	vld [tilespmem:s17+$0x10];
	v16, _, _ =	vpop (xrf0);
	(xrf2) =	vadd.scan.msk.f32 $0xffff, v36;
	v28 =	vnsel vm10, $0x0, v26;
	v17 =	vperm.xlane v40, v17;
	v26 =	vsel vm1, $0xFFFFFFFF, v22  }
0x12b: {  	vm13 =	vgt.s32 v35, $0x0;
	v42 =	vsel vm12, v4, v3;
	v44 =	vxor.u32 $0x80000000, v16;
	v43, _, _ =	vpop (xrf0);
	[tilespmem:v11+s13+$0x0] =	vst.idx.add.f32.msk vm5, v30  }
0x12c: {  	vm14 =	vgt.s32 v26, $0x0;
	v16 =	vmovc v27;
	v22 =	vperm.xlane v44, v5;
	(xrf0) =	vmax.scan.msk.u32 $0xffff, v32;
	(erf) = vrcp.f32 v29  }
0x12d: {  	v29 =	vnsel vm13, $0x0, v35;
	v30 =	vnsel vm10, $0x0, v17;
	v32 =	vnsel vm14, $0x0, v26;
	(xrf2) =	vadd.scan.msk.f32 $0xffff, v23;
	v23, _, _ =	vpop (xrf2)  }
0x12e: {  	v39 =	vmul.f32 v20, v39;
	v27 =	vsel vm1, $0xFFFFFFFF, v22;
	v44, _, _ =	vpop (xrf0);
	v45 =	vperm.xlane v23, v32;
	[tilespmem:v34+s13+$0x0] =	vst.idx.add.f32.msk vm11, v31  }
.Ltmp9:
0x12f: {  	vm10 =	vgt.s32 v35, $0xFFFFFFFF;
	vm13 =	vgt.s32 v26, $0xFFFFFFFF;
	v17 =	vmovc v37;
	v22 =	vmul.f32 v36, v41;
	[tilespmem:v34+s12+$0x0] =	vst.idx.add.f32.msk vm11, v33;
	(pc) =	sbr.rel @p1 .LBB2_10-.Ltmp9, $4  }
0x130: {  	v26 =	vxor.u32 $0x80000000, v43;
	v36 =	vperm.xlane v24, v29;
	(xrf2) =	vadd.scan.msk.f32 $0xffff, v38;
	v37 =	vnsel vm13, $0x0, v45  }
0x131: {  	v26 =	vperm.xlane v26, v5;
	v35 =	vxor.u32 $0x80000000, v44;
	v31, _, _ =	vpop (xrf2);
	v23 =	vsub.f32 v23, v37  }
0x132: {  	vm11 =	vgt.s32 v27, $0x0;
	v29 =	vperm.xlane v9, v29;
	v35 =	vperm.xlane v35, v5;
	v34 =	vld [tilespmem:s17+$0x0];
	v33, _, _ =	vpop (xrf0);
	(xrf0) =	vmax.scan.msk.u32 $0xffff, v42  }
0x133: {  	s25 =	sadd.s32 $0x50, s25;
	s6 =	sadd.s32 $0x50, s6;
	v30 =	vsub.f32 v40, v30;
	v26 =	vsel vm1, $0xFFFFFFFF, v26;
	v36 =	vnsel vm10, $0x0, v36;
	(xrf2) =	vadd.scan.msk.f32 $0xffff, v39  }
0x134: {  	v37 =	vnsel vm11, $0x0, v27;
	v35 =	vsel vm1, $0xFFFFFFFF, v35  }
0x135: {  	v24 =	vsub.f32 v24, v36;
	vm11 =	vmmov vm7;
	vm14 =	vmmov vm3  }
0x136: {  	vm7 =	vmmov vm12;
	vm8 =	vmor vm8, vm0;
	v32 =	vperm.xlane v8, v32  }
0x137: {  	vm3 =	vmor vm9, vm0;
	v18 =	vsub.f32 v18, v28;
	v33 =	vxor.u32 $0x80000000, v33  }
0x138: {  	v19 =	vsub.f32 v19, v21;
	v12 =	vsub.s32 v12, v6;
	v42 =	vpop (erf);
	vm12 =	vgt.s32 v35, $0x0  }
0x139: {  	v7 =	vsub.s32 v7, v6;
	v10 =	vsub.s32 v10, v6;
	(xrf2) =	vadd.scan.msk.f32 $0xffff, v42;
	v39 =	vnsel vm12, $0x0, v35  }
0x13a: {  	v38, _, _ =	vpop (xrf2);
	v13 =	vsub.s32 v13, v6;
	v21 =	vperm.xlane v33, v5;
	(xrf2) =	vadd.scan.msk.f32 $0xffff, v20;
	v28 =	vperm.xlane v31, v39  }
0x13b: {  	v14 =	vsub.s32 v14, v6;
	vm9 =	vgt.s32 v35, $0xFFFFFFFF;
	vm12 =	vmor vm14, vm0;
	v43, _, _ =	vpop (xrf2);
	(xrf2) =	vadd.scan.msk.f32 $0xffff, v25  }
0x13c: {  	vm8 =	vmmov vm8;
	[tilespmem:v15+s13+$0x0] =	vst.idx.add.f32.msk vm4, v18;
	v20 =	vmul.f32 v42, v34;
	v21 =	vsel vm1, $0xFFFFFFFF, v21  }
0x13d: {  	[tilespmem:v15+s12+$0x0] =	vst.idx.add.f32.msk vm4, v30;
	vm4 =	vmor vm6, vm0;
	v25 =	vnsel vm13, $0x0, v32;
	v44 =	vperm.xlane v43, v39  }
0x13e: {  	vm13 =	vgt.s32 v27, $0xFFFFFFFF;
	v8 =	vsub.f32 v8, v25;
	v25 =	vnsel vm9, $0x0, v28;
	v28, _, _ =	vpop (xrf2);
	(xrf2) =	vadd.scan.msk.f32 $0xffff, v20  }
0x13f: {  	[tilespmem:v11+s12+$0x0] =	vst.idx.add.f32.msk vm5, v19;
	vm5 =	vgt.s32 v21, $0x0;
	v32 =	vnsel vm9, $0x0, v44;
	v45 =	vperm.xlane v28, v37  }
0x140: {  	[tilespmem:v17+s13+$0x0] =	vst.idx.add.f32.msk vm2, v24;
	vm9 =	vmor vm11, vm0;
	vm11 =	vgt.s32 v26, $0xFFFFFFFF;
	v20 =	vsub.f32 v31, v25;
	v31, _, _ =	vpop (xrf0)  }
0x141: {  	v25 =	vsub.f32 v43, v32;
	v24 =	vxor.u32 $0x80000000, v31;
	[tilespmem:v16+s13+$0x0] =	vst.idx.add.f32.msk vm12, v8;
	v27 =	vnsel vm13, $0x0, v45  }
0x142: {  	v8 =	vperm.xlane v24, v5;
	v27 =	vsub.f32 v28, v27;
	v28 =	vnsel vm10, $0x0, v29;
	v29, _, _ =	vpop (xrf2);
	(xrf2) =	vadd.scan.msk.f32 $0xffff, v22  }
0x143: {  	v24 =	vnsel vm5, $0x0, v21;
	[tilespmem:v16+s12+$0x0] =	vst.idx.add.f32.msk vm12, v23;
	vm5 =	vmmov vm7;
	vm10 =	vgt.s32 v26, $0x0;
	v22, _, _ =	vpop (xrf2)  }
0x144: {  	[tilespmem:v12+s13+$0x0] =	vst.idx.add.f32.msk vm3, v20;
	v8 =	vsel vm1, $0xFFFFFFFF, v8;
	v9 =	vsub.f32 v9, v28;
	v15 =	vnsel vm10, $0x0, v26;
	v18, _, _ =	vpop (xrf2)  }
0x145: {  	[tilespmem:v12+s12+$0x0] =	vst.idx.add.f32.msk vm3, v25;
	vm1 =	vgt.s32 v21, $0xFFFFFFFF;
	vm3 =	vgt.s32 v8, $0xFFFFFFFF;
	v19 =	vperm.xlane v22, v15;
	v26, _, _ =	vpop (xrf2)  }
0x146: {  	v23 =	vperm.xlane v18, v24;
	[tilespmem:v17+s12+$0x0] =	vst.idx.add.f32.msk vm2, v9;
	vm2 =	vgt.s32 v8, $0x0;
	v11 =	vperm.xlane v26, v37  }
0x147: {  	v19 =	vnsel vm11, $0x0, v19;
	v17 =	vnsel vm2, $0x0, v8;
	vm2 =	vmor vm5, vm0  }
0x148: {  	v12 =	vperm.xlane v38, v17;
	v19 =	vsub.f32 v22, v19;
	v11 =	vnsel vm13, $0x0, v11;
	v16, _, _ =	vpop (xrf2)  }
0x149: {  	[tilespmem:v7+s13+$0x0] =	vst.idx.add.f32.msk vm9, v27;
	v9 =	vperm.xlane v16, v15;
	v15 =	vnsel vm1, $0x0, v23;
	v11 =	vsub.f32 v26, v11  }
0x14a: {  	v12 =	vnsel vm3, $0x0, v12;
	[tilespmem:v10+s13+$0x0] =	vst.idx.add.f32.msk vm8, v19;
	v15 =	vsub.f32 v18, v15  }
0x14b: {  	v12 =	vsub.f32 v38, v12;
	v9 =	vnsel vm11, $0x0, v9;
	[tilespmem:v7+s12+$0x0] =	vst.idx.add.f32.msk vm9, v11  }
0x14c: {  	v18, _, _ =	vpop (xrf2);
	v8 =	vsub.f32 v16, v9;
	[tilespmem:v14+s13+$0x0] =	vst.idx.add.f32.msk vm4, v15;
	v9 =	vperm.xlane v29, v24  }
0x14d: {  	[tilespmem:v13+s13+$0x0] =	vst.idx.add.f32.msk vm2, v12;
	v17 =	vperm.xlane v18, v17  }
0x14e: {  	[tilespmem:v10+s12+$0x0] =	vst.idx.add.f32.msk vm8, v8;
	v9 =	vnsel vm1, $0x0, v9  }
0x14f: {  	v15 =	vnsel vm3, $0x0, v17;
	v7 =	vsub.f32 v29, v9;
	s5 =	rddreg [dreg:$0x1b]  }
0x150: {  	v8 =	vsub.f32 v18, v15;
	s5 =	sadd.s32 s19, s5  }
0x151: {  	s5 =	sshrl.u32 s5, $0x3;
	[tilespmem:v14+s12+$0x0] =	vst.idx.add.f32.msk vm4, v7  }
0x152: {  	s17 =	simm.s32 $0x1800;
	[tilespmem:v13+s12+$0x0] =	vst.idx.add.f32.msk vm2, v8;
	s6 =	sadd.s32 s2, s5  }
0x153: {  	[tilespmem:s17], [sflag:$0x4] =	stream.linear.gather [hbm4b:s6+s8], $0x7D0, $0x38;
	[tilespmem:$0x12800] =	vst v63  }
0x154: {  	s25 =	simm.s32 $0x4000;
	s24 =	sadd.s32 s0, s5  }
0x155: {  	[tilespmem:s25], [sflag:$0x4] =	stream.linear.gather [hbm4b:s24+s8], $0x7D0, $0x38;
	[tilespmem:$0x12800] =	vst v63  }
0x156: {  	s28 =	simm.s32 $0x6800;
	s5 =	sadd.s32 s1, s5  }
0x157: {  	[tilespmem:s28], [sflag:$0x4] =	stream.linear.gather [hbm4b:s5+s8], $0x7D0, $0x38;
	[tilespmem:$0x12800] =	vst v63  }
0x158: {  	_ =	swait.ge [sflag:s15], $0x7D0  }
0x159: {  	[sflag:s15] =	ssyncset.done $0x0  }
0x15a: {  	[sflag:s15] =	ssyncadd.s32 $0xFFFFF830  }
0x15b: {  	_ =	swait.ge [sflag:s15], $0x7D0  }
0x15c: {  	[sflag:s15] =	ssyncset.done $0x0  }
0x15d: {  	[sflag:s15] =	ssyncadd.s32 $0xFFFFF830  }
0x15e: {  	_ =	swait.ge [sflag:s15], $0x7D0  }
0x15f: {  	[sflag:s15] =	ssyncset.done $0x0  }
0x160: {  	s17 =	simm.s32 $0x5820;
	[sflag:s15] =	ssyncadd.s32 $0xFFFFF830  }
0x161: {  	v7 =	vld [tilespmem:s17+$0x20]  }
0x162: {  	v8 =	vld [tilespmem:s17+$0xFFFFFFE0]  }
0x163: {  	s20 =	simm.s32 $0x820;
	v9 =	vld [tilespmem:s17+$0x10]  }
0x164: {  	v11 =	vld [tilespmem:s20+$0xFFFFFFF0]  }
0x165: {  	v13 =	vld [tilespmem:s20+$0x0]  }
0x166: {  	v10 =	vld [tilespmem:s17+$0xFFFFFFF0]  }
0x167: {  	v14 =	vld [tilespmem:s20+$0x20];
	(erf) = vrcp.f32 v7  }
0x168: {  	(erf) = vrcp.f32 v8  }
0x169: {  	(erf) = vrcp.f32 v9  }
0x16a: {  	v7 =	vperm.xlane v11, v1;
	v8 =	vperm.xlane v13, v1  }
0x16b: {  	(erf) = vrcp.f32 v10  }
0x16c: {  	s24 =	simm.s32 $0x3020;
	v17 =	vld [tilespmem:s20+$0xFFFFFFE0];
	vm3 =	vne.s32 v11, v7;
	vm4 =	vne.s32 v13, v8;
	v8 =	vperm.xlane v14, v1  }
0x16d: {  	v7 =	vld [tilespmem:s24+$0x20];
	v9 =	vsel vm3, v4, v3  }
0x16e: {  	v16 =	vld [tilespmem:s20+$0x10];
	v10 =	vsel vm4, v4, v3;
	(xrf0) =	vmax.scan.msk.u32 $0xffff, v9;
	vm5 =	vne.s32 v14, v8  }
0x16f: {  	(xrf0) =	vmax.scan.msk.u32 $0xffff, v10;
	v8 =	vld [tilespmem:s17+$0x0];
	v12 =	vsel vm5, v4, v3  }
0x170: {  	s25 =	simm.s32 $0x5870;
	v19 =	vld [tilespmem:s24+$0x10];
	(xrf0) =	vmax.scan.msk.u32 $0xffff, v12;
	v9 =	vpop (erf)  }
0x171: {  	v23 =	vld [tilespmem:s25+$0x20];
	v10 =	vpop (erf);
	(xrf2) =	vadd.scan.msk.f32 $0xffff, v9  }
0x172: {  	v12 =	vld [tilespmem:s24+$0xFFFFFFF0];
	v7 =	vmul.f32 v9, v7;
	v9 =	vperm.xlane v17, v1;
	v15 =	vpop (erf)  }
0x173: {  	vm1 =	veq.s32 v2, $0x0;
	(xrf2) =	vadd.scan.msk.f32 $0xffff, v15  }
0x174: {  	vm4 =	vmor vm4, vm0;
	v18 =	vpop (erf);
	(erf) = vrcp.f32 v8;
	vm2 =	vne.s32 v17, v9;
	(xrf2) =	vadd.scan.msk.f32 $0xffff, v7  }
0x175: {  	v24 =	vld [tilespmem:s25+$0xFFFFFFE0];
	v11 =	vsub.s32 v11, v6;
	vm4 =	vmmov vm4;
	v8, _, _ =	vpop (xrf0);
	v21 =	vsel vm2, v4, v3;
	(xrf2) =	vadd.scan.msk.f32 $0xffff, v18  }
0x176: {  	vm11 =	vmor vm5, vm0;
	v9 =	vperm.xlane v16, v1;
	v19 =	vmul.f32 v15, v19;
	v7 =	vld [tilespmem:s24+$0xFFFFFFE0];
	v20, _, _ =	vpop (xrf0);
	(xrf0) =	vmax.scan.msk.u32 $0xffff, v21  }
0x177: {  	v12 =	vmul.f32 v18, v12;
	v8 =	vxor.u32 $0x80000000, v8;
	(erf) = vrcp.f32 v23;
	v18, _, _ =	vpop (xrf0)  }
0x178: {  	vm7 =	vne.s32 v16, v9;
	v9 =	vxor.u32 $0x80000000, v18;
	v18 =	vxor.u32 $0x80000000, v20  }
0x179: {  	v17 =	vsub.s32 v17, v6;
	v8 =	vperm.xlane v8, v5;
	v18 =	vperm.xlane v18, v5  }
0x17a: {  	vm2 =	vmor vm2, vm0;
	(erf) = vrcp.f32 v24;
	v9 =	vperm.xlane v9, v5  }
0x17b: {  	v21 =	vld [tilespmem:s24+$0x0];
	v20 =	vsel vm7, v4, v3;
	v22 =	vsel vm1, $0xFFFFFFFF, v8;
	v7 =	vmul.f32 v10, v7;
	v15, _, _ =	vpop (xrf2)  }
0x17c: {  	v16 =	vsub.s32 v16, v6;
	(xrf0) =	vmax.scan.msk.u32 $0xffff, v20;
	vm6 =	vgt.s32 v22, $0x0;
	v9 =	vsel vm1, $0xFFFFFFFF, v9;
	v30, _, _ =	vpop (xrf0)  }
0x17d: {  	s28 =	simm.s32 $0x870;
	v20 =	vld [tilespmem:s25+$0x10];
	vm10 =	vgt.s32 v22, $0xFFFFFFFF;
	v25 =	vsel vm1, $0xFFFFFFFF, v18;
	vm8 =	vgt.s32 v9, $0x0;
	(xrf2) =	vadd.scan.msk.f32 $0xffff, v7;
	v18 =	vpop (erf)  }
0x17e: {  	v26 =	vnsel vm6, $0x0, v22;
	vm6 =	vmmov vm3;
	v27 =	vnsel vm8, $0x0, v9;
	v7 =	vld [tilespmem:s28+$0xFFFFFFF0];
	v8, _, _ =	vpop (xrf2);
	(xrf2) =	vadd.scan.msk.f32 $0xffff, v18  }
0x17f: {  	vm3 =	vmmov vm7;
	vm5 =	vgt.s32 v9, $0xFFFFFFFF;
	v28 =	vperm.xlane v15, v27;
	v29, _, _ =	vpop (xrf2)  }
0x180: {  	vm13 =	vgt.s32 v25, $0xFFFFFFFF;
	v18 =	vmul.f32 v18, v21;
	(xrf2) =	vadd.scan.msk.f32 $0xffff, v10;
	v10 =	vld [tilespmem:s28+$0x0];
	v9 =	vperm.xlane v29, v27;
	v23, _, _ =	vpop (xrf2)  }
0x181: {  	s17 =	simm.s32 $0x3070;
	v21 =	vnsel vm5, $0x0, v28;
	v28 =	vxor.u32 $0x80000000, v30;
	v27 =	vld [tilespmem:s25+$0xFFFFFFF0];
	(xrf2) =	vadd.scan.msk.f32 $0xffff, v12;
	v30 =	vperm.xlane v23, v26  }
0x182: {  	v54 =	vld [tilespmem:s17+$0xFFFFFFE0];
	(erf) = vrcp.f32 v20;
	v31 =	vsub.f32 v15, v21;
	v9 =	vnsel vm5, $0x0, v9  }
0x183: {  	v21 =	vld [tilespmem:s17+$0x20];
	(xrf2) =	vadd.scan.msk.f32 $0xffff, v18;
	v29 =	vsub.f32 v29, v9;
	v9 =	vperm.xlane v7, v1;
	v12 =	vnsel vm10, $0x0, v30  }
0x184: {  	v20, _, _ =	vpop (xrf0);
	vm5 =	vmor vm6, vm0;
	vm6 =	vgt.s32 v25, $0x0;
	v22 =	vsub.f32 v23, v12;
	v12 =	vld [tilespmem:s28+$0x20]  }
0x185: {  	v15 =	vperm.xlane v28, v5;
	v28 =	vpop (erf);
	v49 =	vnsel vm6, $0x0, v25;
	v23 =	vsub.s32 v14, v6;
	v14 =	vld [tilespmem:s28+$0xFFFFFFE0]  }
0x186: {  	v25 =	vxor.u32 $0x80000000, v20;
	v20 =	vpop (erf);
	v24 =	vperm.xlane v10, v1;
	(erf) = vrcp.f32 v27  }
0x187: {  	v30 =	vsel vm1, $0xFFFFFFFF, v15;
	v15 =	vsub.s32 v13, v6;
	v13 =	vld [tilespmem:s28+$0x10];
	vm7 =	vne.s32 v7, v9;
	v9, _, _ =	vpop (xrf2)  }
0x188: {  	v53 =	vperm.xlane v25, v5;
	v27 =	vsel vm7, v4, v3;
	vm8 =	vne.s32 v10, v24;
	v18, _, _ =	vpop (xrf2);
	(xrf2) =	vadd.scan.msk.f32 $0xffff, v19  }
0x189: {  	v60 =	vmul.f32 v20, v54;
	v48 =	vsel vm8, v4, v3;
	(xrf0) =	vmax.scan.msk.u32 $0xffff, v27;
	v46 =	vperm.xlane v12, v1  }
0x18a: {  	v47 =	vld [tilespmem:s17+$0xFFFFFFF0];
	v50 =	vmul.f32 v28, v21;
	v57 =	vsel vm1, $0xFFFFFFFF, v53;
	(xrf0) =	vmax.scan.msk.u32 $0xffff, v48;
	v24, _, _ =	vpop (xrf2);
	v27 =	vperm.xlane v14, v1  }
0x18b: {  	[tilespmem:v11+s13+$0x0] =	vst.idx.add.f32.msk vm5, v22;
	v19, _, _ =	vpop (xrf2);
	(xrf2) =	vadd.scan.msk.f32 $0xffff, v28;
	v28 =	vperm.xlane v18, v49;
	vm9 =	vne.s32 v12, v46  }
0x18c: {  	v21 =	vperm.xlane v19, v26;
	vm6 =	vne.s32 v14, v27;
	v26 =	vld [tilespmem:s25+$0x0];
	v27 =	vperm.xlane v13, v1  }
0x18d: {  	vm14 =	vgt.s32 v57, $0x0;
	[tilespmem:v23+s13+$0x0] =	vst.idx.add.f32.msk vm11, v31;
	v41, _, _ =	vpop (xrf2);
	v32 =	vsel vm9, v4, v3;
	v40 =	vsel vm6, v4, v3  }
0x18e: {  	v51 =	vpop (erf);
	v28 =	vnsel vm13, $0x0, v28;
	v56 =	vperm.xlane v41, v49;
	v21 =	vnsel vm10, $0x0, v21;
	(xrf0) =	vmax.scan.msk.u32 $0xffff, v32  }
0x18f: {  	v55 =	vld [tilespmem:s17+$0x10];
	(xrf2) =	vadd.scan.msk.f32 $0xffff, v51;
	vm12 =	vne.s32 v13, v27;
	vm10 =	vgt.s32 v30, $0x0;
	v32 =	vnsel vm14, $0x0, v57;
	v52 =	vpop (erf)  }
0x190: {  	[tilespmem:v23+s12+$0x0] =	vst.idx.add.f32.msk vm11, v29;
	v58 =	vsel vm12, v4, v3;
	v59 =	vnsel vm13, $0x0, v56;
	vm13 =	vgt.s32 v57, $0xFFFFFFFF;
	v27, _, _ =	vpop (xrf0)  }
0x191: {  	v25 =	vmul.f32 v52, v47;
	(xrf0) =	vmax.scan.msk.u32 $0xffff, v40;
	v27 =	vxor.u32 $0x80000000, v27;
	(erf) = vrcp.f32 v26;
	v43, _, _ =	vpop (xrf0)  }
0x192: {  	v26 =	vnsel vm10, $0x0, v30;
	v22 =	vperm.xlane v27, v5;
	v23 =	vxor.u32 $0x80000000, v43;
	v42, _, _ =	vpop (xrf2);
	(xrf2) =	vadd.scan.msk.f32 $0xffff, v50  }
0x193: {  	vm10 =	vgt.s32 v30, $0xFFFFFFFF;
	v62 =	vperm.xlane v24, v26;
	v63 =	vperm.xlane v23, v5  }
0x194: {  	v27 =	vsel vm1, $0xFFFFFFFF, v22;
	v61 =	vperm.xlane v42, v32;
	v22 =	vmul.f32 v51, v55;
	v30, _, _ =	vpop (xrf0)  }
0x195: {  	(xrf2) =	vadd.scan.msk.f32 $0xffff, v52;
	v36 =	vnsel vm10, $0x0, v62;
	v30 =	vxor.u32 $0x80000000, v30;
	vm11 =	vgt.s32 v27, $0x0  }
0x196: {  	(xrf0) =	vmax.scan.msk.u32 $0xffff, v58;
	v31, _, _ =	vpop (xrf2);
	v29 =	vnsel vm13, $0x0, v61;
	v35 =	vperm.xlane v30, v5;
	v30 =	vsub.f32 v41, v59  }
0x197: {  	s6 =	simm.s32 $0x58C0;
	v34 =	vld [tilespmem:s17+$0x0];
	s24 =	simm.s32 $0x5;
	s25 =	simm.s32 $0x8C0;
	(xrf2) =	vadd.scan.msk.f32 $0xffff, v60;
	v33, _, _ =	vpop (xrf0);
	v23 =	vsub.f32 v42, v29;
	v29 =	vperm.xlane v9, v26;
	v26 =	vsel vm1, $0xFFFFFFFF, v63  }
.LBB2_12:
0x198: {  	v38 =	vnsel vm11, $0x0, v27;
	v35 =	vsel vm1, $0xFFFFFFFF, v35;
	v24 =	vsub.f32 v24, v36  }
0x199: {  	v37 =	vld [tilespmem:s6+$0x20];
	s24 =	sadd.s32 $0x5, s24;
	s17 =	sadd.s32 $0x50, s17;
	v39, _, _ =	vpop (xrf2);
	vm14 =	vmmov vm7;
	vm7 =	vmmov vm3;
	vm3 =	vmmov vm12  }
0x19a: {  	vm8 =	vmor vm8, vm0;
	v32 =	vperm.xlane v8, v32;
	v36 =	vld [tilespmem:s17+$0x20];
	p1 =	slt.u32 s24, $0x78;
	vm12 =	vgt.s32 v35, $0x0;
	v40 =	vpop (erf)  }
0x19b: {  	vm11 =	vmor vm9, vm0;
	v18 =	vsub.f32 v18, v28;
	v41 =	vld [tilespmem:s6+$0xFFFFFFE0];
	v43 =	vnsel vm12, $0x0, v35;
	(xrf2) =	vadd.scan.msk.f32 $0xffff, v40  }
0x19c: {  	v28 =	vmul.f32 v40, v34;
	v44 =	vperm.xlane v31, v43;
	v40, _, _ =	vpop (xrf2);
	[tilespmem:v17+s13+$0x0] =	vst.idx.add.f32.msk vm2, v24;
	v24 =	vnsel vm13, $0x0, v32  }
0x19d: {  	vm12 =	vgt.s32 v35, $0xFFFFFFFF;
	v32 =	vld [tilespmem:s25+$0xFFFFFFF0];
	v35 =	vperm.xlane v40, v43;
	v42, _, _ =	vpop (xrf0);
	v24 =	vsub.f32 v8, v24  }
0x19e: {  	vm9 =	vmor vm7, vm0;
	v8 =	vmovc v39;
	v43 =	vld [tilespmem:s6+$0x10];
	(erf) = vrcp.f32 v37;
	v37 =	vnsel vm12, $0x0, v44;
	(xrf2) =	vadd.scan.msk.f32 $0xffff, v20  }
0x19f: {  	v20 =	vxor.u32 $0x80000000, v33;
	v33 =	vnsel vm12, $0x0, v35;
	v31 =	vsub.f32 v31, v37;
	v34, _, _ =	vpop (xrf2);
	[tilespmem:v15+s13+$0x0] =	vst.idx.add.f32.msk vm4, v18  }
0x1a0: {  	v18 =	vld [tilespmem:s6+$0xFFFFFFF0];
	(erf) = vrcp.f32 v41;
	v35 =	vperm.xlane v34, v38;
	v33 =	vsub.f32 v40, v33  }
0x1a1: {  	v19 =	vsub.f32 v19, v21;
	vm12 =	vgt.s32 v27, $0xFFFFFFFF;
	(xrf2) =	vadd.scan.msk.f32 $0xffff, v25;
	[tilespmem:v15+s12+$0x0] =	vst.idx.add.f32.msk vm4, v30  }
0x1a2: {  	v20 =	vperm.xlane v20, v5;
	v15 =	vperm.xlane v32, v1;
	v21 =	vld [tilespmem:s25+$0x0];
	v25 =	vnsel vm12, $0x0, v35;
	v27, _, _ =	vpop (xrf2)  }
0x1a3: {  	v30 =	vsub.f32 v34, v25;
	v34 =	vsub.s32 v12, v6;
	v25 =	vnsel vm10, $0x0, v29;
	[tilespmem:v11+s12+$0x0] =	vst.idx.add.f32.msk vm5, v19  }
0x1a4: {  	vm4 =	vmmov vm8;
	vm7 =	vne.s32 v32, v15;
	v12 =	vld [tilespmem:s25+$0x20];
	(erf) = vrcp.f32 v43  }
0x1a5: {  	v19 =	vsub.f32 v9, v25;
	v9 =	vmov v27;
	v29 =	vld [tilespmem:s25+$0xFFFFFFE0];
	(erf) = vrcp.f32 v18;
	v18, _, _ =	vpop (xrf2);
	(xrf2) =	vadd.scan.msk.f32 $0xffff, v28  }
0x1a6: {  	v35 =	vsel vm1, $0xFFFFFFFF, v20;
	v11 =	vsub.s32 v7, v6;
	vm5 =	vmor vm14, vm0;
	v7 =	vmovc v32;
	[tilespmem:v16+s13+$0x0] =	vst.idx.add.f32.msk vm9, v24  }
0x1a7: {  	v15 =	vsub.s32 v10, v6;
	v27 =	vsub.s32 v13, v6;
	v28 =	vperm.xlane v21, v1;
	v25 =	vpop (erf);
	v13 =	vld [tilespmem:s25+$0x10]  }
0x1a8: {  	v37 =	vsub.s32 v14, v6;
	vm10 =	vgt.s32 v26, $0xFFFFFFFF;
	v32 =	vsel vm7, v4, v3;
	v24, _, _ =	vpop (xrf2);
	[tilespmem:v16+s12+$0x0] =	vst.idx.add.f32.msk vm9, v23  }
0x1a9: {  	vm8 =	vne.s32 v21, v28;
	v28 =	vperm.xlane v12, v1;
	v20 =	vpop (erf);
	(xrf2) =	vadd.scan.msk.f32 $0xffff, v22;
	[tilespmem:v17+s12+$0x0] =	vst.idx.add.f32.msk vm2, v19  }
0x1aa: {  	v10 =	vmovc v21;
	vm2 =	vmor vm6, vm0;
	vm6 =	vgt.s32 v26, $0x0;
	v16 =	vld [tilespmem:s17+$0xFFFFFFF0];
	v17 =	vsel vm8, v4, v3;
	(xrf0) =	vmax.scan.msk.u32 $0xffff, v32  }
0x1ab: {  	v22 =	vxor.u32 $0x80000000, v42;
	v21 =	vperm.xlane v29, v1;
	(xrf0) =	vmax.scan.msk.u32 $0xffff, v17;
	v17 =	vnsel vm6, $0x0, v26;
	v19, _, _ =	vpop (xrf2)  }
0x1ac: {  	v23 =	vmul.f32 v25, v36;
	v14 =	vmovc v29;
	vm9 =	vne.s32 v12, v28;
	v26 =	vperm.xlane v19, v38  }
0x1ad: {  	vm6 =	vne.s32 v14, v21;
	v28 =	vperm.xlane v13, v1;
	v21 =	vsel vm9, v4, v3;
	v29 =	vld [tilespmem:s6+$0x0];
	v36 =	vpop (erf);
	(xrf2) =	vadd.scan.msk.f32 $0xffff, v25  }
0x1ae: {  	v22 =	vperm.xlane v22, v5;
	v38 =	vpop (erf);
	(xrf0) =	vmax.scan.msk.u32 $0xffff, v21;
	v21 =	vnsel vm12, $0x0, v26;
	v26 =	vperm.xlane v18, v17  }
0x1af: {  	v32 =	vsel vm6, v4, v3;
	vm12 =	vne.s32 v13, v28;
	v39 =	vld [tilespmem:s17+$0xFFFFFFE0];
	v25 =	vmul.f32 v38, v16;
	v40, _, _ =	vpop (xrf2)  }
0x1b0: {  	v41 =	vld [tilespmem:s17+$0x10];
	v16, _, _ =	vpop (xrf0);
	(xrf2) =	vadd.scan.msk.f32 $0xffff, v36;
	v28 =	vnsel vm10, $0x0, v26;
	v17 =	vperm.xlane v40, v17;
	v26 =	vsel vm1, $0xFFFFFFFF, v22  }
0x1b1: {  	vm13 =	vgt.s32 v35, $0x0;
	v42 =	vsel vm12, v4, v3;
	v44 =	vxor.u32 $0x80000000, v16;
	v43, _, _ =	vpop (xrf0);
	[tilespmem:v11+s13+$0x0] =	vst.idx.add.f32.msk vm5, v30  }
0x1b2: {  	vm14 =	vgt.s32 v26, $0x0;
	v16 =	vmovc v27;
	v22 =	vperm.xlane v44, v5;
	(xrf0) =	vmax.scan.msk.u32 $0xffff, v32;
	(erf) = vrcp.f32 v29  }
0x1b3: {  	v29 =	vnsel vm13, $0x0, v35;
	v30 =	vnsel vm10, $0x0, v17;
	v32 =	vnsel vm14, $0x0, v26;
	(xrf2) =	vadd.scan.msk.f32 $0xffff, v23;
	v23, _, _ =	vpop (xrf2)  }
0x1b4: {  	v39 =	vmul.f32 v20, v39;
	v27 =	vsel vm1, $0xFFFFFFFF, v22;
	v44, _, _ =	vpop (xrf0);
	v45 =	vperm.xlane v23, v32;
	[tilespmem:v34+s13+$0x0] =	vst.idx.add.f32.msk vm11, v31  }
.Ltmp10:
0x1b5: {  	vm10 =	vgt.s32 v35, $0xFFFFFFFF;
	vm13 =	vgt.s32 v26, $0xFFFFFFFF;
	v17 =	vmovc v37;
	v22 =	vmul.f32 v36, v41;
	[tilespmem:v34+s12+$0x0] =	vst.idx.add.f32.msk vm11, v33;
	(pc) =	sbr.rel @p1 .LBB2_12-.Ltmp10, $4  }
0x1b6: {  	v26 =	vxor.u32 $0x80000000, v43;
	v36 =	vperm.xlane v24, v29;
	(xrf2) =	vadd.scan.msk.f32 $0xffff, v38;
	v37 =	vnsel vm13, $0x0, v45  }
0x1b7: {  	v26 =	vperm.xlane v26, v5;
	v35 =	vxor.u32 $0x80000000, v44;
	v31, _, _ =	vpop (xrf2);
	v23 =	vsub.f32 v23, v37  }
0x1b8: {  	vm11 =	vgt.s32 v27, $0x0;
	v29 =	vperm.xlane v9, v29;
	v35 =	vperm.xlane v35, v5;
	v34 =	vld [tilespmem:s17+$0x0];
	v33, _, _ =	vpop (xrf0);
	(xrf0) =	vmax.scan.msk.u32 $0xffff, v42  }
0x1b9: {  	s25 =	sadd.s32 $0x50, s25;
	s6 =	sadd.s32 $0x50, s6;
	v30 =	vsub.f32 v40, v30;
	v26 =	vsel vm1, $0xFFFFFFFF, v26;
	v36 =	vnsel vm10, $0x0, v36;
	(xrf2) =	vadd.scan.msk.f32 $0xffff, v39  }
0x1ba: {  	v37 =	vnsel vm11, $0x0, v27;
	v35 =	vsel vm1, $0xFFFFFFFF, v35  }
0x1bb: {  	v24 =	vsub.f32 v24, v36;
	vm11 =	vmmov vm7;
	vm14 =	vmmov vm3  }
0x1bc: {  	vm7 =	vmmov vm12;
	vm8 =	vmor vm8, vm0;
	v32 =	vperm.xlane v8, v32  }
0x1bd: {  	vm3 =	vmor vm9, vm0;
	v18 =	vsub.f32 v18, v28;
	vm12 =	vgt.s32 v35, $0x0  }
0x1be: {  	v33 =	vxor.u32 $0x80000000, v33;
	v19 =	vsub.f32 v19, v21;
	v42 =	vpop (erf);
	v39 =	vnsel vm12, $0x0, v35  }
0x1bf: {  	v12 =	vsub.s32 v12, v6;
	v7 =	vsub.s32 v7, v6;
	(xrf2) =	vadd.scan.msk.f32 $0xffff, v42;
	v28 =	vperm.xlane v31, v39  }
0x1c0: {  	v38, _, _ =	vpop (xrf2);
	v10 =	vsub.s32 v10, v6;
	v13 =	vsub.s32 v13, v6;
	v14 =	vsub.s32 v14, v6;
	(xrf2) =	vadd.scan.msk.f32 $0xffff, v20  }
0x1c1: {  	vm9 =	vgt.s32 v35, $0xFFFFFFFF;
	v21 =	vperm.xlane v33, v5;
	v20 =	vmul.f32 v42, v34;
	v43, _, _ =	vpop (xrf2);
	(xrf2) =	vadd.scan.msk.f32 $0xffff, v25  }
0x1c2: {  	vm8 =	vmmov vm8;
	vm12 =	vmor vm14, vm0;
	v25 =	vnsel vm13, $0x0, v32  }
0x1c3: {  	[tilespmem:v15+s13+$0x0] =	vst.idx.add.f32.msk vm4, v18;
	v8 =	vsub.f32 v8, v25;
	v25 =	vnsel vm9, $0x0, v28;
	v28, _, _ =	vpop (xrf2);
	(xrf2) =	vadd.scan.msk.f32 $0xffff, v20  }
0x1c4: {  	[tilespmem:v11+s12+$0x0] =	vst.idx.add.f32.msk vm5, v19;
	v21 =	vsel vm1, $0xFFFFFFFF, v21;
	v44 =	vperm.xlane v43, v39;
	v45 =	vperm.xlane v28, v37  }
0x1c5: {  	[tilespmem:v15+s12+$0x0] =	vst.idx.add.f32.msk vm4, v30;
	vm4 =	vmor vm6, vm0;
	vm13 =	vgt.s32 v27, $0xFFFFFFFF;
	vm5 =	vgt.s32 v21, $0x0  }
0x1c6: {  	v32 =	vnsel vm9, $0x0, v44;
	v20 =	vsub.f32 v31, v25;
	v31, _, _ =	vpop (xrf0);
	v27 =	vnsel vm13, $0x0, v45  }
0x1c7: {  	vm9 =	vmor vm11, vm0;
	v27 =	vsub.f32 v28, v27;
	v28 =	vnsel vm10, $0x0, v29;
	v29, _, _ =	vpop (xrf2);
	(xrf2) =	vadd.scan.msk.f32 $0xffff, v22  }
0x1c8: {  	[tilespmem:v17+s13+$0x0] =	vst.idx.add.f32.msk vm2, v24;
	vm11 =	vgt.s32 v26, $0xFFFFFFFF;
	v25 =	vsub.f32 v43, v32;
	v24 =	vxor.u32 $0x80000000, v31  }
0x1c9: {  	[tilespmem:v16+s13+$0x0] =	vst.idx.add.f32.msk vm12, v8;
	v8 =	vperm.xlane v24, v5;
	v24 =	vnsel vm5, $0x0, v21;
	vm10 =	vgt.s32 v26, $0x0;
	v22, _, _ =	vpop (xrf2)  }
0x1ca: {  	[tilespmem:v16+s12+$0x0] =	vst.idx.add.f32.msk vm12, v23;
	vm5 =	vmmov vm7;
	v9 =	vsub.f32 v9, v28;
	v15 =	vnsel vm10, $0x0, v26;
	v18, _, _ =	vpop (xrf2)  }
0x1cb: {  	[tilespmem:v12+s13+$0x0] =	vst.idx.add.f32.msk vm3, v20;
	v8 =	vsel vm1, $0xFFFFFFFF, v8;
	vm1 =	vgt.s32 v21, $0xFFFFFFFF;
	v19 =	vperm.xlane v22, v15;
	v26, _, _ =	vpop (xrf2)  }
0x1cc: {  	v23 =	vperm.xlane v18, v24;
	[tilespmem:v17+s12+$0x0] =	vst.idx.add.f32.msk vm2, v9;
	vm2 =	vgt.s32 v8, $0x0;
	v11 =	vperm.xlane v26, v37  }
0x1cd: {  	[tilespmem:v12+s12+$0x0] =	vst.idx.add.f32.msk vm3, v25;
	v19 =	vnsel vm11, $0x0, v19;
	v17 =	vnsel vm2, $0x0, v8;
	vm2 =	vmor vm5, vm0;
	v16, _, _ =	vpop (xrf2)  }
0x1ce: {  	v12 =	vperm.xlane v38, v17;
	v19 =	vsub.f32 v22, v19;
	v9 =	vperm.xlane v16, v15  }
0x1cf: {  	vm3 =	vgt.s32 v8, $0xFFFFFFFF;
	[tilespmem:v7+s13+$0x0] =	vst.idx.add.f32.msk vm9, v27;
	v11 =	vnsel vm13, $0x0, v11;
	v15 =	vnsel vm1, $0x0, v23  }
0x1d0: {  	v12 =	vnsel vm3, $0x0, v12;
	[tilespmem:v10+s13+$0x0] =	vst.idx.add.f32.msk vm8, v19;
	v11 =	vsub.f32 v26, v11;
	v9 =	vnsel vm11, $0x0, v9  }
0x1d1: {  	v15 =	vsub.f32 v18, v15;
	v18, _, _ =	vpop (xrf2);
	v8 =	vsub.f32 v16, v9;
	v9 =	vperm.xlane v29, v24  }
0x1d2: {  	v12 =	vsub.f32 v38, v12;
	[tilespmem:v7+s12+$0x0] =	vst.idx.add.f32.msk vm9, v11;
	v17 =	vperm.xlane v18, v17  }
0x1d3: {  	[tilespmem:v14+s13+$0x0] =	vst.idx.add.f32.msk vm4, v15;
	v9 =	vnsel vm1, $0x0, v9  }
0x1d4: {  	[tilespmem:v13+s13+$0x0] =	vst.idx.add.f32.msk vm2, v12;
	v15 =	vnsel vm3, $0x0, v17;
	v7 =	vsub.f32 v29, v9  }
0x1d5: {  	s5 =	sadd.s32 s19, s29;
	[tilespmem:v10+s12+$0x0] =	vst.idx.add.f32.msk vm8, v8;
	v8 =	vsub.f32 v18, v15  }
0x1d6: {  	s5 =	sshrl.u32 s5, $0x3;
	[tilespmem:v14+s12+$0x0] =	vst.idx.add.f32.msk vm4, v7  }
0x1d7: {  	s17 =	simm.s32 $0x2000;
	s6 =	sadd.s32 s2, s5;
	[tilespmem:v13+s12+$0x0] =	vst.idx.add.f32.msk vm2, v8  }
0x1d8: {  	[tilespmem:s17], [sflag:$0x5] =	stream.linear.gather [hbm4b:s6+s8], $0x7D0, $0x38;
	[tilespmem:$0x12800] =	vst v63  }
0x1d9: {  	s25 =	simm.s32 $0x4800;
	s24 =	sadd.s32 s0, s5  }
0x1da: {  	[tilespmem:s25], [sflag:$0x5] =	stream.linear.gather [hbm4b:s24+s8], $0x7D0, $0x38;
	[tilespmem:$0x12800] =	vst v63  }
0x1db: {  	s28 =	simm.s32 $0x7000;
	s5 =	sadd.s32 s1, s5  }
0x1dc: {  	[tilespmem:s28], [sflag:$0x5] =	stream.linear.gather [hbm4b:s5+s8], $0x7D0, $0x38;
	[tilespmem:$0x12800] =	vst v63  }
0x1dd: {  	_ =	swait.ge [sflag:s16], $0x7D0  }
0x1de: {  	[sflag:s16] =	ssyncset.done $0x0  }
0x1df: {  	[sflag:s16] =	ssyncadd.s32 $0xFFFFF830  }
0x1e0: {  	_ =	swait.ge [sflag:s16], $0x7D0  }
0x1e1: {  	[sflag:s16] =	ssyncset.done $0x0  }
0x1e2: {  	[sflag:s16] =	ssyncadd.s32 $0xFFFFF830  }
0x1e3: {  	_ =	swait.ge [sflag:s16], $0x7D0  }
0x1e4: {  	[sflag:s16] =	ssyncset.done $0x0  }
0x1e5: {  	s17 =	simm.s32 $0x6020;
	[sflag:s16] =	ssyncadd.s32 $0xFFFFF830  }
0x1e6: {  	v7 =	vld [tilespmem:s17+$0x20]  }
0x1e7: {  	v8 =	vld [tilespmem:s17+$0xFFFFFFE0]  }
0x1e8: {  	s20 =	simm.s32 $0x1020;
	v9 =	vld [tilespmem:s17+$0x10]  }
0x1e9: {  	v11 =	vld [tilespmem:s20+$0xFFFFFFF0]  }
0x1ea: {  	v13 =	vld [tilespmem:s20+$0x0]  }
0x1eb: {  	v10 =	vld [tilespmem:s17+$0xFFFFFFF0]  }
0x1ec: {  	v14 =	vld [tilespmem:s20+$0x20];
	(erf) = vrcp.f32 v7  }
0x1ed: {  	(erf) = vrcp.f32 v8  }
0x1ee: {  	(erf) = vrcp.f32 v9  }
0x1ef: {  	v7 =	vperm.xlane v11, v1;
	v8 =	vperm.xlane v13, v1  }
0x1f0: {  	(erf) = vrcp.f32 v10  }
0x1f1: {  	s24 =	simm.s32 $0x3820;
	v17 =	vld [tilespmem:s20+$0xFFFFFFE0];
	vm3 =	vne.s32 v11, v7;
	vm4 =	vne.s32 v13, v8;
	v8 =	vperm.xlane v14, v1  }
0x1f2: {  	v7 =	vld [tilespmem:s24+$0x20];
	v9 =	vsel vm3, v4, v3  }
0x1f3: {  	v16 =	vld [tilespmem:s20+$0x10];
	v10 =	vsel vm4, v4, v3;
	(xrf0) =	vmax.scan.msk.u32 $0xffff, v9;
	vm5 =	vne.s32 v14, v8  }
0x1f4: {  	(xrf0) =	vmax.scan.msk.u32 $0xffff, v10;
	v8 =	vld [tilespmem:s17+$0x0];
	v12 =	vsel vm5, v4, v3  }
0x1f5: {  	s25 =	simm.s32 $0x6070;
	v19 =	vld [tilespmem:s24+$0x10];
	(xrf0) =	vmax.scan.msk.u32 $0xffff, v12;
	v9 =	vpop (erf)  }
0x1f6: {  	v23 =	vld [tilespmem:s25+$0x20];
	v10 =	vpop (erf);
	(xrf2) =	vadd.scan.msk.f32 $0xffff, v9  }
0x1f7: {  	v12 =	vld [tilespmem:s24+$0xFFFFFFF0];
	v7 =	vmul.f32 v9, v7;
	v9 =	vperm.xlane v17, v1;
	v15 =	vpop (erf)  }
0x1f8: {  	vm1 =	veq.s32 v2, $0x0;
	(xrf2) =	vadd.scan.msk.f32 $0xffff, v15  }
0x1f9: {  	vm4 =	vmor vm4, vm0;
	v18 =	vpop (erf);
	(erf) = vrcp.f32 v8;
	vm2 =	vne.s32 v17, v9;
	(xrf2) =	vadd.scan.msk.f32 $0xffff, v7  }
0x1fa: {  	v24 =	vld [tilespmem:s25+$0xFFFFFFE0];
	v11 =	vsub.s32 v11, v6;
	vm4 =	vmmov vm4;
	v8, _, _ =	vpop (xrf0);
	v21 =	vsel vm2, v4, v3;
	(xrf2) =	vadd.scan.msk.f32 $0xffff, v18  }
0x1fb: {  	vm11 =	vmor vm5, vm0;
	v9 =	vperm.xlane v16, v1;
	v19 =	vmul.f32 v15, v19;
	v7 =	vld [tilespmem:s24+$0xFFFFFFE0];
	v20, _, _ =	vpop (xrf0);
	(xrf0) =	vmax.scan.msk.u32 $0xffff, v21  }
0x1fc: {  	v12 =	vmul.f32 v18, v12;
	v8 =	vxor.u32 $0x80000000, v8;
	(erf) = vrcp.f32 v23;
	v18, _, _ =	vpop (xrf0)  }
0x1fd: {  	vm7 =	vne.s32 v16, v9;
	v9 =	vxor.u32 $0x80000000, v18;
	v18 =	vxor.u32 $0x80000000, v20  }
0x1fe: {  	v17 =	vsub.s32 v17, v6;
	v8 =	vperm.xlane v8, v5;
	v18 =	vperm.xlane v18, v5  }
0x1ff: {  	vm2 =	vmor vm2, vm0;
	(erf) = vrcp.f32 v24;
	v9 =	vperm.xlane v9, v5  }
0x200: {  	v21 =	vld [tilespmem:s24+$0x0];
	v20 =	vsel vm7, v4, v3;
	v22 =	vsel vm1, $0xFFFFFFFF, v8;
	v7 =	vmul.f32 v10, v7;
	v15, _, _ =	vpop (xrf2)  }
0x201: {  	v16 =	vsub.s32 v16, v6;
	(xrf0) =	vmax.scan.msk.u32 $0xffff, v20;
	vm6 =	vgt.s32 v22, $0x0;
	v9 =	vsel vm1, $0xFFFFFFFF, v9;
	v30, _, _ =	vpop (xrf0)  }
0x202: {  	s28 =	simm.s32 $0x1070;
	v20 =	vld [tilespmem:s25+$0x10];
	vm10 =	vgt.s32 v22, $0xFFFFFFFF;
	v25 =	vsel vm1, $0xFFFFFFFF, v18;
	vm8 =	vgt.s32 v9, $0x0;
	(xrf2) =	vadd.scan.msk.f32 $0xffff, v7;
	v18 =	vpop (erf)  }
0x203: {  	v26 =	vnsel vm6, $0x0, v22;
	vm6 =	vmmov vm3;
	v27 =	vnsel vm8, $0x0, v9;
	v7 =	vld [tilespmem:s28+$0xFFFFFFF0];
	v8, _, _ =	vpop (xrf2);
	(xrf2) =	vadd.scan.msk.f32 $0xffff, v18  }
0x204: {  	vm3 =	vmmov vm7;
	vm5 =	vgt.s32 v9, $0xFFFFFFFF;
	v28 =	vperm.xlane v15, v27;
	v29, _, _ =	vpop (xrf2)  }
0x205: {  	vm13 =	vgt.s32 v25, $0xFFFFFFFF;
	v18 =	vmul.f32 v18, v21;
	(xrf2) =	vadd.scan.msk.f32 $0xffff, v10;
	v10 =	vld [tilespmem:s28+$0x0];
	v9 =	vperm.xlane v29, v27;
	v23, _, _ =	vpop (xrf2)  }
0x206: {  	s17 =	simm.s32 $0x3870;
	v21 =	vnsel vm5, $0x0, v28;
	v28 =	vxor.u32 $0x80000000, v30;
	v27 =	vld [tilespmem:s25+$0xFFFFFFF0];
	(xrf2) =	vadd.scan.msk.f32 $0xffff, v12;
	v30 =	vperm.xlane v23, v26  }
0x207: {  	v54 =	vld [tilespmem:s17+$0xFFFFFFE0];
	(erf) = vrcp.f32 v20;
	v31 =	vsub.f32 v15, v21;
	v9 =	vnsel vm5, $0x0, v9  }
0x208: {  	v21 =	vld [tilespmem:s17+$0x20];
	(xrf2) =	vadd.scan.msk.f32 $0xffff, v18;
	v29 =	vsub.f32 v29, v9;
	v9 =	vperm.xlane v7, v1;
	v12 =	vnsel vm10, $0x0, v30  }
0x209: {  	v20, _, _ =	vpop (xrf0);
	vm5 =	vmor vm6, vm0;
	vm6 =	vgt.s32 v25, $0x0;
	v22 =	vsub.f32 v23, v12;
	v12 =	vld [tilespmem:s28+$0x20]  }
0x20a: {  	v15 =	vperm.xlane v28, v5;
	v28 =	vpop (erf);
	v49 =	vnsel vm6, $0x0, v25;
	v23 =	vsub.s32 v14, v6;
	v14 =	vld [tilespmem:s28+$0xFFFFFFE0]  }
0x20b: {  	v25 =	vxor.u32 $0x80000000, v20;
	v20 =	vpop (erf);
	v24 =	vperm.xlane v10, v1;
	(erf) = vrcp.f32 v27  }
0x20c: {  	v30 =	vsel vm1, $0xFFFFFFFF, v15;
	v15 =	vsub.s32 v13, v6;
	v13 =	vld [tilespmem:s28+$0x10];
	vm7 =	vne.s32 v7, v9;
	v9, _, _ =	vpop (xrf2)  }
0x20d: {  	v53 =	vperm.xlane v25, v5;
	v27 =	vsel vm7, v4, v3;
	vm8 =	vne.s32 v10, v24;
	v18, _, _ =	vpop (xrf2);
	(xrf2) =	vadd.scan.msk.f32 $0xffff, v19  }
0x20e: {  	v60 =	vmul.f32 v20, v54;
	v48 =	vsel vm8, v4, v3;
	(xrf0) =	vmax.scan.msk.u32 $0xffff, v27;
	v46 =	vperm.xlane v12, v1  }
0x20f: {  	v47 =	vld [tilespmem:s17+$0xFFFFFFF0];
	v50 =	vmul.f32 v28, v21;
	v57 =	vsel vm1, $0xFFFFFFFF, v53;
	(xrf0) =	vmax.scan.msk.u32 $0xffff, v48;
	v24, _, _ =	vpop (xrf2);
	v27 =	vperm.xlane v14, v1  }
0x210: {  	[tilespmem:v11+s13+$0x0] =	vst.idx.add.f32.msk vm5, v22;
	v19, _, _ =	vpop (xrf2);
	(xrf2) =	vadd.scan.msk.f32 $0xffff, v28;
	v28 =	vperm.xlane v18, v49;
	vm9 =	vne.s32 v12, v46  }
0x211: {  	v21 =	vperm.xlane v19, v26;
	vm6 =	vne.s32 v14, v27;
	v26 =	vld [tilespmem:s25+$0x0];
	v27 =	vperm.xlane v13, v1  }
0x212: {  	vm14 =	vgt.s32 v57, $0x0;
	[tilespmem:v23+s13+$0x0] =	vst.idx.add.f32.msk vm11, v31;
	v41, _, _ =	vpop (xrf2);
	v32 =	vsel vm9, v4, v3;
	v40 =	vsel vm6, v4, v3  }
0x213: {  	v51 =	vpop (erf);
	v28 =	vnsel vm13, $0x0, v28;
	v56 =	vperm.xlane v41, v49;
	v21 =	vnsel vm10, $0x0, v21;
	(xrf0) =	vmax.scan.msk.u32 $0xffff, v32  }
0x214: {  	v55 =	vld [tilespmem:s17+$0x10];
	(xrf2) =	vadd.scan.msk.f32 $0xffff, v51;
	vm12 =	vne.s32 v13, v27;
	vm10 =	vgt.s32 v30, $0x0;
	v32 =	vnsel vm14, $0x0, v57;
	v52 =	vpop (erf)  }
0x215: {  	[tilespmem:v23+s12+$0x0] =	vst.idx.add.f32.msk vm11, v29;
	v58 =	vsel vm12, v4, v3;
	v59 =	vnsel vm13, $0x0, v56;
	vm13 =	vgt.s32 v57, $0xFFFFFFFF;
	v27, _, _ =	vpop (xrf0)  }
0x216: {  	v25 =	vmul.f32 v52, v47;
	(xrf0) =	vmax.scan.msk.u32 $0xffff, v40;
	v27 =	vxor.u32 $0x80000000, v27;
	(erf) = vrcp.f32 v26;
	v43, _, _ =	vpop (xrf0)  }
0x217: {  	v26 =	vnsel vm10, $0x0, v30;
	v22 =	vperm.xlane v27, v5;
	v23 =	vxor.u32 $0x80000000, v43;
	v42, _, _ =	vpop (xrf2);
	(xrf2) =	vadd.scan.msk.f32 $0xffff, v50  }
0x218: {  	vm10 =	vgt.s32 v30, $0xFFFFFFFF;
	v62 =	vperm.xlane v24, v26;
	v63 =	vperm.xlane v23, v5  }
0x219: {  	v27 =	vsel vm1, $0xFFFFFFFF, v22;
	v61 =	vperm.xlane v42, v32;
	v22 =	vmul.f32 v51, v55;
	v30, _, _ =	vpop (xrf0)  }
0x21a: {  	(xrf2) =	vadd.scan.msk.f32 $0xffff, v52;
	v36 =	vnsel vm10, $0x0, v62;
	v30 =	vxor.u32 $0x80000000, v30;
	vm11 =	vgt.s32 v27, $0x0  }
0x21b: {  	(xrf0) =	vmax.scan.msk.u32 $0xffff, v58;
	v31, _, _ =	vpop (xrf2);
	v29 =	vnsel vm13, $0x0, v61;
	v35 =	vperm.xlane v30, v5;
	v30 =	vsub.f32 v41, v59  }
0x21c: {  	s6 =	simm.s32 $0x60C0;
	v34 =	vld [tilespmem:s17+$0x0];
	s24 =	simm.s32 $0x5;
	s25 =	simm.s32 $0x10C0;
	(xrf2) =	vadd.scan.msk.f32 $0xffff, v60;
	v33, _, _ =	vpop (xrf0);
	v23 =	vsub.f32 v42, v29;
	v29 =	vperm.xlane v9, v26;
	v26 =	vsel vm1, $0xFFFFFFFF, v63  }
.LBB2_14:
0x21d: {  	v38 =	vnsel vm11, $0x0, v27;
	v35 =	vsel vm1, $0xFFFFFFFF, v35;
	v24 =	vsub.f32 v24, v36  }
0x21e: {  	v37 =	vld [tilespmem:s6+$0x20];
	s24 =	sadd.s32 $0x5, s24;
	s17 =	sadd.s32 $0x50, s17;
	v39, _, _ =	vpop (xrf2);
	vm14 =	vmmov vm7;
	vm7 =	vmmov vm3;
	vm3 =	vmmov vm12  }
0x21f: {  	vm8 =	vmor vm8, vm0;
	v32 =	vperm.xlane v8, v32;
	v36 =	vld [tilespmem:s17+$0x20];
	p1 =	slt.u32 s24, $0x78;
	vm12 =	vgt.s32 v35, $0x0;
	v40 =	vpop (erf)  }
0x220: {  	vm11 =	vmor vm9, vm0;
	v18 =	vsub.f32 v18, v28;
	v41 =	vld [tilespmem:s6+$0xFFFFFFE0];
	v43 =	vnsel vm12, $0x0, v35;
	(xrf2) =	vadd.scan.msk.f32 $0xffff, v40  }
0x221: {  	v28 =	vmul.f32 v40, v34;
	v44 =	vperm.xlane v31, v43;
	v40, _, _ =	vpop (xrf2);
	[tilespmem:v17+s13+$0x0] =	vst.idx.add.f32.msk vm2, v24;
	v24 =	vnsel vm13, $0x0, v32  }
0x222: {  	vm12 =	vgt.s32 v35, $0xFFFFFFFF;
	v32 =	vld [tilespmem:s25+$0xFFFFFFF0];
	v35 =	vperm.xlane v40, v43;
	v42, _, _ =	vpop (xrf0);
	v24 =	vsub.f32 v8, v24  }
0x223: {  	vm9 =	vmor vm7, vm0;
	v8 =	vmovc v39;
	v43 =	vld [tilespmem:s6+$0x10];
	(erf) = vrcp.f32 v37;
	v37 =	vnsel vm12, $0x0, v44;
	(xrf2) =	vadd.scan.msk.f32 $0xffff, v20  }
0x224: {  	v20 =	vxor.u32 $0x80000000, v33;
	v33 =	vnsel vm12, $0x0, v35;
	v31 =	vsub.f32 v31, v37;
	v34, _, _ =	vpop (xrf2);
	[tilespmem:v15+s13+$0x0] =	vst.idx.add.f32.msk vm4, v18  }
0x225: {  	v18 =	vld [tilespmem:s6+$0xFFFFFFF0];
	(erf) = vrcp.f32 v41;
	v35 =	vperm.xlane v34, v38;
	v33 =	vsub.f32 v40, v33  }
0x226: {  	v19 =	vsub.f32 v19, v21;
	vm12 =	vgt.s32 v27, $0xFFFFFFFF;
	(xrf2) =	vadd.scan.msk.f32 $0xffff, v25;
	[tilespmem:v15+s12+$0x0] =	vst.idx.add.f32.msk vm4, v30  }
0x227: {  	v20 =	vperm.xlane v20, v5;
	v15 =	vperm.xlane v32, v1;
	v21 =	vld [tilespmem:s25+$0x0];
	v25 =	vnsel vm12, $0x0, v35;
	v27, _, _ =	vpop (xrf2)  }
0x228: {  	v30 =	vsub.f32 v34, v25;
	v34 =	vsub.s32 v12, v6;
	v25 =	vnsel vm10, $0x0, v29;
	[tilespmem:v11+s12+$0x0] =	vst.idx.add.f32.msk vm5, v19  }
0x229: {  	vm4 =	vmmov vm8;
	vm7 =	vne.s32 v32, v15;
	v12 =	vld [tilespmem:s25+$0x20];
	(erf) = vrcp.f32 v43  }
0x22a: {  	v19 =	vsub.f32 v9, v25;
	v9 =	vmov v27;
	v29 =	vld [tilespmem:s25+$0xFFFFFFE0];
	(erf) = vrcp.f32 v18;
	v18, _, _ =	vpop (xrf2);
	(xrf2) =	vadd.scan.msk.f32 $0xffff, v28  }
0x22b: {  	v35 =	vsel vm1, $0xFFFFFFFF, v20;
	v11 =	vsub.s32 v7, v6;
	vm5 =	vmor vm14, vm0;
	v7 =	vmovc v32;
	[tilespmem:v16+s13+$0x0] =	vst.idx.add.f32.msk vm9, v24  }
0x22c: {  	v15 =	vsub.s32 v10, v6;
	v27 =	vsub.s32 v13, v6;
	v28 =	vperm.xlane v21, v1;
	v25 =	vpop (erf);
	v13 =	vld [tilespmem:s25+$0x10]  }
0x22d: {  	v37 =	vsub.s32 v14, v6;
	vm10 =	vgt.s32 v26, $0xFFFFFFFF;
	v32 =	vsel vm7, v4, v3;
	v24, _, _ =	vpop (xrf2);
	[tilespmem:v16+s12+$0x0] =	vst.idx.add.f32.msk vm9, v23  }
0x22e: {  	vm8 =	vne.s32 v21, v28;
	v28 =	vperm.xlane v12, v1;
	v20 =	vpop (erf);
	(xrf2) =	vadd.scan.msk.f32 $0xffff, v22;
	[tilespmem:v17+s12+$0x0] =	vst.idx.add.f32.msk vm2, v19  }
0x22f: {  	v10 =	vmovc v21;
	vm2 =	vmor vm6, vm0;
	vm6 =	vgt.s32 v26, $0x0;
	v16 =	vld [tilespmem:s17+$0xFFFFFFF0];
	v17 =	vsel vm8, v4, v3;
	(xrf0) =	vmax.scan.msk.u32 $0xffff, v32  }
0x230: {  	v22 =	vxor.u32 $0x80000000, v42;
	v21 =	vperm.xlane v29, v1;
	(xrf0) =	vmax.scan.msk.u32 $0xffff, v17;
	v17 =	vnsel vm6, $0x0, v26;
	v19, _, _ =	vpop (xrf2)  }
0x231: {  	v23 =	vmul.f32 v25, v36;
	v14 =	vmovc v29;
	vm9 =	vne.s32 v12, v28;
	v26 =	vperm.xlane v19, v38  }
0x232: {  	vm6 =	vne.s32 v14, v21;
	v28 =	vperm.xlane v13, v1;
	v21 =	vsel vm9, v4, v3;
	v29 =	vld [tilespmem:s6+$0x0];
	v36 =	vpop (erf);
	(xrf2) =	vadd.scan.msk.f32 $0xffff, v25  }
0x233: {  	v22 =	vperm.xlane v22, v5;
	v38 =	vpop (erf);
	(xrf0) =	vmax.scan.msk.u32 $0xffff, v21;
	v21 =	vnsel vm12, $0x0, v26;
	v26 =	vperm.xlane v18, v17  }
0x234: {  	v32 =	vsel vm6, v4, v3;
	vm12 =	vne.s32 v13, v28;
	v39 =	vld [tilespmem:s17+$0xFFFFFFE0];
	v25 =	vmul.f32 v38, v16;
	v40, _, _ =	vpop (xrf2)  }
0x235: {  	v41 =	vld [tilespmem:s17+$0x10];
	v16, _, _ =	vpop (xrf0);
	(xrf2) =	vadd.scan.msk.f32 $0xffff, v36;
	v28 =	vnsel vm10, $0x0, v26;
	v17 =	vperm.xlane v40, v17;
	v26 =	vsel vm1, $0xFFFFFFFF, v22  }
0x236: {  	vm13 =	vgt.s32 v35, $0x0;
	v42 =	vsel vm12, v4, v3;
	v44 =	vxor.u32 $0x80000000, v16;
	v43, _, _ =	vpop (xrf0);
	[tilespmem:v11+s13+$0x0] =	vst.idx.add.f32.msk vm5, v30  }
0x237: {  	vm14 =	vgt.s32 v26, $0x0;
	v16 =	vmovc v27;
	v22 =	vperm.xlane v44, v5;
	(xrf0) =	vmax.scan.msk.u32 $0xffff, v32;
	(erf) = vrcp.f32 v29  }
0x238: {  	v29 =	vnsel vm13, $0x0, v35;
	v30 =	vnsel vm10, $0x0, v17;
	v32 =	vnsel vm14, $0x0, v26;
	(xrf2) =	vadd.scan.msk.f32 $0xffff, v23;
	v23, _, _ =	vpop (xrf2)  }
0x239: {  	v39 =	vmul.f32 v20, v39;
	v27 =	vsel vm1, $0xFFFFFFFF, v22;
	v44, _, _ =	vpop (xrf0);
	v45 =	vperm.xlane v23, v32;
	[tilespmem:v34+s13+$0x0] =	vst.idx.add.f32.msk vm11, v31  }
.Ltmp11:
0x23a: {  	vm10 =	vgt.s32 v35, $0xFFFFFFFF;
	vm13 =	vgt.s32 v26, $0xFFFFFFFF;
	v17 =	vmovc v37;
	v22 =	vmul.f32 v36, v41;
	[tilespmem:v34+s12+$0x0] =	vst.idx.add.f32.msk vm11, v33;
	(pc) =	sbr.rel @p1 .LBB2_14-.Ltmp11, $4  }
0x23b: {  	v26 =	vxor.u32 $0x80000000, v43;
	v36 =	vperm.xlane v24, v29;
	(xrf2) =	vadd.scan.msk.f32 $0xffff, v38;
	v37 =	vnsel vm13, $0x0, v45  }
0x23c: {  	v26 =	vperm.xlane v26, v5;
	v35 =	vxor.u32 $0x80000000, v44;
	v31, _, _ =	vpop (xrf2);
	v23 =	vsub.f32 v23, v37  }
0x23d: {  	vm11 =	vgt.s32 v27, $0x0;
	v29 =	vperm.xlane v9, v29;
	v35 =	vperm.xlane v35, v5;
	v34 =	vld [tilespmem:s17+$0x0];
	v33, _, _ =	vpop (xrf0);
	(xrf0) =	vmax.scan.msk.u32 $0xffff, v42  }
0x23e: {  	s25 =	sadd.s32 $0x50, s25;
	s6 =	sadd.s32 $0x50, s6;
	v30 =	vsub.f32 v40, v30;
	v26 =	vsel vm1, $0xFFFFFFFF, v26;
	v36 =	vnsel vm10, $0x0, v36;
	(xrf2) =	vadd.scan.msk.f32 $0xffff, v39  }
0x23f: {  	v37 =	vnsel vm11, $0x0, v27;
	v35 =	vsel vm1, $0xFFFFFFFF, v35  }
0x240: {  	v24 =	vsub.f32 v24, v36;
	vm11 =	vmmov vm7;
	vm14 =	vmmov vm3  }
0x241: {  	vm7 =	vmmov vm12;
	vm8 =	vmor vm8, vm0;
	v32 =	vperm.xlane v8, v32  }
0x242: {  	vm3 =	vmor vm9, vm0;
	v18 =	vsub.f32 v18, v28;
	vm12 =	vgt.s32 v35, $0x0  }
0x243: {  	v33 =	vxor.u32 $0x80000000, v33;
	v19 =	vsub.f32 v19, v21;
	v42 =	vpop (erf);
	v39 =	vnsel vm12, $0x0, v35  }
0x244: {  	v12 =	vsub.s32 v12, v6;
	v7 =	vsub.s32 v7, v6;
	(xrf2) =	vadd.scan.msk.f32 $0xffff, v42;
	v28 =	vperm.xlane v31, v39  }
0x245: {  	v38, _, _ =	vpop (xrf2);
	v10 =	vsub.s32 v10, v6;
	v13 =	vsub.s32 v13, v6;
	v14 =	vsub.s32 v14, v6;
	(xrf2) =	vadd.scan.msk.f32 $0xffff, v20  }
0x246: {  	vm9 =	vgt.s32 v35, $0xFFFFFFFF;
	v21 =	vperm.xlane v33, v5;
	v20 =	vmul.f32 v42, v34;
	v43, _, _ =	vpop (xrf2);
	(xrf2) =	vadd.scan.msk.f32 $0xffff, v25  }
0x247: {  	vm8 =	vmmov vm8;
	vm12 =	vmor vm14, vm0;
	v25 =	vnsel vm13, $0x0, v32  }
0x248: {  	[tilespmem:v15+s13+$0x0] =	vst.idx.add.f32.msk vm4, v18;
	v8 =	vsub.f32 v8, v25;
	v25 =	vnsel vm9, $0x0, v28;
	v28, _, _ =	vpop (xrf2);
	(xrf2) =	vadd.scan.msk.f32 $0xffff, v20  }
0x249: {  	[tilespmem:v11+s12+$0x0] =	vst.idx.add.f32.msk vm5, v19;
	v21 =	vsel vm1, $0xFFFFFFFF, v21;
	v44 =	vperm.xlane v43, v39;
	v45 =	vperm.xlane v28, v37  }
0x24a: {  	[tilespmem:v15+s12+$0x0] =	vst.idx.add.f32.msk vm4, v30;
	vm4 =	vmor vm6, vm0;
	vm13 =	vgt.s32 v27, $0xFFFFFFFF;
	vm5 =	vgt.s32 v21, $0x0  }
0x24b: {  	v32 =	vnsel vm9, $0x0, v44;
	v20 =	vsub.f32 v31, v25;
	v31, _, _ =	vpop (xrf0);
	v27 =	vnsel vm13, $0x0, v45  }
0x24c: {  	vm9 =	vmor vm11, vm0;
	v27 =	vsub.f32 v28, v27;
	v28 =	vnsel vm10, $0x0, v29;
	v29, _, _ =	vpop (xrf2);
	(xrf2) =	vadd.scan.msk.f32 $0xffff, v22  }
0x24d: {  	[tilespmem:v17+s13+$0x0] =	vst.idx.add.f32.msk vm2, v24;
	vm11 =	vgt.s32 v26, $0xFFFFFFFF;
	v25 =	vsub.f32 v43, v32;
	v24 =	vxor.u32 $0x80000000, v31  }
0x24e: {  	[tilespmem:v16+s13+$0x0] =	vst.idx.add.f32.msk vm12, v8;
	v8 =	vperm.xlane v24, v5;
	v24 =	vnsel vm5, $0x0, v21;
	vm10 =	vgt.s32 v26, $0x0;
	v22, _, _ =	vpop (xrf2)  }
0x24f: {  	[tilespmem:v16+s12+$0x0] =	vst.idx.add.f32.msk vm12, v23;
	vm5 =	vmmov vm7;
	v9 =	vsub.f32 v9, v28;
	v15 =	vnsel vm10, $0x0, v26;
	v18, _, _ =	vpop (xrf2)  }
0x250: {  	[tilespmem:v12+s13+$0x0] =	vst.idx.add.f32.msk vm3, v20;
	v8 =	vsel vm1, $0xFFFFFFFF, v8;
	vm1 =	vgt.s32 v21, $0xFFFFFFFF;
	v19 =	vperm.xlane v22, v15;
	v26, _, _ =	vpop (xrf2)  }
0x251: {  	v23 =	vperm.xlane v18, v24;
	[tilespmem:v17+s12+$0x0] =	vst.idx.add.f32.msk vm2, v9;
	vm2 =	vgt.s32 v8, $0x0;
	v11 =	vperm.xlane v26, v37  }
0x252: {  	[tilespmem:v12+s12+$0x0] =	vst.idx.add.f32.msk vm3, v25;
	v19 =	vnsel vm11, $0x0, v19;
	v17 =	vnsel vm2, $0x0, v8;
	vm2 =	vmor vm5, vm0;
	v16, _, _ =	vpop (xrf2)  }
0x253: {  	v12 =	vperm.xlane v38, v17;
	v19 =	vsub.f32 v22, v19;
	v9 =	vperm.xlane v16, v15  }
0x254: {  	vm3 =	vgt.s32 v8, $0xFFFFFFFF;
	[tilespmem:v7+s13+$0x0] =	vst.idx.add.f32.msk vm9, v27;
	v11 =	vnsel vm13, $0x0, v11;
	v15 =	vnsel vm1, $0x0, v23  }
0x255: {  	v12 =	vnsel vm3, $0x0, v12;
	[tilespmem:v10+s13+$0x0] =	vst.idx.add.f32.msk vm8, v19;
	v11 =	vsub.f32 v26, v11;
	v9 =	vnsel vm11, $0x0, v9  }
0x256: {  	v15 =	vsub.f32 v18, v15;
	v18, _, _ =	vpop (xrf2);
	v8 =	vsub.f32 v16, v9;
	v9 =	vperm.xlane v29, v24  }
0x257: {  	v12 =	vsub.f32 v38, v12;
	[tilespmem:v7+s12+$0x0] =	vst.idx.add.f32.msk vm9, v11;
	v17 =	vperm.xlane v18, v17  }
0x258: {  	[tilespmem:v14+s13+$0x0] =	vst.idx.add.f32.msk vm4, v15;
	v9 =	vnsel vm1, $0x0, v9  }
0x259: {  	p1 =	seq.s32 s3, $0x4;
	[tilespmem:v13+s13+$0x0] =	vst.idx.add.f32.msk vm2, v12;
	v15 =	vnsel vm3, $0x0, v17;
	v7 =	vsub.f32 v29, v9  }
0x25a: {  	s5 =	sadd.s32 @!p1 s19, s30;
	[tilespmem:v10+s12+$0x0] =	vst.idx.add.f32.msk vm8, v8;
	v8 =	vsub.f32 v18, v15  }
0x25b: {  	s5 =	sshrl.u32 @!p1 s5, $0x3;
	[tilespmem:v14+s12+$0x0] =	vst.idx.add.f32.msk vm4, v7  }
0x25c: {  	s17 =	simm.s32 @!p1 $0x0;
	s6 =	sadd.s32 @!p1 s2, s5;
	[tilespmem:v13+s12+$0x0] =	vst.idx.add.f32.msk vm2, v8  }
0x25d: {  	[tilespmem:s17], [sflag:$0x1] =	stream.linear.gather @!p1 [hbm4b:s6+s17], $0x7D0, $0x38;
	[tilespmem:$0x12800] =	vst v63  }
0x25e: {  	s20 =	simm.s32 @!p1 $0x2800;
	s6 =	sadd.s32 @!p1 s0, s5  }
0x25f: {  	[tilespmem:s20], [sflag:$0x1] =	stream.linear.gather @!p1 [hbm4b:s6+s17], $0x7D0, $0x38;
	[tilespmem:$0x12800] =	vst v63  }
0x260: {  	s5 =	sadd.s32 @!p1 s1, s5;
	s6 =	simm.s32 @!p1 $0x5000  }
0x261: {  	[tilespmem:s6], [sflag:$0x1] =	stream.linear.gather @!p1 [hbm4b:s5+s17], $0x7D0, $0x38;
	[tilespmem:$0x12800] =	vst v63  }
0x262: {  	_ =	swait.ge [sflag:s21], $0x7D0  }
0x263: {  	[sflag:s21] =	ssyncset.done $0x0  }
0x264: {  	[sflag:s21] =	ssyncadd.s32 $0xFFFFF830  }
0x265: {  	_ =	swait.ge [sflag:s21], $0x7D0  }
0x266: {  	[sflag:s21] =	ssyncset.done $0x0  }
0x267: {  	[sflag:s21] =	ssyncadd.s32 $0xFFFFF830  }
0x268: {  	_ =	swait.ge [sflag:s21], $0x7D0  }
0x269: {  	[sflag:s21] =	ssyncset.done $0x0  }
0x26a: {  	s17 =	simm.s32 $0x6820;
	[sflag:s21] =	ssyncadd.s32 $0xFFFFF830  }
0x26b: {  	v7 =	vld [tilespmem:s17+$0x20]  }
0x26c: {  	v8 =	vld [tilespmem:s17+$0xFFFFFFE0]  }
0x26d: {  	s20 =	simm.s32 $0x1820;
	v9 =	vld [tilespmem:s17+$0x10]  }
0x26e: {  	v11 =	vld [tilespmem:s20+$0xFFFFFFF0]  }
0x26f: {  	v13 =	vld [tilespmem:s20+$0x0]  }
0x270: {  	v10 =	vld [tilespmem:s17+$0xFFFFFFF0]  }
0x271: {  	v14 =	vld [tilespmem:s20+$0x20];
	(erf) = vrcp.f32 v7  }
0x272: {  	(erf) = vrcp.f32 v8  }
0x273: {  	(erf) = vrcp.f32 v9  }
0x274: {  	v7 =	vperm.xlane v11, v1;
	v8 =	vperm.xlane v13, v1  }
0x275: {  	(erf) = vrcp.f32 v10  }
0x276: {  	s24 =	simm.s32 $0x4020;
	v17 =	vld [tilespmem:s20+$0xFFFFFFE0];
	vm3 =	vne.s32 v11, v7;
	vm4 =	vne.s32 v13, v8;
	v8 =	vperm.xlane v14, v1  }
0x277: {  	v7 =	vld [tilespmem:s24+$0x20];
	v9 =	vsel vm3, v4, v3  }
0x278: {  	v16 =	vld [tilespmem:s20+$0x10];
	v10 =	vsel vm4, v4, v3;
	(xrf0) =	vmax.scan.msk.u32 $0xffff, v9;
	vm5 =	vne.s32 v14, v8  }
0x279: {  	(xrf0) =	vmax.scan.msk.u32 $0xffff, v10;
	v8 =	vld [tilespmem:s17+$0x0];
	v12 =	vsel vm5, v4, v3  }
0x27a: {  	s25 =	simm.s32 $0x6870;
	v19 =	vld [tilespmem:s24+$0x10];
	(xrf0) =	vmax.scan.msk.u32 $0xffff, v12;
	v9 =	vpop (erf)  }
0x27b: {  	v23 =	vld [tilespmem:s25+$0x20];
	v10 =	vpop (erf);
	(xrf2) =	vadd.scan.msk.f32 $0xffff, v9  }
0x27c: {  	v12 =	vld [tilespmem:s24+$0xFFFFFFF0];
	v7 =	vmul.f32 v9, v7;
	v9 =	vperm.xlane v17, v1;
	v15 =	vpop (erf)  }
0x27d: {  	vm1 =	veq.s32 v2, $0x0;
	(xrf2) =	vadd.scan.msk.f32 $0xffff, v15  }
0x27e: {  	vm4 =	vmor vm4, vm0;
	v18 =	vpop (erf);
	(erf) = vrcp.f32 v8;
	vm2 =	vne.s32 v17, v9;
	(xrf2) =	vadd.scan.msk.f32 $0xffff, v7  }
0x27f: {  	v24 =	vld [tilespmem:s25+$0xFFFFFFE0];
	v11 =	vsub.s32 v11, v6;
	vm4 =	vmmov vm4;
	v8, _, _ =	vpop (xrf0);
	v21 =	vsel vm2, v4, v3;
	(xrf2) =	vadd.scan.msk.f32 $0xffff, v18  }
0x280: {  	vm11 =	vmor vm5, vm0;
	v9 =	vperm.xlane v16, v1;
	v19 =	vmul.f32 v15, v19;
	v7 =	vld [tilespmem:s24+$0xFFFFFFE0];
	v20, _, _ =	vpop (xrf0);
	(xrf0) =	vmax.scan.msk.u32 $0xffff, v21  }
0x281: {  	v12 =	vmul.f32 v18, v12;
	v8 =	vxor.u32 $0x80000000, v8;
	(erf) = vrcp.f32 v23;
	v18, _, _ =	vpop (xrf0)  }
0x282: {  	vm7 =	vne.s32 v16, v9;
	v9 =	vxor.u32 $0x80000000, v18;
	v18 =	vxor.u32 $0x80000000, v20  }
0x283: {  	v17 =	vsub.s32 v17, v6;
	v8 =	vperm.xlane v8, v5;
	v18 =	vperm.xlane v18, v5  }
0x284: {  	vm2 =	vmor vm2, vm0;
	(erf) = vrcp.f32 v24;
	v9 =	vperm.xlane v9, v5  }
0x285: {  	v21 =	vld [tilespmem:s24+$0x0];
	v20 =	vsel vm7, v4, v3;
	v22 =	vsel vm1, $0xFFFFFFFF, v8;
	v7 =	vmul.f32 v10, v7;
	v15, _, _ =	vpop (xrf2)  }
0x286: {  	v16 =	vsub.s32 v16, v6;
	(xrf0) =	vmax.scan.msk.u32 $0xffff, v20;
	vm6 =	vgt.s32 v22, $0x0;
	v9 =	vsel vm1, $0xFFFFFFFF, v9;
	v30, _, _ =	vpop (xrf0)  }
0x287: {  	s28 =	simm.s32 $0x1870;
	v20 =	vld [tilespmem:s25+$0x10];
	vm10 =	vgt.s32 v22, $0xFFFFFFFF;
	v25 =	vsel vm1, $0xFFFFFFFF, v18;
	vm8 =	vgt.s32 v9, $0x0;
	(xrf2) =	vadd.scan.msk.f32 $0xffff, v7;
	v18 =	vpop (erf)  }
0x288: {  	v26 =	vnsel vm6, $0x0, v22;
	vm6 =	vmmov vm3;
	v27 =	vnsel vm8, $0x0, v9;
	v7 =	vld [tilespmem:s28+$0xFFFFFFF0];
	v8, _, _ =	vpop (xrf2);
	(xrf2) =	vadd.scan.msk.f32 $0xffff, v18  }
0x289: {  	vm3 =	vmmov vm7;
	vm5 =	vgt.s32 v9, $0xFFFFFFFF;
	v28 =	vperm.xlane v15, v27;
	v29, _, _ =	vpop (xrf2)  }
0x28a: {  	vm13 =	vgt.s32 v25, $0xFFFFFFFF;
	v18 =	vmul.f32 v18, v21;
	(xrf2) =	vadd.scan.msk.f32 $0xffff, v10;
	v10 =	vld [tilespmem:s28+$0x0];
	v9 =	vperm.xlane v29, v27;
	v23, _, _ =	vpop (xrf2)  }
0x28b: {  	s17 =	simm.s32 $0x4070;
	v21 =	vnsel vm5, $0x0, v28;
	v28 =	vxor.u32 $0x80000000, v30;
	v27 =	vld [tilespmem:s25+$0xFFFFFFF0];
	(xrf2) =	vadd.scan.msk.f32 $0xffff, v12;
	v30 =	vperm.xlane v23, v26  }
0x28c: {  	v54 =	vld [tilespmem:s17+$0xFFFFFFE0];
	(erf) = vrcp.f32 v20;
	v31 =	vsub.f32 v15, v21;
	v9 =	vnsel vm5, $0x0, v9  }
0x28d: {  	v21 =	vld [tilespmem:s17+$0x20];
	(xrf2) =	vadd.scan.msk.f32 $0xffff, v18;
	v29 =	vsub.f32 v29, v9;
	v9 =	vperm.xlane v7, v1;
	v12 =	vnsel vm10, $0x0, v30  }
0x28e: {  	v20, _, _ =	vpop (xrf0);
	vm5 =	vmor vm6, vm0;
	vm6 =	vgt.s32 v25, $0x0;
	v22 =	vsub.f32 v23, v12;
	v12 =	vld [tilespmem:s28+$0x20]  }
0x28f: {  	v15 =	vperm.xlane v28, v5;
	v28 =	vpop (erf);
	v49 =	vnsel vm6, $0x0, v25;
	v23 =	vsub.s32 v14, v6;
	v14 =	vld [tilespmem:s28+$0xFFFFFFE0]  }
0x290: {  	v25 =	vxor.u32 $0x80000000, v20;
	v20 =	vpop (erf);
	v24 =	vperm.xlane v10, v1;
	(erf) = vrcp.f32 v27  }
0x291: {  	v30 =	vsel vm1, $0xFFFFFFFF, v15;
	v15 =	vsub.s32 v13, v6;
	v13 =	vld [tilespmem:s28+$0x10];
	vm7 =	vne.s32 v7, v9;
	v9, _, _ =	vpop (xrf2)  }
0x292: {  	v53 =	vperm.xlane v25, v5;
	v27 =	vsel vm7, v4, v3;
	vm8 =	vne.s32 v10, v24;
	v18, _, _ =	vpop (xrf2);
	(xrf2) =	vadd.scan.msk.f32 $0xffff, v19  }
0x293: {  	v60 =	vmul.f32 v20, v54;
	v48 =	vsel vm8, v4, v3;
	(xrf0) =	vmax.scan.msk.u32 $0xffff, v27;
	v46 =	vperm.xlane v12, v1  }
0x294: {  	v47 =	vld [tilespmem:s17+$0xFFFFFFF0];
	v50 =	vmul.f32 v28, v21;
	v57 =	vsel vm1, $0xFFFFFFFF, v53;
	(xrf0) =	vmax.scan.msk.u32 $0xffff, v48;
	v24, _, _ =	vpop (xrf2);
	v27 =	vperm.xlane v14, v1  }
0x295: {  	[tilespmem:v11+s13+$0x0] =	vst.idx.add.f32.msk vm5, v22;
	v19, _, _ =	vpop (xrf2);
	(xrf2) =	vadd.scan.msk.f32 $0xffff, v28;
	v28 =	vperm.xlane v18, v49;
	vm9 =	vne.s32 v12, v46  }
0x296: {  	v21 =	vperm.xlane v19, v26;
	vm6 =	vne.s32 v14, v27;
	v26 =	vld [tilespmem:s25+$0x0];
	v27 =	vperm.xlane v13, v1  }
0x297: {  	vm14 =	vgt.s32 v57, $0x0;
	[tilespmem:v23+s13+$0x0] =	vst.idx.add.f32.msk vm11, v31;
	v41, _, _ =	vpop (xrf2);
	v32 =	vsel vm9, v4, v3;
	v40 =	vsel vm6, v4, v3  }
0x298: {  	v51 =	vpop (erf);
	v28 =	vnsel vm13, $0x0, v28;
	v56 =	vperm.xlane v41, v49;
	v21 =	vnsel vm10, $0x0, v21;
	(xrf0) =	vmax.scan.msk.u32 $0xffff, v32  }
0x299: {  	v55 =	vld [tilespmem:s17+$0x10];
	(xrf2) =	vadd.scan.msk.f32 $0xffff, v51;
	vm12 =	vne.s32 v13, v27;
	vm10 =	vgt.s32 v30, $0x0;
	v32 =	vnsel vm14, $0x0, v57;
	v52 =	vpop (erf)  }
0x29a: {  	[tilespmem:v23+s12+$0x0] =	vst.idx.add.f32.msk vm11, v29;
	v58 =	vsel vm12, v4, v3;
	v59 =	vnsel vm13, $0x0, v56;
	vm13 =	vgt.s32 v57, $0xFFFFFFFF;
	v27, _, _ =	vpop (xrf0)  }
0x29b: {  	v25 =	vmul.f32 v52, v47;
	(xrf0) =	vmax.scan.msk.u32 $0xffff, v40;
	v27 =	vxor.u32 $0x80000000, v27;
	(erf) = vrcp.f32 v26;
	v43, _, _ =	vpop (xrf0)  }
0x29c: {  	v26 =	vnsel vm10, $0x0, v30;
	v22 =	vperm.xlane v27, v5;
	v23 =	vxor.u32 $0x80000000, v43;
	v42, _, _ =	vpop (xrf2);
	(xrf2) =	vadd.scan.msk.f32 $0xffff, v50  }
0x29d: {  	vm10 =	vgt.s32 v30, $0xFFFFFFFF;
	v62 =	vperm.xlane v24, v26;
	v63 =	vperm.xlane v23, v5  }
0x29e: {  	v27 =	vsel vm1, $0xFFFFFFFF, v22;
	v61 =	vperm.xlane v42, v32;
	v22 =	vmul.f32 v51, v55;
	v30, _, _ =	vpop (xrf0)  }
0x29f: {  	(xrf2) =	vadd.scan.msk.f32 $0xffff, v52;
	v36 =	vnsel vm10, $0x0, v62;
	v30 =	vxor.u32 $0x80000000, v30;
	vm11 =	vgt.s32 v27, $0x0  }
0x2a0: {  	(xrf0) =	vmax.scan.msk.u32 $0xffff, v58;
	v31, _, _ =	vpop (xrf2);
	v29 =	vnsel vm13, $0x0, v61;
	v35 =	vperm.xlane v30, v5;
	v30 =	vsub.f32 v41, v59  }
0x2a1: {  	s6 =	simm.s32 $0x68C0;
	v34 =	vld [tilespmem:s17+$0x0];
	s24 =	simm.s32 $0x5;
	s25 =	simm.s32 $0x18C0;
	(xrf2) =	vadd.scan.msk.f32 $0xffff, v60;
	v33, _, _ =	vpop (xrf0);
	v23 =	vsub.f32 v42, v29;
	v29 =	vperm.xlane v9, v26;
	v26 =	vsel vm1, $0xFFFFFFFF, v63  }
.LBB2_16:
0x2a2: {  	v38 =	vnsel vm11, $0x0, v27;
	v35 =	vsel vm1, $0xFFFFFFFF, v35;
	v24 =	vsub.f32 v24, v36  }
0x2a3: {  	v37 =	vld [tilespmem:s6+$0x20];
	s24 =	sadd.s32 $0x5, s24;
	s17 =	sadd.s32 $0x50, s17;
	v39, _, _ =	vpop (xrf2);
	vm14 =	vmmov vm7;
	vm7 =	vmmov vm3;
	vm3 =	vmmov vm12  }
0x2a4: {  	vm8 =	vmor vm8, vm0;
	v32 =	vperm.xlane v8, v32;
	v36 =	vld [tilespmem:s17+$0x20];
	p2 =	slt.u32 s24, $0x78;
	vm12 =	vgt.s32 v35, $0x0;
	v40 =	vpop (erf)  }
0x2a5: {  	vm11 =	vmor vm9, vm0;
	v18 =	vsub.f32 v18, v28;
	v41 =	vld [tilespmem:s6+$0xFFFFFFE0];
	v43 =	vnsel vm12, $0x0, v35;
	(xrf2) =	vadd.scan.msk.f32 $0xffff, v40  }
0x2a6: {  	v28 =	vmul.f32 v40, v34;
	v44 =	vperm.xlane v31, v43;
	v40, _, _ =	vpop (xrf2);
	[tilespmem:v17+s13+$0x0] =	vst.idx.add.f32.msk vm2, v24;
	v24 =	vnsel vm13, $0x0, v32  }
0x2a7: {  	vm12 =	vgt.s32 v35, $0xFFFFFFFF;
	v32 =	vld [tilespmem:s25+$0xFFFFFFF0];
	v35 =	vperm.xlane v40, v43;
	v42, _, _ =	vpop (xrf0);
	v24 =	vsub.f32 v8, v24  }
0x2a8: {  	vm9 =	vmor vm7, vm0;
	v8 =	vmovc v39;
	v43 =	vld [tilespmem:s6+$0x10];
	(erf) = vrcp.f32 v37;
	v37 =	vnsel vm12, $0x0, v44;
	(xrf2) =	vadd.scan.msk.f32 $0xffff, v20  }
0x2a9: {  	v20 =	vxor.u32 $0x80000000, v33;
	v33 =	vnsel vm12, $0x0, v35;
	v31 =	vsub.f32 v31, v37;
	v34, _, _ =	vpop (xrf2);
	[tilespmem:v15+s13+$0x0] =	vst.idx.add.f32.msk vm4, v18  }
0x2aa: {  	v18 =	vld [tilespmem:s6+$0xFFFFFFF0];
	(erf) = vrcp.f32 v41;
	v35 =	vperm.xlane v34, v38;
	v33 =	vsub.f32 v40, v33  }
0x2ab: {  	v19 =	vsub.f32 v19, v21;
	vm12 =	vgt.s32 v27, $0xFFFFFFFF;
	(xrf2) =	vadd.scan.msk.f32 $0xffff, v25;
	[tilespmem:v15+s12+$0x0] =	vst.idx.add.f32.msk vm4, v30  }
0x2ac: {  	v20 =	vperm.xlane v20, v5;
	v15 =	vperm.xlane v32, v1;
	v21 =	vld [tilespmem:s25+$0x0];
	v25 =	vnsel vm12, $0x0, v35;
	v27, _, _ =	vpop (xrf2)  }
0x2ad: {  	v30 =	vsub.f32 v34, v25;
	v34 =	vsub.s32 v12, v6;
	v25 =	vnsel vm10, $0x0, v29;
	[tilespmem:v11+s12+$0x0] =	vst.idx.add.f32.msk vm5, v19  }
0x2ae: {  	vm4 =	vmmov vm8;
	vm7 =	vne.s32 v32, v15;
	v12 =	vld [tilespmem:s25+$0x20];
	(erf) = vrcp.f32 v43  }
0x2af: {  	v19 =	vsub.f32 v9, v25;
	v9 =	vmov v27;
	v29 =	vld [tilespmem:s25+$0xFFFFFFE0];
	(erf) = vrcp.f32 v18;
	v18, _, _ =	vpop (xrf2);
	(xrf2) =	vadd.scan.msk.f32 $0xffff, v28  }
0x2b0: {  	v35 =	vsel vm1, $0xFFFFFFFF, v20;
	v11 =	vsub.s32 v7, v6;
	vm5 =	vmor vm14, vm0;
	v7 =	vmovc v32;
	[tilespmem:v16+s13+$0x0] =	vst.idx.add.f32.msk vm9, v24  }
0x2b1: {  	v15 =	vsub.s32 v10, v6;
	v27 =	vsub.s32 v13, v6;
	v28 =	vperm.xlane v21, v1;
	v25 =	vpop (erf);
	v13 =	vld [tilespmem:s25+$0x10]  }
0x2b2: {  	v37 =	vsub.s32 v14, v6;
	vm10 =	vgt.s32 v26, $0xFFFFFFFF;
	v32 =	vsel vm7, v4, v3;
	v24, _, _ =	vpop (xrf2);
	[tilespmem:v16+s12+$0x0] =	vst.idx.add.f32.msk vm9, v23  }
0x2b3: {  	vm8 =	vne.s32 v21, v28;
	v28 =	vperm.xlane v12, v1;
	v20 =	vpop (erf);
	(xrf2) =	vadd.scan.msk.f32 $0xffff, v22;
	[tilespmem:v17+s12+$0x0] =	vst.idx.add.f32.msk vm2, v19  }
0x2b4: {  	v10 =	vmovc v21;
	vm2 =	vmor vm6, vm0;
	vm6 =	vgt.s32 v26, $0x0;
	v16 =	vld [tilespmem:s17+$0xFFFFFFF0];
	v17 =	vsel vm8, v4, v3;
	(xrf0) =	vmax.scan.msk.u32 $0xffff, v32  }
0x2b5: {  	v22 =	vxor.u32 $0x80000000, v42;
	v21 =	vperm.xlane v29, v1;
	(xrf0) =	vmax.scan.msk.u32 $0xffff, v17;
	v17 =	vnsel vm6, $0x0, v26;
	v19, _, _ =	vpop (xrf2)  }
0x2b6: {  	v23 =	vmul.f32 v25, v36;
	v14 =	vmovc v29;
	vm9 =	vne.s32 v12, v28;
	v26 =	vperm.xlane v19, v38  }
0x2b7: {  	vm6 =	vne.s32 v14, v21;
	v28 =	vperm.xlane v13, v1;
	v21 =	vsel vm9, v4, v3;
	v29 =	vld [tilespmem:s6+$0x0];
	v36 =	vpop (erf);
	(xrf2) =	vadd.scan.msk.f32 $0xffff, v25  }
0x2b8: {  	v22 =	vperm.xlane v22, v5;
	v38 =	vpop (erf);
	(xrf0) =	vmax.scan.msk.u32 $0xffff, v21;
	v21 =	vnsel vm12, $0x0, v26;
	v26 =	vperm.xlane v18, v17  }
0x2b9: {  	v32 =	vsel vm6, v4, v3;
	vm12 =	vne.s32 v13, v28;
	v39 =	vld [tilespmem:s17+$0xFFFFFFE0];
	v25 =	vmul.f32 v38, v16;
	v40, _, _ =	vpop (xrf2)  }
0x2ba: {  	v41 =	vld [tilespmem:s17+$0x10];
	v16, _, _ =	vpop (xrf0);
	(xrf2) =	vadd.scan.msk.f32 $0xffff, v36;
	v28 =	vnsel vm10, $0x0, v26;
	v17 =	vperm.xlane v40, v17;
	v26 =	vsel vm1, $0xFFFFFFFF, v22  }
0x2bb: {  	vm13 =	vgt.s32 v35, $0x0;
	v42 =	vsel vm12, v4, v3;
	v44 =	vxor.u32 $0x80000000, v16;
	v43, _, _ =	vpop (xrf0);
	[tilespmem:v11+s13+$0x0] =	vst.idx.add.f32.msk vm5, v30  }
0x2bc: {  	vm14 =	vgt.s32 v26, $0x0;
	v16 =	vmovc v27;
	v22 =	vperm.xlane v44, v5;
	(xrf0) =	vmax.scan.msk.u32 $0xffff, v32;
	(erf) = vrcp.f32 v29  }
0x2bd: {  	v29 =	vnsel vm13, $0x0, v35;
	v30 =	vnsel vm10, $0x0, v17;
	v32 =	vnsel vm14, $0x0, v26;
	(xrf2) =	vadd.scan.msk.f32 $0xffff, v23;
	v23, _, _ =	vpop (xrf2)  }
0x2be: {  	v39 =	vmul.f32 v20, v39;
	v27 =	vsel vm1, $0xFFFFFFFF, v22;
	v44, _, _ =	vpop (xrf0);
	v45 =	vperm.xlane v23, v32;
	[tilespmem:v34+s13+$0x0] =	vst.idx.add.f32.msk vm11, v31  }
.Ltmp12:
0x2bf: {  	vm10 =	vgt.s32 v35, $0xFFFFFFFF;
	vm13 =	vgt.s32 v26, $0xFFFFFFFF;
	v17 =	vmovc v37;
	v22 =	vmul.f32 v36, v41;
	[tilespmem:v34+s12+$0x0] =	vst.idx.add.f32.msk vm11, v33;
	(pc) =	sbr.rel @p2 .LBB2_16-.Ltmp12, $4  }
0x2c0: {  	v26 =	vxor.u32 $0x80000000, v43;
	v36 =	vperm.xlane v24, v29;
	(xrf2) =	vadd.scan.msk.f32 $0xffff, v38;
	v37 =	vnsel vm13, $0x0, v45  }
0x2c1: {  	v26 =	vperm.xlane v26, v5;
	v35 =	vxor.u32 $0x80000000, v44;
	v31, _, _ =	vpop (xrf2);
	v23 =	vsub.f32 v23, v37  }
0x2c2: {  	vm11 =	vgt.s32 v27, $0x0;
	v29 =	vperm.xlane v9, v29;
	v35 =	vperm.xlane v35, v5;
	v34 =	vld [tilespmem:s17+$0x0];
	v33, _, _ =	vpop (xrf0);
	(xrf0) =	vmax.scan.msk.u32 $0xffff, v42  }
0x2c3: {  	s25 =	sadd.s32 $0x50, s25;
	s6 =	sadd.s32 $0x50, s6;
	v30 =	vsub.f32 v40, v30;
	v26 =	vsel vm1, $0xFFFFFFFF, v26;
	v36 =	vnsel vm10, $0x0, v36;
	(xrf2) =	vadd.scan.msk.f32 $0xffff, v39  }
0x2c4: {  	v37 =	vnsel vm11, $0x0, v27;
	v35 =	vsel vm1, $0xFFFFFFFF, v35  }
0x2c5: {  	v24 =	vsub.f32 v24, v36;
	vm11 =	vmmov vm7;
	vm14 =	vmmov vm3  }
0x2c6: {  	vm7 =	vmmov vm12;
	vm8 =	vmor vm8, vm0;
	v32 =	vperm.xlane v8, v32  }
0x2c7: {  	vm3 =	vmor vm9, vm0;
	v18 =	vsub.f32 v18, v28;
	vm12 =	vgt.s32 v35, $0x0  }
0x2c8: {  	v33 =	vxor.u32 $0x80000000, v33;
	v19 =	vsub.f32 v19, v21;
	v42 =	vpop (erf);
	v39 =	vnsel vm12, $0x0, v35  }
0x2c9: {  	v12 =	vsub.s32 v12, v6;
	v7 =	vsub.s32 v7, v6;
	(xrf2) =	vadd.scan.msk.f32 $0xffff, v42;
	v28 =	vperm.xlane v31, v39  }
0x2ca: {  	v38, _, _ =	vpop (xrf2);
	v10 =	vsub.s32 v10, v6;
	v13 =	vsub.s32 v13, v6;
	v14 =	vsub.s32 v14, v6;
	(xrf2) =	vadd.scan.msk.f32 $0xffff, v20  }
0x2cb: {  	vm9 =	vgt.s32 v35, $0xFFFFFFFF;
	v21 =	vperm.xlane v33, v5;
	v20 =	vmul.f32 v42, v34;
	v43, _, _ =	vpop (xrf2);
	(xrf2) =	vadd.scan.msk.f32 $0xffff, v25  }
0x2cc: {  	vm8 =	vmmov vm8;
	vm12 =	vmor vm14, vm0;
	v25 =	vnsel vm13, $0x0, v32  }
0x2cd: {  	[tilespmem:v15+s13+$0x0] =	vst.idx.add.f32.msk vm4, v18;
	v8 =	vsub.f32 v8, v25;
	v25 =	vnsel vm9, $0x0, v28;
	v28, _, _ =	vpop (xrf2);
	(xrf2) =	vadd.scan.msk.f32 $0xffff, v20  }
0x2ce: {  	[tilespmem:v11+s12+$0x0] =	vst.idx.add.f32.msk vm5, v19;
	v21 =	vsel vm1, $0xFFFFFFFF, v21;
	v44 =	vperm.xlane v43, v39;
	v45 =	vperm.xlane v28, v37  }
0x2cf: {  	[tilespmem:v15+s12+$0x0] =	vst.idx.add.f32.msk vm4, v30;
	vm4 =	vmor vm6, vm0;
	vm13 =	vgt.s32 v27, $0xFFFFFFFF;
	vm5 =	vgt.s32 v21, $0x0  }
0x2d0: {  	v32 =	vnsel vm9, $0x0, v44;
	v20 =	vsub.f32 v31, v25;
	v31, _, _ =	vpop (xrf0);
	v27 =	vnsel vm13, $0x0, v45  }
0x2d1: {  	vm9 =	vmor vm11, vm0;
	v27 =	vsub.f32 v28, v27;
	v28 =	vnsel vm10, $0x0, v29;
	v29, _, _ =	vpop (xrf2);
	(xrf2) =	vadd.scan.msk.f32 $0xffff, v22  }
0x2d2: {  	[tilespmem:v17+s13+$0x0] =	vst.idx.add.f32.msk vm2, v24;
	vm11 =	vgt.s32 v26, $0xFFFFFFFF;
	v25 =	vsub.f32 v43, v32;
	v24 =	vxor.u32 $0x80000000, v31  }
0x2d3: {  	[tilespmem:v16+s13+$0x0] =	vst.idx.add.f32.msk vm12, v8;
	v8 =	vperm.xlane v24, v5;
	v24 =	vnsel vm5, $0x0, v21;
	vm10 =	vgt.s32 v26, $0x0;
	v22, _, _ =	vpop (xrf2)  }
0x2d4: {  	[tilespmem:v16+s12+$0x0] =	vst.idx.add.f32.msk vm12, v23;
	vm5 =	vmmov vm7;
	v9 =	vsub.f32 v9, v28;
	v15 =	vnsel vm10, $0x0, v26;
	v18, _, _ =	vpop (xrf2)  }
0x2d5: {  	[tilespmem:v12+s13+$0x0] =	vst.idx.add.f32.msk vm3, v20;
	v8 =	vsel vm1, $0xFFFFFFFF, v8;
	vm1 =	vgt.s32 v21, $0xFFFFFFFF;
	v19 =	vperm.xlane v22, v15;
	v26, _, _ =	vpop (xrf2)  }
0x2d6: {  	v23 =	vperm.xlane v18, v24;
	[tilespmem:v17+s12+$0x0] =	vst.idx.add.f32.msk vm2, v9;
	vm2 =	vgt.s32 v8, $0x0;
	v11 =	vperm.xlane v26, v37  }
0x2d7: {  	[tilespmem:v12+s12+$0x0] =	vst.idx.add.f32.msk vm3, v25;
	v19 =	vnsel vm11, $0x0, v19;
	v17 =	vnsel vm2, $0x0, v8;
	vm2 =	vmor vm5, vm0;
	v16, _, _ =	vpop (xrf2)  }
0x2d8: {  	v12 =	vperm.xlane v38, v17;
	v19 =	vsub.f32 v22, v19;
	v9 =	vperm.xlane v16, v15  }
0x2d9: {  	vm3 =	vgt.s32 v8, $0xFFFFFFFF;
	[tilespmem:v7+s13+$0x0] =	vst.idx.add.f32.msk vm9, v27;
	v11 =	vnsel vm13, $0x0, v11;
	v15 =	vnsel vm1, $0x0, v23  }
0x2da: {  	v12 =	vnsel vm3, $0x0, v12;
	[tilespmem:v10+s13+$0x0] =	vst.idx.add.f32.msk vm8, v19;
	v11 =	vsub.f32 v26, v11;
	v9 =	vnsel vm11, $0x0, v9  }
0x2db: {  	v15 =	vsub.f32 v18, v15;
	v18, _, _ =	vpop (xrf2);
	v8 =	vsub.f32 v16, v9;
	v9 =	vperm.xlane v29, v24  }
0x2dc: {  	v12 =	vsub.f32 v38, v12;
	[tilespmem:v7+s12+$0x0] =	vst.idx.add.f32.msk vm9, v11;
	v17 =	vperm.xlane v18, v17  }
0x2dd: {  	[tilespmem:v14+s13+$0x0] =	vst.idx.add.f32.msk vm4, v15;
	v9 =	vnsel vm1, $0x0, v9  }
0x2de: {  	[tilespmem:v13+s13+$0x0] =	vst.idx.add.f32.msk vm2, v12;
	v15 =	vnsel vm3, $0x0, v17;
	v7 =	vsub.f32 v29, v9  }
0x2df: {  	s5 =	sadd.s32 @!p1 s19, s31;
	[tilespmem:v10+s12+$0x0] =	vst.idx.add.f32.msk vm8, v8;
	v8 =	vsub.f32 v18, v15  }
0x2e0: {  	s5 =	sshrl.u32 @!p1 s5, $0x3;
	[tilespmem:v14+s12+$0x0] =	vst.idx.add.f32.msk vm4, v7  }
0x2e1: {  	s17 =	simm.s32 @!p1 $0x0;
	s19 =	simm.s32 @!p1 $0x800;
	s6 =	sadd.s32 @!p1 s2, s5;
	[tilespmem:v13+s12+$0x0] =	vst.idx.add.f32.msk vm2, v8  }
0x2e2: {  	[tilespmem:s19], [sflag:$0x2] =	stream.linear.gather @!p1 [hbm4b:s6+s17], $0x7D0, $0x38;
	[tilespmem:$0x12800] =	vst v63  }
0x2e3: {  	s6 =	sadd.s32 @!p1 s0, s5;
	s19 =	simm.s32 @!p1 $0x3000  }
0x2e4: {  	[tilespmem:s19], [sflag:$0x2] =	stream.linear.gather @!p1 [hbm4b:s6+s17], $0x7D0, $0x38;
	[tilespmem:$0x12800] =	vst v63  }
0x2e5: {  	s5 =	sadd.s32 @!p1 s1, s5;
	s6 =	simm.s32 @!p1 $0x5800  }
0x2e6: {  	[tilespmem:s6], [sflag:$0x2] =	stream.linear.gather @!p1 [hbm4b:s5+s17], $0x7D0, $0x38;
	[tilespmem:$0x12800] =	vst v63  }
0x2e7: {  	_ =	swait.ge [sflag:s11], $0x7D0  }
0x2e8: {  	[sflag:s11] =	ssyncset.done $0x0  }
0x2e9: {  	[sflag:s11] =	ssyncadd.s32 $0xFFFFF830  }
0x2ea: {  	_ =	swait.ge [sflag:s11], $0x7D0  }
0x2eb: {  	[sflag:s11] =	ssyncset.done $0x0  }
0x2ec: {  	[sflag:s11] =	ssyncadd.s32 $0xFFFFF830  }
0x2ed: {  	_ =	swait.ge [sflag:s11], $0x7D0  }
0x2ee: {  	[sflag:s11] =	ssyncset.done $0x0  }
0x2ef: {  	s19 =	simm.s32 $0x7020;
	[sflag:s11] =	ssyncadd.s32 $0xFFFFF830  }
0x2f0: {  	v7 =	vld [tilespmem:s19+$0x20]  }
0x2f1: {  	v8 =	vld [tilespmem:s19+$0xFFFFFFE0]  }
0x2f2: {  	s20 =	simm.s32 $0x2020;
	v9 =	vld [tilespmem:s19+$0x10]  }
0x2f3: {  	v11 =	vld [tilespmem:s20+$0xFFFFFFF0]  }
0x2f4: {  	v13 =	vld [tilespmem:s20+$0x0]  }
0x2f5: {  	v10 =	vld [tilespmem:s19+$0xFFFFFFF0]  }
0x2f6: {  	v14 =	vld [tilespmem:s20+$0x20];
	(erf) = vrcp.f32 v7  }
0x2f7: {  	(erf) = vrcp.f32 v8  }
0x2f8: {  	(erf) = vrcp.f32 v9  }
0x2f9: {  	v7 =	vperm.xlane v11, v1;
	v8 =	vperm.xlane v13, v1  }
0x2fa: {  	(erf) = vrcp.f32 v10  }
0x2fb: {  	s24 =	simm.s32 $0x4820;
	v17 =	vld [tilespmem:s20+$0xFFFFFFE0];
	vm3 =	vne.s32 v11, v7;
	vm4 =	vne.s32 v13, v8;
	v8 =	vperm.xlane v14, v1  }
0x2fc: {  	v7 =	vld [tilespmem:s24+$0x20];
	v9 =	vsel vm3, v4, v3  }
0x2fd: {  	v16 =	vld [tilespmem:s20+$0x10];
	v10 =	vsel vm4, v4, v3;
	(xrf0) =	vmax.scan.msk.u32 $0xffff, v9;
	vm5 =	vne.s32 v14, v8  }
0x2fe: {  	(xrf0) =	vmax.scan.msk.u32 $0xffff, v10;
	v8 =	vld [tilespmem:s19+$0x0];
	v12 =	vsel vm5, v4, v3  }
0x2ff: {  	s25 =	simm.s32 $0x7070;
	v19 =	vld [tilespmem:s24+$0x10];
	(xrf0) =	vmax.scan.msk.u32 $0xffff, v12;
	v9 =	vpop (erf)  }
0x300: {  	v23 =	vld [tilespmem:s25+$0x20];
	v10 =	vpop (erf);
	(xrf2) =	vadd.scan.msk.f32 $0xffff, v9  }
0x301: {  	v12 =	vld [tilespmem:s24+$0xFFFFFFF0];
	v7 =	vmul.f32 v9, v7;
	v9 =	vperm.xlane v17, v1;
	v15 =	vpop (erf)  }
0x302: {  	vm1 =	veq.s32 v2, $0x0;
	(xrf2) =	vadd.scan.msk.f32 $0xffff, v15  }
0x303: {  	vm4 =	vmor vm4, vm0;
	v18 =	vpop (erf);
	(erf) = vrcp.f32 v8;
	vm2 =	vne.s32 v17, v9;
	(xrf2) =	vadd.scan.msk.f32 $0xffff, v7  }
0x304: {  	v24 =	vld [tilespmem:s25+$0xFFFFFFE0];
	v11 =	vsub.s32 v11, v6;
	vm4 =	vmmov vm4;
	v8, _, _ =	vpop (xrf0);
	v21 =	vsel vm2, v4, v3;
	(xrf2) =	vadd.scan.msk.f32 $0xffff, v18  }
0x305: {  	vm11 =	vmor vm5, vm0;
	v9 =	vperm.xlane v16, v1;
	v19 =	vmul.f32 v15, v19;
	v7 =	vld [tilespmem:s24+$0xFFFFFFE0];
	v20, _, _ =	vpop (xrf0);
	(xrf0) =	vmax.scan.msk.u32 $0xffff, v21  }
0x306: {  	v12 =	vmul.f32 v18, v12;
	v8 =	vxor.u32 $0x80000000, v8;
	(erf) = vrcp.f32 v23;
	v18, _, _ =	vpop (xrf0)  }
0x307: {  	vm7 =	vne.s32 v16, v9;
	v9 =	vxor.u32 $0x80000000, v18;
	v18 =	vxor.u32 $0x80000000, v20  }
0x308: {  	v17 =	vsub.s32 v17, v6;
	v8 =	vperm.xlane v8, v5;
	v18 =	vperm.xlane v18, v5  }
0x309: {  	vm2 =	vmor vm2, vm0;
	(erf) = vrcp.f32 v24;
	v9 =	vperm.xlane v9, v5  }
0x30a: {  	v21 =	vld [tilespmem:s24+$0x0];
	v20 =	vsel vm7, v4, v3;
	v22 =	vsel vm1, $0xFFFFFFFF, v8;
	v7 =	vmul.f32 v10, v7;
	v15, _, _ =	vpop (xrf2)  }
0x30b: {  	v16 =	vsub.s32 v16, v6;
	(xrf0) =	vmax.scan.msk.u32 $0xffff, v20;
	vm6 =	vgt.s32 v22, $0x0;
	v9 =	vsel vm1, $0xFFFFFFFF, v9;
	v30, _, _ =	vpop (xrf0)  }
0x30c: {  	s28 =	simm.s32 $0x2070;
	v20 =	vld [tilespmem:s25+$0x10];
	vm10 =	vgt.s32 v22, $0xFFFFFFFF;
	v25 =	vsel vm1, $0xFFFFFFFF, v18;
	vm8 =	vgt.s32 v9, $0x0;
	(xrf2) =	vadd.scan.msk.f32 $0xffff, v7;
	v18 =	vpop (erf)  }
0x30d: {  	v26 =	vnsel vm6, $0x0, v22;
	vm6 =	vmmov vm3;
	v27 =	vnsel vm8, $0x0, v9;
	v7 =	vld [tilespmem:s28+$0xFFFFFFF0];
	v8, _, _ =	vpop (xrf2);
	(xrf2) =	vadd.scan.msk.f32 $0xffff, v18  }
0x30e: {  	vm3 =	vmmov vm7;
	vm5 =	vgt.s32 v9, $0xFFFFFFFF;
	v28 =	vperm.xlane v15, v27;
	v29, _, _ =	vpop (xrf2)  }
0x30f: {  	vm13 =	vgt.s32 v25, $0xFFFFFFFF;
	v18 =	vmul.f32 v18, v21;
	(xrf2) =	vadd.scan.msk.f32 $0xffff, v10;
	v10 =	vld [tilespmem:s28+$0x0];
	v9 =	vperm.xlane v29, v27;
	v23, _, _ =	vpop (xrf2)  }
0x310: {  	s17 =	simm.s32 $0x4870;
	v21 =	vnsel vm5, $0x0, v28;
	v28 =	vxor.u32 $0x80000000, v30;
	v27 =	vld [tilespmem:s25+$0xFFFFFFF0];
	(xrf2) =	vadd.scan.msk.f32 $0xffff, v12;
	v30 =	vperm.xlane v23, v26  }
0x311: {  	v54 =	vld [tilespmem:s17+$0xFFFFFFE0];
	(erf) = vrcp.f32 v20;
	v31 =	vsub.f32 v15, v21;
	v9 =	vnsel vm5, $0x0, v9  }
0x312: {  	v21 =	vld [tilespmem:s17+$0x20];
	(xrf2) =	vadd.scan.msk.f32 $0xffff, v18;
	v29 =	vsub.f32 v29, v9;
	v9 =	vperm.xlane v7, v1;
	v12 =	vnsel vm10, $0x0, v30  }
0x313: {  	v20, _, _ =	vpop (xrf0);
	vm5 =	vmor vm6, vm0;
	vm6 =	vgt.s32 v25, $0x0;
	v22 =	vsub.f32 v23, v12;
	v12 =	vld [tilespmem:s28+$0x20]  }
0x314: {  	v15 =	vperm.xlane v28, v5;
	v28 =	vpop (erf);
	v49 =	vnsel vm6, $0x0, v25;
	v23 =	vsub.s32 v14, v6;
	v14 =	vld [tilespmem:s28+$0xFFFFFFE0]  }
0x315: {  	v25 =	vxor.u32 $0x80000000, v20;
	v20 =	vpop (erf);
	v24 =	vperm.xlane v10, v1;
	(erf) = vrcp.f32 v27  }
0x316: {  	v30 =	vsel vm1, $0xFFFFFFFF, v15;
	v15 =	vsub.s32 v13, v6;
	v13 =	vld [tilespmem:s28+$0x10];
	vm7 =	vne.s32 v7, v9;
	v9, _, _ =	vpop (xrf2)  }
0x317: {  	v53 =	vperm.xlane v25, v5;
	v27 =	vsel vm7, v4, v3;
	vm8 =	vne.s32 v10, v24;
	v18, _, _ =	vpop (xrf2);
	(xrf2) =	vadd.scan.msk.f32 $0xffff, v19  }
0x318: {  	v60 =	vmul.f32 v20, v54;
	v48 =	vsel vm8, v4, v3;
	(xrf0) =	vmax.scan.msk.u32 $0xffff, v27;
	v46 =	vperm.xlane v12, v1  }
0x319: {  	v47 =	vld [tilespmem:s17+$0xFFFFFFF0];
	v50 =	vmul.f32 v28, v21;
	v57 =	vsel vm1, $0xFFFFFFFF, v53;
	(xrf0) =	vmax.scan.msk.u32 $0xffff, v48;
	v24, _, _ =	vpop (xrf2);
	v27 =	vperm.xlane v14, v1  }
0x31a: {  	[tilespmem:v11+s13+$0x0] =	vst.idx.add.f32.msk vm5, v22;
	v19, _, _ =	vpop (xrf2);
	(xrf2) =	vadd.scan.msk.f32 $0xffff, v28;
	v28 =	vperm.xlane v18, v49;
	vm9 =	vne.s32 v12, v46  }
0x31b: {  	v21 =	vperm.xlane v19, v26;
	vm6 =	vne.s32 v14, v27;
	v26 =	vld [tilespmem:s25+$0x0];
	v27 =	vperm.xlane v13, v1  }
0x31c: {  	vm14 =	vgt.s32 v57, $0x0;
	[tilespmem:v23+s13+$0x0] =	vst.idx.add.f32.msk vm11, v31;
	v41, _, _ =	vpop (xrf2);
	v32 =	vsel vm9, v4, v3;
	v40 =	vsel vm6, v4, v3  }
0x31d: {  	v51 =	vpop (erf);
	v28 =	vnsel vm13, $0x0, v28;
	v56 =	vperm.xlane v41, v49;
	v21 =	vnsel vm10, $0x0, v21;
	(xrf0) =	vmax.scan.msk.u32 $0xffff, v32  }
0x31e: {  	v55 =	vld [tilespmem:s17+$0x10];
	(xrf2) =	vadd.scan.msk.f32 $0xffff, v51;
	vm12 =	vne.s32 v13, v27;
	vm10 =	vgt.s32 v30, $0x0;
	v32 =	vnsel vm14, $0x0, v57;
	v52 =	vpop (erf)  }
0x31f: {  	[tilespmem:v23+s12+$0x0] =	vst.idx.add.f32.msk vm11, v29;
	v58 =	vsel vm12, v4, v3;
	v59 =	vnsel vm13, $0x0, v56;
	vm13 =	vgt.s32 v57, $0xFFFFFFFF;
	v27, _, _ =	vpop (xrf0)  }
0x320: {  	v25 =	vmul.f32 v52, v47;
	(xrf0) =	vmax.scan.msk.u32 $0xffff, v40;
	v27 =	vxor.u32 $0x80000000, v27;
	(erf) = vrcp.f32 v26;
	v43, _, _ =	vpop (xrf0)  }
0x321: {  	v26 =	vnsel vm10, $0x0, v30;
	v22 =	vperm.xlane v27, v5;
	v23 =	vxor.u32 $0x80000000, v43;
	v42, _, _ =	vpop (xrf2);
	(xrf2) =	vadd.scan.msk.f32 $0xffff, v50  }
0x322: {  	vm10 =	vgt.s32 v30, $0xFFFFFFFF;
	v62 =	vperm.xlane v24, v26;
	v63 =	vperm.xlane v23, v5  }
0x323: {  	v27 =	vsel vm1, $0xFFFFFFFF, v22;
	v61 =	vperm.xlane v42, v32;
	v22 =	vmul.f32 v51, v55;
	v30, _, _ =	vpop (xrf0)  }
0x324: {  	(xrf2) =	vadd.scan.msk.f32 $0xffff, v52;
	v36 =	vnsel vm10, $0x0, v62;
	v30 =	vxor.u32 $0x80000000, v30;
	vm11 =	vgt.s32 v27, $0x0  }
0x325: {  	(xrf0) =	vmax.scan.msk.u32 $0xffff, v58;
	v31, _, _ =	vpop (xrf2);
	v29 =	vnsel vm13, $0x0, v61;
	v35 =	vperm.xlane v30, v5;
	v30 =	vsub.f32 v41, v59  }
0x326: {  	s6 =	simm.s32 $0x70C0;
	v34 =	vld [tilespmem:s17+$0x0];
	s19 =	simm.s32 $0x5;
	s24 =	simm.s32 $0x20C0;
	(xrf2) =	vadd.scan.msk.f32 $0xffff, v60;
	v33, _, _ =	vpop (xrf0);
	v23 =	vsub.f32 v42, v29;
	v29 =	vperm.xlane v9, v26;
	v26 =	vsel vm1, $0xFFFFFFFF, v63  }
.LBB2_18:
0x327: {  	v38 =	vnsel vm11, $0x0, v27;
	v35 =	vsel vm1, $0xFFFFFFFF, v35;
	v24 =	vsub.f32 v24, v36  }
0x328: {  	v37 =	vld [tilespmem:s6+$0x20];
	s19 =	sadd.s32 $0x5, s19;
	s17 =	sadd.s32 $0x50, s17;
	v39, _, _ =	vpop (xrf2);
	vm14 =	vmmov vm7;
	vm7 =	vmmov vm3;
	vm3 =	vmmov vm12  }
0x329: {  	vm8 =	vmor vm8, vm0;
	v32 =	vperm.xlane v8, v32;
	v36 =	vld [tilespmem:s17+$0x20];
	p1 =	slt.u32 s19, $0x78;
	vm12 =	vgt.s32 v35, $0x0;
	v40 =	vpop (erf)  }
0x32a: {  	vm11 =	vmor vm9, vm0;
	v18 =	vsub.f32 v18, v28;
	v41 =	vld [tilespmem:s6+$0xFFFFFFE0];
	v43 =	vnsel vm12, $0x0, v35;
	(xrf2) =	vadd.scan.msk.f32 $0xffff, v40  }
0x32b: {  	v28 =	vmul.f32 v40, v34;
	v44 =	vperm.xlane v31, v43;
	v40, _, _ =	vpop (xrf2);
	[tilespmem:v17+s13+$0x0] =	vst.idx.add.f32.msk vm2, v24;
	v24 =	vnsel vm13, $0x0, v32  }
0x32c: {  	vm12 =	vgt.s32 v35, $0xFFFFFFFF;
	v32 =	vld [tilespmem:s24+$0xFFFFFFF0];
	v35 =	vperm.xlane v40, v43;
	v42, _, _ =	vpop (xrf0);
	v24 =	vsub.f32 v8, v24  }
0x32d: {  	vm9 =	vmor vm7, vm0;
	v8 =	vmovc v39;
	v43 =	vld [tilespmem:s6+$0x10];
	(erf) = vrcp.f32 v37;
	v37 =	vnsel vm12, $0x0, v44;
	(xrf2) =	vadd.scan.msk.f32 $0xffff, v20  }
0x32e: {  	v20 =	vxor.u32 $0x80000000, v33;
	v33 =	vnsel vm12, $0x0, v35;
	v31 =	vsub.f32 v31, v37;
	v34, _, _ =	vpop (xrf2);
	[tilespmem:v15+s13+$0x0] =	vst.idx.add.f32.msk vm4, v18  }
0x32f: {  	v18 =	vld [tilespmem:s6+$0xFFFFFFF0];
	(erf) = vrcp.f32 v41;
	v35 =	vperm.xlane v34, v38;
	v33 =	vsub.f32 v40, v33  }
0x330: {  	v19 =	vsub.f32 v19, v21;
	vm12 =	vgt.s32 v27, $0xFFFFFFFF;
	(xrf2) =	vadd.scan.msk.f32 $0xffff, v25;
	[tilespmem:v15+s12+$0x0] =	vst.idx.add.f32.msk vm4, v30  }
0x331: {  	v20 =	vperm.xlane v20, v5;
	v15 =	vperm.xlane v32, v1;
	v21 =	vld [tilespmem:s24+$0x0];
	v25 =	vnsel vm12, $0x0, v35;
	v27, _, _ =	vpop (xrf2)  }
0x332: {  	v30 =	vsub.f32 v34, v25;
	v34 =	vsub.s32 v12, v6;
	v25 =	vnsel vm10, $0x0, v29;
	[tilespmem:v11+s12+$0x0] =	vst.idx.add.f32.msk vm5, v19  }
0x333: {  	vm4 =	vmmov vm8;
	vm7 =	vne.s32 v32, v15;
	v12 =	vld [tilespmem:s24+$0x20];
	(erf) = vrcp.f32 v43  }
0x334: {  	v19 =	vsub.f32 v9, v25;
	v9 =	vmov v27;
	v29 =	vld [tilespmem:s24+$0xFFFFFFE0];
	(erf) = vrcp.f32 v18;
	v18, _, _ =	vpop (xrf2);
	(xrf2) =	vadd.scan.msk.f32 $0xffff, v28  }
0x335: {  	v35 =	vsel vm1, $0xFFFFFFFF, v20;
	v11 =	vsub.s32 v7, v6;
	vm5 =	vmor vm14, vm0;
	v7 =	vmovc v32;
	[tilespmem:v16+s13+$0x0] =	vst.idx.add.f32.msk vm9, v24  }
0x336: {  	v15 =	vsub.s32 v10, v6;
	v27 =	vsub.s32 v13, v6;
	v28 =	vperm.xlane v21, v1;
	v25 =	vpop (erf);
	v13 =	vld [tilespmem:s24+$0x10]  }
0x337: {  	v37 =	vsub.s32 v14, v6;
	vm10 =	vgt.s32 v26, $0xFFFFFFFF;
	v32 =	vsel vm7, v4, v3;
	v24, _, _ =	vpop (xrf2);
	[tilespmem:v16+s12+$0x0] =	vst.idx.add.f32.msk vm9, v23  }
0x338: {  	vm8 =	vne.s32 v21, v28;
	v28 =	vperm.xlane v12, v1;
	v20 =	vpop (erf);
	(xrf2) =	vadd.scan.msk.f32 $0xffff, v22;
	[tilespmem:v17+s12+$0x0] =	vst.idx.add.f32.msk vm2, v19  }
0x339: {  	v10 =	vmovc v21;
	vm2 =	vmor vm6, vm0;
	vm6 =	vgt.s32 v26, $0x0;
	v16 =	vld [tilespmem:s17+$0xFFFFFFF0];
	v17 =	vsel vm8, v4, v3;
	(xrf0) =	vmax.scan.msk.u32 $0xffff, v32  }
0x33a: {  	v22 =	vxor.u32 $0x80000000, v42;
	v21 =	vperm.xlane v29, v1;
	(xrf0) =	vmax.scan.msk.u32 $0xffff, v17;
	v17 =	vnsel vm6, $0x0, v26;
	v19, _, _ =	vpop (xrf2)  }
0x33b: {  	v23 =	vmul.f32 v25, v36;
	v14 =	vmovc v29;
	vm9 =	vne.s32 v12, v28;
	v26 =	vperm.xlane v19, v38  }
0x33c: {  	vm6 =	vne.s32 v14, v21;
	v28 =	vperm.xlane v13, v1;
	v21 =	vsel vm9, v4, v3;
	v29 =	vld [tilespmem:s6+$0x0];
	v36 =	vpop (erf);
	(xrf2) =	vadd.scan.msk.f32 $0xffff, v25  }
0x33d: {  	v22 =	vperm.xlane v22, v5;
	v38 =	vpop (erf);
	(xrf0) =	vmax.scan.msk.u32 $0xffff, v21;
	v21 =	vnsel vm12, $0x0, v26;
	v26 =	vperm.xlane v18, v17  }
0x33e: {  	v32 =	vsel vm6, v4, v3;
	vm12 =	vne.s32 v13, v28;
	v39 =	vld [tilespmem:s17+$0xFFFFFFE0];
	v25 =	vmul.f32 v38, v16;
	v40, _, _ =	vpop (xrf2)  }
0x33f: {  	v41 =	vld [tilespmem:s17+$0x10];
	v16, _, _ =	vpop (xrf0);
	(xrf2) =	vadd.scan.msk.f32 $0xffff, v36;
	v28 =	vnsel vm10, $0x0, v26;
	v17 =	vperm.xlane v40, v17;
	v26 =	vsel vm1, $0xFFFFFFFF, v22  }
0x340: {  	vm13 =	vgt.s32 v35, $0x0;
	v42 =	vsel vm12, v4, v3;
	v44 =	vxor.u32 $0x80000000, v16;
	v43, _, _ =	vpop (xrf0);
	[tilespmem:v11+s13+$0x0] =	vst.idx.add.f32.msk vm5, v30  }
0x341: {  	vm14 =	vgt.s32 v26, $0x0;
	v16 =	vmovc v27;
	v22 =	vperm.xlane v44, v5;
	(xrf0) =	vmax.scan.msk.u32 $0xffff, v32;
	(erf) = vrcp.f32 v29  }
0x342: {  	v29 =	vnsel vm13, $0x0, v35;
	v30 =	vnsel vm10, $0x0, v17;
	v32 =	vnsel vm14, $0x0, v26;
	(xrf2) =	vadd.scan.msk.f32 $0xffff, v23;
	v23, _, _ =	vpop (xrf2)  }
0x343: {  	v39 =	vmul.f32 v20, v39;
	v27 =	vsel vm1, $0xFFFFFFFF, v22;
	v44, _, _ =	vpop (xrf0);
	v45 =	vperm.xlane v23, v32;
	[tilespmem:v34+s13+$0x0] =	vst.idx.add.f32.msk vm11, v31  }
.Ltmp13:
0x344: {  	vm10 =	vgt.s32 v35, $0xFFFFFFFF;
	vm13 =	vgt.s32 v26, $0xFFFFFFFF;
	v17 =	vmovc v37;
	v22 =	vmul.f32 v36, v41;
	[tilespmem:v34+s12+$0x0] =	vst.idx.add.f32.msk vm11, v33;
	(pc) =	sbr.rel @p1 .LBB2_18-.Ltmp13, $4  }
0x345: {  	v26 =	vxor.u32 $0x80000000, v43;
	v36 =	vperm.xlane v24, v29;
	(xrf2) =	vadd.scan.msk.f32 $0xffff, v38;
	v37 =	vnsel vm13, $0x0, v45  }
0x346: {  	v26 =	vperm.xlane v26, v5;
	v35 =	vxor.u32 $0x80000000, v44;
	v31, _, _ =	vpop (xrf2);
	v23 =	vsub.f32 v23, v37  }
0x347: {  	vm11 =	vgt.s32 v27, $0x0;
	v29 =	vperm.xlane v9, v29;
	v35 =	vperm.xlane v35, v5;
	v34 =	vld [tilespmem:s17+$0x0];
	v33, _, _ =	vpop (xrf0);
	(xrf0) =	vmax.scan.msk.u32 $0xffff, v42  }
0x348: {  	s24 =	sadd.s32 $0x50, s24;
	s6 =	sadd.s32 $0x50, s6;
	v30 =	vsub.f32 v40, v30;
	v26 =	vsel vm1, $0xFFFFFFFF, v26;
	v36 =	vnsel vm10, $0x0, v36;
	(xrf2) =	vadd.scan.msk.f32 $0xffff, v39  }
0x349: {  	v37 =	vnsel vm11, $0x0, v27;
	v35 =	vsel vm1, $0xFFFFFFFF, v35  }
0x34a: {  	v24 =	vsub.f32 v24, v36;
	vm11 =	vmmov vm7;
	vm14 =	vmmov vm3  }
0x34b: {  	vm7 =	vmmov vm12;
	vm8 =	vmor vm8, vm0;
	v32 =	vperm.xlane v8, v32  }
0x34c: {  	vm3 =	vmor vm9, vm0;
	v18 =	vsub.f32 v18, v28;
	v33 =	vxor.u32 $0x80000000, v33  }
0x34d: {  	v19 =	vsub.f32 v19, v21;
	v12 =	vsub.s32 v12, v6;
	v46 =	vnsel vm10, $0x0, v29  }
0x34e: {  	v7 =	vsub.s32 v7, v6;
	v10 =	vsub.s32 v10, v6;
	v13 =	vsub.s32 v13, v6;
	v38 =	vpop (erf)  }
0x34f: {  	v14 =	vsub.s32 v14, v6;
	vm15 =	vgt.s32 v26, $0x0;
	vm12 =	vgt.s32 v35, $0x0;
	(xrf2) =	vadd.scan.msk.f32 $0xffff, v38  }
0x350: {  	v36, _, _ =	vpop (xrf2);
	vm9 =	vgt.s32 v35, $0xFFFFFFFF;
	v44 =	vperm.xlane v33, v5;
	vm8 =	vmmov vm8;
	(xrf2) =	vadd.scan.msk.f32 $0xffff, v20  }
0x351: {  	v39 =	vnsel vm12, $0x0, v35;
	vm12 =	vmor vm14, vm0;
	v60 =	vmul.f32 v38, v34;
	v62, _, _ =	vpop (xrf2);
	(xrf2) =	vadd.scan.msk.f32 $0xffff, v25  }
0x352: {  	v9 =	vsub.f32 v9, v46;
	v50 =	vnsel vm15, $0x0, v26;
	vm15 =	vmmov vm7  }
0x353: {  	v63 =	vnsel vm13, $0x0, v32;
	vm13 =	vgt.s32 v27, $0xFFFFFFFF;
	v61 =	vperm.xlane v31, v39;
	v40, _, _ =	vpop (xrf2);
	(xrf2) =	vadd.scan.msk.f32 $0xffff, v60  }
0x354: {  	[tilespmem:v17+s13+$0x0] =	vst.idx.add.f32.msk vm2, v24;
	vm14 =	vmor vm6, vm0;
	v8 =	vsub.f32 v8, v63;
	v21 =	vsel vm1, $0xFFFFFFFF, v44;
	v48, _, _ =	vpop (xrf0)  }
0x355: {  	v38 =	vperm.xlane v62, v39;
	vm10 =	vgt.s32 v21, $0x0;
	v39 =	vnsel vm9, $0x0, v61;
	v45, _, _ =	vpop (xrf2);
	(xrf2) =	vadd.scan.msk.f32 $0xffff, v22  }
0x356: {  	[tilespmem:v15+s13+$0x0] =	vst.idx.add.f32.msk vm4, v18;
	v54 =	vnsel vm10, $0x0, v21;
	v41 =	vperm.xlane v40, v37;
	v22 =	vxor.u32 $0x80000000, v48  }
0x357: {  	v32 =	vnsel vm9, $0x0, v38;
	v42 =	vsub.f32 v31, v39;
	[tilespmem:v16+s13+$0x0] =	vst.idx.add.f32.msk vm12, v8;
	v8 =	vperm.xlane v22, v5  }
0x358: {  	[tilespmem:v11+s12+$0x0] =	vst.idx.add.f32.msk vm5, v19;
	vm9 =	vmor vm11, vm0;
	vm11 =	vgt.s32 v26, $0xFFFFFFFF;
	v27 =	vnsel vm13, $0x0, v41  }
0x359: {  	[tilespmem:v17+s12+$0x0] =	vst.idx.add.f32.msk vm2, v9;
	v43 =	vsub.f32 v62, v32;
	v27 =	vsub.f32 v40, v27;
	v47, _, _ =	vpop (xrf2);
	v8 =	vsel vm1, $0xFFFFFFFF, v8  }
0x35a: {  	[tilespmem:v12+s13+$0x0] =	vst.idx.add.f32.msk vm3, v42;
	vm1 =	vgt.s32 v21, $0xFFFFFFFF;
	v49, _, _ =	vpop (xrf2);
	v53 =	vperm.xlane v47, v50;
	vm2 =	vgt.s32 v8, $0x0  }
0x35b: {  	[tilespmem:v12+s12+$0x0] =	vst.idx.add.f32.msk vm3, v43;
	vm3 =	vgt.s32 v8, $0xFFFFFFFF;
	v51, _, _ =	vpop (xrf2);
	v56 =	vperm.xlane v49, v54;
	v59 =	vnsel vm2, $0x0, v8  }
0x35c: {  	[tilespmem:v15+s12+$0x0] =	vst.idx.add.f32.msk vm4, v30;
	vm2 =	vmor vm15, vm0;
	v52 =	vperm.xlane v51, v37;
	v19 =	vnsel vm11, $0x0, v53  }
0x35d: {  	[tilespmem:v16+s12+$0x0] =	vst.idx.add.f32.msk vm12, v23;
	v61 =	vperm.xlane v36, v59;
	v55, _, _ =	vpop (xrf2);
	v58 =	vnsel vm1, $0x0, v56;
	v19 =	vsub.f32 v47, v19  }
0x35e: {  	[tilespmem:v7+s13+$0x0] =	vst.idx.add.f32.msk vm9, v27;
	v11 =	vnsel vm13, $0x0, v52;
	v57 =	vperm.xlane v55, v50;
	v15 =	vsub.f32 v49, v58  }
0x35f: {  	s3 =	sadd.s32 $0x1, s3;
	v62 =	vperm.xlane v45, v54;
	v12 =	vnsel vm3, $0x0, v61;
	[tilespmem:v10+s13+$0x0] =	vst.idx.add.f32.msk vm8, v19;
	v11 =	vsub.f32 v51, v11;
	v60, _, _ =	vpop (xrf2)  }
0x360: {  	p1 =	sne.s32 s3, $0x5;
	v12 =	vsub.f32 v36, v12;
	v9 =	vnsel vm11, $0x0, v57;
	[tilespmem:v14+s13+$0x0] =	vst.idx.add.f32.msk vm14, v15;
	v17 =	vperm.xlane v60, v59  }
.Ltmp14:
0x361: {  	v8 =	vsub.f32 v55, v9;
	v9 =	vnsel vm1, $0x0, v62;
	[tilespmem:v7+s12+$0x0] =	vst.idx.add.f32.msk vm9, v11;
	(pc) =	sbr.rel @p1 .LBB2_9-.Ltmp14, $4  }
0x362: {  	[tilespmem:v13+s13+$0x0] =	vst.idx.add.f32.msk vm2, v12;
	v7 =	vsub.f32 v45, v9;
	v63 =	vnsel vm3, $0x0, v17  }
0x363: {  	[tilespmem:v10+s12+$0x0] =	vst.idx.add.f32.msk vm8, v8;
	v8 =	vsub.f32 v60, v63  }
0x364: {  	[tilespmem:v14+s12+$0x0] =	vst.idx.add.f32.msk vm14, v7  }
0x365: {  	[tilespmem:v13+s12+$0x0] =	vst.idx.add.f32.msk vm2, v8  }
0x366: {  	s3 =	simm.s32 $0xD720  }
0x367: {  	v6 =	vadd.s32 s7, v2;
	s6 =	sadd.s32 $0x10, s7;
	s17 =	sadd.s32 $0x20, s7;
	s19 =	sadd.s32 $0x30, s7  }
0x368: {  	s5 =	simm.s32 $0x0;
	[tilespmem:s3+$0xFFFFFFE0] =	vst v6;
	v7 =	vadd.s32 s6, v2;
	v6 =	vadd.s32 s17, v2;
	v8 =	vadd.s32 s19, v2;
	s6 =	simm.s32 $0xD720  }
.LBB2_21:
0x369: {  	s5 =	sadd.s32 $0x4, s5  }
0x36a: {  	[tilespmem:s3+$0x10] =	vst v8;
	s7 =	sadd.s32 $0x40, s7;
	s6 =	sadd.s32 $0x40, s6;
	p1 =	slt.u32 s5, $0x7C  }
.Ltmp15:
0x36b: {  	[tilespmem:s3+$0xFFFFFFF0] =	vst v7;
	(pc) =	sbr.rel @p1 .LBB2_21-.Ltmp15, $3  }
0x36c: {  	[tilespmem:s3+$0x0] =	vst v6;
	s3 =	smov.u32 s6;
	_ =	sdelay $0x1  }
0x36d: {  	s17 =	sadd.s32 $0x10, s7;
	s19 =	sadd.s32 $0x20, s7;
	s20 =	sadd.s32 $0x30, s7;
	v6 =	vadd.s32 s7, v2  }
0x36e: {  	v7 =	vadd.s32 s17, v2;
	v8 =	vadd.s32 s20, v2;
	[tilespmem:s6+$0xFFFFFFE0] =	vst v6;
	v6 =	vadd.s32 s19, v2  }
0x36f: {  	[tilespmem:s3+$0x10] =	vst v8  }
0x370: {  	[tilespmem:s3+$0xFFFFFFF0] =	vst v7  }
0x371: {  	[tilespmem:s3+$0x0] =	vst v6;
	s24 =	rddreg [dreg:$0x5];
	s5 =	simm.s32 $0xD700;
	s6 =	simm.s32 $0x800  }
0x372: {  	[spmem:s24] =	stream.indirect.scatter.add.f32 [tilespmem:s13], [sflag:$0x6], $0x1, s5, s6, $0xb8;
	[tilespmem:$0x12800] =	vst v63  }
0x373: {  	s20 =	rddreg [dreg:$0x6];
	s25 =	simm.s32 $0x6  }
0x374: {  	[spmem:s20] =	stream.indirect.scatter.add.f32 [tilespmem:s12], [sflag:$0x7], $0x1, s5, s6, $0xb8;
	[tilespmem:$0x12800] =	vst v63  }
0x375: {  	_ =	swait.ge [sflag:s25], $0x800  }
0x376: {  	[sflag:s25] =	ssyncset.done $0x0  }
0x377: {  	s28 =	simm.s32 $0x7;
	[sflag:s25] =	ssyncadd.s32 $0xFFFFF800  }
0x378: {  	_ =	swait.ge [sflag:s28], $0x800  }
0x379: {  	[sflag:s28] =	ssyncset.done $0x0  }
0x37a: {  	s25 =	smov.u32 s26;
	[sflag:s28] =	ssyncadd.s32 $0xFFFFF800  }
.LBB2_26:
0x37b: {  	[bflag:$0x0] =	sbarrier.arrive $0xFFFF  }
0x37c: {  	s6 =	simm.s32 $0xA000;
	s3 =	rddreg [dreg:$0xa]  }
0x37d: {  	[tilespmem:s6], [sflag:$0xC] =	stream.linear.gather [spmem:s3], $0xCC0, $0x38;
	[tilespmem:$0x12800] =	vst v63  }
0x37e: {  	_ =	swait.ge [sflag:s14], $0xCC0  }
0x37f: {  	[sflag:s14] =	ssyncset.done $0x0  }
0x380: {  	s5 =	rddreg [dreg:$0x11];
	[sflag:s14] =	ssyncadd.s32 $0xFFFFF340  }
0x381: {  	[hbm4b:s5+s8] =	stream.linear.scatter [tilespmem:s6], [sflag:$0x6], $0xCC0, $0x38;
	[tilespmem:$0x12800] =	vst v63  }
0x382: {  	s7 =	simm.s32 $0xAD00;
	s17 =	rddreg [dreg:$0xb]  }
0x383: {  	[tilespmem:s7], [sflag:$0xC] =	stream.linear.gather [spmem:s17], $0xCC0, $0x38;
	[tilespmem:$0x12800] =	vst v63  }
0x384: {  	_ =	swait.ge [sflag:s14], $0xCC0  }
0x385: {  	[sflag:s14] =	ssyncset.done $0x0  }
0x386: {  	s19 =	rddreg [dreg:$0x18];
	[sflag:s14] =	ssyncadd.s32 $0xFFFFF340  }
0x387: {  	[hbm4b:s19+s8] =	stream.linear.scatter [tilespmem:s7], [sflag:$0x7], $0xCC0, $0x38;
	[tilespmem:$0x12800] =	vst v63  }
0x388: {  	s20 =	simm.s32 $0xF400  }
0x389: {  	[tilespmem:s20], [sflag:$0xC] =	stream.linear.gather [spmem:s3], $0xCC0, $0x38;
	[tilespmem:$0x12800] =	vst v63  }
0x38a: {  	_ =	swait.ge [sflag:s14], $0xCC0  }
0x38b: {  	[sflag:s14] =	ssyncset.done $0x0  }
0x38c: {  	s7 =	simm.s32 $0xBA00;
	[sflag:s14] =	ssyncadd.s32 $0xFFFFF340  }
0x38d: {  	[tilespmem:s7], [sflag:$0xC] =	stream.linear.gather [spmem:s17], $0xCC0, $0x38;
	[tilespmem:$0x12800] =	vst v63  }
0x38e: {  	_ =	swait.ge [sflag:s14], $0xCC0  }
0x38f: {  	[sflag:s14] =	ssyncset.done $0x0  }
0x390: {  	s19 =	simm.s32 $0x10E00;
	s17 =	rddreg [dreg:$0x8];
	[sflag:s14] =	ssyncadd.s32 $0xFFFFF340  }
0x391: {  	[tilespmem:s19], [sflag:$0xC] =	stream.linear.gather [hbm4b:s17+s8], $0x80, $0x38;
	[tilespmem:$0x12800] =	vst v63  }
0x392: {  	_ =	swait.ge [sflag:s14], $0x80  }
0x393: {  	[sflag:s14] =	ssyncset.done $0x0  }
0x394: {  	s20 =	simm.s32 $0x6;
	[sflag:s14] =	ssyncadd.s32 $0xFFFFFF80  }
0x395: {  	_ =	swait.ge [sflag:s20], $0xCC0  }
0x396: {  	[sflag:s20] =	ssyncset.done $0x0  }
0x397: {  	s5 =	simm.s32 $0x7;
	[sflag:s20] =	ssyncadd.s32 $0xFFFFF340  }
0x398: {  	_ =	swait.ge [sflag:s5], $0xCC0  }
0x399: {  	[sflag:s5] =	ssyncset.done $0x0  }
0x39a: {  	s3 =	simm.s32 @!p0 $0x0;
	[sflag:s5] =	ssyncadd.s32 $0xFFFFF340;
	s5 =	rddreg [dreg:$0x9]  }
0x39b: {  	[tilespmem:s3], [sflag:$0x1] =	stream.linear.gather @!p0 [hbm4b:s5+s3], $0x7D0, $0x38;
	[tilespmem:$0x12800] =	vst v63  }
0x39c: {  	s6 =	rddreg [dreg:$0xd];
	s5 =	simm.s32 @!p0 $0x2800  }
0x39d: {  	[tilespmem:s5], [sflag:$0x1] =	stream.linear.gather @!p0 [hbm4b:s6+s3], $0x7D0, $0x38;
	[tilespmem:$0x12800] =	vst v63  }
0x39e: {  	s5 =	simm.s32 @!p0 $0x5000;
	s6 =	rddreg [dreg:$0xe]  }
0x39f: {  	[tilespmem:s5], [sflag:$0x1] =	stream.linear.gather @!p0 [hbm4b:s6+s3], $0x7D0, $0x38;
	[tilespmem:$0x12800] =	vst v63  }
0x3a0: {  	s5 =	simm.s32 @!p0 $0x800;
	s6 =	rddreg [dreg:$0x10]  }
0x3a1: {  	[tilespmem:s5], [sflag:$0x2] =	stream.linear.gather @!p0 [hbm4b:s6+s3], $0x7D0, $0x38;
	[tilespmem:$0x12800] =	vst v63  }
0x3a2: {  	s5 =	simm.s32 @!p0 $0x3000;
	s6 =	rddreg [dreg:$0x13]  }
0x3a3: {  	[tilespmem:s5], [sflag:$0x2] =	stream.linear.gather @!p0 [hbm4b:s6+s3], $0x7D0, $0x38;
	[tilespmem:$0x12800] =	vst v63  }
0x3a4: {  	s5 =	simm.s32 @!p0 $0x5800;
	s6 =	rddreg [dreg:$0x14]  }
0x3a5: {  	[tilespmem:s5], [sflag:$0x2] =	stream.linear.gather @!p0 [hbm4b:s6+s3], $0x7D0, $0x38;
	[tilespmem:$0x12800] =	vst v63  }
0x3a6: {  	s6 =	simm.s32 $0x100000;
	[bflag:$0x0] =	sbarrier.arrive $0xFFFF  }
0x3a7: {  	[smem:s6], [sflag:$0x0] =	smem.add.s32 $0x0  }
0x3a8: {  	_ =	swait.done [sflag:s8]  }
0x3a9: {  	s7 =	ssyncread [sflag:$0x0];
	_ =	sdelay $0x1  }
0x3aa: {  	s17 =	rddreg [dreg:$0x15]  }
0x3ab: {  	s19 =	sshll.u32 s22, $0x6;
	s20 =	rddreg [dreg:$0x17];
	s3 =	sadd.s32 s17, s7  }
0x3ac: {  	s5 =	sor.u32 s20, s19;
	s3 =	sshll.u32 s3, $0x11  }
0x3ad: {  	[sflag:s8] =	ssyncset.s32 $0x0;
	s3 =	sor.u32 s3, s5  }
0x3ae: {  	[sflag:s8] =	ssyncset.done $0x0;
	s3 =	sor.u32 $0x1C0B, s3  }
0x3af: {  	s6 =	simm.s32 $0xB;
	[sflag:s3] =	ssyncadd.remote.s32 $0x1  }
0x3b0: {  	_ =	swait.ge [sflag:s6], $0x1  }
0x3b1: {  	[sflag:s6] =	ssyncset.done $0x0  }
0x3b2: {  	s17 =	simm.s32 $0x10100;
	s7 =	rddreg [dreg:$0x12];
	[sflag:s6] =	ssyncadd.s32 $0xFFFFFFFF  }
0x3b3: {  	[tilespmem:s17], [sflag:$0xC] =	stream.linear.gather [hbm4b:s7+s8], $0xCC0, $0x38;
	[tilespmem:$0x12800] =	vst v63  }
0x3b4: {  	_ =	swait.ge [sflag:s14], $0xCC0  }
0x3b5: {  	[sflag:s14] =	ssyncset.done $0x0  }
0x3b6: {  	s20 =	simm.s32 $0xDF00;
	s19 =	rddreg [dreg:$0x19];
	[sflag:s14] =	ssyncadd.s32 $0xFFFFF340  }
0x3b7: {  	[tilespmem:s20], [sflag:$0xC] =	stream.linear.gather [hbm4b:s19+s8], $0xCC0, $0x38;
	[tilespmem:$0x12800] =	vst v63  }
0x3b8: {  	_ =	swait.ge [sflag:s14], $0xCC0  }
0x3b9: {  	[sflag:s14] =	ssyncset.done $0x0  }
0x3ba: {  	[sflag:s14] =	ssyncadd.s32 $0xFFFFF340  }
0x3bb: {  	s3 =	simm.s32 $0xF420;
	v6 =	vld [tilespmem:$0x10E00]  }
0x3bc: {  	s5 =	simm.s32 $0x10120;
	v7 =	vld [tilespmem:s3+$0x10]  }
0x3bd: {  	v8 =	vld [tilespmem:s5+$0x10]  }
0x3be: {  	v11 =	vld [tilespmem:s5+$0xFFFFFFE0]  }
0x3bf: {  	v9 =	vld [tilespmem:s3+$0xFFFFFFF0]  }
0x3c0: {  	v10 =	vld [tilespmem:s5+$0xFFFFFFF0]  }
0x3c1: {  	v12 =	vld [tilespmem:s3+$0x0]  }
0x3c2: {  	v13 =	vld [tilespmem:s5+$0x0];
	v8 =	vadd.f32 v8, v7  }
0x3c3: {  	s6 =	simm.s32 $0xBA20;
	v14 =	vld [tilespmem:s3+$0xFFFFFFE0]  }
0x3c4: {  	s7 =	simm.s32 $0xDF20;
	v15 =	vld [tilespmem:s6+$0x10];
	(erf) = vrcp.f32 v8  }
0x3c5: {  	v16 =	vld [tilespmem:s7+$0x10];
	v17 =	vadd.f32 v10, v9  }
0x3c6: {  	v7 =	vld [tilespmem:s6+$0xFFFFFFE0]  }
0x3c7: {  	v9 =	vld [tilespmem:s7+$0xFFFFFFE0];
	v8 =	vadd.f32 v13, v12;
	(erf) = vrcp.f32 v17  }
0x3c8: {  	v10 =	vld [tilespmem:s6+$0xFFFFFFF0];
	v12 =	vadd.f32 v11, v14  }
0x3c9: {  	v11 =	vld [tilespmem:s7+$0xFFFFFFF0];
	(erf) = vrcp.f32 v8  }
0x3ca: {  	s26 =	simm.s32 $0xA000;
	v13 =	vadd.f32 v16, v15;
	v8 =	vld [tilespmem:s6+$0x0];
	(erf) = vrcp.f32 v12  }
0x3cb: {  	s28 =	simm.s32 $0xAD00;
	s17 =	simm.s32 $0x0;
	s19 =	simm.s32 $0xF460;
	v12 =	vld [tilespmem:s7+$0x0]  }
.LBB2_27:
0x3cc: {  	v14 =	vld [tilespmem:s19+$0x10];
	v7 =	vadd.f32 v9, v7;
	v9 =	vadd.f32 v13, v6;
	s5 =	sadd.s32 $0x40, s5  }
0x3cd: {  	s17 =	sadd.s32 $0x4, s17;
	v13 =	vld [tilespmem:s5+$0x10];
	v15 =	vpop (erf)  }
0x3ce: {  	p1 =	slt.u32 s17, $0xC8;
	v16 =	vld [tilespmem:s5+$0xFFFFFFE0];
	v7 =	vadd.f32 v7, v6;
	v10 =	vadd.f32 v11, v10;
	v17 =	vmul.f32 v9, v15  }
0x3cf: {  	v11 =	vld [tilespmem:s19+$0xFFFFFFF0]  }
0x3d0: {  	v15 =	vld [tilespmem:s5+$0xFFFFFFF0];
	v19 =	vadd.f32 v10, v6;
	v8 =	vadd.f32 v12, v8;
	[tilespmem:s3+$0x10] =	vst v17;
	v9 =	vpop (erf)  }
0x3d1: {  	v12 =	vld [tilespmem:s19+$0x0]  }
0x3d2: {  	v17 =	vld [tilespmem:s5+$0x0];
	v13 =	vadd.f32 v13, v14;
	v9 =	vmul.f32 v19, v9;
	v8 =	vadd.f32 v8, v6;
	v10 =	vpop (erf)  }
0x3d3: {  	s6 =	sadd.s32 $0x40, s6;
	v14 =	vld [tilespmem:s19+$0xFFFFFFE0];
	v18 =	vpop (erf)  }
0x3d4: {  	s7 =	sadd.s32 $0x40, s7;
	v19 =	vld [tilespmem:s6+$0x10];
	(erf) = vrcp.f32 v13;
	v13 =	vmul.f32 v7, v18;
	[tilespmem:s3+$0xFFFFFFF0] =	vst v9  }
0x3d5: {  	v8 =	vmul.f32 v8, v10;
	v11 =	vadd.f32 v15, v11;
	v15 =	vld [tilespmem:s7+$0x10]  }
0x3d6: {  	v7 =	vld [tilespmem:s6+$0xFFFFFFE0];
	[tilespmem:s3+$0xFFFFFFE0] =	vst v13  }
.Ltmp16:
0x3d7: {  	v9 =	vld [tilespmem:s7+$0xFFFFFFE0];
	v12 =	vadd.f32 v17, v12;
	(erf) = vrcp.f32 v11;
	[tilespmem:s3+$0x0] =	vst v8;
	s3 =	smov.u32 s19;
	(pc) =	sbr.rel @p1 .LBB2_27-.Ltmp16, $4  }
0x3d8: {  	v14 =	vadd.f32 v16, v14;
	v10 =	vld [tilespmem:s6+$0xFFFFFFF0]  }
0x3d9: {  	v11 =	vld [tilespmem:s7+$0xFFFFFFF0];
	(erf) = vrcp.f32 v12  }
0x3da: {  	v8 =	vld [tilespmem:s6+$0x0];
	v13 =	vadd.f32 v15, v19;
	(erf) = vrcp.f32 v14  }
0x3db: {  	s19 =	sadd.s32 $0x40, s19;
	v12 =	vld [tilespmem:s7+$0x0]  }
0x3dc: {  	_ =	sdelay $0x2  }
0x3dd: {  	v10 =	vadd.f32 v11, v10  }
0x3de: {  	v7 =	vadd.f32 v9, v7;
	v59 =	vadd.f32 v13, v6;
	v60 =	vpop (erf)  }
0x3df: {  	v10 =	vadd.f32 v10, v6;
	v8 =	vadd.f32 v12, v8;
	v61 =	vpop (erf)  }
0x3e0: {  	v7 =	vadd.f32 v7, v6;
	v9 =	vmul.f32 v59, v60;
	v62 =	vpop (erf)  }
0x3e1: {  	v10 =	vmul.f32 v10, v61;
	v6 =	vadd.f32 v8, v6;
	v63 =	vpop (erf)  }
0x3e2: {  	[tilespmem:s3+$0x10] =	vst v9;
	v7 =	vmul.f32 v7, v63  }
0x3e3: {  	[tilespmem:s3+$0xFFFFFFF0] =	vst v10;
	v6 =	vmul.f32 v6, v62  }
0x3e4: {  	[tilespmem:s3+$0xFFFFFFE0] =	vst v7  }
0x3e5: {  	[tilespmem:s3+$0x0] =	vst v6  }
0x3e6: {  	s5 =	simm.s32 $0xF400;
	s3 =	rddreg [dreg:$0xa]  }
0x3e7: {  	[spmem:s3] =	stream.linear.scatter [tilespmem:s5], [sflag:$0xC], $0xCC0, $0x38;
	[tilespmem:$0x12800] =	vst v63  }
.Ltmp17:
0x3e8: {  	_ =	swait.ge [sflag:s14], $0xCC0;
	(pc) =	sbr.rel @!p0 .LBB2_29-.Ltmp17, $4  }
0x3e9: {  	[sflag:s14] =	ssyncset.done $0x0  }
0x3ea: {  	[sflag:s14] =	ssyncadd.s32 $0xFFFFF340  }
0x3eb: {  	[bflag:$0x0] =	sbarrier.arrive $0xFFFF  }
0x3ec: {  	s3 =	simm.s32 $0x0  }
.LBB2_42:
0x3ed: {  	s5 =	smul.u32 $0x7D0, s3;
	_ =	sdelay $0x1  }
0x3ee: {  	s5 =	sadd.s32 s9, s5  }
0x3ef: {  	s6 =	sshrl.u32 s5, $0x3  }
0x3f0: {  	s5 =	sadd.s32 s2, s6  }
0x3f1: {  	[tilespmem:s8], [sflag:$0xC] =	stream.linear.gather [hbm4b:s5+s8], $0x7D0, $0x38;
	[tilespmem:$0x12800] =	vst v63  }
0x3f2: {  	_ =	swait.ge [sflag:s14], $0x7D0  }
0x3f3: {  	[sflag:s14] =	ssyncset.done $0x0  }
0x3f4: {  	s7 =	simm.s32 $0x2800;
	s19 =	sadd.s32 s0, s6;
	[sflag:s14] =	ssyncadd.s32 $0xFFFFF830  }
0x3f5: {  	[tilespmem:s7], [sflag:$0xC] =	stream.linear.gather [hbm4b:s19+s8], $0x7D0, $0x38;
	[tilespmem:$0x12800] =	vst v63  }
0x3f6: {  	_ =	swait.ge [sflag:s14], $0x7D0  }
0x3f7: {  	[sflag:s14] =	ssyncset.done $0x0  }
0x3f8: {  	s25 =	simm.s32 $0x5000;
	s20 =	sadd.s32 s1, s6;
	[sflag:s14] =	ssyncadd.s32 $0xFFFFF830  }
0x3f9: {  	[tilespmem:s25], [sflag:$0xC] =	stream.linear.gather [hbm4b:s20+s8], $0x7D0, $0x38;
	[tilespmem:$0x12800] =	vst v63  }
0x3fa: {  	_ =	swait.ge [sflag:s14], $0x7D0  }
0x3fb: {  	[sflag:s14] =	ssyncset.done $0x0  }
0x3fc: {  	s17 =	simm.s32 $0xDF00;
	[sflag:s14] =	ssyncadd.s32 $0xFFFFF830  }
0x3fd: {  	[tilespmem:s17], [sflag:$0xC] =	stream.indirect.gather [spmem:s24], $0x1, s8, s10, $0xb8;
	[tilespmem:$0x12800] =	vst v63  }
0x3fe: {  	_ =	swait.ge [sflag:s14], $0x7D0  }
0x3ff: {  	[sflag:s14] =	ssyncset.done $0x0  }
0x400: {  	s19 =	simm.s32 $0x5020;
	[sflag:s14] =	ssyncadd.s32 $0xFFFFF830  }
0x401: {  	v6 =	vld [tilespmem:s19+$0x20]  }
0x402: {  	v7 =	vld [tilespmem:s19+$0xFFFFFFE0]  }
0x403: {  	v8 =	vld [tilespmem:s19+$0xFFFFFFF0]  }
0x404: {  	v9 =	vld [tilespmem:s19+$0x0]  }
0x405: {  	s20 =	simm.s32 $0xDF20;
	v10 =	vld [tilespmem:s19+$0x10]  }
0x406: {  	s25 =	simm.s32 $0x2820;
	v11 =	vld [tilespmem:s20+$0x20]  }
0x407: {  	v12 =	vld [tilespmem:s25+$0x20]  }
0x408: {  	v13 =	vld [tilespmem:s25+$0xFFFFFFE0]  }
0x409: {  	v14 =	vld [tilespmem:s20+$0xFFFFFFF0];
	(erf) = vrcp.f32 v6  }
0x40a: {  	v15 =	vld [tilespmem:s25+$0xFFFFFFF0];
	(erf) = vrcp.f32 v7  }
0x40b: {  	s17 =	simm.s32 $0x5070;
	v16 =	vld [tilespmem:s20+$0x0];
	(erf) = vrcp.f32 v8  }
0x40c: {  	v17 =	vld [tilespmem:s17+$0xFFFFFFF0]  }
0x40d: {  	v18 =	vld [tilespmem:s17+$0x0];
	(erf) = vrcp.f32 v9  }
0x40e: {  	v8 =	vld [tilespmem:s17+$0x20]  }
0x40f: {  	v9 =	vld [tilespmem:s17+$0xFFFFFFE0]  }
0x410: {  	v19 =	vld [tilespmem:s17+$0x10];
	v11 =	vsub.f32 v11, v12;
	(erf) = vrcp.f32 v10  }
0x411: {  	v6 =	vld [tilespmem:s25+$0x0]  }
0x412: {  	v14 =	vsub.f32 v14, v15;
	v7 =	vld [tilespmem:s20+$0x10];
	v10 =	vpop (erf)  }
0x413: {  	(erf) = vrcp.f32 v8;
	v8 =	vld [tilespmem:s25+$0x10];
	v21 =	vpop (erf)  }
0x414: {  	s7 =	simm.s32 $0xDF70;
	v20 =	vld [tilespmem:s20+$0xFFFFFFE0];
	v10 =	vmul.f32 v10, v11;
	v11 =	vpop (erf);
	(erf) = vrcp.f32 v9  }
0x415: {  	v12 =	vld [tilespmem:s7+$0x20];
	s17 =	simm.s32 $0x2870;
	(erf) = vrcp.f32 v17  }
0x416: {  	v15 =	vld [tilespmem:s17+$0x20];
	v16 =	vsub.f32 v16, v6;
	v11 =	vmul.f32 v11, v14;
	v14 =	vpop (erf);
	(erf) = vrcp.f32 v18  }
0x417: {  	v6 =	vld [tilespmem:s17+$0xFFFFFFE0];
	(erf) = vrcp.f32 v19  }
0x418: {  	s5 =	simm.s32 $0x7820;
	v7 =	vsub.f32 v7, v8;
	v8 =	vld [tilespmem:s7+$0xFFFFFFF0];
	v14 =	vmul.f32 v14, v16  }
0x419: {  	v63 =	vsub.f32 v20, v13;
	[tilespmem:s5+$0x20] =	vst v10;
	v10 =	vld [tilespmem:s17+$0xFFFFFFF0];
	v62 =	vpop (erf)  }
0x41a: {  	v9 =	vld [tilespmem:s7+$0x0];
	[tilespmem:s5+$0xFFFFFFF0] =	vst v11;
	v16 =	vmul.f32 v62, v7  }
0x41b: {  	v13 =	vsub.f32 v12, v15;
	v12 =	vmul.f32 v21, v63;
	v11 =	vld [tilespmem:s17+$0x0];
	[tilespmem:s5+$0x0] =	vst v14  }
0x41c: {  	s19 =	simm.s32 $0x5;
	s20 =	simm.s32 $0x50C0;
	v7 =	vld [tilespmem:s7+$0x10];
	[tilespmem:s5+$0x10] =	vst v16;
	v14 =	vpop (erf)  }
.LBB2_43:
0x41d: {  	v15 =	vld [tilespmem:s20+$0x20];
	s19 =	sadd.s32 $0x5, s19;
	v17 =	vmul.f32 v14, v13;
	v14 =	vpop (erf);
	[tilespmem:s5+$0xFFFFFFE0] =	vst v12  }
0x41e: {  	s5 =	sadd.s32 $0x50, s5;
	v12 =	vld [tilespmem:s20+$0xFFFFFFE0];
	p0 =	slt.u32 s19, $0x78;
	v8 =	vsub.f32 v8, v10;
	v10 =	vpop (erf)  }
0x41f: {  	v16 =	vld [tilespmem:s20+$0xFFFFFFF0];
	[tilespmem:s5+$0x20] =	vst v17;
	v13 =	vpop (erf)  }
0x420: {  	v17 =	vld [tilespmem:s20+$0x0];
	v8 =	vmul.f32 v10, v8;
	v9 =	vsub.f32 v9, v11;
	v11 =	vpop (erf)  }
0x421: {  	v10 =	vld [tilespmem:s20+$0x10]  }
0x422: {  	(erf) = vrcp.f32 v15;
	[tilespmem:s5+$0xFFFFFFF0] =	vst v8;
	v8 =	vmul.f32 v13, v9;
	v9 =	vld [tilespmem:s17+$0x10]  }
0x423: {  	(erf) = vrcp.f32 v12;
	v12 =	vld [tilespmem:s7+$0xFFFFFFE0];
	s7 =	sadd.s32 $0x50, s7  }
0x424: {  	s17 =	sadd.s32 $0x50, s17;
	v13 =	vld [tilespmem:s7+$0x20];
	(erf) = vrcp.f32 v16;
	[tilespmem:s5+$0x0] =	vst v8  }
0x425: {  	v15 =	vld [tilespmem:s17+$0x20];
	(erf) = vrcp.f32 v17  }
0x426: {  	v16 =	vld [tilespmem:s17+$0xFFFFFFE0];
	(erf) = vrcp.f32 v10  }
.Ltmp18:
0x427: {  	v8 =	vld [tilespmem:s7+$0xFFFFFFF0];
	v7 =	vsub.f32 v7, v9;
	(pc) =	sbr.rel @p0 .LBB2_43-.Ltmp18, $4  }
0x428: {  	v10 =	vld [tilespmem:s17+$0xFFFFFFF0];
	v18 =	vsub.f32 v12, v6  }
0x429: {  	v9 =	vld [tilespmem:s7+$0x0];
	v17 =	vmul.f32 v11, v7  }
0x42a: {  	v11 =	vld [tilespmem:s17+$0x0];
	v13 =	vsub.f32 v13, v15;
	v12 =	vmul.f32 v14, v18  }
0x42b: {  	s20 =	sadd.s32 $0x50, s20;
	v7 =	vld [tilespmem:s7+$0x10];
	v14 =	vpop (erf);
	[tilespmem:s5+$0x10] =	vst v17;
	v6 =	vmov v16  }
0x42c: {  	v15 =	vld [tilespmem:s17+$0x10]  }
0x42d: {  	v16 =	vld [tilespmem:s7+$0xFFFFFFE0];
	_ =	sdelay $0x1  }
0x42e: {  	v60 =	vpop (erf);
	v8 =	vsub.f32 v8, v10  }
0x42f: {  	v13 =	vmul.f32 v14, v13;
	v61 =	vpop (erf);
	v9 =	vsub.f32 v9, v11  }
0x430: {  	[tilespmem:s5+$0xFFFFFFE0] =	vst v12;
	s19 =	sadd.s32 $0x50, s5;
	v62 =	vpop (erf);
	v8 =	vmul.f32 v61, v8;
	v7 =	vsub.f32 v7, v15  }
0x431: {  	[tilespmem:s19+$0x20] =	vst v13;
	v63 =	vpop (erf);
	v9 =	vmul.f32 v62, v9;
	v6 =	vsub.f32 v16, v6  }
0x432: {  	[tilespmem:s19+$0xFFFFFFF0] =	vst v8;
	v7 =	vmul.f32 v63, v7  }
0x433: {  	[tilespmem:s19+$0x0] =	vst v9;
	v6 =	vmul.f32 v60, v6  }
0x434: {  	s3 =	sadd.s32 $0x1, s3;
	[tilespmem:s19+$0x10] =	vst v7  }
0x435: {  	s20 =	sadd.s32 s4, s6;
	s25 =	simm.s32 $0x7800;
	p0 =	sne.s32 s3, $0x19;
	[tilespmem:s19+$0xFFFFFFE0] =	vst v6  }
0x436: {  	[hbm4b:s20+s8] =	stream.linear.scatter [tilespmem:s25], [sflag:$0xC], $0x7D0, $0x38;
	[tilespmem:$0x12800] =	vst v63  }
.Ltmp19:
0x437: {  	_ = 	snop;
	(pc) =	sbr.rel @p0 .LBB2_42-.Ltmp19, $4  }
.Ltmp20:
0x438: {  	_ = 	snop;
	(pc) =	sbr.rel @!p0 .LBB2_45-.Ltmp20, $4  }
0x439: {  	_ =	swait.ge [sflag:s14], $0x7D0  }
0x43a: {  	[sflag:s14] =	ssyncset.done $0x0  }
0x43b: {  	[sflag:s14] =	ssyncadd.s32 $0xFFFFF830  }
0x43c: {  	_ = 	snop  }
.LBB2_29:
0x43d: {  	s3 =	sadd.s32 s25, s24  }
0x43e: {  	[tilespmem:s18], [sflag:$0xC] =	stream.linear.gather [spmem:s3], $0x800, $0x38;
	[tilespmem:$0x12800] =	vst v63  }
0x43f: {  	_ =	swait.ge [sflag:s14], $0x800  }
0x440: {  	[sflag:s14] =	ssyncset.done $0x0  }
0x441: {  	v6 =	vmov s25;
	s3 =	simm.s32 $0x0;
	[sflag:s14] =	ssyncadd.s32 $0xFFFFF800  }
.LBB2_30:
0x442: {  	p0 =	seq.s32 s3, $0x0  }
0x443: {  	s5 =	simm.s32 @!p0 $0x9  }
0x444: {  	s7 =	smul.u32 $0x2710, s3;
	_ =	swait.ge @!p0 [sflag:s5], $0x7D0  }
0x445: {  	s6 =	rddreg [dreg:$0x1a]  }
0x446: {  	s6 =	sadd.s32 s7, s6  }
0x447: {  	[sflag:s5] =	ssyncset.done @!p0 $0x0;
	s24 =	sshrl.u32 s6, $0x3  }
0x448: {  	s25 =	simm.s32 $0x1000;
	[sflag:s5] =	ssyncadd.s32 @!p0 $0xFFFFF830;
	s22 =	sadd.s32 s2, s24  }
0x449: {  	[tilespmem:s25], [sflag:$0x3] =	stream.linear.gather [hbm4b:s22+s8], $0x7D0, $0x38;
	[tilespmem:$0x12800] =	vst v63  }
0x44a: {  	s19 =	simm.s32 $0x3800;
	s17 =	sadd.s32 s0, s24  }
0x44b: {  	[tilespmem:s19], [sflag:$0x3] =	stream.linear.gather [hbm4b:s17+s8], $0x7D0, $0x38;
	[tilespmem:$0x12800] =	vst v63  }
0x44c: {  	s20 =	sadd.s32 s1, s24;
	s22 =	simm.s32 $0x6000  }
0x44d: {  	[tilespmem:s22], [sflag:$0x3] =	stream.linear.gather [hbm4b:s20+s8], $0x7D0, $0x38;
	[tilespmem:$0x12800] =	vst v63  }
0x44e: {  	_ =	swait.ge [sflag:s23], $0x7D0  }
0x44f: {  	[sflag:s23] =	ssyncset.done $0x0  }
0x450: {  	[sflag:s23] =	ssyncadd.s32 $0xFFFFF830  }
0x451: {  	_ =	swait.ge [sflag:s23], $0x7D0  }
0x452: {  	[sflag:s23] =	ssyncset.done $0x0  }
0x453: {  	[sflag:s23] =	ssyncadd.s32 $0xFFFFF830  }
0x454: {  	_ =	swait.ge [sflag:s23], $0x7D0  }
0x455: {  	[sflag:s23] =	ssyncset.done $0x0  }
0x456: {  	s6 =	simm.s32 $0x5020;
	[sflag:s23] =	ssyncadd.s32 $0xFFFFF830  }
0x457: {  	v10 =	vld [tilespmem:s6+$0x20]  }
0x458: {  	s25 =	simm.s32 $0x20  }
0x459: {  	v7 =	vld [tilespmem:s25+$0x20]  }
0x45a: {  	v8 =	vld [tilespmem:s25+$0xFFFFFFF0]  }
0x45b: {  	v9 =	vld [tilespmem:s25+$0x0]  }
0x45c: {  	v11 =	vld [tilespmem:s6+$0xFFFFFFE0];
	(erf) = vrcp.f32 v10  }
0x45d: {  	v12 =	vld [tilespmem:s6+$0xFFFFFFF0]  }
0x45e: {  	v13 =	vld [tilespmem:s6+$0x0]  }
0x45f: {  	v16 =	vld [tilespmem:s6+$0x10];
	v7 =	vsub.s32 v7, v6  }
0x460: {  	v15 =	vld [tilespmem:s25+$0xFFFFFFE0]  }
0x461: {  	v14 =	vld [tilespmem:s25+$0x10];
	v8 =	vsub.s32 v8, v6  }
0x462: {  	s17 =	simm.s32 $0x2820;
	v9 =	vsub.s32 v9, v6;
	(erf) = vrcp.f32 v11  }
0x463: {  	(erf) = vrcp.f32 v12;
	v12 =	vld [tilespmem:s17+$0x20]  }
0x464: {  	(erf) = vrcp.f32 v13;
	v11 =	vld.idx.msk [tilespmem:v7+s18+$0x0], $0xffff  }
0x465: {  	v17 =	vsub.s32 v15, v6;
	v15 =	vld [tilespmem:s17+$0xFFFFFFF0];
	v19 =	vpop (erf);
	(erf) = vrcp.f32 v16  }
0x466: {  	v10 =	vld.idx.msk [tilespmem:v8+s18+$0x0], $0xffff;
	v8 =	vsub.s32 v14, v6  }
0x467: {  	v9 =	vld.idx.msk [tilespmem:v9+s18+$0x0], $0xffff  }
0x468: {  	v7 =	vld [tilespmem:s17+$0xFFFFFFE0]  }
0x469: {  	v14 =	vld [tilespmem:s17+$0x0];
	v18 =	vsub.f32 v11, v12  }
0x46a: {  	v13 =	vld.idx.msk [tilespmem:v17+s18+$0x0], $0xffff  }
0x46b: {  	v12 =	vld.idx.msk [tilespmem:v8+s18+$0x0], $0xffff;
	v8 =	vpop (erf);
	v16 =	vmul.f32 v19, v18  }
0x46c: {  	s5 =	simm.s32 $0x0;
	s19 =	simm.s32 $0x7820;
	s22 =	simm.s32 $0x70;
	v11 =	vld [tilespmem:s17+$0x10];
	v17 =	vpop (erf)  }
.LBB2_31:
0x46d: {  	v18 =	vld [tilespmem:s22+$0x20];
	s5 =	sadd.s32 $0x5, s5;
	v10 =	vsub.f32 v10, v15;
	[tilespmem:s19+$0x20] =	vst v16;
	v15 =	vpop (erf)  }
0x46e: {  	v16 =	vld [tilespmem:s22+$0xFFFFFFF0];
	p1 =	slt.u32 s5, $0x78;
	v9 =	vsub.f32 v9, v14;
	v14 =	vpop (erf)  }
0x46f: {  	s6 =	sadd.s32 $0x50, s6;
	v19 =	vld [tilespmem:s22+$0x0];
	v10 =	vmul.f32 v17, v10  }
0x470: {  	v17 =	vld [tilespmem:s6+$0x20];
	v9 =	vmul.f32 v15, v9  }
0x471: {  	v15 =	vld [tilespmem:s6+$0xFFFFFFE0];
	[tilespmem:s19+$0xFFFFFFF0] =	vst v10;
	v10 =	vsub.f32 v12, v11  }
0x472: {  	v7 =	vsub.f32 v13, v7;
	v11 =	vld [tilespmem:s6+$0xFFFFFFF0];
	v12 =	vsub.s32 v18, v6;
	[tilespmem:s19+$0x0] =	vst v9  }
0x473: {  	v9 =	vsub.s32 v16, v6;
	v13 =	vld [tilespmem:s6+$0x0];
	v10 =	vmul.f32 v14, v10  }
0x474: {  	v7 =	vmul.f32 v8, v7;
	v14 =	vsub.s32 v19, v6;
	v16 =	vld [tilespmem:s6+$0x10]  }
0x475: {  	v8 =	vld [tilespmem:s22+$0x10];
	(erf) = vrcp.f32 v17;
	[tilespmem:s19+$0x10] =	vst v10  }
0x476: {  	v17 =	vld [tilespmem:s22+$0xFFFFFFE0];
	(erf) = vrcp.f32 v15;
	[tilespmem:s19+$0xFFFFFFE0] =	vst v7  }
0x477: {  	s17 =	sadd.s32 $0x50, s17;
	v12 =	vld.idx.msk [tilespmem:v12+s18+$0x0], $0xffff;
	(erf) = vrcp.f32 v11  }
0x478: {  	v11 =	vld [tilespmem:s17+$0x20];
	(erf) = vrcp.f32 v13  }
0x479: {  	v10 =	vld.idx.msk [tilespmem:v9+s18+$0x0], $0xffff;
	(erf) = vrcp.f32 v16  }
0x47a: {  	v9 =	vld.idx.msk [tilespmem:v14+s18+$0x0], $0xffff;
	v8 =	vsub.s32 v8, v6  }
0x47b: {  	v13 =	vsub.s32 v17, v6;
	v7 =	vld [tilespmem:s17+$0xFFFFFFE0]  }
.Ltmp21:
0x47c: {  	v15 =	vld [tilespmem:s17+$0xFFFFFFF0];
	(pc) =	sbr.rel @p1 .LBB2_31-.Ltmp21, $4  }
0x47d: {  	v14 =	vld [tilespmem:s17+$0x0];
	v16 =	vsub.f32 v12, v11  }
0x47e: {  	v11 =	vld [tilespmem:s17+$0x10];
	v17 =	vpop (erf)  }
0x47f: {  	v12 =	vld.idx.msk [tilespmem:v8+s18+$0x0], $0xffff;
	v16 =	vmul.f32 v17, v16;
	v8 =	vpop (erf)  }
0x480: {  	s22 =	sadd.s32 $0x50, s22;
	s19 =	sadd.s32 $0x50, s19;
	v13 =	vld.idx.msk [tilespmem:v13+s18+$0x0], $0xffff;
	v17 =	vpop (erf)  }
0x481: {  	_ = 	snop  }
0x482: {  	v10 =	vsub.f32 v10, v15  }
0x483: {  	v9 =	vsub.f32 v9, v14  }
0x484: {  	v14 =	vpop (erf);
	v10 =	vmul.f32 v17, v10;
	v11 =	vsub.f32 v12, v11  }
0x485: {  	[tilespmem:s19+$0x20] =	vst v16;
	v12 =	vpop (erf);
	v9 =	vmul.f32 v14, v9;
	v7 =	vsub.f32 v13, v7  }
0x486: {  	[tilespmem:s19+$0xFFFFFFF0] =	vst v10;
	v10 =	vmul.f32 v12, v11  }
0x487: {  	s5 =	sadd.s32 s9, s7;
	[tilespmem:s19+$0x0] =	vst v9;
	v7 =	vmul.f32 v8, v7  }
0x488: {  	s5 =	sshrl.u32 s5, $0x3;
	[tilespmem:s19+$0x10] =	vst v10  }
0x489: {  	s6 =	simm.s32 $0x7800;
	s5 =	sadd.s32 s4, s5;
	[tilespmem:s19+$0xFFFFFFE0] =	vst v7  }
0x48a: {  	[hbm4b:s5+s8] =	stream.linear.scatter [tilespmem:s6], [sflag:$0x6], $0x7D0, $0x38;
	[tilespmem:$0x12800] =	vst v63  }
0x48b: {  	s5 =	simm.s32 @!p0 $0xA  }
0x48c: {  	_ =	swait.ge @!p0 [sflag:s5], $0x7D0  }
0x48d: {  	s20 =	rddreg [dreg:$0x1b]  }
0x48e: {  	s6 =	sadd.s32 s7, s20  }
0x48f: {  	[sflag:s5] =	ssyncset.done @!p0 $0x0;
	s17 =	sshrl.u32 s6, $0x3  }
0x490: {  	s25 =	simm.s32 $0x1800;
	[sflag:s5] =	ssyncadd.s32 @!p0 $0xFFFFF830;
	s22 =	sadd.s32 s2, s17  }
0x491: {  	[tilespmem:s25], [sflag:$0x4] =	stream.linear.gather [hbm4b:s22+s8], $0x7D0, $0x38;
	[tilespmem:$0x12800] =	vst v63  }
0x492: {  	s19 =	simm.s32 $0x4000;
	s6 =	sadd.s32 s0, s17  }
0x493: {  	[tilespmem:s19], [sflag:$0x4] =	stream.linear.gather [hbm4b:s6+s8], $0x7D0, $0x38;
	[tilespmem:$0x12800] =	vst v63  }
0x494: {  	s20 =	sadd.s32 s1, s17;
	s22 =	simm.s32 $0x6800  }
0x495: {  	[tilespmem:s22], [sflag:$0x4] =	stream.linear.gather [hbm4b:s20+s8], $0x7D0, $0x38;
	[tilespmem:$0x12800] =	vst v63  }
0x496: {  	_ =	swait.ge [sflag:s15], $0x7D0  }
0x497: {  	[sflag:s15] =	ssyncset.done $0x0  }
0x498: {  	[sflag:s15] =	ssyncadd.s32 $0xFFFFF830  }
0x499: {  	_ =	swait.ge [sflag:s15], $0x7D0  }
0x49a: {  	[sflag:s15] =	ssyncset.done $0x0  }
0x49b: {  	[sflag:s15] =	ssyncadd.s32 $0xFFFFF830  }
0x49c: {  	_ =	swait.ge [sflag:s15], $0x7D0  }
0x49d: {  	[sflag:s15] =	ssyncset.done $0x0  }
0x49e: {  	s6 =	simm.s32 $0x5820;
	[sflag:s15] =	ssyncadd.s32 $0xFFFFF830  }
0x49f: {  	v10 =	vld [tilespmem:s6+$0x20];
	_ =	sdelay $0x1  }
0x4a0: {  	s25 =	simm.s32 $0x820  }
0x4a1: {  	v7 =	vld [tilespmem:s25+$0x20]  }
0x4a2: {  	v8 =	vld [tilespmem:s25+$0xFFFFFFF0]  }
0x4a3: {  	v9 =	vld [tilespmem:s25+$0x0];
	(erf) = vrcp.f32 v10  }
0x4a4: {  	v11 =	vld [tilespmem:s6+$0xFFFFFFE0]  }
0x4a5: {  	v12 =	vld [tilespmem:s6+$0xFFFFFFF0]  }
0x4a6: {  	v13 =	vld [tilespmem:s6+$0x0]  }
0x4a7: {  	v16 =	vld [tilespmem:s6+$0x10];
	v7 =	vsub.s32 v7, v6  }
0x4a8: {  	v15 =	vld [tilespmem:s25+$0xFFFFFFE0]  }
0x4a9: {  	v14 =	vld [tilespmem:s25+$0x10];
	v8 =	vsub.s32 v8, v6  }
0x4aa: {  	s19 =	simm.s32 $0x3020;
	v9 =	vsub.s32 v9, v6;
	(erf) = vrcp.f32 v11  }
0x4ab: {  	(erf) = vrcp.f32 v12;
	v12 =	vld [tilespmem:s19+$0x20]  }
0x4ac: {  	v11 =	vld.idx.msk [tilespmem:v7+s18+$0x0], $0xffff;
	v19 =	vpop (erf);
	(erf) = vrcp.f32 v13  }
0x4ad: {  	v17 =	vsub.s32 v15, v6;
	v15 =	vld [tilespmem:s19+$0xFFFFFFF0];
	(erf) = vrcp.f32 v16  }
0x4ae: {  	v10 =	vld.idx.msk [tilespmem:v8+s18+$0x0], $0xffff;
	v8 =	vsub.s32 v14, v6  }
0x4af: {  	v9 =	vld.idx.msk [tilespmem:v9+s18+$0x0], $0xffff  }
0x4b0: {  	v7 =	vld [tilespmem:s19+$0xFFFFFFE0]  }
0x4b1: {  	v14 =	vld [tilespmem:s19+$0x0];
	v18 =	vsub.f32 v11, v12  }
0x4b2: {  	v13 =	vld.idx.msk [tilespmem:v17+s18+$0x0], $0xffff  }
0x4b3: {  	v12 =	vld.idx.msk [tilespmem:v8+s18+$0x0], $0xffff;
	v8 =	vpop (erf);
	v16 =	vmul.f32 v19, v18  }
0x4b4: {  	s5 =	simm.s32 $0x0;
	s22 =	simm.s32 $0x870;
	s25 =	simm.s32 $0x8020;
	v11 =	vld [tilespmem:s19+$0x10];
	v17 =	vpop (erf)  }
.LBB2_33:
0x4b5: {  	v18 =	vld [tilespmem:s22+$0x20];
	s5 =	sadd.s32 $0x5, s5;
	v10 =	vsub.f32 v10, v15;
	[tilespmem:s25+$0x20] =	vst v16;
	v15 =	vpop (erf)  }
0x4b6: {  	v16 =	vld [tilespmem:s22+$0xFFFFFFF0];
	p0 =	slt.u32 s5, $0x78;
	v9 =	vsub.f32 v9, v14;
	v14 =	vpop (erf)  }
0x4b7: {  	s6 =	sadd.s32 $0x50, s6;
	v19 =	vld [tilespmem:s22+$0x0];
	v10 =	vmul.f32 v17, v10  }
0x4b8: {  	v17 =	vld [tilespmem:s6+$0x20];
	v9 =	vmul.f32 v15, v9  }
0x4b9: {  	v15 =	vld [tilespmem:s6+$0xFFFFFFE0];
	[tilespmem:s25+$0xFFFFFFF0] =	vst v10;
	v10 =	vsub.f32 v12, v11  }
0x4ba: {  	v7 =	vsub.f32 v13, v7;
	v11 =	vld [tilespmem:s6+$0xFFFFFFF0];
	v12 =	vsub.s32 v18, v6;
	[tilespmem:s25+$0x0] =	vst v9  }
0x4bb: {  	v9 =	vsub.s32 v16, v6;
	v13 =	vld [tilespmem:s6+$0x0];
	v10 =	vmul.f32 v14, v10  }
0x4bc: {  	v7 =	vmul.f32 v8, v7;
	v14 =	vsub.s32 v19, v6;
	v16 =	vld [tilespmem:s6+$0x10]  }
0x4bd: {  	v8 =	vld [tilespmem:s22+$0x10];
	(erf) = vrcp.f32 v17;
	[tilespmem:s25+$0x10] =	vst v10  }
0x4be: {  	v17 =	vld [tilespmem:s22+$0xFFFFFFE0];
	(erf) = vrcp.f32 v15;
	[tilespmem:s25+$0xFFFFFFE0] =	vst v7  }
0x4bf: {  	s19 =	sadd.s32 $0x50, s19;
	v12 =	vld.idx.msk [tilespmem:v12+s18+$0x0], $0xffff;
	(erf) = vrcp.f32 v11  }
0x4c0: {  	v11 =	vld [tilespmem:s19+$0x20];
	(erf) = vrcp.f32 v13  }
0x4c1: {  	v10 =	vld.idx.msk [tilespmem:v9+s18+$0x0], $0xffff;
	(erf) = vrcp.f32 v16  }
0x4c2: {  	v9 =	vld.idx.msk [tilespmem:v14+s18+$0x0], $0xffff;
	v8 =	vsub.s32 v8, v6  }
0x4c3: {  	v13 =	vsub.s32 v17, v6;
	v7 =	vld [tilespmem:s19+$0xFFFFFFE0]  }
.Ltmp22:
0x4c4: {  	v15 =	vld [tilespmem:s19+$0xFFFFFFF0];
	(pc) =	sbr.rel @p0 .LBB2_33-.Ltmp22, $4  }
0x4c5: {  	v14 =	vld [tilespmem:s19+$0x0];
	v16 =	vsub.f32 v12, v11  }
0x4c6: {  	v11 =	vld [tilespmem:s19+$0x10];
	v17 =	vpop (erf)  }
0x4c7: {  	v12 =	vld.idx.msk [tilespmem:v8+s18+$0x0], $0xffff;
	v16 =	vmul.f32 v17, v16;
	v8 =	vpop (erf)  }
0x4c8: {  	s22 =	sadd.s32 $0x50, s22;
	s25 =	sadd.s32 $0x50, s25;
	v13 =	vld.idx.msk [tilespmem:v13+s18+$0x0], $0xffff;
	v17 =	vpop (erf)  }
0x4c9: {  	v10 =	vsub.f32 v10, v15  }
0x4ca: {  	v9 =	vsub.f32 v9, v14  }
0x4cb: {  	v14 =	vpop (erf);
	v10 =	vmul.f32 v17, v10  }
0x4cc: {  	[tilespmem:s25+$0x20] =	vst v16;
	v9 =	vmul.f32 v14, v9  }
0x4cd: {  	v11 =	vsub.f32 v12, v11;
	[tilespmem:s25+$0xFFFFFFF0] =	vst v10  }
0x4ce: {  	v12 =	vpop (erf);
	v7 =	vsub.f32 v13, v7;
	[tilespmem:s25+$0x0] =	vst v9  }
0x4cf: {  	v10 =	vmul.f32 v12, v11;
	s5 =	rddreg [dreg:$0xf]  }
0x4d0: {  	v7 =	vmul.f32 v8, v7;
	s5 =	sadd.s32 s7, s5  }
0x4d1: {  	[tilespmem:s25+$0x10] =	vst v10;
	s5 =	sshrl.u32 s5, $0x3  }
0x4d2: {  	s6 =	simm.s32 $0x8000;
	[tilespmem:s25+$0xFFFFFFE0] =	vst v7;
	s25 =	simm.s32 $0x6;
	s5 =	sadd.s32 s4, s5  }
0x4d3: {  	[hbm4b:s5+s8] =	stream.linear.scatter [tilespmem:s6], [sflag:$0x7], $0x7D0, $0x38;
	[tilespmem:$0x12800] =	vst v63  }
0x4d4: {  	s19 =	sadd.s32 s7, s29;
	_ =	swait.ge [sflag:s25], $0x7D0  }
0x4d5: {  	s19 =	sshrl.u32 s19, $0x3;
	[sflag:s25] =	ssyncset.done $0x0  }
0x4d6: {  	s20 =	simm.s32 $0x2000;
	s5 =	sadd.s32 s2, s19;
	[sflag:s25] =	ssyncadd.s32 $0xFFFFF830  }
0x4d7: {  	[tilespmem:s20], [sflag:$0x5] =	stream.linear.gather [hbm4b:s5+s8], $0x7D0, $0x38;
	[tilespmem:$0x12800] =	vst v63  }
0x4d8: {  	s22 =	sadd.s32 s0, s19;
	s25 =	simm.s32 $0x4800  }
0x4d9: {  	[tilespmem:s25], [sflag:$0x5] =	stream.linear.gather [hbm4b:s22+s8], $0x7D0, $0x38;
	[tilespmem:$0x12800] =	vst v63  }
0x4da: {  	s20 =	sadd.s32 s1, s19;
	s22 =	simm.s32 $0x7000  }
0x4db: {  	[tilespmem:s22], [sflag:$0x5] =	stream.linear.gather [hbm4b:s20+s8], $0x7D0, $0x38;
	[tilespmem:$0x12800] =	vst v63  }
0x4dc: {  	_ =	swait.ge [sflag:s16], $0x7D0  }
0x4dd: {  	[sflag:s16] =	ssyncset.done $0x0  }
0x4de: {  	[sflag:s16] =	ssyncadd.s32 $0xFFFFF830  }
0x4df: {  	_ =	swait.ge [sflag:s16], $0x7D0  }
0x4e0: {  	[sflag:s16] =	ssyncset.done $0x0  }
0x4e1: {  	[sflag:s16] =	ssyncadd.s32 $0xFFFFF830  }
0x4e2: {  	_ =	swait.ge [sflag:s16], $0x7D0  }
0x4e3: {  	[sflag:s16] =	ssyncset.done $0x0  }
0x4e4: {  	s6 =	simm.s32 $0x6020;
	[sflag:s16] =	ssyncadd.s32 $0xFFFFF830  }
0x4e5: {  	v10 =	vld [tilespmem:s6+$0x20];
	_ =	sdelay $0x1  }
0x4e6: {  	s25 =	simm.s32 $0x1020  }
0x4e7: {  	v7 =	vld [tilespmem:s25+$0x20]  }
0x4e8: {  	v8 =	vld [tilespmem:s25+$0xFFFFFFF0]  }
0x4e9: {  	v9 =	vld [tilespmem:s25+$0x0];
	(erf) = vrcp.f32 v10  }
0x4ea: {  	v11 =	vld [tilespmem:s6+$0xFFFFFFE0]  }
0x4eb: {  	v12 =	vld [tilespmem:s6+$0xFFFFFFF0]  }
0x4ec: {  	v13 =	vld [tilespmem:s6+$0x0]  }
0x4ed: {  	v16 =	vld [tilespmem:s6+$0x10];
	v7 =	vsub.s32 v7, v6  }
0x4ee: {  	v15 =	vld [tilespmem:s25+$0xFFFFFFE0]  }
0x4ef: {  	v14 =	vld [tilespmem:s25+$0x10];
	v8 =	vsub.s32 v8, v6  }
0x4f0: {  	s25 =	simm.s32 $0x3820;
	v9 =	vsub.s32 v9, v6;
	(erf) = vrcp.f32 v11  }
0x4f1: {  	(erf) = vrcp.f32 v12;
	v12 =	vld [tilespmem:s25+$0x20]  }
0x4f2: {  	v11 =	vld.idx.msk [tilespmem:v7+s18+$0x0], $0xffff;
	v19 =	vpop (erf);
	(erf) = vrcp.f32 v13  }
0x4f3: {  	v17 =	vsub.s32 v15, v6;
	v15 =	vld [tilespmem:s25+$0xFFFFFFF0];
	(erf) = vrcp.f32 v16  }
0x4f4: {  	v10 =	vld.idx.msk [tilespmem:v8+s18+$0x0], $0xffff;
	v8 =	vsub.s32 v14, v6  }
0x4f5: {  	v9 =	vld.idx.msk [tilespmem:v9+s18+$0x0], $0xffff  }
0x4f6: {  	v7 =	vld [tilespmem:s25+$0xFFFFFFE0]  }
0x4f7: {  	v14 =	vld [tilespmem:s25+$0x0];
	v18 =	vsub.f32 v11, v12  }
0x4f8: {  	v13 =	vld.idx.msk [tilespmem:v17+s18+$0x0], $0xffff  }
0x4f9: {  	v12 =	vld.idx.msk [tilespmem:v8+s18+$0x0], $0xffff;
	v8 =	vpop (erf);
	v16 =	vmul.f32 v19, v18  }
0x4fa: {  	s5 =	simm.s32 $0x8820;
	s22 =	simm.s32 $0x0;
	s20 =	simm.s32 $0x1070;
	v11 =	vld [tilespmem:s25+$0x10];
	v17 =	vpop (erf)  }
.LBB2_35:
0x4fb: {  	v18 =	vld [tilespmem:s20+$0x20];
	s22 =	sadd.s32 $0x5, s22;
	v10 =	vsub.f32 v10, v15;
	[tilespmem:s5+$0x20] =	vst v16;
	v15 =	vpop (erf)  }
0x4fc: {  	v16 =	vld [tilespmem:s20+$0xFFFFFFF0];
	p0 =	slt.u32 s22, $0x78;
	v9 =	vsub.f32 v9, v14;
	v14 =	vpop (erf)  }
0x4fd: {  	s6 =	sadd.s32 $0x50, s6;
	v19 =	vld [tilespmem:s20+$0x0];
	v10 =	vmul.f32 v17, v10  }
0x4fe: {  	v17 =	vld [tilespmem:s6+$0x20];
	v9 =	vmul.f32 v15, v9  }
0x4ff: {  	v15 =	vld [tilespmem:s6+$0xFFFFFFE0];
	[tilespmem:s5+$0xFFFFFFF0] =	vst v10;
	v10 =	vsub.f32 v12, v11  }
0x500: {  	v7 =	vsub.f32 v13, v7;
	v11 =	vld [tilespmem:s6+$0xFFFFFFF0];
	v12 =	vsub.s32 v18, v6;
	[tilespmem:s5+$0x0] =	vst v9  }
0x501: {  	v9 =	vsub.s32 v16, v6;
	v13 =	vld [tilespmem:s6+$0x0];
	v10 =	vmul.f32 v14, v10  }
0x502: {  	v7 =	vmul.f32 v8, v7;
	v14 =	vsub.s32 v19, v6;
	v16 =	vld [tilespmem:s6+$0x10]  }
0x503: {  	v8 =	vld [tilespmem:s20+$0x10];
	(erf) = vrcp.f32 v17;
	[tilespmem:s5+$0x10] =	vst v10  }
0x504: {  	v17 =	vld [tilespmem:s20+$0xFFFFFFE0];
	(erf) = vrcp.f32 v15;
	[tilespmem:s5+$0xFFFFFFE0] =	vst v7  }
0x505: {  	s25 =	sadd.s32 $0x50, s25;
	v12 =	vld.idx.msk [tilespmem:v12+s18+$0x0], $0xffff;
	(erf) = vrcp.f32 v11  }
0x506: {  	v11 =	vld [tilespmem:s25+$0x20];
	(erf) = vrcp.f32 v13  }
0x507: {  	v10 =	vld.idx.msk [tilespmem:v9+s18+$0x0], $0xffff;
	(erf) = vrcp.f32 v16  }
0x508: {  	v9 =	vld.idx.msk [tilespmem:v14+s18+$0x0], $0xffff;
	v8 =	vsub.s32 v8, v6  }
0x509: {  	v13 =	vsub.s32 v17, v6;
	v7 =	vld [tilespmem:s25+$0xFFFFFFE0]  }
.Ltmp23:
0x50a: {  	v15 =	vld [tilespmem:s25+$0xFFFFFFF0];
	(pc) =	sbr.rel @p0 .LBB2_35-.Ltmp23, $4  }
0x50b: {  	v14 =	vld [tilespmem:s25+$0x0];
	v16 =	vsub.f32 v12, v11  }
0x50c: {  	v11 =	vld [tilespmem:s25+$0x10];
	v17 =	vpop (erf)  }
0x50d: {  	v12 =	vld.idx.msk [tilespmem:v8+s18+$0x0], $0xffff;
	v16 =	vmul.f32 v17, v16;
	v8 =	vpop (erf)  }
0x50e: {  	s20 =	sadd.s32 $0x50, s20;
	s5 =	sadd.s32 $0x50, s5;
	v13 =	vld.idx.msk [tilespmem:v13+s18+$0x0], $0xffff;
	v17 =	vpop (erf)  }
0x50f: {  	_ = 	snop  }
0x510: {  	v10 =	vsub.f32 v10, v15  }
0x511: {  	v9 =	vsub.f32 v9, v14  }
0x512: {  	v14 =	vpop (erf);
	v10 =	vmul.f32 v17, v10;
	v11 =	vsub.f32 v12, v11  }
0x513: {  	[tilespmem:s5+$0x20] =	vst v16;
	v12 =	vpop (erf);
	v9 =	vmul.f32 v14, v9;
	v7 =	vsub.f32 v13, v7  }
0x514: {  	[tilespmem:s5+$0xFFFFFFF0] =	vst v10;
	v10 =	vmul.f32 v12, v11  }
0x515: {  	[tilespmem:s5+$0x0] =	vst v9;
	v7 =	vmul.f32 v8, v7  }
0x516: {  	s22 =	sadd.s32 s4, s24;
	[tilespmem:s5+$0x10] =	vst v10  }
0x517: {  	s6 =	simm.s32 $0x8800;
	p0 =	seq.s32 s3, $0x4;
	s24 =	simm.s32 $0x7;
	[tilespmem:s5+$0xFFFFFFE0] =	vst v7  }
0x518: {  	[hbm4b:s22+s8] =	stream.linear.scatter [tilespmem:s6], [sflag:$0x8], $0x7D0, $0x38;
	[tilespmem:$0x12800] =	vst v63  }
0x519: {  	s5 =	sadd.s32 @!p0 s7, s30;
	_ =	swait.ge [sflag:s24], $0x7D0  }
0x51a: {  	s5 =	sshrl.u32 @!p0 s5, $0x3;
	[sflag:s24] =	ssyncset.done $0x0  }
0x51b: {  	s20 =	simm.s32 @!p0 $0x0;
	s6 =	sadd.s32 @!p0 s2, s5;
	[sflag:s24] =	ssyncadd.s32 $0xFFFFF830  }
0x51c: {  	[tilespmem:s20], [sflag:$0x1] =	stream.linear.gather @!p0 [hbm4b:s6+s20], $0x7D0, $0x38;
	[tilespmem:$0x12800] =	vst v63  }
0x51d: {  	s22 =	simm.s32 @!p0 $0x2800;
	s6 =	sadd.s32 @!p0 s0, s5  }
0x51e: {  	[tilespmem:s22], [sflag:$0x1] =	stream.linear.gather @!p0 [hbm4b:s6+s20], $0x7D0, $0x38;
	[tilespmem:$0x12800] =	vst v63  }
0x51f: {  	s5 =	sadd.s32 @!p0 s1, s5;
	s6 =	simm.s32 @!p0 $0x5000  }
0x520: {  	[tilespmem:s6], [sflag:$0x1] =	stream.linear.gather @!p0 [hbm4b:s5+s20], $0x7D0, $0x38;
	[tilespmem:$0x12800] =	vst v63  }
0x521: {  	_ =	swait.ge [sflag:s21], $0x7D0  }
0x522: {  	[sflag:s21] =	ssyncset.done $0x0  }
0x523: {  	[sflag:s21] =	ssyncadd.s32 $0xFFFFF830  }
0x524: {  	_ =	swait.ge [sflag:s21], $0x7D0  }
0x525: {  	[sflag:s21] =	ssyncset.done $0x0  }
0x526: {  	[sflag:s21] =	ssyncadd.s32 $0xFFFFF830  }
0x527: {  	_ =	swait.ge [sflag:s21], $0x7D0  }
0x528: {  	[sflag:s21] =	ssyncset.done $0x0  }
0x529: {  	s6 =	simm.s32 $0x6820;
	[sflag:s21] =	ssyncadd.s32 $0xFFFFF830  }
0x52a: {  	v10 =	vld [tilespmem:s6+$0x20];
	_ =	sdelay $0x1  }
0x52b: {  	s25 =	simm.s32 $0x1820  }
0x52c: {  	v7 =	vld [tilespmem:s25+$0x20]  }
0x52d: {  	v8 =	vld [tilespmem:s25+$0xFFFFFFF0]  }
0x52e: {  	v9 =	vld [tilespmem:s25+$0x0];
	(erf) = vrcp.f32 v10  }
0x52f: {  	v11 =	vld [tilespmem:s6+$0xFFFFFFE0]  }
0x530: {  	v12 =	vld [tilespmem:s6+$0xFFFFFFF0]  }
0x531: {  	v13 =	vld [tilespmem:s6+$0x0]  }
0x532: {  	v16 =	vld [tilespmem:s6+$0x10];
	v7 =	vsub.s32 v7, v6  }
0x533: {  	v15 =	vld [tilespmem:s25+$0xFFFFFFE0]  }
0x534: {  	v14 =	vld [tilespmem:s25+$0x10];
	v8 =	vsub.s32 v8, v6  }
0x535: {  	s24 =	simm.s32 $0x4020;
	v9 =	vsub.s32 v9, v6;
	(erf) = vrcp.f32 v11  }
0x536: {  	(erf) = vrcp.f32 v12;
	v12 =	vld [tilespmem:s24+$0x20]  }
0x537: {  	v11 =	vld.idx.msk [tilespmem:v7+s18+$0x0], $0xffff;
	v19 =	vpop (erf);
	(erf) = vrcp.f32 v13  }
0x538: {  	v17 =	vsub.s32 v15, v6;
	v15 =	vld [tilespmem:s24+$0xFFFFFFF0];
	(erf) = vrcp.f32 v16  }
0x539: {  	v10 =	vld.idx.msk [tilespmem:v8+s18+$0x0], $0xffff;
	v8 =	vsub.s32 v14, v6  }
0x53a: {  	v9 =	vld.idx.msk [tilespmem:v9+s18+$0x0], $0xffff  }
0x53b: {  	v7 =	vld [tilespmem:s24+$0xFFFFFFE0]  }
0x53c: {  	v14 =	vld [tilespmem:s24+$0x0];
	v18 =	vsub.f32 v11, v12  }
0x53d: {  	v13 =	vld.idx.msk [tilespmem:v17+s18+$0x0], $0xffff  }
0x53e: {  	v12 =	vld.idx.msk [tilespmem:v8+s18+$0x0], $0xffff;
	v8 =	vpop (erf);
	v16 =	vmul.f32 v19, v18  }
0x53f: {  	s22 =	simm.s32 $0x0;
	s5 =	simm.s32 $0x9020;
	s20 =	simm.s32 $0x1870;
	v11 =	vld [tilespmem:s24+$0x10];
	v17 =	vpop (erf)  }
.LBB2_37:
0x540: {  	v18 =	vld [tilespmem:s20+$0x20];
	s22 =	sadd.s32 $0x5, s22;
	v10 =	vsub.f32 v10, v15;
	[tilespmem:s5+$0x20] =	vst v16;
	v15 =	vpop (erf)  }
0x541: {  	v16 =	vld [tilespmem:s20+$0xFFFFFFF0];
	p1 =	slt.u32 s22, $0x78;
	v9 =	vsub.f32 v9, v14;
	v14 =	vpop (erf)  }
0x542: {  	s6 =	sadd.s32 $0x50, s6;
	v19 =	vld [tilespmem:s20+$0x0];
	v10 =	vmul.f32 v17, v10  }
0x543: {  	v17 =	vld [tilespmem:s6+$0x20];
	v9 =	vmul.f32 v15, v9  }
0x544: {  	v15 =	vld [tilespmem:s6+$0xFFFFFFE0];
	[tilespmem:s5+$0xFFFFFFF0] =	vst v10;
	v10 =	vsub.f32 v12, v11  }
0x545: {  	v7 =	vsub.f32 v13, v7;
	v11 =	vld [tilespmem:s6+$0xFFFFFFF0];
	v12 =	vsub.s32 v18, v6;
	[tilespmem:s5+$0x0] =	vst v9  }
0x546: {  	v9 =	vsub.s32 v16, v6;
	v13 =	vld [tilespmem:s6+$0x0];
	v10 =	vmul.f32 v14, v10  }
0x547: {  	v7 =	vmul.f32 v8, v7;
	v14 =	vsub.s32 v19, v6;
	v16 =	vld [tilespmem:s6+$0x10]  }
0x548: {  	v8 =	vld [tilespmem:s20+$0x10];
	(erf) = vrcp.f32 v17;
	[tilespmem:s5+$0x10] =	vst v10  }
0x549: {  	v17 =	vld [tilespmem:s20+$0xFFFFFFE0];
	(erf) = vrcp.f32 v15;
	[tilespmem:s5+$0xFFFFFFE0] =	vst v7  }
0x54a: {  	s24 =	sadd.s32 $0x50, s24;
	v12 =	vld.idx.msk [tilespmem:v12+s18+$0x0], $0xffff;
	(erf) = vrcp.f32 v11  }
0x54b: {  	v11 =	vld [tilespmem:s24+$0x20];
	(erf) = vrcp.f32 v13  }
0x54c: {  	v10 =	vld.idx.msk [tilespmem:v9+s18+$0x0], $0xffff;
	(erf) = vrcp.f32 v16  }
0x54d: {  	v9 =	vld.idx.msk [tilespmem:v14+s18+$0x0], $0xffff;
	v8 =	vsub.s32 v8, v6  }
0x54e: {  	v13 =	vsub.s32 v17, v6;
	v7 =	vld [tilespmem:s24+$0xFFFFFFE0]  }
.Ltmp24:
0x54f: {  	v15 =	vld [tilespmem:s24+$0xFFFFFFF0];
	(pc) =	sbr.rel @p1 .LBB2_37-.Ltmp24, $4  }
0x550: {  	v14 =	vld [tilespmem:s24+$0x0];
	v16 =	vsub.f32 v12, v11  }
0x551: {  	v11 =	vld [tilespmem:s24+$0x10];
	v17 =	vpop (erf)  }
0x552: {  	v12 =	vld.idx.msk [tilespmem:v8+s18+$0x0], $0xffff;
	v16 =	vmul.f32 v17, v16;
	v8 =	vpop (erf)  }
0x553: {  	s20 =	sadd.s32 $0x50, s20;
	s5 =	sadd.s32 $0x50, s5;
	v13 =	vld.idx.msk [tilespmem:v13+s18+$0x0], $0xffff;
	v17 =	vpop (erf)  }
0x554: {  	_ = 	snop  }
0x555: {  	v10 =	vsub.f32 v10, v15  }
0x556: {  	v9 =	vsub.f32 v9, v14  }
0x557: {  	v14 =	vpop (erf);
	v10 =	vmul.f32 v17, v10;
	v11 =	vsub.f32 v12, v11  }
0x558: {  	[tilespmem:s5+$0x20] =	vst v16;
	v12 =	vpop (erf);
	v9 =	vmul.f32 v14, v9;
	v7 =	vsub.f32 v13, v7  }
0x559: {  	[tilespmem:s5+$0xFFFFFFF0] =	vst v10;
	v10 =	vmul.f32 v12, v11  }
0x55a: {  	[tilespmem:s5+$0x0] =	vst v9;
	v7 =	vmul.f32 v8, v7  }
0x55b: {  	[tilespmem:s5+$0x10] =	vst v10  }
0x55c: {  	s22 =	sadd.s32 s4, s17;
	s6 =	simm.s32 $0x9000;
	s24 =	simm.s32 $0x8;
	[tilespmem:s5+$0xFFFFFFE0] =	vst v7  }
0x55d: {  	[hbm4b:s22+s8] =	stream.linear.scatter [tilespmem:s6], [sflag:$0x9], $0x7D0, $0x38;
	[tilespmem:$0x12800] =	vst v63  }
0x55e: {  	s5 =	sadd.s32 @!p0 s7, s31;
	_ =	swait.ge [sflag:s24], $0x7D0  }
0x55f: {  	s17 =	simm.s32 @!p0 $0x800;
	s5 =	sshrl.u32 @!p0 s5, $0x3;
	[sflag:s24] =	ssyncset.done $0x0  }
0x560: {  	s7 =	simm.s32 @!p0 $0x0;
	s6 =	sadd.s32 @!p0 s2, s5;
	[sflag:s24] =	ssyncadd.s32 $0xFFFFF830  }
0x561: {  	[tilespmem:s17], [sflag:$0x2] =	stream.linear.gather @!p0 [hbm4b:s6+s7], $0x7D0, $0x38;
	[tilespmem:$0x12800] =	vst v63  }
0x562: {  	s6 =	sadd.s32 @!p0 s0, s5;
	s17 =	simm.s32 @!p0 $0x3000  }
0x563: {  	[tilespmem:s17], [sflag:$0x2] =	stream.linear.gather @!p0 [hbm4b:s6+s7], $0x7D0, $0x38;
	[tilespmem:$0x12800] =	vst v63  }
0x564: {  	s5 =	sadd.s32 @!p0 s1, s5;
	s6 =	simm.s32 @!p0 $0x5800  }
0x565: {  	[tilespmem:s6], [sflag:$0x2] =	stream.linear.gather @!p0 [hbm4b:s5+s7], $0x7D0, $0x38;
	[tilespmem:$0x12800] =	vst v63  }
0x566: {  	_ =	swait.ge [sflag:s11], $0x7D0  }
0x567: {  	[sflag:s11] =	ssyncset.done $0x0  }
0x568: {  	[sflag:s11] =	ssyncadd.s32 $0xFFFFF830  }
0x569: {  	_ =	swait.ge [sflag:s11], $0x7D0  }
0x56a: {  	[sflag:s11] =	ssyncset.done $0x0  }
0x56b: {  	[sflag:s11] =	ssyncadd.s32 $0xFFFFF830  }
0x56c: {  	_ =	swait.ge [sflag:s11], $0x7D0  }
0x56d: {  	[sflag:s11] =	ssyncset.done $0x0  }
0x56e: {  	s6 =	simm.s32 $0x7020;
	[sflag:s11] =	ssyncadd.s32 $0xFFFFF830  }
0x56f: {  	v10 =	vld [tilespmem:s6+$0x20];
	_ =	sdelay $0x1  }
0x570: {  	s25 =	simm.s32 $0x2020  }
0x571: {  	v7 =	vld [tilespmem:s25+$0x20]  }
0x572: {  	v8 =	vld [tilespmem:s25+$0xFFFFFFF0]  }
0x573: {  	v9 =	vld [tilespmem:s25+$0x0];
	(erf) = vrcp.f32 v10  }
0x574: {  	v11 =	vld [tilespmem:s6+$0xFFFFFFE0]  }
0x575: {  	v12 =	vld [tilespmem:s6+$0xFFFFFFF0]  }
0x576: {  	v13 =	vld [tilespmem:s6+$0x0]  }
0x577: {  	v16 =	vld [tilespmem:s6+$0x10];
	v7 =	vsub.s32 v7, v6  }
0x578: {  	v15 =	vld [tilespmem:s25+$0xFFFFFFE0]  }
0x579: {  	v14 =	vld [tilespmem:s25+$0x10];
	v8 =	vsub.s32 v8, v6  }
0x57a: {  	s7 =	simm.s32 $0x4820;
	v9 =	vsub.s32 v9, v6;
	(erf) = vrcp.f32 v11  }
0x57b: {  	(erf) = vrcp.f32 v12;
	v12 =	vld [tilespmem:s7+$0x20]  }
0x57c: {  	v11 =	vld.idx.msk [tilespmem:v7+s18+$0x0], $0xffff;
	v19 =	vpop (erf);
	(erf) = vrcp.f32 v13  }
0x57d: {  	v17 =	vsub.s32 v15, v6;
	v15 =	vld [tilespmem:s7+$0xFFFFFFF0];
	(erf) = vrcp.f32 v16  }
0x57e: {  	v10 =	vld.idx.msk [tilespmem:v8+s18+$0x0], $0xffff;
	v8 =	vsub.s32 v14, v6  }
0x57f: {  	v9 =	vld.idx.msk [tilespmem:v9+s18+$0x0], $0xffff  }
0x580: {  	v7 =	vld [tilespmem:s7+$0xFFFFFFE0]  }
0x581: {  	v14 =	vld [tilespmem:s7+$0x0];
	v18 =	vsub.f32 v11, v12  }
0x582: {  	v13 =	vld.idx.msk [tilespmem:v17+s18+$0x0], $0xffff  }
0x583: {  	v12 =	vld.idx.msk [tilespmem:v8+s18+$0x0], $0xffff;
	v8 =	vpop (erf);
	v16 =	vmul.f32 v19, v18  }
0x584: {  	s20 =	simm.s32 $0x2070;
	s17 =	simm.s32 $0x0;
	s5 =	simm.s32 $0x9820;
	v11 =	vld [tilespmem:s7+$0x10];
	v17 =	vpop (erf)  }
.LBB2_39:
0x585: {  	v18 =	vld [tilespmem:s20+$0x20];
	s17 =	sadd.s32 $0x5, s17;
	v10 =	vsub.f32 v10, v15;
	[tilespmem:s5+$0x20] =	vst v16;
	v15 =	vpop (erf)  }
0x586: {  	v16 =	vld [tilespmem:s20+$0xFFFFFFF0];
	p0 =	slt.u32 s17, $0x78;
	v9 =	vsub.f32 v9, v14;
	v14 =	vpop (erf)  }
0x587: {  	s6 =	sadd.s32 $0x50, s6;
	v19 =	vld [tilespmem:s20+$0x0];
	v10 =	vmul.f32 v17, v10  }
0x588: {  	v17 =	vld [tilespmem:s6+$0x20];
	v9 =	vmul.f32 v15, v9  }
0x589: {  	v15 =	vld [tilespmem:s6+$0xFFFFFFE0];
	[tilespmem:s5+$0xFFFFFFF0] =	vst v10;
	v10 =	vsub.f32 v12, v11  }
0x58a: {  	v7 =	vsub.f32 v13, v7;
	v11 =	vld [tilespmem:s6+$0xFFFFFFF0];
	v12 =	vsub.s32 v18, v6;
	[tilespmem:s5+$0x0] =	vst v9  }
0x58b: {  	v9 =	vsub.s32 v16, v6;
	v13 =	vld [tilespmem:s6+$0x0];
	v10 =	vmul.f32 v14, v10  }
0x58c: {  	v7 =	vmul.f32 v8, v7;
	v14 =	vsub.s32 v19, v6;
	v16 =	vld [tilespmem:s6+$0x10]  }
0x58d: {  	v8 =	vld [tilespmem:s20+$0x10];
	(erf) = vrcp.f32 v17;
	[tilespmem:s5+$0x10] =	vst v10  }
0x58e: {  	v17 =	vld [tilespmem:s20+$0xFFFFFFE0];
	(erf) = vrcp.f32 v15;
	[tilespmem:s5+$0xFFFFFFE0] =	vst v7  }
0x58f: {  	s7 =	sadd.s32 $0x50, s7;
	v12 =	vld.idx.msk [tilespmem:v12+s18+$0x0], $0xffff;
	(erf) = vrcp.f32 v11  }
0x590: {  	v11 =	vld [tilespmem:s7+$0x20];
	(erf) = vrcp.f32 v13  }
0x591: {  	v10 =	vld.idx.msk [tilespmem:v9+s18+$0x0], $0xffff;
	(erf) = vrcp.f32 v16  }
0x592: {  	v9 =	vld.idx.msk [tilespmem:v14+s18+$0x0], $0xffff;
	v8 =	vsub.s32 v8, v6  }
0x593: {  	v13 =	vsub.s32 v17, v6;
	v7 =	vld [tilespmem:s7+$0xFFFFFFE0]  }
.Ltmp25:
0x594: {  	v15 =	vld [tilespmem:s7+$0xFFFFFFF0];
	(pc) =	sbr.rel @p0 .LBB2_39-.Ltmp25, $4  }
0x595: {  	v14 =	vld [tilespmem:s7+$0x0];
	v16 =	vsub.f32 v12, v11  }
0x596: {  	v11 =	vld [tilespmem:s7+$0x10];
	v17 =	vpop (erf)  }
0x597: {  	v12 =	vld.idx.msk [tilespmem:v8+s18+$0x0], $0xffff;
	v16 =	vmul.f32 v17, v16;
	v8 =	vpop (erf)  }
0x598: {  	s20 =	sadd.s32 $0x50, s20;
	s5 =	sadd.s32 $0x50, s5;
	v13 =	vld.idx.msk [tilespmem:v13+s18+$0x0], $0xffff;
	v17 =	vpop (erf)  }
0x599: {  	_ = 	snop  }
0x59a: {  	v10 =	vsub.f32 v10, v15  }
0x59b: {  	v9 =	vsub.f32 v9, v14  }
0x59c: {  	v61 =	vpop (erf);
	s3 =	sadd.s32 $0x1, s3;
	v10 =	vmul.f32 v17, v10;
	v11 =	vsub.f32 v12, v11  }
0x59d: {  	[tilespmem:s5+$0x20] =	vst v16;
	v62 =	vpop (erf);
	p0 =	sne.s32 s3, $0x5;
	v9 =	vmul.f32 v61, v9;
	v7 =	vsub.f32 v13, v7  }
.Ltmp26:
0x59e: {  	[tilespmem:s5+$0xFFFFFFF0] =	vst v10;
	v63 =	vmul.f32 v62, v11;
	(pc) =	sbr.rel @p0 .LBB2_30-.Ltmp26, $4  }
0x59f: {  	[tilespmem:s5+$0x0] =	vst v9;
	v7 =	vmul.f32 v8, v7  }
0x5a0: {  	[tilespmem:s5+$0x10] =	vst v63  }
0x5a1: {  	s25 =	sadd.s32 s4, s19;
	s6 =	simm.s32 $0x9800;
	[tilespmem:s5+$0xFFFFFFE0] =	vst v7  }
0x5a2: {  	[hbm4b:s25+s8] =	stream.linear.scatter [tilespmem:s6], [sflag:$0xA], $0x7D0, $0x38;
	[tilespmem:$0x12800] =	vst v63  }
0x5a3: {  	s3 =	simm.s32 $0x9  }
0x5a4: {  	_ =	swait.ge [sflag:s3], $0x7D0  }
0x5a5: {  	[sflag:s3] =	ssyncset.done $0x0  }
.Ltmp27:
0x5a6: {  	s25 =	simm.s32 $0xA;
	[sflag:s3] =	ssyncadd.s32 $0xFFFFF830;
	(pc) =	sbr.rel .LBB2_45-.Ltmp27, $4  }
0x5a7: {  	_ =	swait.ge [sflag:s25], $0x7D0  }
0x5a8: {  	[sflag:s25] =	ssyncset.done $0x0  }
0x5a9: {  	[sflag:s25] =	ssyncadd.s32 $0xFFFFF830  }
0x5aa: {  	s22 =	stileid.u32;
	s24 =	rddreg [dreg:$0x5]  }
.LBB2_46:
0x5ab: {  	_ =	sfence.sel $0x180000  }
0x5ac: {  	[bflag:$0x0] =	sbarrier.arrive $0xFFFF  }
0x5ad: {  	_ =	strace $0x90000047  }
0x5ae: {  	[bflag:$0x2] =	sbarrier.arrive $0xFFFF  }
0x5af: {  	p0 =	sne.s32 s22, $0x0;
	s0 =	rddreg [dreg:$0x7]  }
0x5b0: {  	s0 =	sadd.s32 @!p0 $0x100000, s0  }
0x5b1: {  	[sflag:s0] =	ssyncadd.tile.s32 @!p0 $0x1;
	_ =	shalt  }
.Lfunc_end2:
_tile_overlayer_lowered:
.L_overlay_start_2:
0x5b2: {  	(tag) =	ssettag $0x2  }
0x5b3: {  	s0 =	rddreg [dreg:$0x0];
	s2 =	stileid.u32  }
0x5b4: {  	s1 =	rddreg [dreg:$0x1];
	p0 =	sne.s32 s2, $0x0  }
0x5b5: {  	s3 =	rddreg [dreg:$0x2];
	[bflag:$0x3] =	sbarrier.arrive $0xFFFF;
	s2 =	simm.s32 @!p0 $0x1C0C  }
0x5b6: {  	[timem:s3], [sflag:s2] =	dma.local @!p0 [hbm:s0], s1  }
0x5b7: {  	s0 =	simm.s32 @!p0 $0xC  }
0x5b8: {  	_ =	swait.ge @!p0 [sflag:s0], s1  }
0x5b9: {  	s1 =	ssub.s32 @!p0 $0x0, s1;
	[sflag:s0] =	ssyncset.done @!p0 $0x0  }
0x5ba: {  	[sflag:s0] =	ssyncadd.s32 @!p0 s1  }
0x5bb: {  	[bflag:$0x3] =	sbarrier.arrive $0xFFFF  }
0x5bc: {  	_ =	shalt  }

</sc_bundles>
